<compile_context>
chip_gen: v7x
topology: tpu7x:2x2x1
jax: 0.10.2.dev20260603
libtpu: 0.0.44.dev20260713+nightly
codegen_flags: <defaults>
</compile_context>

<pallas_src>
import jax
import jax.numpy as jnp
from jax import lax
from jax.experimental import pallas as pl
from jax.experimental.pallas import tpu as pltpu
from jax.experimental.pallas import tpu_sc as plsc

B = 16384
D = 64
VOCABS = (235, 2, 111, 526, 21, 50)
NT = len(VOCABS)
V_ALL = sum(VOCABS)
OFFS = tuple(sum(VOCABS[:t]) for t in range(NT))
OUT_W = NT * D + 1

_info = plsc.get_sparse_core_info()
_NC, _NS = _info.num_cores, _info.num_subcores
NW = _NC * _NS
B_PER_W = B // NW
CHUNK = 128
N_CHUNKS = B_PER_W // CHUNK
NBUF = 2


def _body(u_i, gd_i, oc_i, zc_i, m_i, g_i, age,
          tbl_hbm,
          out, idx_v, rows_v, age_v, tbl_loc,
          sem_i, sem_g, sem_w, sem_a, sem_t):
    sid = lax.axis_index("s")
    wid = sid * _NC + lax.axis_index("c")
    base = wid * B_PER_W
    idx_hbm = (u_i, gd_i, oc_i, zc_i, m_i, g_i)

    @pl.when(sid == 0)
    def _stage():
        pltpu.async_copy(tbl_hbm, tbl_loc, sem_t).wait()

    age_in = pltpu.async_copy(age.at[pl.ds(base, B_PER_W), pl.ds(0, 1)],
                              age_v, sem_a)

    def start_idx(k):
        r = base + k * CHUNK
        return [pltpu.async_copy(idx_hbm[t].at[pl.ds(r, CHUNK)],
                                 idx_v.at[k % NBUF, t], sem_i)
                for t in range(NT)]

    idx_copies = [start_idx(0)]
    plsc.subcore_barrier()
    write_copies = []
    for k in range(N_CHUNKS):
        b = k % NBUF
        r = base + k * CHUNK
        for c in idx_copies[k]:
            c.wait()
        if k + 1 < N_CHUNKS:
            idx_copies.append(start_idx(k + 1))
        if k >= NBUF:
            for c in write_copies[k - NBUF]:
                c.wait()
        for t in range(1, NT):
            for j in range(CHUNK // 16):
                sl = pl.ds(j * 16, 16)
                idx_v[b, t, sl] = idx_v[b, t, sl] + OFFS[t]
        gathers = [
            pltpu.async_copy(tbl_loc.at[idx_v.at[b, t]],
                             rows_v.at[b, t], sem_g)
            for t in range(NT)
        ]
        for c in gathers:
            c.wait()
        write_copies.append([
            pltpu.async_copy(rows_v.at[b, t],
                             out.at[pl.ds(r, CHUNK), pl.ds(t * D, D)], sem_w)
            for t in range(NT)
        ])
    age_in.wait()
    age_out = pltpu.async_copy(
        age_v, out.at[pl.ds(base, B_PER_W), pl.ds(NT * D, 1)], sem_a)
    for cs in write_copies[-NBUF:]:
        for c in cs:
            c.wait()
    age_out.wait()


def kernel(user_id, movie_id, genres, gender, age, occupation, zip_code,
           user_emb, gender_emb, occupation_emb, zip_code_emb, movie_emb,
           genres_emb):
    mesh = plsc.VectorSubcoreMesh(core_axis_name="c", subcore_axis_name="s")
    k = pl.kernel(
        _body,
        out_type=jax.ShapeDtypeStruct((B, OUT_W), jnp.float32),
        mesh=mesh,
        scratch_types=[
            pltpu.VMEM((NBUF, NT, CHUNK), jnp.int32),
            pltpu.VMEM((NBUF, NT, CHUNK, D), jnp.float32),
            pltpu.VMEM((B_PER_W, 1), jnp.float32),
            pltpu.VMEM_SHARED((V_ALL, D), jnp.float32),
        ] + [
            pltpu.SemaphoreType.DMA,
            pltpu.SemaphoreType.DMA,
            pltpu.SemaphoreType.DMA,
            pltpu.SemaphoreType.DMA,
            pltpu.SemaphoreType.DMA,
        ],
        compiler_params=pltpu.CompilerParams(use_tc_tiling_on_sc=False),
    )
    return k(user_id.astype(jnp.int32), gender.astype(jnp.int32),
             occupation.astype(jnp.int32), zip_code.astype(jnp.int32),
             movie_id.astype(jnp.int32), genres.astype(jnp.int32),
             age * jnp.float32(1) * (jnp.arange(8) == 0),
             jnp.concatenate([user_emb, gender_emb, occupation_emb,
                              zip_code_emb, movie_emb, genres_emb]))

# --- scband reference (transcript-rebuilt; emitter-appended) ---
"""Pipeline reference for scband-model-52149492908368 (READ-ONLY COPY).

The authoritative reference and input builder live on the scoring server;
editing this copy changes nothing except your own understanding.
"""

import jax, jax.numpy as jnp
import numpy as np

B = 16384
D = 64


def setup_inputs(seed: int = 0) -> dict:
    key = jax.random.key(seed)
    ks = jax.random.split(key, 13)
    return {
        "user_id": jax.random.randint(ks[0], (B,), 0, 235),
        "movie_id": jax.random.randint(ks[1], (B,), 0, 21),
        "genres": jax.random.randint(ks[2], (B,), 0, 50),
        "gender": jax.random.randint(ks[3], (B,), 0, 2),
        "age": jax.random.uniform(ks[4], (B, 1), dtype=jnp.float32),
        "occupation": jax.random.randint(ks[5], (B,), 0, 111),
        "zip_code": jax.random.randint(ks[6], (B,), 0, 526),
        "user_emb": jax.random.normal(ks[7], (235, D), dtype=jnp.float32),
        "gender_emb": jax.random.normal(ks[8], (2, D), dtype=jnp.float32),
        "occupation_emb": jax.random.normal(ks[9], (111, D), dtype=jnp.float32),
        "zip_code_emb": jax.random.normal(ks[10], (526, D), dtype=jnp.float32),
        "movie_emb": jax.random.normal(ks[11], (21, D), dtype=jnp.float32),
        "genres_emb": jax.random.normal(ks[12], (50, D), dtype=jnp.float32),
    }


def reference(user_id, movie_id, genres, gender, age, occupation, zip_code,
              user_emb, gender_emb, occupation_emb, zip_code_emb, movie_emb, genres_emb):
    user_e = jnp.take(user_emb, user_id, axis=0)
    gender_e = jnp.take(gender_emb, gender, axis=0)
    occupation_e = jnp.take(occupation_emb, occupation, axis=0)
    zip_code_e = jnp.take(zip_code_emb, zip_code, axis=0)
    movie_id_e = jnp.take(movie_emb, movie_id, axis=0)
    genres_e = jnp.take(genres_emb, genres, axis=0)
    output = jnp.concatenate([user_e, gender_e, occupation_e, zip_code_e, movie_id_e, genres_e, age], axis=-1)
    return output

if __name__ == "__main__":
    import jax
    _d = setup_inputs()
    print(jax.jit(kernel)(*tuple(_d.values())))

</pallas_src>

<mosaic_0001>
#map = affine_map<(d0, d1) -> (0)>
#map1 = affine_map<(d0, d1) -> (0, 0)>
module attributes {stable_mosaic.version = 14 : i64} {
  func.func @_body(%arg0: i32, %arg1: i32, %arg2: memref<16384xi32, #tpu.memory_space<hbm>>, %arg3: memref<16384xi32, #tpu.memory_space<hbm>>, %arg4: memref<16384xi32, #tpu.memory_space<hbm>>, %arg5: memref<16384xi32, #tpu.memory_space<hbm>>, %arg6: memref<16384xi32, #tpu.memory_space<hbm>>, %arg7: memref<16384xi32, #tpu.memory_space<hbm>>, %arg8: memref<16384x8xf32, #tpu.memory_space<hbm>>, %arg9: memref<945x64xf32, #tpu.memory_space<hbm>>, %arg10: memref<16384x385xf32, #tpu.memory_space<hbm>>, %arg11: memref<2x6x128xi32, #tpu.memory_space<vmem>>, %arg12: memref<2x6x128x64xf32, #tpu.memory_space<vmem>>, %arg13: memref<512x1xf32, #tpu.memory_space<vmem>>, %arg14: memref<945x64xf32, #tpu.memory_space<vmem_shared>>, %arg15: memref<!tpu.dma_semaphore, #tpu.memory_space<semaphore_mem>>, %arg16: memref<!tpu.dma_semaphore, #tpu.memory_space<semaphore_mem>>, %arg17: memref<!tpu.dma_semaphore, #tpu.memory_space<semaphore_mem>>, %arg18: memref<!tpu.dma_semaphore, #tpu.memory_space<semaphore_mem>>, %arg19: memref<!tpu.dma_semaphore, #tpu.memory_space<semaphore_mem>>) attributes {dimension_semantics = [#tpu.dimension_semantics<core_parallel>, #tpu.dimension_semantics<subcore_parallel>], iteration_bounds = array<i64: 2, 16>, scalar_prefetch = 0 : i64, scratch_operands = 9 : i64, tpu.core_type = #tpu.core_type<sc_vector_subcore>, window_params = [{transform_indices = #map}, {transform_indices = #map}, {transform_indices = #map}, {transform_indices = #map}, {transform_indices = #map}, {transform_indices = #map}, {transform_indices = #map1}, {transform_indices = #map1}, {transform_indices = #map1}]} {
    %mul3A = arith.constant 2 : i32
    %mul3A_0 = arith.muli %arg1, %mul3A : i32
    %add3A = arith.addi %mul3A_0, %arg0 : i32
    %mul3A_1 = arith.constant 512 : i32
    %mul3A_2 = arith.muli %add3A, %mul3A_1 : i32
    %eq3A = arith.constant 0 : i32
    %eq3A_3 = arith.cmpi eq, %arg1, %eq3A : i32
    %convert_element_type3A = arith.extui %eq3A_3 : i1 to i32
    %cond3A = arith.constant 0 : i32
    %cond3A_4 = arith.cmpi ne, %convert_element_type3A, %cond3A : i32
    scf.if %cond3A_4 {
      tpu.enqueue_dma source(%arg9 : memref<945x64xf32, #tpu.memory_space<hbm>>) target(%arg14 : memref<945x64xf32, #tpu.memory_space<vmem_shared>>) target_semaphore(%arg19 : memref<!tpu.dma_semaphore, #tpu.memory_space<semaphore_mem>>)
      tpu.wait_dma2 semaphore(%arg19 : memref<!tpu.dma_semaphore, #tpu.memory_space<semaphore_mem>>) src(%arg9 : memref<945x64xf32, #tpu.memory_space<hbm>>) dst(%arg14 : memref<945x64xf32, #tpu.memory_space<vmem_shared>>)
    } else {
    }
    %dma_start3A = arith.constant 0 : i32
    %dma_start3A_5 = tpu.memref_slice %arg8[%mul3A_2, %dma_start3A] : memref<16384x8xf32, #tpu.memory_space<hbm>> -> memref<512x1xf32, #tpu.memory_space<hbm>>
    %dma_start3A_6 = arith.constant 0 : i32
    %dma_start3A_7 = tpu.memref_slice %arg8[%mul3A_2, %dma_start3A_6] : memref<16384x8xf32, #tpu.memory_space<hbm>> -> memref<512x1xf32, #tpu.memory_space<hbm>>
    tpu.enqueue_dma source(%dma_start3A_7 : memref<512x1xf32, #tpu.memory_space<hbm>>) target(%arg13 : memref<512x1xf32, #tpu.memory_space<vmem>>) target_semaphore(%arg18 : memref<!tpu.dma_semaphore, #tpu.memory_space<semaphore_mem>>)
    %add3A_8 = arith.constant 0 : i32
    %add3A_9 = arith.addi %mul3A_2, %add3A_8 : i32
    %dma_start3A_10 = arith.constant 0 : i32
    %dma_start3A_11 = arith.constant 0 : i32
    %dma_start3A_12 = arith.constant 0 : i32
    %dma_start3A_13 = tpu.memref_slice %arg11[%dma_start3A_10, %dma_start3A_11, %dma_start3A_12] : memref<2x6x128xi32, #tpu.memory_space<vmem>> -> memref<1x1x128xi32, #tpu.memory_space<vmem>>
    %dma_start3A_14 = tpu.memref_squeeze %dma_start3A_13 : memref<1x1x128xi32, #tpu.memory_space<vmem>> -> memref<128xi32, #tpu.memory_space<vmem>>
    %dma_start3A_15 = tpu.memref_slice %arg2[%add3A_9] : memref<16384xi32, #tpu.memory_space<hbm>> -> memref<128xi32, #tpu.memory_space<hbm>>
    %dma_start3A_16 = arith.constant 0 : i32
    %dma_start3A_17 = tpu.memref_slice %arg11[%dma_start3A_10, %dma_start3A_11, %dma_start3A_16] : memref<2x6x128xi32, #tpu.memory_space<vmem>> -> memref<1x1x128xi32, #tpu.memory_space<vmem>>
    %dma_start3A_18 = tpu.memref_squeeze %dma_start3A_17 : memref<1x1x128xi32, #tpu.memory_space<vmem>> -> memref<128xi32, #tpu.memory_space<vmem>>
    %dma_start3A_19 = tpu.memref_slice %arg2[%add3A_9] : memref<16384xi32, #tpu.memory_space<hbm>> -> memref<128xi32, #tpu.memory_space<hbm>>
    tpu.enqueue_dma source(%dma_start3A_19 : memref<128xi32, #tpu.memory_space<hbm>>) target(%dma_start3A_18 : memref<128xi32, #tpu.memory_space<vmem>>) target_semaphore(%arg15 : memref<!tpu.dma_semaphore, #tpu.memory_space<semaphore_mem>>)
    %dma_start3A_20 = arith.constant 0 : i32
    %dma_start3A_21 = arith.constant 1 : i32
    %dma_start3A_22 = arith.constant 0 : i32
    %dma_start3A_23 = tpu.memref_slice %arg11[%dma_start3A_20, %dma_start3A_21, %dma_start3A_22] : memref<2x6x128xi32, #tpu.memory_space<vmem>> -> memref<1x1x128xi32, #tpu.memory_space<vmem>>
    %dma_start3A_24 = tpu.memref_squeeze %dma_start3A_23 : memref<1x1x128xi32, #tpu.memory_space<vmem>> -> memref<128xi32, #tpu.memory_space<vmem>>
    %dma_start3A_25 = tpu.memref_slice %arg3[%add3A_9] : memref<16384xi32, #tpu.memory_space<hbm>> -> memref<128xi32, #tpu.memory_space<hbm>>
    %dma_start3A_26 = arith.constant 0 : i32
    %dma_start3A_27 = tpu.memref_slice %arg11[%dma_start3A_20, %dma_start3A_21, %dma_start3A_26] : memref<2x6x128xi32, #tpu.memory_space<vmem>> -> memref<1x1x128xi32, #tpu.memory_space<vmem>>
    %dma_start3A_28 = tpu.memref_squeeze %dma_start3A_27 : memref<1x1x128xi32, #tpu.memory_space<vmem>> -> memref<128xi32, #tpu.memory_space<vmem>>
    %dma_start3A_29 = tpu.memref_slice %arg3[%add3A_9] : memref<16384xi32, #tpu.memory_space<hbm>> -> memref<128xi32, #tpu.memory_space<hbm>>
    tpu.enqueue_dma source(%dma_start3A_29 : memref<128xi32, #tpu.memory_space<hbm>>) target(%dma_start3A_28 : memref<128xi32, #tpu.memory_space<vmem>>) target_semaphore(%arg15 : memref<!tpu.dma_semaphore, #tpu.memory_space<semaphore_mem>>)
    %dma_start3A_30 = arith.constant 0 : i32
    %dma_start3A_31 = arith.constant 2 : i32
    %dma_start3A_32 = arith.constant 0 : i32
    %dma_start3A_33 = tpu.memref_slice %arg11[%dma_start3A_30, %dma_start3A_31, %dma_start3A_32] : memref<2x6x128xi32, #tpu.memory_space<vmem>> -> memref<1x1x128xi32, #tpu.memory_space<vmem>>
    %dma_start3A_34 = tpu.memref_squeeze %dma_start3A_33 : memref<1x1x128xi32, #tpu.memory_space<vmem>> -> memref<128xi32, #tpu.memory_space<vmem>>
    %dma_start3A_35 = tpu.memref_slice %arg4[%add3A_9] : memref<16384xi32, #tpu.memory_space<hbm>> -> memref<128xi32, #tpu.memory_space<hbm>>
    %dma_start3A_36 = arith.constant 0 : i32
    %dma_start3A_37 = tpu.memref_slice %arg11[%dma_start3A_30, %dma_start3A_31, %dma_start3A_36] : memref<2x6x128xi32, #tpu.memory_space<vmem>> -> memref<1x1x128xi32, #tpu.memory_space<vmem>>
    %dma_start3A_38 = tpu.memref_squeeze %dma_start3A_37 : memref<1x1x128xi32, #tpu.memory_space<vmem>> -> memref<128xi32, #tpu.memory_space<vmem>>
    %dma_start3A_39 = tpu.memref_slice %arg4[%add3A_9] : memref<16384xi32, #tpu.memory_space<hbm>> -> memref<128xi32, #tpu.memory_space<hbm>>
    tpu.enqueue_dma source(%dma_start3A_39 : memref<128xi32, #tpu.memory_space<hbm>>) target(%dma_start3A_38 : memref<128xi32, #tpu.memory_space<vmem>>) target_semaphore(%arg15 : memref<!tpu.dma_semaphore, #tpu.memory_space<semaphore_mem>>)
    %dma_start3A_40 = arith.constant 0 : i32
    %dma_start3A_41 = arith.constant 3 : i32
    %dma_start3A_42 = arith.constant 0 : i32
    %dma_start3A_43 = tpu.memref_slice %arg11[%dma_start3A_40, %dma_start3A_41, %dma_start3A_42] : memref<2x6x128xi32, #tpu.memory_space<vmem>> -> memref<1x1x128xi32, #tpu.memory_space<vmem>>
    %dma_start3A_44 = tpu.memref_squeeze %dma_start3A_43 : memref<1x1x128xi32, #tpu.memory_space<vmem>> -> memref<128xi32, #tpu.memory_space<vmem>>
    %dma_start3A_45 = tpu.memref_slice %arg5[%add3A_9] : memref<16384xi32, #tpu.memory_space<hbm>> -> memref<128xi32, #tpu.memory_space<hbm>>
    %dma_start3A_46 = arith.constant 0 : i32
    %dma_start3A_47 = tpu.memref_slice %arg11[%dma_start3A_40, %dma_start3A_41, %dma_start3A_46] : memref<2x6x128xi32, #tpu.memory_space<vmem>> -> memref<1x1x128xi32, #tpu.memory_space<vmem>>
    %dma_start3A_48 = tpu.memref_squeeze %dma_start3A_47 : memref<1x1x128xi32, #tpu.memory_space<vmem>> -> memref<128xi32, #tpu.memory_space<vmem>>
    %dma_start3A_49 = tpu.memref_slice %arg5[%add3A_9] : memref<16384xi32, #tpu.memory_space<hbm>> -> memref<128xi32, #tpu.memory_space<hbm>>
    tpu.enqueue_dma source(%dma_start3A_49 : memref<128xi32, #tpu.memory_space<hbm>>) target(%dma_start3A_48 : memref<128xi32, #tpu.memory_space<vmem>>) target_semaphore(%arg15 : memref<!tpu.dma_semaphore, #tpu.memory_space<semaphore_mem>>)
    %dma_start3A_50 = arith.constant 0 : i32
    %dma_start3A_51 = arith.constant 4 : i32
    %dma_start3A_52 = arith.constant 0 : i32
    %dma_start3A_53 = tpu.memref_slice %arg11[%dma_start3A_50, %dma_start3A_51, %dma_start3A_52] : memref<2x6x128xi32, #tpu.memory_space<vmem>> -> memref<1x1x128xi32, #tpu.memory_space<vmem>>
    %dma_start3A_54 = tpu.memref_squeeze %dma_start3A_53 : memref<1x1x128xi32, #tpu.memory_space<vmem>> -> memref<128xi32, #tpu.memory_space<vmem>>
    %dma_start3A_55 = tpu.memref_slice %arg6[%add3A_9] : memref<16384xi32, #tpu.memory_space<hbm>> -> memref<128xi32, #tpu.memory_space<hbm>>
    %dma_start3A_56 = arith.constant 0 : i32
    %dma_start3A_57 = tpu.memref_slice %arg11[%dma_start3A_50, %dma_start3A_51, %dma_start3A_56] : memref<2x6x128xi32, #tpu.memory_space<vmem>> -> memref<1x1x128xi32, #tpu.memory_space<vmem>>
    %dma_start3A_58 = tpu.memref_squeeze %dma_start3A_57 : memref<1x1x128xi32, #tpu.memory_space<vmem>> -> memref<128xi32, #tpu.memory_space<vmem>>
    %dma_start3A_59 = tpu.memref_slice %arg6[%add3A_9] : memref<16384xi32, #tpu.memory_space<hbm>> -> memref<128xi32, #tpu.memory_space<hbm>>
    tpu.enqueue_dma source(%dma_start3A_59 : memref<128xi32, #tpu.memory_space<hbm>>) target(%dma_start3A_58 : memref<128xi32, #tpu.memory_space<vmem>>) target_semaphore(%arg15 : memref<!tpu.dma_semaphore, #tpu.memory_space<semaphore_mem>>)
    %dma_start3A_60 = arith.constant 0 : i32
    %dma_start3A_61 = arith.constant 5 : i32
    %dma_start3A_62 = arith.constant 0 : i32
    %dma_start3A_63 = tpu.memref_slice %arg11[%dma_start3A_60, %dma_start3A_61, %dma_start3A_62] : memref<2x6x128xi32, #tpu.memory_space<vmem>> -> memref<1x1x128xi32, #tpu.memory_space<vmem>>
    %dma_start3A_64 = tpu.memref_squeeze %dma_start3A_63 : memref<1x1x128xi32, #tpu.memory_space<vmem>> -> memref<128xi32, #tpu.memory_space<vmem>>
    %dma_start3A_65 = tpu.memref_slice %arg7[%add3A_9] : memref<16384xi32, #tpu.memory_space<hbm>> -> memref<128xi32, #tpu.memory_space<hbm>>
    %dma_start3A_66 = arith.constant 0 : i32
    %dma_start3A_67 = tpu.memref_slice %arg11[%dma_start3A_60, %dma_start3A_61, %dma_start3A_66] : memref<2x6x128xi32, #tpu.memory_space<vmem>> -> memref<1x1x128xi32, #tpu.memory_space<vmem>>
    %dma_start3A_68 = tpu.memref_squeeze %dma_start3A_67 : memref<1x1x128xi32, #tpu.memory_space<vmem>> -> memref<128xi32, #tpu.memory_space<vmem>>
    %dma_start3A_69 = tpu.memref_slice %arg7[%add3A_9] : memref<16384xi32, #tpu.memory_space<hbm>> -> memref<128xi32, #tpu.memory_space<hbm>>
    tpu.enqueue_dma source(%dma_start3A_69 : memref<128xi32, #tpu.memory_space<hbm>>) target(%dma_start3A_68 : memref<128xi32, #tpu.memory_space<vmem>>) target_semaphore(%arg15 : memref<!tpu.dma_semaphore, #tpu.memory_space<semaphore_mem>>)
    %barrier3A = arith.constant 0 : index
    tpu.barrier barrier_id(%barrier3A)
    %add3A_70 = arith.constant 0 : i32
    %add3A_71 = arith.addi %mul3A_2, %add3A_70 : i32
    %dma_wait3A = arith.constant 0 : i32
    %dma_wait3A_72 = arith.constant 0 : i32
    %dma_wait3A_73 = arith.constant 0 : i32
    %dma_wait3A_74 = tpu.memref_slice %arg11[%dma_wait3A, %dma_wait3A_72, %dma_wait3A_73] : memref<2x6x128xi32, #tpu.memory_space<vmem>> -> memref<1x1x128xi32, #tpu.memory_space<vmem>>
    %dma_wait3A_75 = tpu.memref_squeeze %dma_wait3A_74 : memref<1x1x128xi32, #tpu.memory_space<vmem>> -> memref<128xi32, #tpu.memory_space<vmem>>
    %dma_wait3A_76 = tpu.memref_slice %arg2[%add3A_9] : memref<16384xi32, #tpu.memory_space<hbm>> -> memref<128xi32, #tpu.memory_space<hbm>>
    %dma_wait3A_77 = arith.constant 0 : i32
    %dma_wait3A_78 = tpu.memref_slice %arg11[%dma_wait3A, %dma_wait3A_72, %dma_wait3A_77] : memref<2x6x128xi32, #tpu.memory_space<vmem>> -> memref<1x1x128xi32, #tpu.memory_space<vmem>>
    %dma_wait3A_79 = tpu.memref_squeeze %dma_wait3A_78 : memref<1x1x128xi32, #tpu.memory_space<vmem>> -> memref<128xi32, #tpu.memory_space<vmem>>
    %dma_wait3A_80 = tpu.memref_slice %arg2[%add3A_9] : memref<16384xi32, #tpu.memory_space<hbm>> -> memref<128xi32, #tpu.memory_space<hbm>>
    tpu.wait_dma2 semaphore(%arg15 : memref<!tpu.dma_semaphore, #tpu.memory_space<semaphore_mem>>) src(%dma_wait3A_80 : memref<128xi32, #tpu.memory_space<hbm>>) dst(%dma_wait3A_79 : memref<128xi32, #tpu.memory_space<vmem>>)
    %dma_wait3A_81 = arith.constant 0 : i32
    %dma_wait3A_82 = arith.constant 1 : i32
    %dma_wait3A_83 = arith.constant 0 : i32
    %dma_wait3A_84 = tpu.memref_slice %arg11[%dma_wait3A_81, %dma_wait3A_82, %dma_wait3A_83] : memref<2x6x128xi32, #tpu.memory_space<vmem>> -> memref<1x1x128xi32, #tpu.memory_space<vmem>>
    %dma_wait3A_85 = tpu.memref_squeeze %dma_wait3A_84 : memref<1x1x128xi32, #tpu.memory_space<vmem>> -> memref<128xi32, #tpu.memory_space<vmem>>
    %dma_wait3A_86 = tpu.memref_slice %arg3[%add3A_9] : memref<16384xi32, #tpu.memory_space<hbm>> -> memref<128xi32, #tpu.memory_space<hbm>>
    %dma_wait3A_87 = arith.constant 0 : i32
    %dma_wait3A_88 = tpu.memref_slice %arg11[%dma_wait3A_81, %dma_wait3A_82, %dma_wait3A_87] : memref<2x6x128xi32, #tpu.memory_space<vmem>> -> memref<1x1x128xi32, #tpu.memory_space<vmem>>
    %dma_wait3A_89 = tpu.memref_squeeze %dma_wait3A_88 : memref<1x1x128xi32, #tpu.memory_space<vmem>> -> memref<128xi32, #tpu.memory_space<vmem>>
    %dma_wait3A_90 = tpu.memref_slice %arg3[%add3A_9] : memref<16384xi32, #tpu.memory_space<hbm>> -> memref<128xi32, #tpu.memory_space<hbm>>
    tpu.wait_dma2 semaphore(%arg15 : memref<!tpu.dma_semaphore, #tpu.memory_space<semaphore_mem>>) src(%dma_wait3A_90 : memref<128xi32, #tpu.memory_space<hbm>>) dst(%dma_wait3A_89 : memref<128xi32, #tpu.memory_space<vmem>>)
    %dma_wait3A_91 = arith.constant 0 : i32
    %dma_wait3A_92 = arith.constant 2 : i32
    %dma_wait3A_93 = arith.constant 0 : i32
    %dma_wait3A_94 = tpu.memref_slice %arg11[%dma_wait3A_91, %dma_wait3A_92, %dma_wait3A_93] : memref<2x6x128xi32, #tpu.memory_space<vmem>> -> memref<1x1x128xi32, #tpu.memory_space<vmem>>
    %dma_wait3A_95 = tpu.memref_squeeze %dma_wait3A_94 : memref<1x1x128xi32, #tpu.memory_space<vmem>> -> memref<128xi32, #tpu.memory_space<vmem>>
    %dma_wait3A_96 = tpu.memref_slice %arg4[%add3A_9] : memref<16384xi32, #tpu.memory_space<hbm>> -> memref<128xi32, #tpu.memory_space<hbm>>
    %dma_wait3A_97 = arith.constant 0 : i32
    %dma_wait3A_98 = tpu.memref_slice %arg11[%dma_wait3A_91, %dma_wait3A_92, %dma_wait3A_97] : memref<2x6x128xi32, #tpu.memory_space<vmem>> -> memref<1x1x128xi32, #tpu.memory_space<vmem>>
    %dma_wait3A_99 = tpu.memref_squeeze %dma_wait3A_98 : memref<1x1x128xi32, #tpu.memory_space<vmem>> -> memref<128xi32, #tpu.memory_space<vmem>>
    %dma_wait3A_100 = tpu.memref_slice %arg4[%add3A_9] : memref<16384xi32, #tpu.memory_space<hbm>> -> memref<128xi32, #tpu.memory_space<hbm>>
    tpu.wait_dma2 semaphore(%arg15 : memref<!tpu.dma_semaphore, #tpu.memory_space<semaphore_mem>>) src(%dma_wait3A_100 : memref<128xi32, #tpu.memory_space<hbm>>) dst(%dma_wait3A_99 : memref<128xi32, #tpu.memory_space<vmem>>)
    %dma_wait3A_101 = arith.constant 0 : i32
    %dma_wait3A_102 = arith.constant 3 : i32
    %dma_wait3A_103 = arith.constant 0 : i32
    %dma_wait3A_104 = tpu.memref_slice %arg11[%dma_wait3A_101, %dma_wait3A_102, %dma_wait3A_103] : memref<2x6x128xi32, #tpu.memory_space<vmem>> -> memref<1x1x128xi32, #tpu.memory_space<vmem>>
    %dma_wait3A_105 = tpu.memref_squeeze %dma_wait3A_104 : memref<1x1x128xi32, #tpu.memory_space<vmem>> -> memref<128xi32, #tpu.memory_space<vmem>>
    %dma_wait3A_106 = tpu.memref_slice %arg5[%add3A_9] : memref<16384xi32, #tpu.memory_space<hbm>> -> memref<128xi32, #tpu.memory_space<hbm>>
    %dma_wait3A_107 = arith.constant 0 : i32
    %dma_wait3A_108 = tpu.memref_slice %arg11[%dma_wait3A_101, %dma_wait3A_102, %dma_wait3A_107] : memref<2x6x128xi32, #tpu.memory_space<vmem>> -> memref<1x1x128xi32, #tpu.memory_space<vmem>>
    %dma_wait3A_109 = tpu.memref_squeeze %dma_wait3A_108 : memref<1x1x128xi32, #tpu.memory_space<vmem>> -> memref<128xi32, #tpu.memory_space<vmem>>
    %dma_wait3A_110 = tpu.memref_slice %arg5[%add3A_9] : memref<16384xi32, #tpu.memory_space<hbm>> -> memref<128xi32, #tpu.memory_space<hbm>>
    tpu.wait_dma2 semaphore(%arg15 : memref<!tpu.dma_semaphore, #tpu.memory_space<semaphore_mem>>) src(%dma_wait3A_110 : memref<128xi32, #tpu.memory_space<hbm>>) dst(%dma_wait3A_109 : memref<128xi32, #tpu.memory_space<vmem>>)
    %dma_wait3A_111 = arith.constant 0 : i32
    %dma_wait3A_112 = arith.constant 4 : i32
    %dma_wait3A_113 = arith.constant 0 : i32
    %dma_wait3A_114 = tpu.memref_slice %arg11[%dma_wait3A_111, %dma_wait3A_112, %dma_wait3A_113] : memref<2x6x128xi32, #tpu.memory_space<vmem>> -> memref<1x1x128xi32, #tpu.memory_space<vmem>>
    %dma_wait3A_115 = tpu.memref_squeeze %dma_wait3A_114 : memref<1x1x128xi32, #tpu.memory_space<vmem>> -> memref<128xi32, #tpu.memory_space<vmem>>
    %dma_wait3A_116 = tpu.memref_slice %arg6[%add3A_9] : memref<16384xi32, #tpu.memory_space<hbm>> -> memref<128xi32, #tpu.memory_space<hbm>>
    %dma_wait3A_117 = arith.constant 0 : i32
    %dma_wait3A_118 = tpu.memref_slice %arg11[%dma_wait3A_111, %dma_wait3A_112, %dma_wait3A_117] : memref<2x6x128xi32, #tpu.memory_space<vmem>> -> memref<1x1x128xi32, #tpu.memory_space<vmem>>
    %dma_wait3A_119 = tpu.memref_squeeze %dma_wait3A_118 : memref<1x1x128xi32, #tpu.memory_space<vmem>> -> memref<128xi32, #tpu.memory_space<vmem>>
    %dma_wait3A_120 = tpu.memref_slice %arg6[%add3A_9] : memref<16384xi32, #tpu.memory_space<hbm>> -> memref<128xi32, #tpu.memory_space<hbm>>
    tpu.wait_dma2 semaphore(%arg15 : memref<!tpu.dma_semaphore, #tpu.memory_space<semaphore_mem>>) src(%dma_wait3A_120 : memref<128xi32, #tpu.memory_space<hbm>>) dst(%dma_wait3A_119 : memref<128xi32, #tpu.memory_space<vmem>>)
    %dma_wait3A_121 = arith.constant 0 : i32
    %dma_wait3A_122 = arith.constant 5 : i32
    %dma_wait3A_123 = arith.constant 0 : i32
    %dma_wait3A_124 = tpu.memref_slice %arg11[%dma_wait3A_121, %dma_wait3A_122, %dma_wait3A_123] : memref<2x6x128xi32, #tpu.memory_space<vmem>> -> memref<1x1x128xi32, #tpu.memory_space<vmem>>
    %dma_wait3A_125 = tpu.memref_squeeze %dma_wait3A_124 : memref<1x1x128xi32, #tpu.memory_space<vmem>> -> memref<128xi32, #tpu.memory_space<vmem>>
    %dma_wait3A_126 = tpu.memref_slice %arg7[%add3A_9] : memref<16384xi32, #tpu.memory_space<hbm>> -> memref<128xi32, #tpu.memory_space<hbm>>
    %dma_wait3A_127 = arith.constant 0 : i32
    %dma_wait3A_128 = tpu.memref_slice %arg11[%dma_wait3A_121, %dma_wait3A_122, %dma_wait3A_127] : memref<2x6x128xi32, #tpu.memory_space<vmem>> -> memref<1x1x128xi32, #tpu.memory_space<vmem>>
    %dma_wait3A_129 = tpu.memref_squeeze %dma_wait3A_128 : memref<1x1x128xi32, #tpu.memory_space<vmem>> -> memref<128xi32, #tpu.memory_space<vmem>>
    %dma_wait3A_130 = tpu.memref_slice %arg7[%add3A_9] : memref<16384xi32, #tpu.memory_space<hbm>> -> memref<128xi32, #tpu.memory_space<hbm>>
    tpu.wait_dma2 semaphore(%arg15 : memref<!tpu.dma_semaphore, #tpu.memory_space<semaphore_mem>>) src(%dma_wait3A_130 : memref<128xi32, #tpu.memory_space<hbm>>) dst(%dma_wait3A_129 : memref<128xi32, #tpu.memory_space<vmem>>)
    %add3A_131 = arith.constant 128 : i32
    %add3A_132 = arith.addi %mul3A_2, %add3A_131 : i32
    %dma_start3A_133 = arith.constant 1 : i32
    %dma_start3A_134 = arith.constant 0 : i32
    %dma_start3A_135 = arith.constant 0 : i32
    %dma_start3A_136 = tpu.memref_slice %arg11[%dma_start3A_133, %dma_start3A_134, %dma_start3A_135] : memref<2x6x128xi32, #tpu.memory_space<vmem>> -> memref<1x1x128xi32, #tpu.memory_space<vmem>>
    %dma_start3A_137 = tpu.memref_squeeze %dma_start3A_136 : memref<1x1x128xi32, #tpu.memory_space<vmem>> -> memref<128xi32, #tpu.memory_space<vmem>>
    %dma_start3A_138 = tpu.memref_slice %arg2[%add3A_132] : memref<16384xi32, #tpu.memory_space<hbm>> -> memref<128xi32, #tpu.memory_space<hbm>>
    %dma_start3A_139 = arith.constant 0 : i32
    %dma_start3A_140 = tpu.memref_slice %arg11[%dma_start3A_133, %dma_start3A_134, %dma_start3A_139] : memref<2x6x128xi32, #tpu.memory_space<vmem>> -> memref<1x1x128xi32, #tpu.memory_space<vmem>>
    %dma_start3A_141 = tpu.memref_squeeze %dma_start3A_140 : memref<1x1x128xi32, #tpu.memory_space<vmem>> -> memref<128xi32, #tpu.memory_space<vmem>>
    %dma_start3A_142 = tpu.memref_slice %arg2[%add3A_132] : memref<16384xi32, #tpu.memory_space<hbm>> -> memref<128xi32, #tpu.memory_space<hbm>>
    tpu.enqueue_dma source(%dma_start3A_142 : memref<128xi32, #tpu.memory_space<hbm>>) target(%dma_start3A_141 : memref<128xi32, #tpu.memory_space<vmem>>) target_semaphore(%arg15 : memref<!tpu.dma_semaphore, #tpu.memory_space<semaphore_mem>>)
    %dma_start3A_143 = arith.constant 1 : i32
    %dma_start3A_144 = arith.constant 1 : i32
    %dma_start3A_145 = arith.constant 0 : i32
    %dma_start3A_146 = tpu.memref_slice %arg11[%dma_start3A_143, %dma_start3A_144, %dma_start3A_145] : memref<2x6x128xi32, #tpu.memory_space<vmem>> -> memref<1x1x128xi32, #tpu.memory_space<vmem>>
    %dma_start3A_147 = tpu.memref_squeeze %dma_start3A_146 : memref<1x1x128xi32, #tpu.memory_space<vmem>> -> memref<128xi32, #tpu.memory_space<vmem>>
    %dma_start3A_148 = tpu.memref_slice %arg3[%add3A_132] : memref<16384xi32, #tpu.memory_space<hbm>> -> memref<128xi32, #tpu.memory_space<hbm>>
    %dma_start3A_149 = arith.constant 0 : i32
    %dma_start3A_150 = tpu.memref_slice %arg11[%dma_start3A_143, %dma_start3A_144, %dma_start3A_149] : memref<2x6x128xi32, #tpu.memory_space<vmem>> -> memref<1x1x128xi32, #tpu.memory_space<vmem>>
    %dma_start3A_151 = tpu.memref_squeeze %dma_start3A_150 : memref<1x1x128xi32, #tpu.memory_space<vmem>> -> memref<128xi32, #tpu.memory_space<vmem>>
    %dma_start3A_152 = tpu.memref_slice %arg3[%add3A_132] : memref<16384xi32, #tpu.memory_space<hbm>> -> memref<128xi32, #tpu.memory_space<hbm>>
    tpu.enqueue_dma source(%dma_start3A_152 : memref<128xi32, #tpu.memory_space<hbm>>) target(%dma_start3A_151 : memref<128xi32, #tpu.memory_space<vmem>>) target_semaphore(%arg15 : memref<!tpu.dma_semaphore, #tpu.memory_space<semaphore_mem>>)
    %dma_start3A_153 = arith.constant 1 : i32
    %dma_start3A_154 = arith.constant 2 : i32
    %dma_start3A_155 = arith.constant 0 : i32
    %dma_start3A_156 = tpu.memref_slice %arg11[%dma_start3A_153, %dma_start3A_154, %dma_start3A_155] : memref<2x6x128xi32, #tpu.memory_space<vmem>> -> memref<1x1x128xi32, #tpu.memory_space<vmem>>
    %dma_start3A_157 = tpu.memref_squeeze %dma_start3A_156 : memref<1x1x128xi32, #tpu.memory_space<vmem>> -> memref<128xi32, #tpu.memory_space<vmem>>
    %dma_start3A_158 = tpu.memref_slice %arg4[%add3A_132] : memref<16384xi32, #tpu.memory_space<hbm>> -> memref<128xi32, #tpu.memory_space<hbm>>
    %dma_start3A_159 = arith.constant 0 : i32
    %dma_start3A_160 = tpu.memref_slice %arg11[%dma_start3A_153, %dma_start3A_154, %dma_start3A_159] : memref<2x6x128xi32, #tpu.memory_space<vmem>> -> memref<1x1x128xi32, #tpu.memory_space<vmem>>
    %dma_start3A_161 = tpu.memref_squeeze %dma_start3A_160 : memref<1x1x128xi32, #tpu.memory_space<vmem>> -> memref<128xi32, #tpu.memory_space<vmem>>
    %dma_start3A_162 = tpu.memref_slice %arg4[%add3A_132] : memref<16384xi32, #tpu.memory_space<hbm>> -> memref<128xi32, #tpu.memory_space<hbm>>
    tpu.enqueue_dma source(%dma_start3A_162 : memref<128xi32, #tpu.memory_space<hbm>>) target(%dma_start3A_161 : memref<128xi32, #tpu.memory_space<vmem>>) target_semaphore(%arg15 : memref<!tpu.dma_semaphore, #tpu.memory_space<semaphore_mem>>)
    %dma_start3A_163 = arith.constant 1 : i32
    %dma_start3A_164 = arith.constant 3 : i32
    %dma_start3A_165 = arith.constant 0 : i32
    %dma_start3A_166 = tpu.memref_slice %arg11[%dma_start3A_163, %dma_start3A_164, %dma_start3A_165] : memref<2x6x128xi32, #tpu.memory_space<vmem>> -> memref<1x1x128xi32, #tpu.memory_space<vmem>>
    %dma_start3A_167 = tpu.memref_squeeze %dma_start3A_166 : memref<1x1x128xi32, #tpu.memory_space<vmem>> -> memref<128xi32, #tpu.memory_space<vmem>>
    %dma_start3A_168 = tpu.memref_slice %arg5[%add3A_132] : memref<16384xi32, #tpu.memory_space<hbm>> -> memref<128xi32, #tpu.memory_space<hbm>>
    %dma_start3A_169 = arith.constant 0 : i32
    %dma_start3A_170 = tpu.memref_slice %arg11[%dma_start3A_163, %dma_start3A_164, %dma_start3A_169] : memref<2x6x128xi32, #tpu.memory_space<vmem>> -> memref<1x1x128xi32, #tpu.memory_space<vmem>>
    %dma_start3A_171 = tpu.memref_squeeze %dma_start3A_170 : memref<1x1x128xi32, #tpu.memory_space<vmem>> -> memref<128xi32, #tpu.memory_space<vmem>>
    %dma_start3A_172 = tpu.memref_slice %arg5[%add3A_132] : memref<16384xi32, #tpu.memory_space<hbm>> -> memref<128xi32, #tpu.memory_space<hbm>>
    tpu.enqueue_dma source(%dma_start3A_172 : memref<128xi32, #tpu.memory_space<hbm>>) target(%dma_start3A_171 : memref<128xi32, #tpu.memory_space<vmem>>) target_semaphore(%arg15 : memref<!tpu.dma_semaphore, #tpu.memory_space<semaphore_mem>>)
    %dma_start3A_173 = arith.constant 1 : i32
    %dma_start3A_174 = arith.constant 4 : i32
    %dma_start3A_175 = arith.constant 0 : i32
    %dma_start3A_176 = tpu.memref_slice %arg11[%dma_start3A_173, %dma_start3A_174, %dma_start3A_175] : memref<2x6x128xi32, #tpu.memory_space<vmem>> -> memref<1x1x128xi32, #tpu.memory_space<vmem>>
    %dma_start3A_177 = tpu.memref_squeeze %dma_start3A_176 : memref<1x1x128xi32, #tpu.memory_space<vmem>> -> memref<128xi32, #tpu.memory_space<vmem>>
    %dma_start3A_178 = tpu.memref_slice %arg6[%add3A_132] : memref<16384xi32, #tpu.memory_space<hbm>> -> memref<128xi32, #tpu.memory_space<hbm>>
    %dma_start3A_179 = arith.constant 0 : i32
    %dma_start3A_180 = tpu.memref_slice %arg11[%dma_start3A_173, %dma_start3A_174, %dma_start3A_179] : memref<2x6x128xi32, #tpu.memory_space<vmem>> -> memref<1x1x128xi32, #tpu.memory_space<vmem>>
    %dma_start3A_181 = tpu.memref_squeeze %dma_start3A_180 : memref<1x1x128xi32, #tpu.memory_space<vmem>> -> memref<128xi32, #tpu.memory_space<vmem>>
    %dma_start3A_182 = tpu.memref_slice %arg6[%add3A_132] : memref<16384xi32, #tpu.memory_space<hbm>> -> memref<128xi32, #tpu.memory_space<hbm>>
    tpu.enqueue_dma source(%dma_start3A_182 : memref<128xi32, #tpu.memory_space<hbm>>) target(%dma_start3A_181 : memref<128xi32, #tpu.memory_space<vmem>>) target_semaphore(%arg15 : memref<!tpu.dma_semaphore, #tpu.memory_space<semaphore_mem>>)
    %dma_start3A_183 = arith.constant 1 : i32
    %dma_start3A_184 = arith.constant 5 : i32
    %dma_start3A_185 = arith.constant 0 : i32
    %dma_start3A_186 = tpu.memref_slice %arg11[%dma_start3A_183, %dma_start3A_184, %dma_start3A_185] : memref<2x6x128xi32, #tpu.memory_space<vmem>> -> memref<1x1x128xi32, #tpu.memory_space<vmem>>
    %dma_start3A_187 = tpu.memref_squeeze %dma_start3A_186 : memref<1x1x128xi32, #tpu.memory_space<vmem>> -> memref<128xi32, #tpu.memory_space<vmem>>
    %dma_start3A_188 = tpu.memref_slice %arg7[%add3A_132] : memref<16384xi32, #tpu.memory_space<hbm>> -> memref<128xi32, #tpu.memory_space<hbm>>
    %dma_start3A_189 = arith.constant 0 : i32
    %dma_start3A_190 = tpu.memref_slice %arg11[%dma_start3A_183, %dma_start3A_184, %dma_start3A_189] : memref<2x6x128xi32, #tpu.memory_space<vmem>> -> memref<1x1x128xi32, #tpu.memory_space<vmem>>
    %dma_start3A_191 = tpu.memref_squeeze %dma_start3A_190 : memref<1x1x128xi32, #tpu.memory_space<vmem>> -> memref<128xi32, #tpu.memory_space<vmem>>
    %dma_start3A_192 = tpu.memref_slice %arg7[%add3A_132] : memref<16384xi32, #tpu.memory_space<hbm>> -> memref<128xi32, #tpu.memory_space<hbm>>
    tpu.enqueue_dma source(%dma_start3A_192 : memref<128xi32, #tpu.memory_space<hbm>>) target(%dma_start3A_191 : memref<128xi32, #tpu.memory_space<vmem>>) target_semaphore(%arg15 : memref<!tpu.dma_semaphore, #tpu.memory_space<semaphore_mem>>)
    %get3A = arith.constant 0 : i32
    %get3A_193 = arith.constant 1 : i32
    %get3A_194 = arith.index_cast %get3A : i32 to index
    %get3A_195 = arith.index_cast %get3A_193 : i32 to index
    %get3A_196 = arith.constant 0 : index
    %get3A_197 = tpu.vector_load %arg11[%get3A_194, %get3A_195, %get3A_196] {strides = array<i32>} : memref<2x6x128xi32, #tpu.memory_space<vmem>>, vector<1x1x16xi32>,
    %get3A_198 = vector.shape_cast %get3A_197 : vector<1x1x16xi32> to vector<16xi32>
    %add3A_199 = arith.constant 235 : i32
    %add3A_200 = vector.broadcast %add3A_199 : i32 to vector<16xi32>
    %add3A_201 = arith.addi %get3A_198, %add3A_200 : vector<16xi32>
    %swap3A = arith.constant 0 : i32
    %swap3A_202 = arith.constant 1 : i32
    %swap3A_203 = arith.index_cast %swap3A : i32 to index
    %swap3A_204 = arith.index_cast %swap3A_202 : i32 to index
    %swap3A_205 = arith.constant 0 : index
    %swap3A_206 = tpu.vector_load %arg11[%swap3A_203, %swap3A_204, %swap3A_205] {strides = array<i32>} : memref<2x6x128xi32, #tpu.memory_space<vmem>>, vector<1x1x16xi32>,
    %swap3A_207 = vector.shape_cast %swap3A_206 : vector<1x1x16xi32> to vector<16xi32>
    %swap3A_208 = vector.shape_cast %add3A_201 : vector<16xi32> to vector<1x1x16xi32>
    tpu.vector_store %arg11[%swap3A_203, %swap3A_204, %swap3A_205], %swap3A_208 {strides = array<i32>} : memref<2x6x128xi32, #tpu.memory_space<vmem>>, vector<1x1x16xi32>,
    %get3A_209 = arith.constant 0 : i32
    %get3A_210 = arith.constant 1 : i32
    %get3A_211 = arith.index_cast %get3A_209 : i32 to index
    %get3A_212 = arith.index_cast %get3A_210 : i32 to index
    %get3A_213 = arith.constant 16 : index
    %get3A_214 = tpu.vector_load %arg11[%get3A_211, %get3A_212, %get3A_213] {strides = array<i32>} : memref<2x6x128xi32, #tpu.memory_space<vmem>>, vector<1x1x16xi32>,
    %get3A_215 = vector.shape_cast %get3A_214 : vector<1x1x16xi32> to vector<16xi32>
    %add3A_216 = arith.constant 235 : i32
    %add3A_217 = vector.broadcast %add3A_216 : i32 to vector<16xi32>
    %add3A_218 = arith.addi %get3A_215, %add3A_217 : vector<16xi32>
    %swap3A_219 = arith.constant 0 : i32
    %swap3A_220 = arith.constant 1 : i32
    %swap3A_221 = arith.index_cast %swap3A_219 : i32 to index
    %swap3A_222 = arith.index_cast %swap3A_220 : i32 to index
    %swap3A_223 = arith.constant 16 : index
    %swap3A_224 = tpu.vector_load %arg11[%swap3A_221, %swap3A_222, %swap3A_223] {strides = array<i32>} : memref<2x6x128xi32, #tpu.memory_space<vmem>>, vector<1x1x16xi32>,
    %swap3A_225 = vector.shape_cast %swap3A_224 : vector<1x1x16xi32> to vector<16xi32>
    %swap3A_226 = vector.shape_cast %add3A_218 : vector<16xi32> to vector<1x1x16xi32>
    tpu.vector_store %arg11[%swap3A_221, %swap3A_222, %swap3A_223], %swap3A_226 {strides = array<i32>} : memref<2x6x128xi32, #tpu.memory_space<vmem>>, vector<1x1x16xi32>,
    %get3A_227 = arith.constant 0 : i32
    %get3A_228 = arith.constant 1 : i32
    %get3A_229 = arith.index_cast %get3A_227 : i32 to index
    %get3A_230 = arith.index_cast %get3A_228 : i32 to index
    %get3A_231 = arith.constant 32 : index
    %get3A_232 = tpu.vector_load %arg11[%get3A_229, %get3A_230, %get3A_231] {strides = array<i32>} : memref<2x6x128xi32, #tpu.memory_space<vmem>>, vector<1x1x16xi32>,
    %get3A_233 = vector.shape_cast %get3A_232 : vector<1x1x16xi32> to vector<16xi32>
    %add3A_234 = arith.constant 235 : i32
    %add3A_235 = vector.broadcast %add3A_234 : i32 to vector<16xi32>
    %add3A_236 = arith.addi %get3A_233, %add3A_235 : vector<16xi32>
    %swap3A_237 = arith.constant 0 : i32
    %swap3A_238 = arith.constant 1 : i32
    %swap3A_239 = arith.index_cast %swap3A_237 : i32 to index
    %swap3A_240 = arith.index_cast %swap3A_238 : i32 to index
    %swap3A_241 = arith.constant 32 : index
    %swap3A_242 = tpu.vector_load %arg11[%swap3A_239, %swap3A_240, %swap3A_241] {strides = array<i32>} : memref<2x6x128xi32, #tpu.memory_space<vmem>>, vector<1x1x16xi32>,
    %swap3A_243 = vector.shape_cast %swap3A_242 : vector<1x1x16xi32> to vector<16xi32>
    %swap3A_244 = vector.shape_cast %add3A_236 : vector<16xi32> to vector<1x1x16xi32>
    tpu.vector_store %arg11[%swap3A_239, %swap3A_240, %swap3A_241], %swap3A_244 {strides = array<i32>} : memref<2x6x128xi32, #tpu.memory_space<vmem>>, vector<1x1x16xi32>,
    %get3A_245 = arith.constant 0 : i32
    %get3A_246 = arith.constant 1 : i32
    %get3A_247 = arith.index_cast %get3A_245 : i32 to index
    %get3A_248 = arith.index_cast %get3A_246 : i32 to index
    %get3A_249 = arith.constant 48 : index
    %get3A_250 = tpu.vector_load %arg11[%get3A_247, %get3A_248, %get3A_249] {strides = array<i32>} : memref<2x6x128xi32, #tpu.memory_space<vmem>>, vector<1x1x16xi32>,
    %get3A_251 = vector.shape_cast %get3A_250 : vector<1x1x16xi32> to vector<16xi32>
    %add3A_252 = arith.constant 235 : i32
    %add3A_253 = vector.broadcast %add3A_252 : i32 to vector<16xi32>
    %add3A_254 = arith.addi %get3A_251, %add3A_253 : vector<16xi32>
    %swap3A_255 = arith.constant 0 : i32
    %swap3A_256 = arith.constant 1 : i32
    %swap3A_257 = arith.index_cast %swap3A_255 : i32 to index
    %swap3A_258 = arith.index_cast %swap3A_256 : i32 to index
    %swap3A_259 = arith.constant 48 : index
    %swap3A_260 = tpu.vector_load %arg11[%swap3A_257, %swap3A_258, %swap3A_259] {strides = array<i32>} : memref<2x6x128xi32, #tpu.memory_space<vmem>>, vector<1x1x16xi32>,
    %swap3A_261 = vector.shape_cast %swap3A_260 : vector<1x1x16xi32> to vector<16xi32>
    %swap3A_262 = vector.shape_cast %add3A_254 : vector<16xi32> to vector<1x1x16xi32>
    tpu.vector_store %arg11[%swap3A_257, %swap3A_258, %swap3A_259], %swap3A_262 {strides = array<i32>} : memref<2x6x128xi32, #tpu.memory_space<vmem>>, vector<1x1x16xi32>,
    %get3A_263 = arith.constant 0 : i32
    %get3A_264 = arith.constant 1 : i32
    %get3A_265 = arith.index_cast %get3A_263 : i32 to index
    %get3A_266 = arith.index_cast %get3A_264 : i32 to index
    %get3A_267 = arith.constant 64 : index
    %get3A_268 = tpu.vector_load %arg11[%get3A_265, %get3A_266, %get3A_267] {strides = array<i32>} : memref<2x6x128xi32, #tpu.memory_space<vmem>>, vector<1x1x16xi32>,
    %get3A_269 = vector.shape_cast %get3A_268 : vector<1x1x16xi32> to vector<16xi32>
    %add3A_270 = arith.constant 235 : i32
    %add3A_271 = vector.broadcast %add3A_270 : i32 to vector<16xi32>
    %add3A_272 = arith.addi %get3A_269, %add3A_271 : vector<16xi32>
    %swap3A_273 = arith.constant 0 : i32
    %swap3A_274 = arith.constant 1 : i32
    %swap3A_275 = arith.index_cast %swap3A_273 : i32 to index
    %swap3A_276 = arith.index_cast %swap3A_274 : i32 to index
    %swap3A_277 = arith.constant 64 : index
    %swap3A_278 = tpu.vector_load %arg11[%swap3A_275, %swap3A_276, %swap3A_277] {strides = array<i32>} : memref<2x6x128xi32, #tpu.memory_space<vmem>>, vector<1x1x16xi32>,
    %swap3A_279 = vector.shape_cast %swap3A_278 : vector<1x1x16xi32> to vector<16xi32>
    %swap3A_280 = vector.shape_cast %add3A_272 : vector<16xi32> to vector<1x1x16xi32>
    tpu.vector_store %arg11[%swap3A_275, %swap3A_276, %swap3A_277], %swap3A_280 {strides = array<i32>} : memref<2x6x128xi32, #tpu.memory_space<vmem>>, vector<1x1x16xi32>,
    %get3A_281 = arith.constant 0 : i32
    %get3A_282 = arith.constant 1 : i32
    %get3A_283 = arith.index_cast %get3A_281 : i32 to index
    %get3A_284 = arith.index_cast %get3A_282 : i32 to index
    %get3A_285 = arith.constant 80 : index
    %get3A_286 = tpu.vector_load %arg11[%get3A_283, %get3A_284, %get3A_285] {strides = array<i32>} : memref<2x6x128xi32, #tpu.memory_space<vmem>>, vector<1x1x16xi32>,
    %get3A_287 = vector.shape_cast %get3A_286 : vector<1x1x16xi32> to vector<16xi32>
    %add3A_288 = arith.constant 235 : i32
    %add3A_289 = vector.broadcast %add3A_288 : i32 to vector<16xi32>
    %add3A_290 = arith.addi %get3A_287, %add3A_289 : vector<16xi32>
    %swap3A_291 = arith.constant 0 : i32
    %swap3A_292 = arith.constant 1 : i32
    %swap3A_293 = arith.index_cast %swap3A_291 : i32 to index
    %swap3A_294 = arith.index_cast %swap3A_292 : i32 to index
    %swap3A_295 = arith.constant 80 : index
    %swap3A_296 = tpu.vector_load %arg11[%swap3A_293, %swap3A_294, %swap3A_295] {strides = array<i32>} : memref<2x6x128xi32, #tpu.memory_space<vmem>>, vector<1x1x16xi32>,
    %swap3A_297 = vector.shape_cast %swap3A_296 : vector<1x1x16xi32> to vector<16xi32>
    %swap3A_298 = vector.shape_cast %add3A_290 : vector<16xi32> to vector<1x1x16xi32>
    tpu.vector_store %arg11[%swap3A_293, %swap3A_294, %swap3A_295], %swap3A_298 {strides = array<i32>} : memref<2x6x128xi32, #tpu.memory_space<vmem>>, vector<1x1x16xi32>,
    %get3A_299 = arith.constant 0 : i32
    %get3A_300 = arith.constant 1 : i32
    %get3A_301 = arith.index_cast %get3A_299 : i32 to index
    %get3A_302 = arith.index_cast %get3A_300 : i32 to index
    %get3A_303 = arith.constant 96 : index
    %get3A_304 = tpu.vector_load %arg11[%get3A_301, %get3A_302, %get3A_303] {strides = array<i32>} : memref<2x6x128xi32, #tpu.memory_space<vmem>>, vector<1x1x16xi32>,
    %get3A_305 = vector.shape_cast %get3A_304 : vector<1x1x16xi32> to vector<16xi32>
    %add3A_306 = arith.constant 235 : i32
    %add3A_307 = vector.broadcast %add3A_306 : i32 to vector<16xi32>
    %add3A_308 = arith.addi %get3A_305, %add3A_307 : vector<16xi32>
    %swap3A_309 = arith.constant 0 : i32
    %swap3A_310 = arith.constant 1 : i32
    %swap3A_311 = arith.index_cast %swap3A_309 : i32 to index
    %swap3A_312 = arith.index_cast %swap3A_310 : i32 to index
    %swap3A_313 = arith.constant 96 : index
    %swap3A_314 = tpu.vector_load %arg11[%swap3A_311, %swap3A_312, %swap3A_313] {strides = array<i32>} : memref<2x6x128xi32, #tpu.memory_space<vmem>>, vector<1x1x16xi32>,
    %swap3A_315 = vector.shape_cast %swap3A_314 : vector<1x1x16xi32> to vector<16xi32>
    %swap3A_316 = vector.shape_cast %add3A_308 : vector<16xi32> to vector<1x1x16xi32>
    tpu.vector_store %arg11[%swap3A_311, %swap3A_312, %swap3A_313], %swap3A_316 {strides = array<i32>} : memref<2x6x128xi32, #tpu.memory_space<vmem>>, vector<1x1x16xi32>,
    %get3A_317 = arith.constant 0 : i32
    %get3A_318 = arith.constant 1 : i32
    %get3A_319 = arith.index_cast %get3A_317 : i32 to index
    %get3A_320 = arith.index_cast %get3A_318 : i32 to index
    %get3A_321 = arith.constant 112 : index
    %get3A_322 = tpu.vector_load %arg11[%get3A_319, %get3A_320, %get3A_321] {strides = array<i32>} : memref<2x6x128xi32, #tpu.memory_space<vmem>>, vector<1x1x16xi32>,
    %get3A_323 = vector.shape_cast %get3A_322 : vector<1x1x16xi32> to vector<16xi32>
    %add3A_324 = arith.constant 235 : i32
    %add3A_325 = vector.broadcast %add3A_324 : i32 to vector<16xi32>
    %add3A_326 = arith.addi %get3A_323, %add3A_325 : vector<16xi32>
    %swap3A_327 = arith.constant 0 : i32
    %swap3A_328 = arith.constant 1 : i32
    %swap3A_329 = arith.index_cast %swap3A_327 : i32 to index
    %swap3A_330 = arith.index_cast %swap3A_328 : i32 to index
    %swap3A_331 = arith.constant 112 : index
    %swap3A_332 = tpu.vector_load %arg11[%swap3A_329, %swap3A_330, %swap3A_331] {strides = array<i32>} : memref<2x6x128xi32, #tpu.memory_space<vmem>>, vector<1x1x16xi32>,
    %swap3A_333 = vector.shape_cast %swap3A_332 : vector<1x1x16xi32> to vector<16xi32>
    %swap3A_334 = vector.shape_cast %add3A_326 : vector<16xi32> to vector<1x1x16xi32>
    tpu.vector_store %arg11[%swap3A_329, %swap3A_330, %swap3A_331], %swap3A_334 {strides = array<i32>} : memref<2x6x128xi32, #tpu.memory_space<vmem>>, vector<1x1x16xi32>,
    %get3A_335 = arith.constant 0 : i32
    %get3A_336 = arith.constant 2 : i32
    %get3A_337 = arith.index_cast %get3A_335 : i32 to index
    %get3A_338 = arith.index_cast %get3A_336 : i32 to index
    %get3A_339 = arith.constant 0 : index
    %get3A_340 = tpu.vector_load %arg11[%get3A_337, %get3A_338, %get3A_339] {strides = array<i32>} : memref<2x6x128xi32, #tpu.memory_space<vmem>>, vector<1x1x16xi32>,
    %get3A_341 = vector.shape_cast %get3A_340 : vector<1x1x16xi32> to vector<16xi32>
    %add3A_342 = arith.constant 237 : i32
    %add3A_343 = vector.broadcast %add3A_342 : i32 to vector<16xi32>
    %add3A_344 = arith.addi %get3A_341, %add3A_343 : vector<16xi32>
    %swap3A_345 = arith.constant 0 : i32
    %swap3A_346 = arith.constant 2 : i32
    %swap3A_347 = arith.index_cast %swap3A_345 : i32 to index
    %swap3A_348 = arith.index_cast %swap3A_346 : i32 to index
    %swap3A_349 = arith.constant 0 : index
    %swap3A_350 = tpu.vector_load %arg11[%swap3A_347, %swap3A_348, %swap3A_349] {strides = array<i32>} : memref<2x6x128xi32, #tpu.memory_space<vmem>>, vector<1x1x16xi32>,
    %swap3A_351 = vector.shape_cast %swap3A_350 : vector<1x1x16xi32> to vector<16xi32>
    %swap3A_352 = vector.shape_cast %add3A_344 : vector<16xi32> to vector<1x1x16xi32>
    tpu.vector_store %arg11[%swap3A_347, %swap3A_348, %swap3A_349], %swap3A_352 {strides = array<i32>} : memref<2x6x128xi32, #tpu.memory_space<vmem>>, vector<1x1x16xi32>,
    %get3A_353 = arith.constant 0 : i32
    %get3A_354 = arith.constant 2 : i32
    %get3A_355 = arith.index_cast %get3A_353 : i32 to index
    %get3A_356 = arith.index_cast %get3A_354 : i32 to index
    %get3A_357 = arith.constant 16 : index
    %get3A_358 = tpu.vector_load %arg11[%get3A_355, %get3A_356, %get3A_357] {strides = array<i32>} : memref<2x6x128xi32, #tpu.memory_space<vmem>>, vector<1x1x16xi32>,
    %get3A_359 = vector.shape_cast %get3A_358 : vector<1x1x16xi32> to vector<16xi32>
    %add3A_360 = arith.constant 237 : i32
    %add3A_361 = vector.broadcast %add3A_360 : i32 to vector<16xi32>
    %add3A_362 = arith.addi %get3A_359, %add3A_361 : vector<16xi32>
    %swap3A_363 = arith.constant 0 : i32
    %swap3A_364 = arith.constant 2 : i32
    %swap3A_365 = arith.index_cast %swap3A_363 : i32 to index
    %swap3A_366 = arith.index_cast %swap3A_364 : i32 to index
    %swap3A_367 = arith.constant 16 : index
    %swap3A_368 = tpu.vector_load %arg11[%swap3A_365, %swap3A_366, %swap3A_367] {strides = array<i32>} : memref<2x6x128xi32, #tpu.memory_space<vmem>>, vector<1x1x16xi32>,
    %swap3A_369 = vector.shape_cast %swap3A_368 : vector<1x1x16xi32> to vector<16xi32>
    %swap3A_370 = vector.shape_cast %add3A_362 : vector<16xi32> to vector<1x1x16xi32>
    tpu.vector_store %arg11[%swap3A_365, %swap3A_366, %swap3A_367], %swap3A_370 {strides = array<i32>} : memref<2x6x128xi32, #tpu.memory_space<vmem>>, vector<1x1x16xi32>,
    %get3A_371 = arith.constant 0 : i32
    %get3A_372 = arith.constant 2 : i32
    %get3A_373 = arith.index_cast %get3A_371 : i32 to index
    %get3A_374 = arith.index_cast %get3A_372 : i32 to index
    %get3A_375 = arith.constant 32 : index
    %get3A_376 = tpu.vector_load %arg11[%get3A_373, %get3A_374, %get3A_375] {strides = array<i32>} : memref<2x6x128xi32, #tpu.memory_space<vmem>>, vector<1x1x16xi32>,
    %get3A_377 = vector.shape_cast %get3A_376 : vector<1x1x16xi32> to vector<16xi32>
    %add3A_378 = arith.constant 237 : i32
    %add3A_379 = vector.broadcast %add3A_378 : i32 to vector<16xi32>
    %add3A_380 = arith.addi %get3A_377, %add3A_379 : vector<16xi32>
    %swap3A_381 = arith.constant 0 : i32
    %swap3A_382 = arith.constant 2 : i32
    %swap3A_383 = arith.index_cast %swap3A_381 : i32 to index
    %swap3A_384 = arith.index_cast %swap3A_382 : i32 to index
    %swap3A_385 = arith.constant 32 : index
    %swap3A_386 = tpu.vector_load %arg11[%swap3A_383, %swap3A_384, %swap3A_385] {strides = array<i32>} : memref<2x6x128xi32, #tpu.memory_space<vmem>>, vector<1x1x16xi32>,
    %swap3A_387 = vector.shape_cast %swap3A_386 : vector<1x1x16xi32> to vector<16xi32>
    %swap3A_388 = vector.shape_cast %add3A_380 : vector<16xi32> to vector<1x1x16xi32>
    tpu.vector_store %arg11[%swap3A_383, %swap3A_384, %swap3A_385], %swap3A_388 {strides = array<i32>} : memref<2x6x128xi32, #tpu.memory_space<vmem>>, vector<1x1x16xi32>,
    %get3A_389 = arith.constant 0 : i32
    %get3A_390 = arith.constant 2 : i32
    %get3A_391 = arith.index_cast %get3A_389 : i32 to index
    %get3A_392 = arith.index_cast %get3A_390 : i32 to index
    %get3A_393 = arith.constant 48 : index
    %get3A_394 = tpu.vector_load %arg11[%get3A_391, %get3A_392, %get3A_393] {strides = array<i32>} : memref<2x6x128xi32, #tpu.memory_space<vmem>>, vector<1x1x16xi32>,
    %get3A_395 = vector.shape_cast %get3A_394 : vector<1x1x16xi32> to vector<16xi32>
    %add3A_396 = arith.constant 237 : i32
    %add3A_397 = vector.broadcast %add3A_396 : i32 to vector<16xi32>
    %add3A_398 = arith.addi %get3A_395, %add3A_397 : vector<16xi32>
    %swap3A_399 = arith.constant 0 : i32
    %swap3A_400 = arith.constant 2 : i32
    %swap3A_401 = arith.index_cast %swap3A_399 : i32 to index
    %swap3A_402 = arith.index_cast %swap3A_400 : i32 to index
    %swap3A_403 = arith.constant 48 : index
    %swap3A_404 = tpu.vector_load %arg11[%swap3A_401, %swap3A_402, %swap3A_403] {strides = array<i32>} : memref<2x6x128xi32, #tpu.memory_space<vmem>>, vector<1x1x16xi32>,
    %swap3A_405 = vector.shape_cast %swap3A_404 : vector<1x1x16xi32> to vector<16xi32>
    %swap3A_406 = vector.shape_cast %add3A_398 : vector<16xi32> to vector<1x1x16xi32>
    tpu.vector_store %arg11[%swap3A_401, %swap3A_402, %swap3A_403], %swap3A_406 {strides = array<i32>} : memref<2x6x128xi32, #tpu.memory_space<vmem>>, vector<1x1x16xi32>,
    %get3A_407 = arith.constant 0 : i32
    %get3A_408 = arith.constant 2 : i32
    %get3A_409 = arith.index_cast %get3A_407 : i32 to index
    %get3A_410 = arith.index_cast %get3A_408 : i32 to index
    %get3A_411 = arith.constant 64 : index
    %get3A_412 = tpu.vector_load %arg11[%get3A_409, %get3A_410, %get3A_411] {strides = array<i32>} : memref<2x6x128xi32, #tpu.memory_space<vmem>>, vector<1x1x16xi32>,
    %get3A_413 = vector.shape_cast %get3A_412 : vector<1x1x16xi32> to vector<16xi32>
    %add3A_414 = arith.constant 237 : i32
    %add3A_415 = vector.broadcast %add3A_414 : i32 to vector<16xi32>
    %add3A_416 = arith.addi %get3A_413, %add3A_415 : vector<16xi32>
    %swap3A_417 = arith.constant 0 : i32
    %swap3A_418 = arith.constant 2 : i32
    %swap3A_419 = arith.index_cast %swap3A_417 : i32 to index
    %swap3A_420 = arith.index_cast %swap3A_418 : i32 to index
    %swap3A_421 = arith.constant 64 : index
    %swap3A_422 = tpu.vector_load %arg11[%swap3A_419, %swap3A_420, %swap3A_421] {strides = array<i32>} : memref<2x6x128xi32, #tpu.memory_space<vmem>>, vector<1x1x16xi32>,
    %swap3A_423 = vector.shape_cast %swap3A_422 : vector<1x1x16xi32> to vector<16xi32>
    %swap3A_424 = vector.shape_cast %add3A_416 : vector<16xi32> to vector<1x1x16xi32>
    tpu.vector_store %arg11[%swap3A_419, %swap3A_420, %swap3A_421], %swap3A_424 {strides = array<i32>} : memref<2x6x128xi32, #tpu.memory_space<vmem>>, vector<1x1x16xi32>,
    %get3A_425 = arith.constant 0 : i32
    %get3A_426 = arith.constant 2 : i32
    %get3A_427 = arith.index_cast %get3A_425 : i32 to index
    %get3A_428 = arith.index_cast %get3A_426 : i32 to index
    %get3A_429 = arith.constant 80 : index
    %get3A_430 = tpu.vector_load %arg11[%get3A_427, %get3A_428, %get3A_429] {strides = array<i32>} : memref<2x6x128xi32, #tpu.memory_space<vmem>>, vector<1x1x16xi32>,
    %get3A_431 = vector.shape_cast %get3A_430 : vector<1x1x16xi32> to vector<16xi32>
    %add3A_432 = arith.constant 237 : i32
    %add3A_433 = vector.broadcast %add3A_432 : i32 to vector<16xi32>
    %add3A_434 = arith.addi %get3A_431, %add3A_433 : vector<16xi32>
    %swap3A_435 = arith.constant 0 : i32
    %swap3A_436 = arith.constant 2 : i32
    %swap3A_437 = arith.index_cast %swap3A_435 : i32 to index
    %swap3A_438 = arith.index_cast %swap3A_436 : i32 to index
    %swap3A_439 = arith.constant 80 : index
    %swap3A_440 = tpu.vector_load %arg11[%swap3A_437, %swap3A_438, %swap3A_439] {strides = array<i32>} : memref<2x6x128xi32, #tpu.memory_space<vmem>>, vector<1x1x16xi32>,
    %swap3A_441 = vector.shape_cast %swap3A_440 : vector<1x1x16xi32> to vector<16xi32>
    %swap3A_442 = vector.shape_cast %add3A_434 : vector<16xi32> to vector<1x1x16xi32>
    tpu.vector_store %arg11[%swap3A_437, %swap3A_438, %swap3A_439], %swap3A_442 {strides = array<i32>} : memref<2x6x128xi32, #tpu.memory_space<vmem>>, vector<1x1x16xi32>,
    %get3A_443 = arith.constant 0 : i32
    %get3A_444 = arith.constant 2 : i32
    %get3A_445 = arith.index_cast %get3A_443 : i32 to index
    %get3A_446 = arith.index_cast %get3A_444 : i32 to index
    %get3A_447 = arith.constant 96 : index
    %get3A_448 = tpu.vector_load %arg11[%get3A_445, %get3A_446, %get3A_447] {strides = array<i32>} : memref<2x6x128xi32, #tpu.memory_space<vmem>>, vector<1x1x16xi32>,
    %get3A_449 = vector.shape_cast %get3A_448 : vector<1x1x16xi32> to vector<16xi32>
    %add3A_450 = arith.constant 237 : i32
    %add3A_451 = vector.broadcast %add3A_450 : i32 to vector<16xi32>
    %add3A_452 = arith.addi %get3A_449, %add3A_451 : vector<16xi32>
    %swap3A_453 = arith.constant 0 : i32
    %swap3A_454 = arith.constant 2 : i32
    %swap3A_455 = arith.index_cast %swap3A_453 : i32 to index
    %swap3A_456 = arith.index_cast %swap3A_454 : i32 to index
    %swap3A_457 = arith.constant 96 : index
    %swap3A_458 = tpu.vector_load %arg11[%swap3A_455, %swap3A_456, %swap3A_457] {strides = array<i32>} : memref<2x6x128xi32, #tpu.memory_space<vmem>>, vector<1x1x16xi32>,
    %swap3A_459 = vector.shape_cast %swap3A_458 : vector<1x1x16xi32> to vector<16xi32>
    %swap3A_460 = vector.shape_cast %add3A_452 : vector<16xi32> to vector<1x1x16xi32>
    tpu.vector_store %arg11[%swap3A_455, %swap3A_456, %swap3A_457], %swap3A_460 {strides = array<i32>} : memref<2x6x128xi32, #tpu.memory_space<vmem>>, vector<1x1x16xi32>,
    %get3A_461 = arith.constant 0 : i32
    %get3A_462 = arith.constant 2 : i32
    %get3A_463 = arith.index_cast %get3A_461 : i32 to index
    %get3A_464 = arith.index_cast %get3A_462 : i32 to index
    %get3A_465 = arith.constant 112 : index
    %get3A_466 = tpu.vector_load %arg11[%get3A_463, %get3A_464, %get3A_465] {strides = array<i32>} : memref<2x6x128xi32, #tpu.memory_space<vmem>>, vector<1x1x16xi32>,
    %get3A_467 = vector.shape_cast %get3A_466 : vector<1x1x16xi32> to vector<16xi32>
    %add3A_468 = arith.constant 237 : i32
    %add3A_469 = vector.broadcast %add3A_468 : i32 to vector<16xi32>
    %add3A_470 = arith.addi %get3A_467, %add3A_469 : vector<16xi32>
    %swap3A_471 = arith.constant 0 : i32
    %swap3A_472 = arith.constant 2 : i32
    %swap3A_473 = arith.index_cast %swap3A_471 : i32 to index
    %swap3A_474 = arith.index_cast %swap3A_472 : i32 to index
    %swap3A_475 = arith.constant 112 : index
    %swap3A_476 = tpu.vector_load %arg11[%swap3A_473, %swap3A_474, %swap3A_475] {strides = array<i32>} : memref<2x6x128xi32, #tpu.memory_space<vmem>>, vector<1x1x16xi32>,
    %swap3A_477 = vector.shape_cast %swap3A_476 : vector<1x1x16xi32> to vector<16xi32>
    %swap3A_478 = vector.shape_cast %add3A_470 : vector<16xi32> to vector<1x1x16xi32>
    tpu.vector_store %arg11[%swap3A_473, %swap3A_474, %swap3A_475], %swap3A_478 {strides = array<i32>} : memref<2x6x128xi32, #tpu.memory_space<vmem>>, vector<1x1x16xi32>,
    %get3A_479 = arith.constant 0 : i32
    %get3A_480 = arith.constant 3 : i32
    %get3A_481 = arith.index_cast %get3A_479 : i32 to index
    %get3A_482 = arith.index_cast %get3A_480 : i32 to index
    %get3A_483 = arith.constant 0 : index
    %get3A_484 = tpu.vector_load %arg11[%get3A_481, %get3A_482, %get3A_483] {strides = array<i32>} : memref<2x6x128xi32, #tpu.memory_space<vmem>>, vector<1x1x16xi32>,
    %get3A_485 = vector.shape_cast %get3A_484 : vector<1x1x16xi32> to vector<16xi32>
    %add3A_486 = arith.constant 348 : i32
    %add3A_487 = vector.broadcast %add3A_486 : i32 to vector<16xi32>
    %add3A_488 = arith.addi %get3A_485, %add3A_487 : vector<16xi32>
    %swap3A_489 = arith.constant 0 : i32
    %swap3A_490 = arith.constant 3 : i32
    %swap3A_491 = arith.index_cast %swap3A_489 : i32 to index
    %swap3A_492 = arith.index_cast %swap3A_490 : i32 to index
    %swap3A_493 = arith.constant 0 : index
    %swap3A_494 = tpu.vector_load %arg11[%swap3A_491, %swap3A_492, %swap3A_493] {strides = array<i32>} : memref<2x6x128xi32, #tpu.memory_space<vmem>>, vector<1x1x16xi32>,
    %swap3A_495 = vector.shape_cast %swap3A_494 : vector<1x1x16xi32> to vector<16xi32>
    %swap3A_496 = vector.shape_cast %add3A_488 : vector<16xi32> to vector<1x1x16xi32>
    tpu.vector_store %arg11[%swap3A_491, %swap3A_492, %swap3A_493], %swap3A_496 {strides = array<i32>} : memref<2x6x128xi32, #tpu.memory_space<vmem>>, vector<1x1x16xi32>,
    %get3A_497 = arith.constant 0 : i32
    %get3A_498 = arith.constant 3 : i32
    %get3A_499 = arith.index_cast %get3A_497 : i32 to index
    %get3A_500 = arith.index_cast %get3A_498 : i32 to index
    %get3A_501 = arith.constant 16 : index
    %get3A_502 = tpu.vector_load %arg11[%get3A_499, %get3A_500, %get3A_501] {strides = array<i32>} : memref<2x6x128xi32, #tpu.memory_space<vmem>>, vector<1x1x16xi32>,
    %get3A_503 = vector.shape_cast %get3A_502 : vector<1x1x16xi32> to vector<16xi32>
    %add3A_504 = arith.constant 348 : i32
    %add3A_505 = vector.broadcast %add3A_504 : i32 to vector<16xi32>
    %add3A_506 = arith.addi %get3A_503, %add3A_505 : vector<16xi32>
    %swap3A_507 = arith.constant 0 : i32
    %swap3A_508 = arith.constant 3 : i32
    %swap3A_509 = arith.index_cast %swap3A_507 : i32 to index
    %swap3A_510 = arith.index_cast %swap3A_508 : i32 to index
    %swap3A_511 = arith.constant 16 : index
    %swap3A_512 = tpu.vector_load %arg11[%swap3A_509, %swap3A_510, %swap3A_511] {strides = array<i32>} : memref<2x6x128xi32, #tpu.memory_space<vmem>>, vector<1x1x16xi32>,
    %swap3A_513 = vector.shape_cast %swap3A_512 : vector<1x1x16xi32> to vector<16xi32>
    %swap3A_514 = vector.shape_cast %add3A_506 : vector<16xi32> to vector<1x1x16xi32>
    tpu.vector_store %arg11[%swap3A_509, %swap3A_510, %swap3A_511], %swap3A_514 {strides = array<i32>} : memref<2x6x128xi32, #tpu.memory_space<vmem>>, vector<1x1x16xi32>,
    %get3A_515 = arith.constant 0 : i32
    %get3A_516 = arith.constant 3 : i32
    %get3A_517 = arith.index_cast %get3A_515 : i32 to index
    %get3A_518 = arith.index_cast %get3A_516 : i32 to index
    %get3A_519 = arith.constant 32 : index
    %get3A_520 = tpu.vector_load %arg11[%get3A_517, %get3A_518, %get3A_519] {strides = array<i32>} : memref<2x6x128xi32, #tpu.memory_space<vmem>>, vector<1x1x16xi32>,
    %get3A_521 = vector.shape_cast %get3A_520 : vector<1x1x16xi32> to vector<16xi32>
    %add3A_522 = arith.constant 348 : i32
    %add3A_523 = vector.broadcast %add3A_522 : i32 to vector<16xi32>
    %add3A_524 = arith.addi %get3A_521, %add3A_523 : vector<16xi32>
    %swap3A_525 = arith.constant 0 : i32
    %swap3A_526 = arith.constant 3 : i32
    %swap3A_527 = arith.index_cast %swap3A_525 : i32 to index
    %swap3A_528 = arith.index_cast %swap3A_526 : i32 to index
    %swap3A_529 = arith.constant 32 : index
    %swap3A_530 = tpu.vector_load %arg11[%swap3A_527, %swap3A_528, %swap3A_529] {strides = array<i32>} : memref<2x6x128xi32, #tpu.memory_space<vmem>>, vector<1x1x16xi32>,
    %swap3A_531 = vector.shape_cast %swap3A_530 : vector<1x1x16xi32> to vector<16xi32>
    %swap3A_532 = vector.shape_cast %add3A_524 : vector<16xi32> to vector<1x1x16xi32>
    tpu.vector_store %arg11[%swap3A_527, %swap3A_528, %swap3A_529], %swap3A_532 {strides = array<i32>} : memref<2x6x128xi32, #tpu.memory_space<vmem>>, vector<1x1x16xi32>,
    %get3A_533 = arith.constant 0 : i32
    %get3A_534 = arith.constant 3 : i32
    %get3A_535 = arith.index_cast %get3A_533 : i32 to index
    %get3A_536 = arith.index_cast %get3A_534 : i32 to index
    %get3A_537 = arith.constant 48 : index
    %get3A_538 = tpu.vector_load %arg11[%get3A_535, %get3A_536, %get3A_537] {strides = array<i32>} : memref<2x6x128xi32, #tpu.memory_space<vmem>>, vector<1x1x16xi32>,
    %get3A_539 = vector.shape_cast %get3A_538 : vector<1x1x16xi32> to vector<16xi32>
    %add3A_540 = arith.constant 348 : i32
    %add3A_541 = vector.broadcast %add3A_540 : i32 to vector<16xi32>
    %add3A_542 = arith.addi %get3A_539, %add3A_541 : vector<16xi32>
    %swap3A_543 = arith.constant 0 : i32
    %swap3A_544 = arith.constant 3 : i32
    %swap3A_545 = arith.index_cast %swap3A_543 : i32 to index
    %swap3A_546 = arith.index_cast %swap3A_544 : i32 to index
    %swap3A_547 = arith.constant 48 : index
    %swap3A_548 = tpu.vector_load %arg11[%swap3A_545, %swap3A_546, %swap3A_547] {strides = array<i32>} : memref<2x6x128xi32, #tpu.memory_space<vmem>>, vector<1x1x16xi32>,
    %swap3A_549 = vector.shape_cast %swap3A_548 : vector<1x1x16xi32> to vector<16xi32>
    %swap3A_550 = vector.shape_cast %add3A_542 : vector<16xi32> to vector<1x1x16xi32>
    tpu.vector_store %arg11[%swap3A_545, %swap3A_546, %swap3A_547], %swap3A_550 {strides = array<i32>} : memref<2x6x128xi32, #tpu.memory_space<vmem>>, vector<1x1x16xi32>,
    %get3A_551 = arith.constant 0 : i32
    %get3A_552 = arith.constant 3 : i32
    %get3A_553 = arith.index_cast %get3A_551 : i32 to index
    %get3A_554 = arith.index_cast %get3A_552 : i32 to index
    %get3A_555 = arith.constant 64 : index
    %get3A_556 = tpu.vector_load %arg11[%get3A_553, %get3A_554, %get3A_555] {strides = array<i32>} : memref<2x6x128xi32, #tpu.memory_space<vmem>>, vector<1x1x16xi32>,
    %get3A_557 = vector.shape_cast %get3A_556 : vector<1x1x16xi32> to vector<16xi32>
    %add3A_558 = arith.constant 348 : i32
    %add3A_559 = vector.broadcast %add3A_558 : i32 to vector<16xi32>
    %add3A_560 = arith.addi %get3A_557, %add3A_559 : vector<16xi32>
    %swap3A_561 = arith.constant 0 : i32
    %swap3A_562 = arith.constant 3 : i32
    %swap3A_563 = arith.index_cast %swap3A_561 : i32 to index
    %swap3A_564 = arith.index_cast %swap3A_562 : i32 to index
    %swap3A_565 = arith.constant 64 : index
    %swap3A_566 = tpu.vector_load %arg11[%swap3A_563, %swap3A_564, %swap3A_565] {strides = array<i32>} : memref<2x6x128xi32, #tpu.memory_space<vmem>>, vector<1x1x16xi32>,
    %swap3A_567 = vector.shape_cast %swap3A_566 : vector<1x1x16xi32> to vector<16xi32>
    %swap3A_568 = vector.shape_cast %add3A_560 : vector<16xi32> to vector<1x1x16xi32>
    tpu.vector_store %arg11[%swap3A_563, %swap3A_564, %swap3A_565], %swap3A_568 {strides = array<i32>} : memref<2x6x128xi32, #tpu.memory_space<vmem>>, vector<1x1x16xi32>,
    %get3A_569 = arith.constant 0 : i32
    %get3A_570 = arith.constant 3 : i32
    %get3A_571 = arith.index_cast %get3A_569 : i32 to index
    %get3A_572 = arith.index_cast %get3A_570 : i32 to index
    %get3A_573 = arith.constant 80 : index
    %get3A_574 = tpu.vector_load %arg11[%get3A_571, %get3A_572, %get3A_573] {strides = array<i32>} : memref<2x6x128xi32, #tpu.memory_space<vmem>>, vector<1x1x16xi32>,
    %get3A_575 = vector.shape_cast %get3A_574 : vector<1x1x16xi32> to vector<16xi32>
    %add3A_576 = arith.constant 348 : i32
    %add3A_577 = vector.broadcast %add3A_576 : i32 to vector<16xi32>
    %add3A_578 = arith.addi %get3A_575, %add3A_577 : vector<16xi32>
    %swap3A_579 = arith.constant 0 : i32
    %swap3A_580 = arith.constant 3 : i32
    %swap3A_581 = arith.index_cast %swap3A_579 : i32 to index
    %swap3A_582 = arith.index_cast %swap3A_580 : i32 to index
    %swap3A_583 = arith.constant 80 : index
    %swap3A_584 = tpu.vector_load %arg11[%swap3A_581, %swap3A_582, %swap3A_583] {strides = array<i32>} : memref<2x6x128xi32, #tpu.memory_space<vmem>>, vector<1x1x16xi32>,
    %swap3A_585 = vector.shape_cast %swap3A_584 : vector<1x1x16xi32> to vector<16xi32>
    %swap3A_586 = vector.shape_cast %add3A_578 : vector<16xi32> to vector<1x1x16xi32>
    tpu.vector_store %arg11[%swap3A_581, %swap3A_582, %swap3A_583], %swap3A_586 {strides = array<i32>} : memref<2x6x128xi32, #tpu.memory_space<vmem>>, vector<1x1x16xi32>,
    %get3A_587 = arith.constant 0 : i32
    %get3A_588 = arith.constant 3 : i32
    %get3A_589 = arith.index_cast %get3A_587 : i32 to index
    %get3A_590 = arith.index_cast %get3A_588 : i32 to index
    %get3A_591 = arith.constant 96 : index
    %get3A_592 = tpu.vector_load %arg11[%get3A_589, %get3A_590, %get3A_591] {strides = array<i32>} : memref<2x6x128xi32, #tpu.memory_space<vmem>>, vector<1x1x16xi32>,
    %get3A_593 = vector.shape_cast %get3A_592 : vector<1x1x16xi32> to vector<16xi32>
    %add3A_594 = arith.constant 348 : i32
    %add3A_595 = vector.broadcast %add3A_594 : i32 to vector<16xi32>
    %add3A_596 = arith.addi %get3A_593, %add3A_595 : vector<16xi32>
    %swap3A_597 = arith.constant 0 : i32
    %swap3A_598 = arith.constant 3 : i32
    %swap3A_599 = arith.index_cast %swap3A_597 : i32 to index
    %swap3A_600 = arith.index_cast %swap3A_598 : i32 to index
    %swap3A_601 = arith.constant 96 : index
    %swap3A_602 = tpu.vector_load %arg11[%swap3A_599, %swap3A_600, %swap3A_601] {strides = array<i32>} : memref<2x6x128xi32, #tpu.memory_space<vmem>>, vector<1x1x16xi32>,
    %swap3A_603 = vector.shape_cast %swap3A_602 : vector<1x1x16xi32> to vector<16xi32>
    %swap3A_604 = vector.shape_cast %add3A_596 : vector<16xi32> to vector<1x1x16xi32>
    tpu.vector_store %arg11[%swap3A_599, %swap3A_600, %swap3A_601], %swap3A_604 {strides = array<i32>} : memref<2x6x128xi32, #tpu.memory_space<vmem>>, vector<1x1x16xi32>,
    %get3A_605 = arith.constant 0 : i32
    %get3A_606 = arith.constant 3 : i32
    %get3A_607 = arith.index_cast %get3A_605 : i32 to index
    %get3A_608 = arith.index_cast %get3A_606 : i32 to index
    %get3A_609 = arith.constant 112 : index
    %get3A_610 = tpu.vector_load %arg11[%get3A_607, %get3A_608, %get3A_609] {strides = array<i32>} : memref<2x6x128xi32, #tpu.memory_space<vmem>>, vector<1x1x16xi32>,
    %get3A_611 = vector.shape_cast %get3A_610 : vector<1x1x16xi32> to vector<16xi32>
    %add3A_612 = arith.constant 348 : i32
    %add3A_613 = vector.broadcast %add3A_612 : i32 to vector<16xi32>
    %add3A_614 = arith.addi %get3A_611, %add3A_613 : vector<16xi32>
    %swap3A_615 = arith.constant 0 : i32
    %swap3A_616 = arith.constant 3 : i32
    %swap3A_617 = arith.index_cast %swap3A_615 : i32 to index
    %swap3A_618 = arith.index_cast %swap3A_616 : i32 to index
    %swap3A_619 = arith.constant 112 : index
    %swap3A_620 = tpu.vector_load %arg11[%swap3A_617, %swap3A_618, %swap3A_619] {strides = array<i32>} : memref<2x6x128xi32, #tpu.memory_space<vmem>>, vector<1x1x16xi32>,
    %swap3A_621 = vector.shape_cast %swap3A_620 : vector<1x1x16xi32> to vector<16xi32>
    %swap3A_622 = vector.shape_cast %add3A_614 : vector<16xi32> to vector<1x1x16xi32>
    tpu.vector_store %arg11[%swap3A_617, %swap3A_618, %swap3A_619], %swap3A_622 {strides = array<i32>} : memref<2x6x128xi32, #tpu.memory_space<vmem>>, vector<1x1x16xi32>,
    %get3A_623 = arith.constant 0 : i32
    %get3A_624 = arith.constant 4 : i32
    %get3A_625 = arith.index_cast %get3A_623 : i32 to index
    %get3A_626 = arith.index_cast %get3A_624 : i32 to index
    %get3A_627 = arith.constant 0 : index
    %get3A_628 = tpu.vector_load %arg11[%get3A_625, %get3A_626, %get3A_627] {strides = array<i32>} : memref<2x6x128xi32, #tpu.memory_space<vmem>>, vector<1x1x16xi32>,
    %get3A_629 = vector.shape_cast %get3A_628 : vector<1x1x16xi32> to vector<16xi32>
    %add3A_630 = arith.constant 874 : i32
    %add3A_631 = vector.broadcast %add3A_630 : i32 to vector<16xi32>
    %add3A_632 = arith.addi %get3A_629, %add3A_631 : vector<16xi32>
    %swap3A_633 = arith.constant 0 : i32
    %swap3A_634 = arith.constant 4 : i32
    %swap3A_635 = arith.index_cast %swap3A_633 : i32 to index
    %swap3A_636 = arith.index_cast %swap3A_634 : i32 to index
    %swap3A_637 = arith.constant 0 : index
    %swap3A_638 = tpu.vector_load %arg11[%swap3A_635, %swap3A_636, %swap3A_637] {strides = array<i32>} : memref<2x6x128xi32, #tpu.memory_space<vmem>>, vector<1x1x16xi32>,
    %swap3A_639 = vector.shape_cast %swap3A_638 : vector<1x1x16xi32> to vector<16xi32>
    %swap3A_640 = vector.shape_cast %add3A_632 : vector<16xi32> to vector<1x1x16xi32>
    tpu.vector_store %arg11[%swap3A_635, %swap3A_636, %swap3A_637], %swap3A_640 {strides = array<i32>} : memref<2x6x128xi32, #tpu.memory_space<vmem>>, vector<1x1x16xi32>,
    %get3A_641 = arith.constant 0 : i32
    %get3A_642 = arith.constant 4 : i32
    %get3A_643 = arith.index_cast %get3A_641 : i32 to index
    %get3A_644 = arith.index_cast %get3A_642 : i32 to index
    %get3A_645 = arith.constant 16 : index
    %get3A_646 = tpu.vector_load %arg11[%get3A_643, %get3A_644, %get3A_645] {strides = array<i32>} : memref<2x6x128xi32, #tpu.memory_space<vmem>>, vector<1x1x16xi32>,
    %get3A_647 = vector.shape_cast %get3A_646 : vector<1x1x16xi32> to vector<16xi32>
    %add3A_648 = arith.constant 874 : i32
    %add3A_649 = vector.broadcast %add3A_648 : i32 to vector<16xi32>
    %add3A_650 = arith.addi %get3A_647, %add3A_649 : vector<16xi32>
    %swap3A_651 = arith.constant 0 : i32
    %swap3A_652 = arith.constant 4 : i32
    %swap3A_653 = arith.index_cast %swap3A_651 : i32 to index
    %swap3A_654 = arith.index_cast %swap3A_652 : i32 to index
    %swap3A_655 = arith.constant 16 : index
    %swap3A_656 = tpu.vector_load %arg11[%swap3A_653, %swap3A_654, %swap3A_655] {strides = array<i32>} : memref<2x6x128xi32, #tpu.memory_space<vmem>>, vector<1x1x16xi32>,
    %swap3A_657 = vector.shape_cast %swap3A_656 : vector<1x1x16xi32> to vector<16xi32>
    %swap3A_658 = vector.shape_cast %add3A_650 : vector<16xi32> to vector<1x1x16xi32>
    tpu.vector_store %arg11[%swap3A_653, %swap3A_654, %swap3A_655], %swap3A_658 {strides = array<i32>} : memref<2x6x128xi32, #tpu.memory_space<vmem>>, vector<1x1x16xi32>,
    %get3A_659 = arith.constant 0 : i32
    %get3A_660 = arith.constant 4 : i32
    %get3A_661 = arith.index_cast %get3A_659 : i32 to index
    %get3A_662 = arith.index_cast %get3A_660 : i32 to index
    %get3A_663 = arith.constant 32 : index
    %get3A_664 = tpu.vector_load %arg11[%get3A_661, %get3A_662, %get3A_663] {strides = array<i32>} : memref<2x6x128xi32, #tpu.memory_space<vmem>>, vector<1x1x16xi32>,
    %get3A_665 = vector.shape_cast %get3A_664 : vector<1x1x16xi32> to vector<16xi32>
    %add3A_666 = arith.constant 874 : i32
    %add3A_667 = vector.broadcast %add3A_666 : i32 to vector<16xi32>
    %add3A_668 = arith.addi %get3A_665, %add3A_667 : vector<16xi32>
    %swap3A_669 = arith.constant 0 : i32
    %swap3A_670 = arith.constant 4 : i32
    %swap3A_671 = arith.index_cast %swap3A_669 : i32 to index
    %swap3A_672 = arith.index_cast %swap3A_670 : i32 to index
    %swap3A_673 = arith.constant 32 : index
    %swap3A_674 = tpu.vector_load %arg11[%swap3A_671, %swap3A_672, %swap3A_673] {strides = array<i32>} : memref<2x6x128xi32, #tpu.memory_space<vmem>>, vector<1x1x16xi32>,
    %swap3A_675 = vector.shape_cast %swap3A_674 : vector<1x1x16xi32> to vector<16xi32>
    %swap3A_676 = vector.shape_cast %add3A_668 : vector<16xi32> to vector<1x1x16xi32>
    tpu.vector_store %arg11[%swap3A_671, %swap3A_672, %swap3A_673], %swap3A_676 {strides = array<i32>} : memref<2x6x128xi32, #tpu.memory_space<vmem>>, vector<1x1x16xi32>,
    %get3A_677 = arith.constant 0 : i32
    %get3A_678 = arith.constant 4 : i32
    %get3A_679 = arith.index_cast %get3A_677 : i32 to index
    %get3A_680 = arith.index_cast %get3A_678 : i32 to index
    %get3A_681 = arith.constant 48 : index
    %get3A_682 = tpu.vector_load %arg11[%get3A_679, %get3A_680, %get3A_681] {strides = array<i32>} : memref<2x6x128xi32, #tpu.memory_space<vmem>>, vector<1x1x16xi32>,
    %get3A_683 = vector.shape_cast %get3A_682 : vector<1x1x16xi32> to vector<16xi32>
    %add3A_684 = arith.constant 874 : i32
    %add3A_685 = vector.broadcast %add3A_684 : i32 to vector<16xi32>
    %add3A_686 = arith.addi %get3A_683, %add3A_685 : vector<16xi32>
    %swap3A_687 = arith.constant 0 : i32
    %swap3A_688 = arith.constant 4 : i32
    %swap3A_689 = arith.index_cast %swap3A_687 : i32 to index
    %swap3A_690 = arith.index_cast %swap3A_688 : i32 to index
    %swap3A_691 = arith.constant 48 : index
    %swap3A_692 = tpu.vector_load %arg11[%swap3A_689, %swap3A_690, %swap3A_691] {strides = array<i32>} : memref<2x6x128xi32, #tpu.memory_space<vmem>>, vector<1x1x16xi32>,
    %swap3A_693 = vector.shape_cast %swap3A_692 : vector<1x1x16xi32> to vector<16xi32>
    %swap3A_694 = vector.shape_cast %add3A_686 : vector<16xi32> to vector<1x1x16xi32>
    tpu.vector_store %arg11[%swap3A_689, %swap3A_690, %swap3A_691], %swap3A_694 {strides = array<i32>} : memref<2x6x128xi32, #tpu.memory_space<vmem>>, vector<1x1x16xi32>,
    %get3A_695 = arith.constant 0 : i32
    %get3A_696 = arith.constant 4 : i32
    %get3A_697 = arith.index_cast %get3A_695 : i32 to index
    %get3A_698 = arith.index_cast %get3A_696 : i32 to index
    %get3A_699 = arith.constant 64 : index
    %get3A_700 = tpu.vector_load %arg11[%get3A_697, %get3A_698, %get3A_699] {strides = array<i32>} : memref<2x6x128xi32, #tpu.memory_space<vmem>>, vector<1x1x16xi32>,
    %get3A_701 = vector.shape_cast %get3A_700 : vector<1x1x16xi32> to vector<16xi32>
    %add3A_702 = arith.constant 874 : i32
    %add3A_703 = vector.broadcast %add3A_702 : i32 to vector<16xi32>
    %add3A_704 = arith.addi %get3A_701, %add3A_703 : vector<16xi32>
    %swap3A_705 = arith.constant 0 : i32
    %swap3A_706 = arith.constant 4 : i32
    %swap3A_707 = arith.index_cast %swap3A_705 : i32 to index
    %swap3A_708 = arith.index_cast %swap3A_706 : i32 to index
    %swap3A_709 = arith.constant 64 : index
    %swap3A_710 = tpu.vector_load %arg11[%swap3A_707, %swap3A_708, %swap3A_709] {strides = array<i32>} : memref<2x6x128xi32, #tpu.memory_space<vmem>>, vector<1x1x16xi32>,
    %swap3A_711 = vector.shape_cast %swap3A_710 : vector<1x1x16xi32> to vector<16xi32>
    %swap3A_712 = vector.shape_cast %add3A_704 : vector<16xi32> to vector<1x1x16xi32>
    tpu.vector_store %arg11[%swap3A_707, %swap3A_708, %swap3A_709], %swap3A_712 {strides = array<i32>} : memref<2x6x128xi32, #tpu.memory_space<vmem>>, vector<1x1x16xi32>,
    %get3A_713 = arith.constant 0 : i32
    %get3A_714 = arith.constant 4 : i32
    %get3A_715 = arith.index_cast %get3A_713 : i32 to index
    %get3A_716 = arith.index_cast %get3A_714 : i32 to index
    %get3A_717 = arith.constant 80 : index
    %get3A_718 = tpu.vector_load %arg11[%get3A_715, %get3A_716, %get3A_717] {strides = array<i32>} : memref<2x6x128xi32, #tpu.memory_space<vmem>>, vector<1x1x16xi32>,
    %get3A_719 = vector.shape_cast %get3A_718 : vector<1x1x16xi32> to vector<16xi32>
    %add3A_720 = arith.constant 874 : i32
    %add3A_721 = vector.broadcast %add3A_720 : i32 to vector<16xi32>
    %add3A_722 = arith.addi %get3A_719, %add3A_721 : vector<16xi32>
    %swap3A_723 = arith.constant 0 : i32
    %swap3A_724 = arith.constant 4 : i32
    %swap3A_725 = arith.index_cast %swap3A_723 : i32 to index
    %swap3A_726 = arith.index_cast %swap3A_724 : i32 to index
    %swap3A_727 = arith.constant 80 : index
    %swap3A_728 = tpu.vector_load %arg11[%swap3A_725, %swap3A_726, %swap3A_727] {strides = array<i32>} : memref<2x6x128xi32, #tpu.memory_space<vmem>>, vector<1x1x16xi32>,
    %swap3A_729 = vector.shape_cast %swap3A_728 : vector<1x1x16xi32> to vector<16xi32>
    %swap3A_730 = vector.shape_cast %add3A_722 : vector<16xi32> to vector<1x1x16xi32>
    tpu.vector_store %arg11[%swap3A_725, %swap3A_726, %swap3A_727], %swap3A_730 {strides = array<i32>} : memref<2x6x128xi32, #tpu.memory_space<vmem>>, vector<1x1x16xi32>,
    %get3A_731 = arith.constant 0 : i32
    %get3A_732 = arith.constant 4 : i32
    %get3A_733 = arith.index_cast %get3A_731 : i32 to index
    %get3A_734 = arith.index_cast %get3A_732 : i32 to index
    %get3A_735 = arith.constant 96 : index
    %get3A_736 = tpu.vector_load %arg11[%get3A_733, %get3A_734, %get3A_735] {strides = array<i32>} : memref<2x6x128xi32, #tpu.memory_space<vmem>>, vector<1x1x16xi32>,
    %get3A_737 = vector.shape_cast %get3A_736 : vector<1x1x16xi32> to vector<16xi32>
    %add3A_738 = arith.constant 874 : i32
    %add3A_739 = vector.broadcast %add3A_738 : i32 to vector<16xi32>
    %add3A_740 = arith.addi %get3A_737, %add3A_739 : vector<16xi32>
    %swap3A_741 = arith.constant 0 : i32
    %swap3A_742 = arith.constant 4 : i32
    %swap3A_743 = arith.index_cast %swap3A_741 : i32 to index
    %swap3A_744 = arith.index_cast %swap3A_742 : i32 to index
    %swap3A_745 = arith.constant 96 : index
    %swap3A_746 = tpu.vector_load %arg11[%swap3A_743, %swap3A_744, %swap3A_745] {strides = array<i32>} : memref<2x6x128xi32, #tpu.memory_space<vmem>>, vector<1x1x16xi32>,
    %swap3A_747 = vector.shape_cast %swap3A_746 : vector<1x1x16xi32> to vector<16xi32>
    %swap3A_748 = vector.shape_cast %add3A_740 : vector<16xi32> to vector<1x1x16xi32>
    tpu.vector_store %arg11[%swap3A_743, %swap3A_744, %swap3A_745], %swap3A_748 {strides = array<i32>} : memref<2x6x128xi32, #tpu.memory_space<vmem>>, vector<1x1x16xi32>,
    %get3A_749 = arith.constant 0 : i32
    %get3A_750 = arith.constant 4 : i32
    %get3A_751 = arith.index_cast %get3A_749 : i32 to index
    %get3A_752 = arith.index_cast %get3A_750 : i32 to index
    %get3A_753 = arith.constant 112 : index
    %get3A_754 = tpu.vector_load %arg11[%get3A_751, %get3A_752, %get3A_753] {strides = array<i32>} : memref<2x6x128xi32, #tpu.memory_space<vmem>>, vector<1x1x16xi32>,
    %get3A_755 = vector.shape_cast %get3A_754 : vector<1x1x16xi32> to vector<16xi32>
    %add3A_756 = arith.constant 874 : i32
    %add3A_757 = vector.broadcast %add3A_756 : i32 to vector<16xi32>
    %add3A_758 = arith.addi %get3A_755, %add3A_757 : vector<16xi32>
    %swap3A_759 = arith.constant 0 : i32
    %swap3A_760 = arith.constant 4 : i32
    %swap3A_761 = arith.index_cast %swap3A_759 : i32 to index
    %swap3A_762 = arith.index_cast %swap3A_760 : i32 to index
    %swap3A_763 = arith.constant 112 : index
    %swap3A_764 = tpu.vector_load %arg11[%swap3A_761, %swap3A_762, %swap3A_763] {strides = array<i32>} : memref<2x6x128xi32, #tpu.memory_space<vmem>>, vector<1x1x16xi32>,
    %swap3A_765 = vector.shape_cast %swap3A_764 : vector<1x1x16xi32> to vector<16xi32>
    %swap3A_766 = vector.shape_cast %add3A_758 : vector<16xi32> to vector<1x1x16xi32>
    tpu.vector_store %arg11[%swap3A_761, %swap3A_762, %swap3A_763], %swap3A_766 {strides = array<i32>} : memref<2x6x128xi32, #tpu.memory_space<vmem>>, vector<1x1x16xi32>,
    %get3A_767 = arith.constant 0 : i32
    %get3A_768 = arith.constant 5 : i32
    %get3A_769 = arith.index_cast %get3A_767 : i32 to index
    %get3A_770 = arith.index_cast %get3A_768 : i32 to index
    %get3A_771 = arith.constant 0 : index
    %get3A_772 = tpu.vector_load %arg11[%get3A_769, %get3A_770, %get3A_771] {strides = array<i32>} : memref<2x6x128xi32, #tpu.memory_space<vmem>>, vector<1x1x16xi32>,
    %get3A_773 = vector.shape_cast %get3A_772 : vector<1x1x16xi32> to vector<16xi32>
    %add3A_774 = arith.constant 895 : i32
    %add3A_775 = vector.broadcast %add3A_774 : i32 to vector<16xi32>
    %add3A_776 = arith.addi %get3A_773, %add3A_775 : vector<16xi32>
    %swap3A_777 = arith.constant 0 : i32
    %swap3A_778 = arith.constant 5 : i32
    %swap3A_779 = arith.index_cast %swap3A_777 : i32 to index
    %swap3A_780 = arith.index_cast %swap3A_778 : i32 to index
    %swap3A_781 = arith.constant 0 : index
    %swap3A_782 = tpu.vector_load %arg11[%swap3A_779, %swap3A_780, %swap3A_781] {strides = array<i32>} : memref<2x6x128xi32, #tpu.memory_space<vmem>>, vector<1x1x16xi32>,
    %swap3A_783 = vector.shape_cast %swap3A_782 : vector<1x1x16xi32> to vector<16xi32>
    %swap3A_784 = vector.shape_cast %add3A_776 : vector<16xi32> to vector<1x1x16xi32>
    tpu.vector_store %arg11[%swap3A_779, %swap3A_780, %swap3A_781], %swap3A_784 {strides = array<i32>} : memref<2x6x128xi32, #tpu.memory_space<vmem>>, vector<1x1x16xi32>,
    %get3A_785 = arith.constant 0 : i32
    %get3A_786 = arith.constant 5 : i32
    %get3A_787 = arith.index_cast %get3A_785 : i32 to index
    %get3A_788 = arith.index_cast %get3A_786 : i32 to index
    %get3A_789 = arith.constant 16 : index
    %get3A_790 = tpu.vector_load %arg11[%get3A_787, %get3A_788, %get3A_789] {strides = array<i32>} : memref<2x6x128xi32, #tpu.memory_space<vmem>>, vector<1x1x16xi32>,
    %get3A_791 = vector.shape_cast %get3A_790 : vector<1x1x16xi32> to vector<16xi32>
    %add3A_792 = arith.constant 895 : i32
    %add3A_793 = vector.broadcast %add3A_792 : i32 to vector<16xi32>
    %add3A_794 = arith.addi %get3A_791, %add3A_793 : vector<16xi32>
    %swap3A_795 = arith.constant 0 : i32
    %swap3A_796 = arith.constant 5 : i32
    %swap3A_797 = arith.index_cast %swap3A_795 : i32 to index
    %swap3A_798 = arith.index_cast %swap3A_796 : i32 to index
    %swap3A_799 = arith.constant 16 : index
    %swap3A_800 = tpu.vector_load %arg11[%swap3A_797, %swap3A_798, %swap3A_799] {strides = array<i32>} : memref<2x6x128xi32, #tpu.memory_space<vmem>>, vector<1x1x16xi32>,
    %swap3A_801 = vector.shape_cast %swap3A_800 : vector<1x1x16xi32> to vector<16xi32>
    %swap3A_802 = vector.shape_cast %add3A_794 : vector<16xi32> to vector<1x1x16xi32>
    tpu.vector_store %arg11[%swap3A_797, %swap3A_798, %swap3A_799], %swap3A_802 {strides = array<i32>} : memref<2x6x128xi32, #tpu.memory_space<vmem>>, vector<1x1x16xi32>,
    %get3A_803 = arith.constant 0 : i32
    %get3A_804 = arith.constant 5 : i32
    %get3A_805 = arith.index_cast %get3A_803 : i32 to index
    %get3A_806 = arith.index_cast %get3A_804 : i32 to index
    %get3A_807 = arith.constant 32 : index
    %get3A_808 = tpu.vector_load %arg11[%get3A_805, %get3A_806, %get3A_807] {strides = array<i32>} : memref<2x6x128xi32, #tpu.memory_space<vmem>>, vector<1x1x16xi32>,
    %get3A_809 = vector.shape_cast %get3A_808 : vector<1x1x16xi32> to vector<16xi32>
    %add3A_810 = arith.constant 895 : i32
    %add3A_811 = vector.broadcast %add3A_810 : i32 to vector<16xi32>
    %add3A_812 = arith.addi %get3A_809, %add3A_811 : vector<16xi32>
    %swap3A_813 = arith.constant 0 : i32
    %swap3A_814 = arith.constant 5 : i32
    %swap3A_815 = arith.index_cast %swap3A_813 : i32 to index
    %swap3A_816 = arith.index_cast %swap3A_814 : i32 to index
    %swap3A_817 = arith.constant 32 : index
    %swap3A_818 = tpu.vector_load %arg11[%swap3A_815, %swap3A_816, %swap3A_817] {strides = array<i32>} : memref<2x6x128xi32, #tpu.memory_space<vmem>>, vector<1x1x16xi32>,
    %swap3A_819 = vector.shape_cast %swap3A_818 : vector<1x1x16xi32> to vector<16xi32>
    %swap3A_820 = vector.shape_cast %add3A_812 : vector<16xi32> to vector<1x1x16xi32>
    tpu.vector_store %arg11[%swap3A_815, %swap3A_816, %swap3A_817], %swap3A_820 {strides = array<i32>} : memref<2x6x128xi32, #tpu.memory_space<vmem>>, vector<1x1x16xi32>,
    %get3A_821 = arith.constant 0 : i32
    %get3A_822 = arith.constant 5 : i32
    %get3A_823 = arith.index_cast %get3A_821 : i32 to index
    %get3A_824 = arith.index_cast %get3A_822 : i32 to index
    %get3A_825 = arith.constant 48 : index
    %get3A_826 = tpu.vector_load %arg11[%get3A_823, %get3A_824, %get3A_825] {strides = array<i32>} : memref<2x6x128xi32, #tpu.memory_space<vmem>>, vector<1x1x16xi32>,
    %get3A_827 = vector.shape_cast %get3A_826 : vector<1x1x16xi32> to vector<16xi32>
    %add3A_828 = arith.constant 895 : i32
    %add3A_829 = vector.broadcast %add3A_828 : i32 to vector<16xi32>
    %add3A_830 = arith.addi %get3A_827, %add3A_829 : vector<16xi32>
    %swap3A_831 = arith.constant 0 : i32
    %swap3A_832 = arith.constant 5 : i32
    %swap3A_833 = arith.index_cast %swap3A_831 : i32 to index
    %swap3A_834 = arith.index_cast %swap3A_832 : i32 to index
    %swap3A_835 = arith.constant 48 : index
    %swap3A_836 = tpu.vector_load %arg11[%swap3A_833, %swap3A_834, %swap3A_835] {strides = array<i32>} : memref<2x6x128xi32, #tpu.memory_space<vmem>>, vector<1x1x16xi32>,
    %swap3A_837 = vector.shape_cast %swap3A_836 : vector<1x1x16xi32> to vector<16xi32>
    %swap3A_838 = vector.shape_cast %add3A_830 : vector<16xi32> to vector<1x1x16xi32>
    tpu.vector_store %arg11[%swap3A_833, %swap3A_834, %swap3A_835], %swap3A_838 {strides = array<i32>} : memref<2x6x128xi32, #tpu.memory_space<vmem>>, vector<1x1x16xi32>,
    %get3A_839 = arith.constant 0 : i32
    %get3A_840 = arith.constant 5 : i32
    %get3A_841 = arith.index_cast %get3A_839 : i32 to index
    %get3A_842 = arith.index_cast %get3A_840 : i32 to index
    %get3A_843 = arith.constant 64 : index
    %get3A_844 = tpu.vector_load %arg11[%get3A_841, %get3A_842, %get3A_843] {strides = array<i32>} : memref<2x6x128xi32, #tpu.memory_space<vmem>>, vector<1x1x16xi32>,
    %get3A_845 = vector.shape_cast %get3A_844 : vector<1x1x16xi32> to vector<16xi32>
    %add3A_846 = arith.constant 895 : i32
    %add3A_847 = vector.broadcast %add3A_846 : i32 to vector<16xi32>
    %add3A_848 = arith.addi %get3A_845, %add3A_847 : vector<16xi32>
    %swap3A_849 = arith.constant 0 : i32
    %swap3A_850 = arith.constant 5 : i32
    %swap3A_851 = arith.index_cast %swap3A_849 : i32 to index
    %swap3A_852 = arith.index_cast %swap3A_850 : i32 to index
    %swap3A_853 = arith.constant 64 : index
    %swap3A_854 = tpu.vector_load %arg11[%swap3A_851, %swap3A_852, %swap3A_853] {strides = array<i32>} : memref<2x6x128xi32, #tpu.memory_space<vmem>>, vector<1x1x16xi32>,
    %swap3A_855 = vector.shape_cast %swap3A_854 : vector<1x1x16xi32> to vector<16xi32>
    %swap3A_856 = vector.shape_cast %add3A_848 : vector<16xi32> to vector<1x1x16xi32>
    tpu.vector_store %arg11[%swap3A_851, %swap3A_852, %swap3A_853], %swap3A_856 {strides = array<i32>} : memref<2x6x128xi32, #tpu.memory_space<vmem>>, vector<1x1x16xi32>,
    %get3A_857 = arith.constant 0 : i32
    %get3A_858 = arith.constant 5 : i32
    %get3A_859 = arith.index_cast %get3A_857 : i32 to index
    %get3A_860 = arith.index_cast %get3A_858 : i32 to index
    %get3A_861 = arith.constant 80 : index
    %get3A_862 = tpu.vector_load %arg11[%get3A_859, %get3A_860, %get3A_861] {strides = array<i32>} : memref<2x6x128xi32, #tpu.memory_space<vmem>>, vector<1x1x16xi32>,
    %get3A_863 = vector.shape_cast %get3A_862 : vector<1x1x16xi32> to vector<16xi32>
    %add3A_864 = arith.constant 895 : i32
    %add3A_865 = vector.broadcast %add3A_864 : i32 to vector<16xi32>
    %add3A_866 = arith.addi %get3A_863, %add3A_865 : vector<16xi32>
    %swap3A_867 = arith.constant 0 : i32
    %swap3A_868 = arith.constant 5 : i32
    %swap3A_869 = arith.index_cast %swap3A_867 : i32 to index
    %swap3A_870 = arith.index_cast %swap3A_868 : i32 to index
    %swap3A_871 = arith.constant 80 : index
    %swap3A_872 = tpu.vector_load %arg11[%swap3A_869, %swap3A_870, %swap3A_871] {strides = array<i32>} : memref<2x6x128xi32, #tpu.memory_space<vmem>>, vector<1x1x16xi32>,
    %swap3A_873 = vector.shape_cast %swap3A_872 : vector<1x1x16xi32> to vector<16xi32>
    %swap3A_874 = vector.shape_cast %add3A_866 : vector<16xi32> to vector<1x1x16xi32>
    tpu.vector_store %arg11[%swap3A_869, %swap3A_870, %swap3A_871], %swap3A_874 {strides = array<i32>} : memref<2x6x128xi32, #tpu.memory_space<vmem>>, vector<1x1x16xi32>,
    %get3A_875 = arith.constant 0 : i32
    %get3A_876 = arith.constant 5 : i32
    %get3A_877 = arith.index_cast %get3A_875 : i32 to index
    %get3A_878 = arith.index_cast %get3A_876 : i32 to index
    %get3A_879 = arith.constant 96 : index
    %get3A_880 = tpu.vector_load %arg11[%get3A_877, %get3A_878, %get3A_879] {strides = array<i32>} : memref<2x6x128xi32, #tpu.memory_space<vmem>>, vector<1x1x16xi32>,
    %get3A_881 = vector.shape_cast %get3A_880 : vector<1x1x16xi32> to vector<16xi32>
    %add3A_882 = arith.constant 895 : i32
    %add3A_883 = vector.broadcast %add3A_882 : i32 to vector<16xi32>
    %add3A_884 = arith.addi %get3A_881, %add3A_883 : vector<16xi32>
    %swap3A_885 = arith.constant 0 : i32
    %swap3A_886 = arith.constant 5 : i32
    %swap3A_887 = arith.index_cast %swap3A_885 : i32 to index
    %swap3A_888 = arith.index_cast %swap3A_886 : i32 to index
    %swap3A_889 = arith.constant 96 : index
    %swap3A_890 = tpu.vector_load %arg11[%swap3A_887, %swap3A_888, %swap3A_889] {strides = array<i32>} : memref<2x6x128xi32, #tpu.memory_space<vmem>>, vector<1x1x16xi32>,
    %swap3A_891 = vector.shape_cast %swap3A_890 : vector<1x1x16xi32> to vector<16xi32>
    %swap3A_892 = vector.shape_cast %add3A_884 : vector<16xi32> to vector<1x1x16xi32>
    tpu.vector_store %arg11[%swap3A_887, %swap3A_888, %swap3A_889], %swap3A_892 {strides = array<i32>} : memref<2x6x128xi32, #tpu.memory_space<vmem>>, vector<1x1x16xi32>,
    %get3A_893 = arith.constant 0 : i32
    %get3A_894 = arith.constant 5 : i32
    %get3A_895 = arith.index_cast %get3A_893 : i32 to index
    %get3A_896 = arith.index_cast %get3A_894 : i32 to index
    %get3A_897 = arith.constant 112 : index
    %get3A_898 = tpu.vector_load %arg11[%get3A_895, %get3A_896, %get3A_897] {strides = array<i32>} : memref<2x6x128xi32, #tpu.memory_space<vmem>>, vector<1x1x16xi32>,
    %get3A_899 = vector.shape_cast %get3A_898 : vector<1x1x16xi32> to vector<16xi32>
    %add3A_900 = arith.constant 895 : i32
    %add3A_901 = vector.broadcast %add3A_900 : i32 to vector<16xi32>
    %add3A_902 = arith.addi %get3A_899, %add3A_901 : vector<16xi32>
    %swap3A_903 = arith.constant 0 : i32
    %swap3A_904 = arith.constant 5 : i32
    %swap3A_905 = arith.index_cast %swap3A_903 : i32 to index
    %swap3A_906 = arith.index_cast %swap3A_904 : i32 to index
    %swap3A_907 = arith.constant 112 : index
    %swap3A_908 = tpu.vector_load %arg11[%swap3A_905, %swap3A_906, %swap3A_907] {strides = array<i32>} : memref<2x6x128xi32, #tpu.memory_space<vmem>>, vector<1x1x16xi32>,
    %swap3A_909 = vector.shape_cast %swap3A_908 : vector<1x1x16xi32> to vector<16xi32>
    %swap3A_910 = vector.shape_cast %add3A_902 : vector<16xi32> to vector<1x1x16xi32>
    tpu.vector_store %arg11[%swap3A_905, %swap3A_906, %swap3A_907], %swap3A_910 {strides = array<i32>} : memref<2x6x128xi32, #tpu.memory_space<vmem>>, vector<1x1x16xi32>,
    %dma_start3A_911 = arith.constant 0 : i32
    %dma_start3A_912 = arith.constant 0 : i32
    %dma_start3A_913 = arith.constant 0 : i32
    %dma_start3A_914 = arith.constant 0 : i32
    %dma_start3A_915 = arith.constant 0 : i32
    %dma_start3A_916 = arith.constant 0 : i32
    %dma_start3A_917 = tpu.memref_slice %arg12[%dma_start3A_913, %dma_start3A_914, %dma_start3A_915, %dma_start3A_916] : memref<2x6x128x64xf32, #tpu.memory_space<vmem>> -> memref<1x1x128x64xf32, #tpu.memory_space<vmem>>
    %dma_start3A_918 = tpu.memref_squeeze %dma_start3A_917 : memref<1x1x128x64xf32, #tpu.memory_space<vmem>> -> memref<128x64xf32, #tpu.memory_space<vmem>>
    %dma_start3A_919 = arith.constant 0 : i32
    %dma_start3A_920 = tpu.memref_slice %arg11[%dma_start3A_911, %dma_start3A_912, %dma_start3A_919] : memref<2x6x128xi32, #tpu.memory_space<vmem>> -> memref<1x1x128xi32, #tpu.memory_space<vmem>>
    %dma_start3A_921 = tpu.memref_squeeze %dma_start3A_920 : memref<1x1x128xi32, #tpu.memory_space<vmem>> -> memref<128xi32, #tpu.memory_space<vmem>>
    %dma_start3A_922 = arith.constant 0 : i32
    %dma_start3A_923 = arith.constant 0 : i32
    %dma_start3A_924 = tpu.memref_slice %arg14[%dma_start3A_922, %dma_start3A_923] : memref<945x64xf32, #tpu.memory_space<vmem_shared>> -> memref<945x64xf32, #tpu.memory_space<vmem_shared>>
    tpu.enqueue_indirect_dma source(%dma_start3A_924 : memref<945x64xf32, #tpu.memory_space<vmem_shared>>) target(%dma_start3A_918 : memref<128x64xf32, #tpu.memory_space<vmem>>) offsets(%dma_start3A_921 : memref<128xi32, #tpu.memory_space<vmem>>) semaphore(%arg16 : memref<!tpu.dma_semaphore, #tpu.memory_space<semaphore_mem>>)
    %dma_start3A_925 = arith.constant 0 : i32
    %dma_start3A_926 = arith.constant 1 : i32
    %dma_start3A_927 = arith.constant 0 : i32
    %dma_start3A_928 = arith.constant 1 : i32
    %dma_start3A_929 = arith.constant 0 : i32
    %dma_start3A_930 = arith.constant 0 : i32
    %dma_start3A_931 = tpu.memref_slice %arg12[%dma_start3A_927, %dma_start3A_928, %dma_start3A_929, %dma_start3A_930] : memref<2x6x128x64xf32, #tpu.memory_space<vmem>> -> memref<1x1x128x64xf32, #tpu.memory_space<vmem>>
    %dma_start3A_932 = tpu.memref_squeeze %dma_start3A_931 : memref<1x1x128x64xf32, #tpu.memory_space<vmem>> -> memref<128x64xf32, #tpu.memory_space<vmem>>
    %dma_start3A_933 = arith.constant 0 : i32
    %dma_start3A_934 = tpu.memref_slice %arg11[%dma_start3A_925, %dma_start3A_926, %dma_start3A_933] : memref<2x6x128xi32, #tpu.memory_space<vmem>> -> memref<1x1x128xi32, #tpu.memory_space<vmem>>
    %dma_start3A_935 = tpu.memref_squeeze %dma_start3A_934 : memref<1x1x128xi32, #tpu.memory_space<vmem>> -> memref<128xi32, #tpu.memory_space<vmem>>
    %dma_start3A_936 = arith.constant 0 : i32
    %dma_start3A_937 = arith.constant 0 : i32
    %dma_start3A_938 = tpu.memref_slice %arg14[%dma_start3A_936, %dma_start3A_937] : memref<945x64xf32, #tpu.memory_space<vmem_shared>> -> memref<945x64xf32, #tpu.memory_space<vmem_shared>>
    tpu.enqueue_indirect_dma source(%dma_start3A_938 : memref<945x64xf32, #tpu.memory_space<vmem_shared>>) target(%dma_start3A_932 : memref<128x64xf32, #tpu.memory_space<vmem>>) offsets(%dma_start3A_935 : memref<128xi32, #tpu.memory_space<vmem>>) semaphore(%arg16 : memref<!tpu.dma_semaphore, #tpu.memory_space<semaphore_mem>>)
    %dma_start3A_939 = arith.constant 0 : i32
    %dma_start3A_940 = arith.constant 2 : i32
    %dma_start3A_941 = arith.constant 0 : i32
    %dma_start3A_942 = arith.constant 2 : i32
    %dma_start3A_943 = arith.constant 0 : i32
    %dma_start3A_944 = arith.constant 0 : i32
    %dma_start3A_945 = tpu.memref_slice %arg12[%dma_start3A_941, %dma_start3A_942, %dma_start3A_943, %dma_start3A_944] : memref<2x6x128x64xf32, #tpu.memory_space<vmem>> -> memref<1x1x128x64xf32, #tpu.memory_space<vmem>>
    %dma_start3A_946 = tpu.memref_squeeze %dma_start3A_945 : memref<1x1x128x64xf32, #tpu.memory_space<vmem>> -> memref<128x64xf32, #tpu.memory_space<vmem>>
    %dma_start3A_947 = arith.constant 0 : i32
    %dma_start3A_948 = tpu.memref_slice %arg11[%dma_start3A_939, %dma_start3A_940, %dma_start3A_947] : memref<2x6x128xi32, #tpu.memory_space<vmem>> -> memref<1x1x128xi32, #tpu.memory_space<vmem>>
    %dma_start3A_949 = tpu.memref_squeeze %dma_start3A_948 : memref<1x1x128xi32, #tpu.memory_space<vmem>> -> memref<128xi32, #tpu.memory_space<vmem>>
    %dma_start3A_950 = arith.constant 0 : i32
    %dma_start3A_951 = arith.constant 0 : i32
    %dma_start3A_952 = tpu.memref_slice %arg14[%dma_start3A_950, %dma_start3A_951] : memref<945x64xf32, #tpu.memory_space<vmem_shared>> -> memref<945x64xf32, #tpu.memory_space<vmem_shared>>
    tpu.enqueue_indirect_dma source(%dma_start3A_952 : memref<945x64xf32, #tpu.memory_space<vmem_shared>>) target(%dma_start3A_946 : memref<128x64xf32, #tpu.memory_space<vmem>>) offsets(%dma_start3A_949 : memref<128xi32, #tpu.memory_space<vmem>>) semaphore(%arg16 : memref<!tpu.dma_semaphore, #tpu.memory_space<semaphore_mem>>)
    %dma_start3A_953 = arith.constant 0 : i32
    %dma_start3A_954 = arith.constant 3 : i32
    %dma_start3A_955 = arith.constant 0 : i32
    %dma_start3A_956 = arith.constant 3 : i32
    %dma_start3A_957 = arith.constant 0 : i32
    %dma_start3A_958 = arith.constant 0 : i32
    %dma_start3A_959 = tpu.memref_slice %arg12[%dma_start3A_955, %dma_start3A_956, %dma_start3A_957, %dma_start3A_958] : memref<2x6x128x64xf32, #tpu.memory_space<vmem>> -> memref<1x1x128x64xf32, #tpu.memory_space<vmem>>
    %dma_start3A_960 = tpu.memref_squeeze %dma_start3A_959 : memref<1x1x128x64xf32, #tpu.memory_space<vmem>> -> memref<128x64xf32, #tpu.memory_space<vmem>>
    %dma_start3A_961 = arith.constant 0 : i32
    %dma_start3A_962 = tpu.memref_slice %arg11[%dma_start3A_953, %dma_start3A_954, %dma_start3A_961] : memref<2x6x128xi32, #tpu.memory_space<vmem>> -> memref<1x1x128xi32, #tpu.memory_space<vmem>>
    %dma_start3A_963 = tpu.memref_squeeze %dma_start3A_962 : memref<1x1x128xi32, #tpu.memory_space<vmem>> -> memref<128xi32, #tpu.memory_space<vmem>>
    %dma_start3A_964 = arith.constant 0 : i32
    %dma_start3A_965 = arith.constant 0 : i32
    %dma_start3A_966 = tpu.memref_slice %arg14[%dma_start3A_964, %dma_start3A_965] : memref<945x64xf32, #tpu.memory_space<vmem_shared>> -> memref<945x64xf32, #tpu.memory_space<vmem_shared>>
    tpu.enqueue_indirect_dma source(%dma_start3A_966 : memref<945x64xf32, #tpu.memory_space<vmem_shared>>) target(%dma_start3A_960 : memref<128x64xf32, #tpu.memory_space<vmem>>) offsets(%dma_start3A_963 : memref<128xi32, #tpu.memory_space<vmem>>) semaphore(%arg16 : memref<!tpu.dma_semaphore, #tpu.memory_space<semaphore_mem>>)
    %dma_start3A_967 = arith.constant 0 : i32
    %dma_start3A_968 = arith.constant 4 : i32
    %dma_start3A_969 = arith.constant 0 : i32
    %dma_start3A_970 = arith.constant 4 : i32
    %dma_start3A_971 = arith.constant 0 : i32
    %dma_start3A_972 = arith.constant 0 : i32
    %dma_start3A_973 = tpu.memref_slice %arg12[%dma_start3A_969, %dma_start3A_970, %dma_start3A_971, %dma_start3A_972] : memref<2x6x128x64xf32, #tpu.memory_space<vmem>> -> memref<1x1x128x64xf32, #tpu.memory_space<vmem>>
    %dma_start3A_974 = tpu.memref_squeeze %dma_start3A_973 : memref<1x1x128x64xf32, #tpu.memory_space<vmem>> -> memref<128x64xf32, #tpu.memory_space<vmem>>
    %dma_start3A_975 = arith.constant 0 : i32
    %dma_start3A_976 = tpu.memref_slice %arg11[%dma_start3A_967, %dma_start3A_968, %dma_start3A_975] : memref<2x6x128xi32, #tpu.memory_space<vmem>> -> memref<1x1x128xi32, #tpu.memory_space<vmem>>
    %dma_start3A_977 = tpu.memref_squeeze %dma_start3A_976 : memref<1x1x128xi32, #tpu.memory_space<vmem>> -> memref<128xi32, #tpu.memory_space<vmem>>
    %dma_start3A_978 = arith.constant 0 : i32
    %dma_start3A_979 = arith.constant 0 : i32
    %dma_start3A_980 = tpu.memref_slice %arg14[%dma_start3A_978, %dma_start3A_979] : memref<945x64xf32, #tpu.memory_space<vmem_shared>> -> memref<945x64xf32, #tpu.memory_space<vmem_shared>>
    tpu.enqueue_indirect_dma source(%dma_start3A_980 : memref<945x64xf32, #tpu.memory_space<vmem_shared>>) target(%dma_start3A_974 : memref<128x64xf32, #tpu.memory_space<vmem>>) offsets(%dma_start3A_977 : memref<128xi32, #tpu.memory_space<vmem>>) semaphore(%arg16 : memref<!tpu.dma_semaphore, #tpu.memory_space<semaphore_mem>>)
    %dma_start3A_981 = arith.constant 0 : i32
    %dma_start3A_982 = arith.constant 5 : i32
    %dma_start3A_983 = arith.constant 0 : i32
    %dma_start3A_984 = arith.constant 5 : i32
    %dma_start3A_985 = arith.constant 0 : i32
    %dma_start3A_986 = arith.constant 0 : i32
    %dma_start3A_987 = tpu.memref_slice %arg12[%dma_start3A_983, %dma_start3A_984, %dma_start3A_985, %dma_start3A_986] : memref<2x6x128x64xf32, #tpu.memory_space<vmem>> -> memref<1x1x128x64xf32, #tpu.memory_space<vmem>>
    %dma_start3A_988 = tpu.memref_squeeze %dma_start3A_987 : memref<1x1x128x64xf32, #tpu.memory_space<vmem>> -> memref<128x64xf32, #tpu.memory_space<vmem>>
    %dma_start3A_989 = arith.constant 0 : i32
    %dma_start3A_990 = tpu.memref_slice %arg11[%dma_start3A_981, %dma_start3A_982, %dma_start3A_989] : memref<2x6x128xi32, #tpu.memory_space<vmem>> -> memref<1x1x128xi32, #tpu.memory_space<vmem>>
    %dma_start3A_991 = tpu.memref_squeeze %dma_start3A_990 : memref<1x1x128xi32, #tpu.memory_space<vmem>> -> memref<128xi32, #tpu.memory_space<vmem>>
    %dma_start3A_992 = arith.constant 0 : i32
    %dma_start3A_993 = arith.constant 0 : i32
    %dma_start3A_994 = tpu.memref_slice %arg14[%dma_start3A_992, %dma_start3A_993] : memref<945x64xf32, #tpu.memory_space<vmem_shared>> -> memref<945x64xf32, #tpu.memory_space<vmem_shared>>
    tpu.enqueue_indirect_dma source(%dma_start3A_994 : memref<945x64xf32, #tpu.memory_space<vmem_shared>>) target(%dma_start3A_988 : memref<128x64xf32, #tpu.memory_space<vmem>>) offsets(%dma_start3A_991 : memref<128xi32, #tpu.memory_space<vmem>>) semaphore(%arg16 : memref<!tpu.dma_semaphore, #tpu.memory_space<semaphore_mem>>)
    %dma_wait3A_995 = arith.constant 0 : i32
    %dma_wait3A_996 = arith.constant 0 : i32
    %dma_wait3A_997 = arith.constant 0 : i32
    %dma_wait3A_998 = arith.constant 0 : i32
    %dma_wait3A_999 = arith.constant 0 : i32
    %dma_wait3A_1000 = arith.constant 0 : i32
    %dma_wait3A_1001 = tpu.memref_slice %arg12[%dma_wait3A_997, %dma_wait3A_998, %dma_wait3A_999, %dma_wait3A_1000] : memref<2x6x128x64xf32, #tpu.memory_space<vmem>> -> memref<1x1x128x64xf32, #tpu.memory_space<vmem>>
    %dma_wait3A_1002 = tpu.memref_squeeze %dma_wait3A_1001 : memref<1x1x128x64xf32, #tpu.memory_space<vmem>> -> memref<128x64xf32, #tpu.memory_space<vmem>>
    %dma_wait3A_1003 = arith.constant 0 : i32
    %dma_wait3A_1004 = tpu.memref_slice %arg11[%dma_wait3A_995, %dma_wait3A_996, %dma_wait3A_1003] : memref<2x6x128xi32, #tpu.memory_space<vmem>> -> memref<1x1x128xi32, #tpu.memory_space<vmem>>
    %dma_wait3A_1005 = tpu.memref_squeeze %dma_wait3A_1004 : memref<1x1x128xi32, #tpu.memory_space<vmem>> -> memref<128xi32, #tpu.memory_space<vmem>>
    %dma_wait3A_1006 = arith.constant 0 : i32
    %dma_wait3A_1007 = arith.constant 0 : i32
    %dma_wait3A_1008 = tpu.memref_slice %arg14[%dma_wait3A_1006, %dma_wait3A_1007] : memref<945x64xf32, #tpu.memory_space<vmem_shared>> -> memref<945x64xf32, #tpu.memory_space<vmem_shared>>
    tpu.wait_indirect_dma semaphore(%arg16 : memref<!tpu.dma_semaphore, #tpu.memory_space<semaphore_mem>>) src(%dma_wait3A_1008 : memref<945x64xf32, #tpu.memory_space<vmem_shared>>) dst(%dma_wait3A_1002 : memref<128x64xf32, #tpu.memory_space<vmem>>)
    %dma_wait3A_1009 = arith.constant 0 : i32
    %dma_wait3A_1010 = arith.constant 1 : i32
    %dma_wait3A_1011 = arith.constant 0 : i32
    %dma_wait3A_1012 = arith.constant 1 : i32
    %dma_wait3A_1013 = arith.constant 0 : i32
    %dma_wait3A_1014 = arith.constant 0 : i32
    %dma_wait3A_1015 = tpu.memref_slice %arg12[%dma_wait3A_1011, %dma_wait3A_1012, %dma_wait3A_1013, %dma_wait3A_1014] : memref<2x6x128x64xf32, #tpu.memory_space<vmem>> -> memref<1x1x128x64xf32, #tpu.memory_space<vmem>>
    %dma_wait3A_1016 = tpu.memref_squeeze %dma_wait3A_1015 : memref<1x1x128x64xf32, #tpu.memory_space<vmem>> -> memref<128x64xf32, #tpu.memory_space<vmem>>
    %dma_wait3A_1017 = arith.constant 0 : i32
    %dma_wait3A_1018 = tpu.memref_slice %arg11[%dma_wait3A_1009, %dma_wait3A_1010, %dma_wait3A_1017] : memref<2x6x128xi32, #tpu.memory_space<vmem>> -> memref<1x1x128xi32, #tpu.memory_space<vmem>>
    %dma_wait3A_1019 = tpu.memref_squeeze %dma_wait3A_1018 : memref<1x1x128xi32, #tpu.memory_space<vmem>> -> memref<128xi32, #tpu.memory_space<vmem>>
    %dma_wait3A_1020 = arith.constant 0 : i32
    %dma_wait3A_1021 = arith.constant 0 : i32
    %dma_wait3A_1022 = tpu.memref_slice %arg14[%dma_wait3A_1020, %dma_wait3A_1021] : memref<945x64xf32, #tpu.memory_space<vmem_shared>> -> memref<945x64xf32, #tpu.memory_space<vmem_shared>>
    tpu.wait_indirect_dma semaphore(%arg16 : memref<!tpu.dma_semaphore, #tpu.memory_space<semaphore_mem>>) src(%dma_wait3A_1022 : memref<945x64xf32, #tpu.memory_space<vmem_shared>>) dst(%dma_wait3A_1016 : memref<128x64xf32, #tpu.memory_space<vmem>>)
    %dma_wait3A_1023 = arith.constant 0 : i32
    %dma_wait3A_1024 = arith.constant 2 : i32
    %dma_wait3A_1025 = arith.constant 0 : i32
    %dma_wait3A_1026 = arith.constant 2 : i32
    %dma_wait3A_1027 = arith.constant 0 : i32
    %dma_wait3A_1028 = arith.constant 0 : i32
    %dma_wait3A_1029 = tpu.memref_slice %arg12[%dma_wait3A_1025, %dma_wait3A_1026, %dma_wait3A_1027, %dma_wait3A_1028] : memref<2x6x128x64xf32, #tpu.memory_space<vmem>> -> memref<1x1x128x64xf32, #tpu.memory_space<vmem>>
    %dma_wait3A_1030 = tpu.memref_squeeze %dma_wait3A_1029 : memref<1x1x128x64xf32, #tpu.memory_space<vmem>> -> memref<128x64xf32, #tpu.memory_space<vmem>>
    %dma_wait3A_1031 = arith.constant 0 : i32
    %dma_wait3A_1032 = tpu.memref_slice %arg11[%dma_wait3A_1023, %dma_wait3A_1024, %dma_wait3A_1031] : memref<2x6x128xi32, #tpu.memory_space<vmem>> -> memref<1x1x128xi32, #tpu.memory_space<vmem>>
    %dma_wait3A_1033 = tpu.memref_squeeze %dma_wait3A_1032 : memref<1x1x128xi32, #tpu.memory_space<vmem>> -> memref<128xi32, #tpu.memory_space<vmem>>
    %dma_wait3A_1034 = arith.constant 0 : i32
    %dma_wait3A_1035 = arith.constant 0 : i32
    %dma_wait3A_1036 = tpu.memref_slice %arg14[%dma_wait3A_1034, %dma_wait3A_1035] : memref<945x64xf32, #tpu.memory_space<vmem_shared>> -> memref<945x64xf32, #tpu.memory_space<vmem_shared>>
    tpu.wait_indirect_dma semaphore(%arg16 : memref<!tpu.dma_semaphore, #tpu.memory_space<semaphore_mem>>) src(%dma_wait3A_1036 : memref<945x64xf32, #tpu.memory_space<vmem_shared>>) dst(%dma_wait3A_1030 : memref<128x64xf32, #tpu.memory_space<vmem>>)
    %dma_wait3A_1037 = arith.constant 0 : i32
    %dma_wait3A_1038 = arith.constant 3 : i32
    %dma_wait3A_1039 = arith.constant 0 : i32
    %dma_wait3A_1040 = arith.constant 3 : i32
    %dma_wait3A_1041 = arith.constant 0 : i32
    %dma_wait3A_1042 = arith.constant 0 : i32
    %dma_wait3A_1043 = tpu.memref_slice %arg12[%dma_wait3A_1039, %dma_wait3A_1040, %dma_wait3A_1041, %dma_wait3A_1042] : memref<2x6x128x64xf32, #tpu.memory_space<vmem>> -> memref<1x1x128x64xf32, #tpu.memory_space<vmem>>
    %dma_wait3A_1044 = tpu.memref_squeeze %dma_wait3A_1043 : memref<1x1x128x64xf32, #tpu.memory_space<vmem>> -> memref<128x64xf32, #tpu.memory_space<vmem>>
    %dma_wait3A_1045 = arith.constant 0 : i32
    %dma_wait3A_1046 = tpu.memref_slice %arg11[%dma_wait3A_1037, %dma_wait3A_1038, %dma_wait3A_1045] : memref<2x6x128xi32, #tpu.memory_space<vmem>> -> memref<1x1x128xi32, #tpu.memory_space<vmem>>
    %dma_wait3A_1047 = tpu.memref_squeeze %dma_wait3A_1046 : memref<1x1x128xi32, #tpu.memory_space<vmem>> -> memref<128xi32, #tpu.memory_space<vmem>>
    %dma_wait3A_1048 = arith.constant 0 : i32
    %dma_wait3A_1049 = arith.constant 0 : i32
    %dma_wait3A_1050 = tpu.memref_slice %arg14[%dma_wait3A_1048, %dma_wait3A_1049] : memref<945x64xf32, #tpu.memory_space<vmem_shared>> -> memref<945x64xf32, #tpu.memory_space<vmem_shared>>
    tpu.wait_indirect_dma semaphore(%arg16 : memref<!tpu.dma_semaphore, #tpu.memory_space<semaphore_mem>>) src(%dma_wait3A_1050 : memref<945x64xf32, #tpu.memory_space<vmem_shared>>) dst(%dma_wait3A_1044 : memref<128x64xf32, #tpu.memory_space<vmem>>)
    %dma_wait3A_1051 = arith.constant 0 : i32
    %dma_wait3A_1052 = arith.constant 4 : i32
    %dma_wait3A_1053 = arith.constant 0 : i32
    %dma_wait3A_1054 = arith.constant 4 : i32
    %dma_wait3A_1055 = arith.constant 0 : i32
    %dma_wait3A_1056 = arith.constant 0 : i32
    %dma_wait3A_1057 = tpu.memref_slice %arg12[%dma_wait3A_1053, %dma_wait3A_1054, %dma_wait3A_1055, %dma_wait3A_1056] : memref<2x6x128x64xf32, #tpu.memory_space<vmem>> -> memref<1x1x128x64xf32, #tpu.memory_space<vmem>>
    %dma_wait3A_1058 = tpu.memref_squeeze %dma_wait3A_1057 : memref<1x1x128x64xf32, #tpu.memory_space<vmem>> -> memref<128x64xf32, #tpu.memory_space<vmem>>
    %dma_wait3A_1059 = arith.constant 0 : i32
    %dma_wait3A_1060 = tpu.memref_slice %arg11[%dma_wait3A_1051, %dma_wait3A_1052, %dma_wait3A_1059] : memref<2x6x128xi32, #tpu.memory_space<vmem>> -> memref<1x1x128xi32, #tpu.memory_space<vmem>>
    %dma_wait3A_1061 = tpu.memref_squeeze %dma_wait3A_1060 : memref<1x1x128xi32, #tpu.memory_space<vmem>> -> memref<128xi32, #tpu.memory_space<vmem>>
    %dma_wait3A_1062 = arith.constant 0 : i32
    %dma_wait3A_1063 = arith.constant 0 : i32
    %dma_wait3A_1064 = tpu.memref_slice %arg14[%dma_wait3A_1062, %dma_wait3A_1063] : memref<945x64xf32, #tpu.memory_space<vmem_shared>> -> memref<945x64xf32, #tpu.memory_space<vmem_shared>>
    tpu.wait_indirect_dma semaphore(%arg16 : memref<!tpu.dma_semaphore, #tpu.memory_space<semaphore_mem>>) src(%dma_wait3A_1064 : memref<945x64xf32, #tpu.memory_space<vmem_shared>>) dst(%dma_wait3A_1058 : memref<128x64xf32, #tpu.memory_space<vmem>>)
    %dma_wait3A_1065 = arith.constant 0 : i32
    %dma_wait3A_1066 = arith.constant 5 : i32
    %dma_wait3A_1067 = arith.constant 0 : i32
    %dma_wait3A_1068 = arith.constant 5 : i32
    %dma_wait3A_1069 = arith.constant 0 : i32
    %dma_wait3A_1070 = arith.constant 0 : i32
    %dma_wait3A_1071 = tpu.memref_slice %arg12[%dma_wait3A_1067, %dma_wait3A_1068, %dma_wait3A_1069, %dma_wait3A_1070] : memref<2x6x128x64xf32, #tpu.memory_space<vmem>> -> memref<1x1x128x64xf32, #tpu.memory_space<vmem>>
    %dma_wait3A_1072 = tpu.memref_squeeze %dma_wait3A_1071 : memref<1x1x128x64xf32, #tpu.memory_space<vmem>> -> memref<128x64xf32, #tpu.memory_space<vmem>>
    %dma_wait3A_1073 = arith.constant 0 : i32
    %dma_wait3A_1074 = tpu.memref_slice %arg11[%dma_wait3A_1065, %dma_wait3A_1066, %dma_wait3A_1073] : memref<2x6x128xi32, #tpu.memory_space<vmem>> -> memref<1x1x128xi32, #tpu.memory_space<vmem>>
    %dma_wait3A_1075 = tpu.memref_squeeze %dma_wait3A_1074 : memref<1x1x128xi32, #tpu.memory_space<vmem>> -> memref<128xi32, #tpu.memory_space<vmem>>
    %dma_wait3A_1076 = arith.constant 0 : i32
    %dma_wait3A_1077 = arith.constant 0 : i32
    %dma_wait3A_1078 = tpu.memref_slice %arg14[%dma_wait3A_1076, %dma_wait3A_1077] : memref<945x64xf32, #tpu.memory_space<vmem_shared>> -> memref<945x64xf32, #tpu.memory_space<vmem_shared>>
    tpu.wait_indirect_dma semaphore(%arg16 : memref<!tpu.dma_semaphore, #tpu.memory_space<semaphore_mem>>) src(%dma_wait3A_1078 : memref<945x64xf32, #tpu.memory_space<vmem_shared>>) dst(%dma_wait3A_1072 : memref<128x64xf32, #tpu.memory_space<vmem>>)
    %dma_start3A_1079 = arith.constant 0 : i32
    %dma_start3A_1080 = arith.constant 0 : i32
    %dma_start3A_1081 = arith.constant 0 : i32
    %dma_start3A_1082 = arith.constant 0 : i32
    %dma_start3A_1083 = tpu.memref_slice %arg12[%dma_start3A_1079, %dma_start3A_1080, %dma_start3A_1081, %dma_start3A_1082] : memref<2x6x128x64xf32, #tpu.memory_space<vmem>> -> memref<1x1x128x64xf32, #tpu.memory_space<vmem>>
    %dma_start3A_1084 = tpu.memref_squeeze %dma_start3A_1083 : memref<1x1x128x64xf32, #tpu.memory_space<vmem>> -> memref<128x64xf32, #tpu.memory_space<vmem>>
    %dma_start3A_1085 = arith.constant 0 : i32
    %dma_start3A_1086 = tpu.memref_slice %arg10[%add3A_71, %dma_start3A_1085] : memref<16384x385xf32, #tpu.memory_space<hbm>> -> memref<128x64xf32, #tpu.memory_space<hbm>>
    %dma_start3A_1087 = arith.constant 0 : i32
    %dma_start3A_1088 = tpu.memref_slice %arg10[%add3A_71, %dma_start3A_1087] : memref<16384x385xf32, #tpu.memory_space<hbm>> -> memref<128x64xf32, #tpu.memory_space<hbm>>
    %dma_start3A_1089 = arith.constant 0 : i32
    %dma_start3A_1090 = arith.constant 0 : i32
    %dma_start3A_1091 = tpu.memref_slice %arg12[%dma_start3A_1079, %dma_start3A_1080, %dma_start3A_1089, %dma_start3A_1090] : memref<2x6x128x64xf32, #tpu.memory_space<vmem>> -> memref<1x1x128x64xf32, #tpu.memory_space<vmem>>
    %dma_start3A_1092 = tpu.memref_squeeze %dma_start3A_1091 : memref<1x1x128x64xf32, #tpu.memory_space<vmem>> -> memref<128x64xf32, #tpu.memory_space<vmem>>
    tpu.enqueue_dma source(%dma_start3A_1092 : memref<128x64xf32, #tpu.memory_space<vmem>>) target(%dma_start3A_1088 : memref<128x64xf32, #tpu.memory_space<hbm>>) target_semaphore(%arg17 : memref<!tpu.dma_semaphore, #tpu.memory_space<semaphore_mem>>)
    %dma_start3A_1093 = arith.constant 0 : i32
    %dma_start3A_1094 = arith.constant 1 : i32
    %dma_start3A_1095 = arith.constant 0 : i32
    %dma_start3A_1096 = arith.constant 0 : i32
    %dma_start3A_1097 = tpu.memref_slice %arg12[%dma_start3A_1093, %dma_start3A_1094, %dma_start3A_1095, %dma_start3A_1096] : memref<2x6x128x64xf32, #tpu.memory_space<vmem>> -> memref<1x1x128x64xf32, #tpu.memory_space<vmem>>
    %dma_start3A_1098 = tpu.memref_squeeze %dma_start3A_1097 : memref<1x1x128x64xf32, #tpu.memory_space<vmem>> -> memref<128x64xf32, #tpu.memory_space<vmem>>
    %dma_start3A_1099 = arith.constant 64 : i32
    %dma_start3A_1100 = tpu.memref_slice %arg10[%add3A_71, %dma_start3A_1099] : memref<16384x385xf32, #tpu.memory_space<hbm>> -> memref<128x64xf32, #tpu.memory_space<hbm>>
    %dma_start3A_1101 = arith.constant 64 : i32
    %dma_start3A_1102 = tpu.memref_slice %arg10[%add3A_71, %dma_start3A_1101] : memref<16384x385xf32, #tpu.memory_space<hbm>> -> memref<128x64xf32, #tpu.memory_space<hbm>>
    %dma_start3A_1103 = arith.constant 0 : i32
    %dma_start3A_1104 = arith.constant 0 : i32
    %dma_start3A_1105 = tpu.memref_slice %arg12[%dma_start3A_1093, %dma_start3A_1094, %dma_start3A_1103, %dma_start3A_1104] : memref<2x6x128x64xf32, #tpu.memory_space<vmem>> -> memref<1x1x128x64xf32, #tpu.memory_space<vmem>>
    %dma_start3A_1106 = tpu.memref_squeeze %dma_start3A_1105 : memref<1x1x128x64xf32, #tpu.memory_space<vmem>> -> memref<128x64xf32, #tpu.memory_space<vmem>>
    tpu.enqueue_dma source(%dma_start3A_1106 : memref<128x64xf32, #tpu.memory_space<vmem>>) target(%dma_start3A_1102 : memref<128x64xf32, #tpu.memory_space<hbm>>) target_semaphore(%arg17 : memref<!tpu.dma_semaphore, #tpu.memory_space<semaphore_mem>>)
    %dma_start3A_1107 = arith.constant 0 : i32
    %dma_start3A_1108 = arith.constant 2 : i32
    %dma_start3A_1109 = arith.constant 0 : i32
    %dma_start3A_1110 = arith.constant 0 : i32
    %dma_start3A_1111 = tpu.memref_slice %arg12[%dma_start3A_1107, %dma_start3A_1108, %dma_start3A_1109, %dma_start3A_1110] : memref<2x6x128x64xf32, #tpu.memory_space<vmem>> -> memref<1x1x128x64xf32, #tpu.memory_space<vmem>>
    %dma_start3A_1112 = tpu.memref_squeeze %dma_start3A_1111 : memref<1x1x128x64xf32, #tpu.memory_space<vmem>> -> memref<128x64xf32, #tpu.memory_space<vmem>>
    %dma_start3A_1113 = arith.constant 128 : i32
    %dma_start3A_1114 = tpu.memref_slice %arg10[%add3A_71, %dma_start3A_1113] : memref<16384x385xf32, #tpu.memory_space<hbm>> -> memref<128x64xf32, #tpu.memory_space<hbm>>
    %dma_start3A_1115 = arith.constant 128 : i32
    %dma_start3A_1116 = tpu.memref_slice %arg10[%add3A_71, %dma_start3A_1115] : memref<16384x385xf32, #tpu.memory_space<hbm>> -> memref<128x64xf32, #tpu.memory_space<hbm>>
    %dma_start3A_1117 = arith.constant 0 : i32
    %dma_start3A_1118 = arith.constant 0 : i32
    %dma_start3A_1119 = tpu.memref_slice %arg12[%dma_start3A_1107, %dma_start3A_1108, %dma_start3A_1117, %dma_start3A_1118] : memref<2x6x128x64xf32, #tpu.memory_space<vmem>> -> memref<1x1x128x64xf32, #tpu.memory_space<vmem>>
    %dma_start3A_1120 = tpu.memref_squeeze %dma_start3A_1119 : memref<1x1x128x64xf32, #tpu.memory_space<vmem>> -> memref<128x64xf32, #tpu.memory_space<vmem>>
    tpu.enqueue_dma source(%dma_start3A_1120 : memref<128x64xf32, #tpu.memory_space<vmem>>) target(%dma_start3A_1116 : memref<128x64xf32, #tpu.memory_space<hbm>>) target_semaphore(%arg17 : memref<!tpu.dma_semaphore, #tpu.memory_space<semaphore_mem>>)
    %dma_start3A_1121 = arith.constant 0 : i32
    %dma_start3A_1122 = arith.constant 3 : i32
    %dma_start3A_1123 = arith.constant 0 : i32
    %dma_start3A_1124 = arith.constant 0 : i32
    %dma_start3A_1125 = tpu.memref_slice %arg12[%dma_start3A_1121, %dma_start3A_1122, %dma_start3A_1123, %dma_start3A_1124] : memref<2x6x128x64xf32, #tpu.memory_space<vmem>> -> memref<1x1x128x64xf32, #tpu.memory_space<vmem>>
    %dma_start3A_1126 = tpu.memref_squeeze %dma_start3A_1125 : memref<1x1x128x64xf32, #tpu.memory_space<vmem>> -> memref<128x64xf32, #tpu.memory_space<vmem>>
    %dma_start3A_1127 = arith.constant 192 : i32
    %dma_start3A_1128 = tpu.memref_slice %arg10[%add3A_71, %dma_start3A_1127] : memref<16384x385xf32, #tpu.memory_space<hbm>> -> memref<128x64xf32, #tpu.memory_space<hbm>>
    %dma_start3A_1129 = arith.constant 192 : i32
    %dma_start3A_1130 = tpu.memref_slice %arg10[%add3A_71, %dma_start3A_1129] : memref<16384x385xf32, #tpu.memory_space<hbm>> -> memref<128x64xf32, #tpu.memory_space<hbm>>
    %dma_start3A_1131 = arith.constant 0 : i32
    %dma_start3A_1132 = arith.constant 0 : i32
    %dma_start3A_1133 = tpu.memref_slice %arg12[%dma_start3A_1121, %dma_start3A_1122, %dma_start3A_1131, %dma_start3A_1132] : memref<2x6x128x64xf32, #tpu.memory_space<vmem>> -> memref<1x1x128x64xf32, #tpu.memory_space<vmem>>
    %dma_start3A_1134 = tpu.memref_squeeze %dma_start3A_1133 : memref<1x1x128x64xf32, #tpu.memory_space<vmem>> -> memref<128x64xf32, #tpu.memory_space<vmem>>
    tpu.enqueue_dma source(%dma_start3A_1134 : memref<128x64xf32, #tpu.memory_space<vmem>>) target(%dma_start3A_1130 : memref<128x64xf32, #tpu.memory_space<hbm>>) target_semaphore(%arg17 : memref<!tpu.dma_semaphore, #tpu.memory_space<semaphore_mem>>)
    %dma_start3A_1135 = arith.constant 0 : i32
    %dma_start3A_1136 = arith.constant 4 : i32
    %dma_start3A_1137 = arith.constant 0 : i32
    %dma_start3A_1138 = arith.constant 0 : i32
    %dma_start3A_1139 = tpu.memref_slice %arg12[%dma_start3A_1135, %dma_start3A_1136, %dma_start3A_1137, %dma_start3A_1138] : memref<2x6x128x64xf32, #tpu.memory_space<vmem>> -> memref<1x1x128x64xf32, #tpu.memory_space<vmem>>
    %dma_start3A_1140 = tpu.memref_squeeze %dma_start3A_1139 : memref<1x1x128x64xf32, #tpu.memory_space<vmem>> -> memref<128x64xf32, #tpu.memory_space<vmem>>
    %dma_start3A_1141 = arith.constant 256 : i32
    %dma_start3A_1142 = tpu.memref_slice %arg10[%add3A_71, %dma_start3A_1141] : memref<16384x385xf32, #tpu.memory_space<hbm>> -> memref<128x64xf32, #tpu.memory_space<hbm>>
    %dma_start3A_1143 = arith.constant 256 : i32
    %dma_start3A_1144 = tpu.memref_slice %arg10[%add3A_71, %dma_start3A_1143] : memref<16384x385xf32, #tpu.memory_space<hbm>> -> memref<128x64xf32, #tpu.memory_space<hbm>>
    %dma_start3A_1145 = arith.constant 0 : i32
    %dma_start3A_1146 = arith.constant 0 : i32
    %dma_start3A_1147 = tpu.memref_slice %arg12[%dma_start3A_1135, %dma_start3A_1136, %dma_start3A_1145, %dma_start3A_1146] : memref<2x6x128x64xf32, #tpu.memory_space<vmem>> -> memref<1x1x128x64xf32, #tpu.memory_space<vmem>>
    %dma_start3A_1148 = tpu.memref_squeeze %dma_start3A_1147 : memref<1x1x128x64xf32, #tpu.memory_space<vmem>> -> memref<128x64xf32, #tpu.memory_space<vmem>>
    tpu.enqueue_dma source(%dma_start3A_1148 : memref<128x64xf32, #tpu.memory_space<vmem>>) target(%dma_start3A_1144 : memref<128x64xf32, #tpu.memory_space<hbm>>) target_semaphore(%arg17 : memref<!tpu.dma_semaphore, #tpu.memory_space<semaphore_mem>>)
    %dma_start3A_1149 = arith.constant 0 : i32
    %dma_start3A_1150 = arith.constant 5 : i32
    %dma_start3A_1151 = arith.constant 0 : i32
    %dma_start3A_1152 = arith.constant 0 : i32
    %dma_start3A_1153 = tpu.memref_slice %arg12[%dma_start3A_1149, %dma_start3A_1150, %dma_start3A_1151, %dma_start3A_1152] : memref<2x6x128x64xf32, #tpu.memory_space<vmem>> -> memref<1x1x128x64xf32, #tpu.memory_space<vmem>>
    %dma_start3A_1154 = tpu.memref_squeeze %dma_start3A_1153 : memref<1x1x128x64xf32, #tpu.memory_space<vmem>> -> memref<128x64xf32, #tpu.memory_space<vmem>>
    %dma_start3A_1155 = arith.constant 320 : i32
    %dma_start3A_1156 = tpu.memref_slice %arg10[%add3A_71, %dma_start3A_1155] : memref<16384x385xf32, #tpu.memory_space<hbm>> -> memref<128x64xf32, #tpu.memory_space<hbm>>
    %dma_start3A_1157 = arith.constant 320 : i32
    %dma_start3A_1158 = tpu.memref_slice %arg10[%add3A_71, %dma_start3A_1157] : memref<16384x385xf32, #tpu.memory_space<hbm>> -> memref<128x64xf32, #tpu.memory_space<hbm>>
    %dma_start3A_1159 = arith.constant 0 : i32
    %dma_start3A_1160 = arith.constant 0 : i32
    %dma_start3A_1161 = tpu.memref_slice %arg12[%dma_start3A_1149, %dma_start3A_1150, %dma_start3A_1159, %dma_start3A_1160] : memref<2x6x128x64xf32, #tpu.memory_space<vmem>> -> memref<1x1x128x64xf32, #tpu.memory_space<vmem>>
    %dma_start3A_1162 = tpu.memref_squeeze %dma_start3A_1161 : memref<1x1x128x64xf32, #tpu.memory_space<vmem>> -> memref<128x64xf32, #tpu.memory_space<vmem>>
    tpu.enqueue_dma source(%dma_start3A_1162 : memref<128x64xf32, #tpu.memory_space<vmem>>) target(%dma_start3A_1158 : memref<128x64xf32, #tpu.memory_space<hbm>>) target_semaphore(%arg17 : memref<!tpu.dma_semaphore, #tpu.memory_space<semaphore_mem>>)
    %add3A_1163 = arith.constant 128 : i32
    %add3A_1164 = arith.addi %mul3A_2, %add3A_1163 : i32
    %dma_wait3A_1165 = arith.constant 1 : i32
    %dma_wait3A_1166 = arith.constant 0 : i32
    %dma_wait3A_1167 = arith.constant 0 : i32
    %dma_wait3A_1168 = tpu.memref_slice %arg11[%dma_wait3A_1165, %dma_wait3A_1166, %dma_wait3A_1167] : memref<2x6x128xi32, #tpu.memory_space<vmem>> -> memref<1x1x128xi32, #tpu.memory_space<vmem>>
    %dma_wait3A_1169 = tpu.memref_squeeze %dma_wait3A_1168 : memref<1x1x128xi32, #tpu.memory_space<vmem>> -> memref<128xi32, #tpu.memory_space<vmem>>
    %dma_wait3A_1170 = tpu.memref_slice %arg2[%add3A_132] : memref<16384xi32, #tpu.memory_space<hbm>> -> memref<128xi32, #tpu.memory_space<hbm>>
    %dma_wait3A_1171 = arith.constant 0 : i32
    %dma_wait3A_1172 = tpu.memref_slice %arg11[%dma_wait3A_1165, %dma_wait3A_1166, %dma_wait3A_1171] : memref<2x6x128xi32, #tpu.memory_space<vmem>> -> memref<1x1x128xi32, #tpu.memory_space<vmem>>
    %dma_wait3A_1173 = tpu.memref_squeeze %dma_wait3A_1172 : memref<1x1x128xi32, #tpu.memory_space<vmem>> -> memref<128xi32, #tpu.memory_space<vmem>>
    %dma_wait3A_1174 = tpu.memref_slice %arg2[%add3A_132] : memref<16384xi32, #tpu.memory_space<hbm>> -> memref<128xi32, #tpu.memory_space<hbm>>
    tpu.wait_dma2 semaphore(%arg15 : memref<!tpu.dma_semaphore, #tpu.memory_space<semaphore_mem>>) src(%dma_wait3A_1174 : memref<128xi32, #tpu.memory_space<hbm>>) dst(%dma_wait3A_1173 : memref<128xi32, #tpu.memory_space<vmem>>)
    %dma_wait3A_1175 = arith.constant 1 : i32
    %dma_wait3A_1176 = arith.constant 1 : i32
    %dma_wait3A_1177 = arith.constant 0 : i32
    %dma_wait3A_1178 = tpu.memref_slice %arg11[%dma_wait3A_1175, %dma_wait3A_1176, %dma_wait3A_1177] : memref<2x6x128xi32, #tpu.memory_space<vmem>> -> memref<1x1x128xi32, #tpu.memory_space<vmem>>
    %dma_wait3A_1179 = tpu.memref_squeeze %dma_wait3A_1178 : memref<1x1x128xi32, #tpu.memory_space<vmem>> -> memref<128xi32, #tpu.memory_space<vmem>>
    %dma_wait3A_1180 = tpu.memref_slice %arg3[%add3A_132] : memref<16384xi32, #tpu.memory_space<hbm>> -> memref<128xi32, #tpu.memory_space<hbm>>
    %dma_wait3A_1181 = arith.constant 0 : i32
    %dma_wait3A_1182 = tpu.memref_slice %arg11[%dma_wait3A_1175, %dma_wait3A_1176, %dma_wait3A_1181] : memref<2x6x128xi32, #tpu.memory_space<vmem>> -> memref<1x1x128xi32, #tpu.memory_space<vmem>>
    %dma_wait3A_1183 = tpu.memref_squeeze %dma_wait3A_1182 : memref<1x1x128xi32, #tpu.memory_space<vmem>> -> memref<128xi32, #tpu.memory_space<vmem>>
    %dma_wait3A_1184 = tpu.memref_slice %arg3[%add3A_132] : memref<16384xi32, #tpu.memory_space<hbm>> -> memref<128xi32, #tpu.memory_space<hbm>>
    tpu.wait_dma2 semaphore(%arg15 : memref<!tpu.dma_semaphore, #tpu.memory_space<semaphore_mem>>) src(%dma_wait3A_1184 : memref<128xi32, #tpu.memory_space<hbm>>) dst(%dma_wait3A_1183 : memref<128xi32, #tpu.memory_space<vmem>>)
    %dma_wait3A_1185 = arith.constant 1 : i32
    %dma_wait3A_1186 = arith.constant 2 : i32
    %dma_wait3A_1187 = arith.constant 0 : i32
    %dma_wait3A_1188 = tpu.memref_slice %arg11[%dma_wait3A_1185, %dma_wait3A_1186, %dma_wait3A_1187] : memref<2x6x128xi32, #tpu.memory_space<vmem>> -> memref<1x1x128xi32, #tpu.memory_space<vmem>>
    %dma_wait3A_1189 = tpu.memref_squeeze %dma_wait3A_1188 : memref<1x1x128xi32, #tpu.memory_space<vmem>> -> memref<128xi32, #tpu.memory_space<vmem>>
    %dma_wait3A_1190 = tpu.memref_slice %arg4[%add3A_132] : memref<16384xi32, #tpu.memory_space<hbm>> -> memref<128xi32, #tpu.memory_space<hbm>>
    %dma_wait3A_1191 = arith.constant 0 : i32
    %dma_wait3A_1192 = tpu.memref_slice %arg11[%dma_wait3A_1185, %dma_wait3A_1186, %dma_wait3A_1191] : memref<2x6x128xi32, #tpu.memory_space<vmem>> -> memref<1x1x128xi32, #tpu.memory_space<vmem>>
    %dma_wait3A_1193 = tpu.memref_squeeze %dma_wait3A_1192 : memref<1x1x128xi32, #tpu.memory_space<vmem>> -> memref<128xi32, #tpu.memory_space<vmem>>
    %dma_wait3A_1194 = tpu.memref_slice %arg4[%add3A_132] : memref<16384xi32, #tpu.memory_space<hbm>> -> memref<128xi32, #tpu.memory_space<hbm>>
    tpu.wait_dma2 semaphore(%arg15 : memref<!tpu.dma_semaphore, #tpu.memory_space<semaphore_mem>>) src(%dma_wait3A_1194 : memref<128xi32, #tpu.memory_space<hbm>>) dst(%dma_wait3A_1193 : memref<128xi32, #tpu.memory_space<vmem>>)
    %dma_wait3A_1195 = arith.constant 1 : i32
    %dma_wait3A_1196 = arith.constant 3 : i32
    %dma_wait3A_1197 = arith.constant 0 : i32
    %dma_wait3A_1198 = tpu.memref_slice %arg11[%dma_wait3A_1195, %dma_wait3A_1196, %dma_wait3A_1197] : memref<2x6x128xi32, #tpu.memory_space<vmem>> -> memref<1x1x128xi32, #tpu.memory_space<vmem>>
    %dma_wait3A_1199 = tpu.memref_squeeze %dma_wait3A_1198 : memref<1x1x128xi32, #tpu.memory_space<vmem>> -> memref<128xi32, #tpu.memory_space<vmem>>
    %dma_wait3A_1200 = tpu.memref_slice %arg5[%add3A_132] : memref<16384xi32, #tpu.memory_space<hbm>> -> memref<128xi32, #tpu.memory_space<hbm>>
    %dma_wait3A_1201 = arith.constant 0 : i32
    %dma_wait3A_1202 = tpu.memref_slice %arg11[%dma_wait3A_1195, %dma_wait3A_1196, %dma_wait3A_1201] : memref<2x6x128xi32, #tpu.memory_space<vmem>> -> memref<1x1x128xi32, #tpu.memory_space<vmem>>
    %dma_wait3A_1203 = tpu.memref_squeeze %dma_wait3A_1202 : memref<1x1x128xi32, #tpu.memory_space<vmem>> -> memref<128xi32, #tpu.memory_space<vmem>>
    %dma_wait3A_1204 = tpu.memref_slice %arg5[%add3A_132] : memref<16384xi32, #tpu.memory_space<hbm>> -> memref<128xi32, #tpu.memory_space<hbm>>
    tpu.wait_dma2 semaphore(%arg15 : memref<!tpu.dma_semaphore, #tpu.memory_space<semaphore_mem>>) src(%dma_wait3A_1204 : memref<128xi32, #tpu.memory_space<hbm>>) dst(%dma_wait3A_1203 : memref<128xi32, #tpu.memory_space<vmem>>)
    %dma_wait3A_1205 = arith.constant 1 : i32
    %dma_wait3A_1206 = arith.constant 4 : i32
    %dma_wait3A_1207 = arith.constant 0 : i32
    %dma_wait3A_1208 = tpu.memref_slice %arg11[%dma_wait3A_1205, %dma_wait3A_1206, %dma_wait3A_1207] : memref<2x6x128xi32, #tpu.memory_space<vmem>> -> memref<1x1x128xi32, #tpu.memory_space<vmem>>
    %dma_wait3A_1209 = tpu.memref_squeeze %dma_wait3A_1208 : memref<1x1x128xi32, #tpu.memory_space<vmem>> -> memref<128xi32, #tpu.memory_space<vmem>>
    %dma_wait3A_1210 = tpu.memref_slice %arg6[%add3A_132] : memref<16384xi32, #tpu.memory_space<hbm>> -> memref<128xi32, #tpu.memory_space<hbm>>
    %dma_wait3A_1211 = arith.constant 0 : i32
    %dma_wait3A_1212 = tpu.memref_slice %arg11[%dma_wait3A_1205, %dma_wait3A_1206, %dma_wait3A_1211] : memref<2x6x128xi32, #tpu.memory_space<vmem>> -> memref<1x1x128xi32, #tpu.memory_space<vmem>>
    %dma_wait3A_1213 = tpu.memref_squeeze %dma_wait3A_1212 : memref<1x1x128xi32, #tpu.memory_space<vmem>> -> memref<128xi32, #tpu.memory_space<vmem>>
    %dma_wait3A_1214 = tpu.memref_slice %arg6[%add3A_132] : memref<16384xi32, #tpu.memory_space<hbm>> -> memref<128xi32, #tpu.memory_space<hbm>>
    tpu.wait_dma2 semaphore(%arg15 : memref<!tpu.dma_semaphore, #tpu.memory_space<semaphore_mem>>) src(%dma_wait3A_1214 : memref<128xi32, #tpu.memory_space<hbm>>) dst(%dma_wait3A_1213 : memref<128xi32, #tpu.memory_space<vmem>>)
    %dma_wait3A_1215 = arith.constant 1 : i32
    %dma_wait3A_1216 = arith.constant 5 : i32
    %dma_wait3A_1217 = arith.constant 0 : i32
    %dma_wait3A_1218 = tpu.memref_slice %arg11[%dma_wait3A_1215, %dma_wait3A_1216, %dma_wait3A_1217] : memref<2x6x128xi32, #tpu.memory_space<vmem>> -> memref<1x1x128xi32, #tpu.memory_space<vmem>>
    %dma_wait3A_1219 = tpu.memref_squeeze %dma_wait3A_1218 : memref<1x1x128xi32, #tpu.memory_space<vmem>> -> memref<128xi32, #tpu.memory_space<vmem>>
    %dma_wait3A_1220 = tpu.memref_slice %arg7[%add3A_132] : memref<16384xi32, #tpu.memory_space<hbm>> -> memref<128xi32, #tpu.memory_space<hbm>>
    %dma_wait3A_1221 = arith.constant 0 : i32
    %dma_wait3A_1222 = tpu.memref_slice %arg11[%dma_wait3A_1215, %dma_wait3A_1216, %dma_wait3A_1221] : memref<2x6x128xi32, #tpu.memory_space<vmem>> -> memref<1x1x128xi32, #tpu.memory_space<vmem>>
    %dma_wait3A_1223 = tpu.memref_squeeze %dma_wait3A_1222 : memref<1x1x128xi32, #tpu.memory_space<vmem>> -> memref<128xi32, #tpu.memory_space<vmem>>
    %dma_wait3A_1224 = tpu.memref_slice %arg7[%add3A_132] : memref<16384xi32, #tpu.memory_space<hbm>> -> memref<128xi32, #tpu.memory_space<hbm>>
    tpu.wait_dma2 semaphore(%arg15 : memref<!tpu.dma_semaphore, #tpu.memory_space<semaphore_mem>>) src(%dma_wait3A_1224 : memref<128xi32, #tpu.memory_space<hbm>>) dst(%dma_wait3A_1223 : memref<128xi32, #tpu.memory_space<vmem>>)
    %add3A_1225 = arith.constant 256 : i32
    %add3A_1226 = arith.addi %mul3A_2, %add3A_1225 : i32
    %dma_start3A_1227 = arith.constant 0 : i32
    %dma_start3A_1228 = arith.constant 0 : i32
    %dma_start3A_1229 = arith.constant 0 : i32
    %dma_start3A_1230 = tpu.memref_slice %arg11[%dma_start3A_1227, %dma_start3A_1228, %dma_start3A_1229] : memref<2x6x128xi32, #tpu.memory_space<vmem>> -> memref<1x1x128xi32, #tpu.memory_space<vmem>>
    %dma_start3A_1231 = tpu.memref_squeeze %dma_start3A_1230 : memref<1x1x128xi32, #tpu.memory_space<vmem>> -> memref<128xi32, #tpu.memory_space<vmem>>
    %dma_start3A_1232 = tpu.memref_slice %arg2[%add3A_1226] : memref<16384xi32, #tpu.memory_space<hbm>> -> memref<128xi32, #tpu.memory_space<hbm>>
    %dma_start3A_1233 = arith.constant 0 : i32
    %dma_start3A_1234 = tpu.memref_slice %arg11[%dma_start3A_1227, %dma_start3A_1228, %dma_start3A_1233] : memref<2x6x128xi32, #tpu.memory_space<vmem>> -> memref<1x1x128xi32, #tpu.memory_space<vmem>>
    %dma_start3A_1235 = tpu.memref_squeeze %dma_start3A_1234 : memref<1x1x128xi32, #tpu.memory_space<vmem>> -> memref<128xi32, #tpu.memory_space<vmem>>
    %dma_start3A_1236 = tpu.memref_slice %arg2[%add3A_1226] : memref<16384xi32, #tpu.memory_space<hbm>> -> memref<128xi32, #tpu.memory_space<hbm>>
    tpu.enqueue_dma source(%dma_start3A_1236 : memref<128xi32, #tpu.memory_space<hbm>>) target(%dma_start3A_1235 : memref<128xi32, #tpu.memory_space<vmem>>) target_semaphore(%arg15 : memref<!tpu.dma_semaphore, #tpu.memory_space<semaphore_mem>>)
    %dma_start3A_1237 = arith.constant 0 : i32
    %dma_start3A_1238 = arith.constant 1 : i32
    %dma_start3A_1239 = arith.constant 0 : i32
    %dma_start3A_1240 = tpu.memref_slice %arg11[%dma_start3A_1237, %dma_start3A_1238, %dma_start3A_1239] : memref<2x6x128xi32, #tpu.memory_space<vmem>> -> memref<1x1x128xi32, #tpu.memory_space<vmem>>
    %dma_start3A_1241 = tpu.memref_squeeze %dma_start3A_1240 : memref<1x1x128xi32, #tpu.memory_space<vmem>> -> memref<128xi32, #tpu.memory_space<vmem>>
    %dma_start3A_1242 = tpu.memref_slice %arg3[%add3A_1226] : memref<16384xi32, #tpu.memory_space<hbm>> -> memref<128xi32, #tpu.memory_space<hbm>>
    %dma_start3A_1243 = arith.constant 0 : i32
    %dma_start3A_1244 = tpu.memref_slice %arg11[%dma_start3A_1237, %dma_start3A_1238, %dma_start3A_1243] : memref<2x6x128xi32, #tpu.memory_space<vmem>> -> memref<1x1x128xi32, #tpu.memory_space<vmem>>
    %dma_start3A_1245 = tpu.memref_squeeze %dma_start3A_1244 : memref<1x1x128xi32, #tpu.memory_space<vmem>> -> memref<128xi32, #tpu.memory_space<vmem>>
    %dma_start3A_1246 = tpu.memref_slice %arg3[%add3A_1226] : memref<16384xi32, #tpu.memory_space<hbm>> -> memref<128xi32, #tpu.memory_space<hbm>>
    tpu.enqueue_dma source(%dma_start3A_1246 : memref<128xi32, #tpu.memory_space<hbm>>) target(%dma_start3A_1245 : memref<128xi32, #tpu.memory_space<vmem>>) target_semaphore(%arg15 : memref<!tpu.dma_semaphore, #tpu.memory_space<semaphore_mem>>)
    %dma_start3A_1247 = arith.constant 0 : i32
    %dma_start3A_1248 = arith.constant 2 : i32
    %dma_start3A_1249 = arith.constant 0 : i32
    %dma_start3A_1250 = tpu.memref_slice %arg11[%dma_start3A_1247, %dma_start3A_1248, %dma_start3A_1249] : memref<2x6x128xi32, #tpu.memory_space<vmem>> -> memref<1x1x128xi32, #tpu.memory_space<vmem>>
    %dma_start3A_1251 = tpu.memref_squeeze %dma_start3A_1250 : memref<1x1x128xi32, #tpu.memory_space<vmem>> -> memref<128xi32, #tpu.memory_space<vmem>>
    %dma_start3A_1252 = tpu.memref_slice %arg4[%add3A_1226] : memref<16384xi32, #tpu.memory_space<hbm>> -> memref<128xi32, #tpu.memory_space<hbm>>
    %dma_start3A_1253 = arith.constant 0 : i32
    %dma_start3A_1254 = tpu.memref_slice %arg11[%dma_start3A_1247, %dma_start3A_1248, %dma_start3A_1253] : memref<2x6x128xi32, #tpu.memory_space<vmem>> -> memref<1x1x128xi32, #tpu.memory_space<vmem>>
    %dma_start3A_1255 = tpu.memref_squeeze %dma_start3A_1254 : memref<1x1x128xi32, #tpu.memory_space<vmem>> -> memref<128xi32, #tpu.memory_space<vmem>>
    %dma_start3A_1256 = tpu.memref_slice %arg4[%add3A_1226] : memref<16384xi32, #tpu.memory_space<hbm>> -> memref<128xi32, #tpu.memory_space<hbm>>
    tpu.enqueue_dma source(%dma_start3A_1256 : memref<128xi32, #tpu.memory_space<hbm>>) target(%dma_start3A_1255 : memref<128xi32, #tpu.memory_space<vmem>>) target_semaphore(%arg15 : memref<!tpu.dma_semaphore, #tpu.memory_space<semaphore_mem>>)
    %dma_start3A_1257 = arith.constant 0 : i32
    %dma_start3A_1258 = arith.constant 3 : i32
    %dma_start3A_1259 = arith.constant 0 : i32
    %dma_start3A_1260 = tpu.memref_slice %arg11[%dma_start3A_1257, %dma_start3A_1258, %dma_start3A_1259] : memref<2x6x128xi32, #tpu.memory_space<vmem>> -> memref<1x1x128xi32, #tpu.memory_space<vmem>>
    %dma_start3A_1261 = tpu.memref_squeeze %dma_start3A_1260 : memref<1x1x128xi32, #tpu.memory_space<vmem>> -> memref<128xi32, #tpu.memory_space<vmem>>
    %dma_start3A_1262 = tpu.memref_slice %arg5[%add3A_1226] : memref<16384xi32, #tpu.memory_space<hbm>> -> memref<128xi32, #tpu.memory_space<hbm>>
    %dma_start3A_1263 = arith.constant 0 : i32
    %dma_start3A_1264 = tpu.memref_slice %arg11[%dma_start3A_1257, %dma_start3A_1258, %dma_start3A_1263] : memref<2x6x128xi32, #tpu.memory_space<vmem>> -> memref<1x1x128xi32, #tpu.memory_space<vmem>>
    %dma_start3A_1265 = tpu.memref_squeeze %dma_start3A_1264 : memref<1x1x128xi32, #tpu.memory_space<vmem>> -> memref<128xi32, #tpu.memory_space<vmem>>
    %dma_start3A_1266 = tpu.memref_slice %arg5[%add3A_1226] : memref<16384xi32, #tpu.memory_space<hbm>> -> memref<128xi32, #tpu.memory_space<hbm>>
    tpu.enqueue_dma source(%dma_start3A_1266 : memref<128xi32, #tpu.memory_space<hbm>>) target(%dma_start3A_1265 : memref<128xi32, #tpu.memory_space<vmem>>) target_semaphore(%arg15 : memref<!tpu.dma_semaphore, #tpu.memory_space<semaphore_mem>>)
    %dma_start3A_1267 = arith.constant 0 : i32
    %dma_start3A_1268 = arith.constant 4 : i32
    %dma_start3A_1269 = arith.constant 0 : i32
    %dma_start3A_1270 = tpu.memref_slice %arg11[%dma_start3A_1267, %dma_start3A_1268, %dma_start3A_1269] : memref<2x6x128xi32, #tpu.memory_space<vmem>> -> memref<1x1x128xi32, #tpu.memory_space<vmem>>
    %dma_start3A_1271 = tpu.memref_squeeze %dma_start3A_1270 : memref<1x1x128xi32, #tpu.memory_space<vmem>> -> memref<128xi32, #tpu.memory_space<vmem>>
    %dma_start3A_1272 = tpu.memref_slice %arg6[%add3A_1226] : memref<16384xi32, #tpu.memory_space<hbm>> -> memref<128xi32, #tpu.memory_space<hbm>>
    %dma_start3A_1273 = arith.constant 0 : i32
    %dma_start3A_1274 = tpu.memref_slice %arg11[%dma_start3A_1267, %dma_start3A_1268, %dma_start3A_1273] : memref<2x6x128xi32, #tpu.memory_space<vmem>> -> memref<1x1x128xi32, #tpu.memory_space<vmem>>
    %dma_start3A_1275 = tpu.memref_squeeze %dma_start3A_1274 : memref<1x1x128xi32, #tpu.memory_space<vmem>> -> memref<128xi32, #tpu.memory_space<vmem>>
    %dma_start3A_1276 = tpu.memref_slice %arg6[%add3A_1226] : memref<16384xi32, #tpu.memory_space<hbm>> -> memref<128xi32, #tpu.memory_space<hbm>>
    tpu.enqueue_dma source(%dma_start3A_1276 : memref<128xi32, #tpu.memory_space<hbm>>) target(%dma_start3A_1275 : memref<128xi32, #tpu.memory_space<vmem>>) target_semaphore(%arg15 : memref<!tpu.dma_semaphore, #tpu.memory_space<semaphore_mem>>)
    %dma_start3A_1277 = arith.constant 0 : i32
    %dma_start3A_1278 = arith.constant 5 : i32
    %dma_start3A_1279 = arith.constant 0 : i32
    %dma_start3A_1280 = tpu.memref_slice %arg11[%dma_start3A_1277, %dma_start3A_1278, %dma_start3A_1279] : memref<2x6x128xi32, #tpu.memory_space<vmem>> -> memref<1x1x128xi32, #tpu.memory_space<vmem>>
    %dma_start3A_1281 = tpu.memref_squeeze %dma_start3A_1280 : memref<1x1x128xi32, #tpu.memory_space<vmem>> -> memref<128xi32, #tpu.memory_space<vmem>>
    %dma_start3A_1282 = tpu.memref_slice %arg7[%add3A_1226] : memref<16384xi32, #tpu.memory_space<hbm>> -> memref<128xi32, #tpu.memory_space<hbm>>
    %dma_start3A_1283 = arith.constant 0 : i32
    %dma_start3A_1284 = tpu.memref_slice %arg11[%dma_start3A_1277, %dma_start3A_1278, %dma_start3A_1283] : memref<2x6x128xi32, #tpu.memory_space<vmem>> -> memref<1x1x128xi32, #tpu.memory_space<vmem>>
    %dma_start3A_1285 = tpu.memref_squeeze %dma_start3A_1284 : memref<1x1x128xi32, #tpu.memory_space<vmem>> -> memref<128xi32, #tpu.memory_space<vmem>>
    %dma_start3A_1286 = tpu.memref_slice %arg7[%add3A_1226] : memref<16384xi32, #tpu.memory_space<hbm>> -> memref<128xi32, #tpu.memory_space<hbm>>
    tpu.enqueue_dma source(%dma_start3A_1286 : memref<128xi32, #tpu.memory_space<hbm>>) target(%dma_start3A_1285 : memref<128xi32, #tpu.memory_space<vmem>>) target_semaphore(%arg15 : memref<!tpu.dma_semaphore, #tpu.memory_space<semaphore_mem>>)
    %get3A_1287 = arith.constant 1 : i32
    %get3A_1288 = arith.constant 1 : i32
    %get3A_1289 = arith.index_cast %get3A_1287 : i32 to index
    %get3A_1290 = arith.index_cast %get3A_1288 : i32 to index
    %get3A_1291 = arith.constant 0 : index
    %get3A_1292 = tpu.vector_load %arg11[%get3A_1289, %get3A_1290, %get3A_1291] {strides = array<i32>} : memref<2x6x128xi32, #tpu.memory_space<vmem>>, vector<1x1x16xi32>,
    %get3A_1293 = vector.shape_cast %get3A_1292 : vector<1x1x16xi32> to vector<16xi32>
    %add3A_1294 = arith.constant 235 : i32
    %add3A_1295 = vector.broadcast %add3A_1294 : i32 to vector<16xi32>
    %add3A_1296 = arith.addi %get3A_1293, %add3A_1295 : vector<16xi32>
    %swap3A_1297 = arith.constant 1 : i32
    %swap3A_1298 = arith.constant 1 : i32
    %swap3A_1299 = arith.index_cast %swap3A_1297 : i32 to index
    %swap3A_1300 = arith.index_cast %swap3A_1298 : i32 to index
    %swap3A_1301 = arith.constant 0 : index
    %swap3A_1302 = tpu.vector_load %arg11[%swap3A_1299, %swap3A_1300, %swap3A_1301] {strides = array<i32>} : memref<2x6x128xi32, #tpu.memory_space<vmem>>, vector<1x1x16xi32>,
    %swap3A_1303 = vector.shape_cast %swap3A_1302 : vector<1x1x16xi32> to vector<16xi32>
    %swap3A_1304 = vector.shape_cast %add3A_1296 : vector<16xi32> to vector<1x1x16xi32>
    tpu.vector_store %arg11[%swap3A_1299, %swap3A_1300, %swap3A_1301], %swap3A_1304 {strides = array<i32>} : memref<2x6x128xi32, #tpu.memory_space<vmem>>, vector<1x1x16xi32>,
    %get3A_1305 = arith.constant 1 : i32
    %get3A_1306 = arith.constant 1 : i32
    %get3A_1307 = arith.index_cast %get3A_1305 : i32 to index
    %get3A_1308 = arith.index_cast %get3A_1306 : i32 to index
    %get3A_1309 = arith.constant 16 : index
    %get3A_1310 = tpu.vector_load %arg11[%get3A_1307, %get3A_1308, %get3A_1309] {strides = array<i32>} : memref<2x6x128xi32, #tpu.memory_space<vmem>>, vector<1x1x16xi32>,
    %get3A_1311 = vector.shape_cast %get3A_1310 : vector<1x1x16xi32> to vector<16xi32>
    %add3A_1312 = arith.constant 235 : i32
    %add3A_1313 = vector.broadcast %add3A_1312 : i32 to vector<16xi32>
    %add3A_1314 = arith.addi %get3A_1311, %add3A_1313 : vector<16xi32>
    %swap3A_1315 = arith.constant 1 : i32
    %swap3A_1316 = arith.constant 1 : i32
    %swap3A_1317 = arith.index_cast %swap3A_1315 : i32 to index
    %swap3A_1318 = arith.index_cast %swap3A_1316 : i32 to index
    %swap3A_1319 = arith.constant 16 : index
    %swap3A_1320 = tpu.vector_load %arg11[%swap3A_1317, %swap3A_1318, %swap3A_1319] {strides = array<i32>} : memref<2x6x128xi32, #tpu.memory_space<vmem>>, vector<1x1x16xi32>,
    %swap3A_1321 = vector.shape_cast %swap3A_1320 : vector<1x1x16xi32> to vector<16xi32>
    %swap3A_1322 = vector.shape_cast %add3A_1314 : vector<16xi32> to vector<1x1x16xi32>
    tpu.vector_store %arg11[%swap3A_1317, %swap3A_1318, %swap3A_1319], %swap3A_1322 {strides = array<i32>} : memref<2x6x128xi32, #tpu.memory_space<vmem>>, vector<1x1x16xi32>,
    %get3A_1323 = arith.constant 1 : i32
    %get3A_1324 = arith.constant 1 : i32
    %get3A_1325 = arith.index_cast %get3A_1323 : i32 to index
    %get3A_1326 = arith.index_cast %get3A_1324 : i32 to index
    %get3A_1327 = arith.constant 32 : index
    %get3A_1328 = tpu.vector_load %arg11[%get3A_1325, %get3A_1326, %get3A_1327] {strides = array<i32>} : memref<2x6x128xi32, #tpu.memory_space<vmem>>, vector<1x1x16xi32>,
    %get3A_1329 = vector.shape_cast %get3A_1328 : vector<1x1x16xi32> to vector<16xi32>
    %add3A_1330 = arith.constant 235 : i32
    %add3A_1331 = vector.broadcast %add3A_1330 : i32 to vector<16xi32>
    %add3A_1332 = arith.addi %get3A_1329, %add3A_1331 : vector<16xi32>
    %swap3A_1333 = arith.constant 1 : i32
    %swap3A_1334 = arith.constant 1 : i32
    %swap3A_1335 = arith.index_cast %swap3A_1333 : i32 to index
    %swap3A_1336 = arith.index_cast %swap3A_1334 : i32 to index
    %swap3A_1337 = arith.constant 32 : index
    %swap3A_1338 = tpu.vector_load %arg11[%swap3A_1335, %swap3A_1336, %swap3A_1337] {strides = array<i32>} : memref<2x6x128xi32, #tpu.memory_space<vmem>>, vector<1x1x16xi32>,
    %swap3A_1339 = vector.shape_cast %swap3A_1338 : vector<1x1x16xi32> to vector<16xi32>
    %swap3A_1340 = vector.shape_cast %add3A_1332 : vector<16xi32> to vector<1x1x16xi32>
    tpu.vector_store %arg11[%swap3A_1335, %swap3A_1336, %swap3A_1337], %swap3A_1340 {strides = array<i32>} : memref<2x6x128xi32, #tpu.memory_space<vmem>>, vector<1x1x16xi32>,
    %get3A_1341 = arith.constant 1 : i32
    %get3A_1342 = arith.constant 1 : i32
    %get3A_1343 = arith.index_cast %get3A_1341 : i32 to index
    %get3A_1344 = arith.index_cast %get3A_1342 : i32 to index
    %get3A_1345 = arith.constant 48 : index
    %get3A_1346 = tpu.vector_load %arg11[%get3A_1343, %get3A_1344, %get3A_1345] {strides = array<i32>} : memref<2x6x128xi32, #tpu.memory_space<vmem>>, vector<1x1x16xi32>,
    %get3A_1347 = vector.shape_cast %get3A_1346 : vector<1x1x16xi32> to vector<16xi32>
    %add3A_1348 = arith.constant 235 : i32
    %add3A_1349 = vector.broadcast %add3A_1348 : i32 to vector<16xi32>
    %add3A_1350 = arith.addi %get3A_1347, %add3A_1349 : vector<16xi32>
    %swap3A_1351 = arith.constant 1 : i32
    %swap3A_1352 = arith.constant 1 : i32
    %swap3A_1353 = arith.index_cast %swap3A_1351 : i32 to index
    %swap3A_1354 = arith.index_cast %swap3A_1352 : i32 to index
    %swap3A_1355 = arith.constant 48 : index
    %swap3A_1356 = tpu.vector_load %arg11[%swap3A_1353, %swap3A_1354, %swap3A_1355] {strides = array<i32>} : memref<2x6x128xi32, #tpu.memory_space<vmem>>, vector<1x1x16xi32>,
    %swap3A_1357 = vector.shape_cast %swap3A_1356 : vector<1x1x16xi32> to vector<16xi32>
    %swap3A_1358 = vector.shape_cast %add3A_1350 : vector<16xi32> to vector<1x1x16xi32>
    tpu.vector_store %arg11[%swap3A_1353, %swap3A_1354, %swap3A_1355], %swap3A_1358 {strides = array<i32>} : memref<2x6x128xi32, #tpu.memory_space<vmem>>, vector<1x1x16xi32>,
    %get3A_1359 = arith.constant 1 : i32
    %get3A_1360 = arith.constant 1 : i32
    %get3A_1361 = arith.index_cast %get3A_1359 : i32 to index
    %get3A_1362 = arith.index_cast %get3A_1360 : i32 to index
    %get3A_1363 = arith.constant 64 : index
    %get3A_1364 = tpu.vector_load %arg11[%get3A_1361, %get3A_1362, %get3A_1363] {strides = array<i32>} : memref<2x6x128xi32, #tpu.memory_space<vmem>>, vector<1x1x16xi32>,
    %get3A_1365 = vector.shape_cast %get3A_1364 : vector<1x1x16xi32> to vector<16xi32>
    %add3A_1366 = arith.constant 235 : i32
    %add3A_1367 = vector.broadcast %add3A_1366 : i32 to vector<16xi32>
    %add3A_1368 = arith.addi %get3A_1365, %add3A_1367 : vector<16xi32>
    %swap3A_1369 = arith.constant 1 : i32
    %swap3A_1370 = arith.constant 1 : i32
    %swap3A_1371 = arith.index_cast %swap3A_1369 : i32 to index
    %swap3A_1372 = arith.index_cast %swap3A_1370 : i32 to index
    %swap3A_1373 = arith.constant 64 : index
    %swap3A_1374 = tpu.vector_load %arg11[%swap3A_1371, %swap3A_1372, %swap3A_1373] {strides = array<i32>} : memref<2x6x128xi32, #tpu.memory_space<vmem>>, vector<1x1x16xi32>,
    %swap3A_1375 = vector.shape_cast %swap3A_1374 : vector<1x1x16xi32> to vector<16xi32>
    %swap3A_1376 = vector.shape_cast %add3A_1368 : vector<16xi32> to vector<1x1x16xi32>
    tpu.vector_store %arg11[%swap3A_1371, %swap3A_1372, %swap3A_1373], %swap3A_1376 {strides = array<i32>} : memref<2x6x128xi32, #tpu.memory_space<vmem>>, vector<1x1x16xi32>,
    %get3A_1377 = arith.constant 1 : i32
    %get3A_1378 = arith.constant 1 : i32
    %get3A_1379 = arith.index_cast %get3A_1377 : i32 to index
    %get3A_1380 = arith.index_cast %get3A_1378 : i32 to index
    %get3A_1381 = arith.constant 80 : index
    %get3A_1382 = tpu.vector_load %arg11[%get3A_1379, %get3A_1380, %get3A_1381] {strides = array<i32>} : memref<2x6x128xi32, #tpu.memory_space<vmem>>, vector<1x1x16xi32>,
    %get3A_1383 = vector.shape_cast %get3A_1382 : vector<1x1x16xi32> to vector<16xi32>
    %add3A_1384 = arith.constant 235 : i32
    %add3A_1385 = vector.broadcast %add3A_1384 : i32 to vector<16xi32>
    %add3A_1386 = arith.addi %get3A_1383, %add3A_1385 : vector<16xi32>
    %swap3A_1387 = arith.constant 1 : i32
    %swap3A_1388 = arith.constant 1 : i32
    %swap3A_1389 = arith.index_cast %swap3A_1387 : i32 to index
    %swap3A_1390 = arith.index_cast %swap3A_1388 : i32 to index
    %swap3A_1391 = arith.constant 80 : index
    %swap3A_1392 = tpu.vector_load %arg11[%swap3A_1389, %swap3A_1390, %swap3A_1391] {strides = array<i32>} : memref<2x6x128xi32, #tpu.memory_space<vmem>>, vector<1x1x16xi32>,
    %swap3A_1393 = vector.shape_cast %swap3A_1392 : vector<1x1x16xi32> to vector<16xi32>
    %swap3A_1394 = vector.shape_cast %add3A_1386 : vector<16xi32> to vector<1x1x16xi32>
    tpu.vector_store %arg11[%swap3A_1389, %swap3A_1390, %swap3A_1391], %swap3A_1394 {strides = array<i32>} : memref<2x6x128xi32, #tpu.memory_space<vmem>>, vector<1x1x16xi32>,
    %get3A_1395 = arith.constant 1 : i32
    %get3A_1396 = arith.constant 1 : i32
    %get3A_1397 = arith.index_cast %get3A_1395 : i32 to index
    %get3A_1398 = arith.index_cast %get3A_1396 : i32 to index
    %get3A_1399 = arith.constant 96 : index
    %get3A_1400 = tpu.vector_load %arg11[%get3A_1397, %get3A_1398, %get3A_1399] {strides = array<i32>} : memref<2x6x128xi32, #tpu.memory_space<vmem>>, vector<1x1x16xi32>,
    %get3A_1401 = vector.shape_cast %get3A_1400 : vector<1x1x16xi32> to vector<16xi32>
    %add3A_1402 = arith.constant 235 : i32
    %add3A_1403 = vector.broadcast %add3A_1402 : i32 to vector<16xi32>
    %add3A_1404 = arith.addi %get3A_1401, %add3A_1403 : vector<16xi32>
    %swap3A_1405 = arith.constant 1 : i32
    %swap3A_1406 = arith.constant 1 : i32
    %swap3A_1407 = arith.index_cast %swap3A_1405 : i32 to index
    %swap3A_1408 = arith.index_cast %swap3A_1406 : i32 to index
    %swap3A_1409 = arith.constant 96 : index
    %swap3A_1410 = tpu.vector_load %arg11[%swap3A_1407, %swap3A_1408, %swap3A_1409] {strides = array<i32>} : memref<2x6x128xi32, #tpu.memory_space<vmem>>, vector<1x1x16xi32>,
    %swap3A_1411 = vector.shape_cast %swap3A_1410 : vector<1x1x16xi32> to vector<16xi32>
    %swap3A_1412 = vector.shape_cast %add3A_1404 : vector<16xi32> to vector<1x1x16xi32>
    tpu.vector_store %arg11[%swap3A_1407, %swap3A_1408, %swap3A_1409], %swap3A_1412 {strides = array<i32>} : memref<2x6x128xi32, #tpu.memory_space<vmem>>, vector<1x1x16xi32>,
    %get3A_1413 = arith.constant 1 : i32
    %get3A_1414 = arith.constant 1 : i32
    %get3A_1415 = arith.index_cast %get3A_1413 : i32 to index
    %get3A_1416 = arith.index_cast %get3A_1414 : i32 to index
    %get3A_1417 = arith.constant 112 : index
    %get3A_1418 = tpu.vector_load %arg11[%get3A_1415, %get3A_1416, %get3A_1417] {strides = array<i32>} : memref<2x6x128xi32, #tpu.memory_space<vmem>>, vector<1x1x16xi32>,
    %get3A_1419 = vector.shape_cast %get3A_1418 : vector<1x1x16xi32> to vector<16xi32>
    %add3A_1420 = arith.constant 235 : i32
    %add3A_1421 = vector.broadcast %add3A_1420 : i32 to vector<16xi32>
    %add3A_1422 = arith.addi %get3A_1419, %add3A_1421 : vector<16xi32>
    %swap3A_1423 = arith.constant 1 : i32
    %swap3A_1424 = arith.constant 1 : i32
    %swap3A_1425 = arith.index_cast %swap3A_1423 : i32 to index
    %swap3A_1426 = arith.index_cast %swap3A_1424 : i32 to index
    %swap3A_1427 = arith.constant 112 : index
    %swap3A_1428 = tpu.vector_load %arg11[%swap3A_1425, %swap3A_1426, %swap3A_1427] {strides = array<i32>} : memref<2x6x128xi32, #tpu.memory_space<vmem>>, vector<1x1x16xi32>,
    %swap3A_1429 = vector.shape_cast %swap3A_1428 : vector<1x1x16xi32> to vector<16xi32>
    %swap3A_1430 = vector.shape_cast %add3A_1422 : vector<16xi32> to vector<1x1x16xi32>
    tpu.vector_store %arg11[%swap3A_1425, %swap3A_1426, %swap3A_1427], %swap3A_1430 {strides = array<i32>} : memref<2x6x128xi32, #tpu.memory_space<vmem>>, vector<1x1x16xi32>,
    %get3A_1431 = arith.constant 1 : i32
    %get3A_1432 = arith.constant 2 : i32
    %get3A_1433 = arith.index_cast %get3A_1431 : i32 to index
    %get3A_1434 = arith.index_cast %get3A_1432 : i32 to index
    %get3A_1435 = arith.constant 0 : index
    %get3A_1436 = tpu.vector_load %arg11[%get3A_1433, %get3A_1434, %get3A_1435] {strides = array<i32>} : memref<2x6x128xi32, #tpu.memory_space<vmem>>, vector<1x1x16xi32>,
    %get3A_1437 = vector.shape_cast %get3A_1436 : vector<1x1x16xi32> to vector<16xi32>
    %add3A_1438 = arith.constant 237 : i32
    %add3A_1439 = vector.broadcast %add3A_1438 : i32 to vector<16xi32>
    %add3A_1440 = arith.addi %get3A_1437, %add3A_1439 : vector<16xi32>
    %swap3A_1441 = arith.constant 1 : i32
    %swap3A_1442 = arith.constant 2 : i32
    %swap3A_1443 = arith.index_cast %swap3A_1441 : i32 to index
    %swap3A_1444 = arith.index_cast %swap3A_1442 : i32 to index
    %swap3A_1445 = arith.constant 0 : index
    %swap3A_1446 = tpu.vector_load %arg11[%swap3A_1443, %swap3A_1444, %swap3A_1445] {strides = array<i32>} : memref<2x6x128xi32, #tpu.memory_space<vmem>>, vector<1x1x16xi32>,
    %swap3A_1447 = vector.shape_cast %swap3A_1446 : vector<1x1x16xi32> to vector<16xi32>
    %swap3A_1448 = vector.shape_cast %add3A_1440 : vector<16xi32> to vector<1x1x16xi32>
    tpu.vector_store %arg11[%swap3A_1443, %swap3A_1444, %swap3A_1445], %swap3A_1448 {strides = array<i32>} : memref<2x6x128xi32, #tpu.memory_space<vmem>>, vector<1x1x16xi32>,
    %get3A_1449 = arith.constant 1 : i32
    %get3A_1450 = arith.constant 2 : i32
    %get3A_1451 = arith.index_cast %get3A_1449 : i32 to index
    %get3A_1452 = arith.index_cast %get3A_1450 : i32 to index
    %get3A_1453 = arith.constant 16 : index
    %get3A_1454 = tpu.vector_load %arg11[%get3A_1451, %get3A_1452, %get3A_1453] {strides = array<i32>} : memref<2x6x128xi32, #tpu.memory_space<vmem>>, vector<1x1x16xi32>,
    %get3A_1455 = vector.shape_cast %get3A_1454 : vector<1x1x16xi32> to vector<16xi32>
    %add3A_1456 = arith.constant 237 : i32
    %add3A_1457 = vector.broadcast %add3A_1456 : i32 to vector<16xi32>
    %add3A_1458 = arith.addi %get3A_1455, %add3A_1457 : vector<16xi32>
    %swap3A_1459 = arith.constant 1 : i32
    %swap3A_1460 = arith.constant 2 : i32
    %swap3A_1461 = arith.index_cast %swap3A_1459 : i32 to index
    %swap3A_1462 = arith.index_cast %swap3A_1460 : i32 to index
    %swap3A_1463 = arith.constant 16 : index
    %swap3A_1464 = tpu.vector_load %arg11[%swap3A_1461, %swap3A_1462, %swap3A_1463] {strides = array<i32>} : memref<2x6x128xi32, #tpu.memory_space<vmem>>, vector<1x1x16xi32>,
    %swap3A_1465 = vector.shape_cast %swap3A_1464 : vector<1x1x16xi32> to vector<16xi32>
    %swap3A_1466 = vector.shape_cast %add3A_1458 : vector<16xi32> to vector<1x1x16xi32>
    tpu.vector_store %arg11[%swap3A_1461, %swap3A_1462, %swap3A_1463], %swap3A_1466 {strides = array<i32>} : memref<2x6x128xi32, #tpu.memory_space<vmem>>, vector<1x1x16xi32>,
    %get3A_1467 = arith.constant 1 : i32
    %get3A_1468 = arith.constant 2 : i32
    %get3A_1469 = arith.index_cast %get3A_1467 : i32 to index
    %get3A_1470 = arith.index_cast %get3A_1468 : i32 to index
    %get3A_1471 = arith.constant 32 : index
    %get3A_1472 = tpu.vector_load %arg11[%get3A_1469, %get3A_1470, %get3A_1471] {strides = array<i32>} : memref<2x6x128xi32, #tpu.memory_space<vmem>>, vector<1x1x16xi32>,
    %get3A_1473 = vector.shape_cast %get3A_1472 : vector<1x1x16xi32> to vector<16xi32>
    %add3A_1474 = arith.constant 237 : i32
    %add3A_1475 = vector.broadcast %add3A_1474 : i32 to vector<16xi32>
    %add3A_1476 = arith.addi %get3A_1473, %add3A_1475 : vector<16xi32>
    %swap3A_1477 = arith.constant 1 : i32
    %swap3A_1478 = arith.constant 2 : i32
    %swap3A_1479 = arith.index_cast %swap3A_1477 : i32 to index
    %swap3A_1480 = arith.index_cast %swap3A_1478 : i32 to index
    %swap3A_1481 = arith.constant 32 : index
    %swap3A_1482 = tpu.vector_load %arg11[%swap3A_1479, %swap3A_1480, %swap3A_1481] {strides = array<i32>} : memref<2x6x128xi32, #tpu.memory_space<vmem>>, vector<1x1x16xi32>,
    %swap3A_1483 = vector.shape_cast %swap3A_1482 : vector<1x1x16xi32> to vector<16xi32>
    %swap3A_1484 = vector.shape_cast %add3A_1476 : vector<16xi32> to vector<1x1x16xi32>
    tpu.vector_store %arg11[%swap3A_1479, %swap3A_1480, %swap3A_1481], %swap3A_1484 {strides = array<i32>} : memref<2x6x128xi32, #tpu.memory_space<vmem>>, vector<1x1x16xi32>,
    %get3A_1485 = arith.constant 1 : i32
    %get3A_1486 = arith.constant 2 : i32
    %get3A_1487 = arith.index_cast %get3A_1485 : i32 to index
    %get3A_1488 = arith.index_cast %get3A_1486 : i32 to index
    %get3A_1489 = arith.constant 48 : index
    %get3A_1490 = tpu.vector_load %arg11[%get3A_1487, %get3A_1488, %get3A_1489] {strides = array<i32>} : memref<2x6x128xi32, #tpu.memory_space<vmem>>, vector<1x1x16xi32>,
    %get3A_1491 = vector.shape_cast %get3A_1490 : vector<1x1x16xi32> to vector<16xi32>
    %add3A_1492 = arith.constant 237 : i32
    %add3A_1493 = vector.broadcast %add3A_1492 : i32 to vector<16xi32>
    %add3A_1494 = arith.addi %get3A_1491, %add3A_1493 : vector<16xi32>
    %swap3A_1495 = arith.constant 1 : i32
    %swap3A_1496 = arith.constant 2 : i32
    %swap3A_1497 = arith.index_cast %swap3A_1495 : i32 to index
    %swap3A_1498 = arith.index_cast %swap3A_1496 : i32 to index
    %swap3A_1499 = arith.constant 48 : index
    %swap3A_1500 = tpu.vector_load %arg11[%swap3A_1497, %swap3A_1498, %swap3A_1499] {strides = array<i32>} : memref<2x6x128xi32, #tpu.memory_space<vmem>>, vector<1x1x16xi32>,
    %swap3A_1501 = vector.shape_cast %swap3A_1500 : vector<1x1x16xi32> to vector<16xi32>
    %swap3A_1502 = vector.shape_cast %add3A_1494 : vector<16xi32> to vector<1x1x16xi32>
    tpu.vector_store %arg11[%swap3A_1497, %swap3A_1498, %swap3A_1499], %swap3A_1502 {strides = array<i32>} : memref<2x6x128xi32, #tpu.memory_space<vmem>>, vector<1x1x16xi32>,
    %get3A_1503 = arith.constant 1 : i32
    %get3A_1504 = arith.constant 2 : i32
    %get3A_1505 = arith.index_cast %get3A_1503 : i32 to index
    %get3A_1506 = arith.index_cast %get3A_1504 : i32 to index
    %get3A_1507 = arith.constant 64 : index
    %get3A_1508 = tpu.vector_load %arg11[%get3A_1505, %get3A_1506, %get3A_1507] {strides = array<i32>} : memref<2x6x128xi32, #tpu.memory_space<vmem>>, vector<1x1x16xi32>,
    %get3A_1509 = vector.shape_cast %get3A_1508 : vector<1x1x16xi32> to vector<16xi32>
    %add3A_1510 = arith.constant 237 : i32
    %add3A_1511 = vector.broadcast %add3A_1510 : i32 to vector<16xi32>
    %add3A_1512 = arith.addi %get3A_1509, %add3A_1511 : vector<16xi32>
    %swap3A_1513 = arith.constant 1 : i32
    %swap3A_1514 = arith.constant 2 : i32
    %swap3A_1515 = arith.index_cast %swap3A_1513 : i32 to index
    %swap3A_1516 = arith.index_cast %swap3A_1514 : i32 to index
    %swap3A_1517 = arith.constant 64 : index
    %swap3A_1518 = tpu.vector_load %arg11[%swap3A_1515, %swap3A_1516, %swap3A_1517] {strides = array<i32>} : memref<2x6x128xi32, #tpu.memory_space<vmem>>, vector<1x1x16xi32>,
    %swap3A_1519 = vector.shape_cast %swap3A_1518 : vector<1x1x16xi32> to vector<16xi32>
    %swap3A_1520 = vector.shape_cast %add3A_1512 : vector<16xi32> to vector<1x1x16xi32>
    tpu.vector_store %arg11[%swap3A_1515, %swap3A_1516, %swap3A_1517], %swap3A_1520 {strides = array<i32>} : memref<2x6x128xi32, #tpu.memory_space<vmem>>, vector<1x1x16xi32>,
    %get3A_1521 = arith.constant 1 : i32
    %get3A_1522 = arith.constant 2 : i32
    %get3A_1523 = arith.index_cast %get3A_1521 : i32 to index
    %get3A_1524 = arith.index_cast %get3A_1522 : i32 to index
    %get3A_1525 = arith.constant 80 : index
    %get3A_1526 = tpu.vector_load %arg11[%get3A_1523, %get3A_1524, %get3A_1525] {strides = array<i32>} : memref<2x6x128xi32, #tpu.memory_space<vmem>>, vector<1x1x16xi32>,
    %get3A_1527 = vector.shape_cast %get3A_1526 : vector<1x1x16xi32> to vector<16xi32>
    %add3A_1528 = arith.constant 237 : i32
    %add3A_1529 = vector.broadcast %add3A_1528 : i32 to vector<16xi32>
    %add3A_1530 = arith.addi %get3A_1527, %add3A_1529 : vector<16xi32>
    %swap3A_1531 = arith.constant 1 : i32
    %swap3A_1532 = arith.constant 2 : i32
    %swap3A_1533 = arith.index_cast %swap3A_1531 : i32 to index
    %swap3A_1534 = arith.index_cast %swap3A_1532 : i32 to index
    %swap3A_1535 = arith.constant 80 : index
    %swap3A_1536 = tpu.vector_load %arg11[%swap3A_1533, %swap3A_1534, %swap3A_1535] {strides = array<i32>} : memref<2x6x128xi32, #tpu.memory_space<vmem>>, vector<1x1x16xi32>,
    %swap3A_1537 = vector.shape_cast %swap3A_1536 : vector<1x1x16xi32> to vector<16xi32>
    %swap3A_1538 = vector.shape_cast %add3A_1530 : vector<16xi32> to vector<1x1x16xi32>
    tpu.vector_store %arg11[%swap3A_1533, %swap3A_1534, %swap3A_1535], %swap3A_1538 {strides = array<i32>} : memref<2x6x128xi32, #tpu.memory_space<vmem>>, vector<1x1x16xi32>,
    %get3A_1539 = arith.constant 1 : i32
    %get3A_1540 = arith.constant 2 : i32
    %get3A_1541 = arith.index_cast %get3A_1539 : i32 to index
    %get3A_1542 = arith.index_cast %get3A_1540 : i32 to index
    %get3A_1543 = arith.constant 96 : index
    %get3A_1544 = tpu.vector_load %arg11[%get3A_1541, %get3A_1542, %get3A_1543] {strides = array<i32>} : memref<2x6x128xi32, #tpu.memory_space<vmem>>, vector<1x1x16xi32>,
    %get3A_1545 = vector.shape_cast %get3A_1544 : vector<1x1x16xi32> to vector<16xi32>
    %add3A_1546 = arith.constant 237 : i32
    %add3A_1547 = vector.broadcast %add3A_1546 : i32 to vector<16xi32>
    %add3A_1548 = arith.addi %get3A_1545, %add3A_1547 : vector<16xi32>
    %swap3A_1549 = arith.constant 1 : i32
    %swap3A_1550 = arith.constant 2 : i32
    %swap3A_1551 = arith.index_cast %swap3A_1549 : i32 to index
    %swap3A_1552 = arith.index_cast %swap3A_1550 : i32 to index
    %swap3A_1553 = arith.constant 96 : index
    %swap3A_1554 = tpu.vector_load %arg11[%swap3A_1551, %swap3A_1552, %swap3A_1553] {strides = array<i32>} : memref<2x6x128xi32, #tpu.memory_space<vmem>>, vector<1x1x16xi32>,
    %swap3A_1555 = vector.shape_cast %swap3A_1554 : vector<1x1x16xi32> to vector<16xi32>
    %swap3A_1556 = vector.shape_cast %add3A_1548 : vector<16xi32> to vector<1x1x16xi32>
    tpu.vector_store %arg11[%swap3A_1551, %swap3A_1552, %swap3A_1553], %swap3A_1556 {strides = array<i32>} : memref<2x6x128xi32, #tpu.memory_space<vmem>>, vector<1x1x16xi32>,
    %get3A_1557 = arith.constant 1 : i32
    %get3A_1558 = arith.constant 2 : i32
    %get3A_1559 = arith.index_cast %get3A_1557 : i32 to index
    %get3A_1560 = arith.index_cast %get3A_1558 : i32 to index
    %get3A_1561 = arith.constant 112 : index
    %get3A_1562 = tpu.vector_load %arg11[%get3A_1559, %get3A_1560, %get3A_1561] {strides = array<i32>} : memref<2x6x128xi32, #tpu.memory_space<vmem>>, vector<1x1x16xi32>,
    %get3A_1563 = vector.shape_cast %get3A_1562 : vector<1x1x16xi32> to vector<16xi32>
    %add3A_1564 = arith.constant 237 : i32
    %add3A_1565 = vector.broadcast %add3A_1564 : i32 to vector<16xi32>
    %add3A_1566 = arith.addi %get3A_1563, %add3A_1565 : vector<16xi32>
    %swap3A_1567 = arith.constant 1 : i32
    %swap3A_1568 = arith.constant 2 : i32
    %swap3A_1569 = arith.index_cast %swap3A_1567 : i32 to index
    %swap3A_1570 = arith.index_cast %swap3A_1568 : i32 to index
    %swap3A_1571 = arith.constant 112 : index
    %swap3A_1572 = tpu.vector_load %arg11[%swap3A_1569, %swap3A_1570, %swap3A_1571] {strides = array<i32>} : memref<2x6x128xi32, #tpu.memory_space<vmem>>, vector<1x1x16xi32>,
    %swap3A_1573 = vector.shape_cast %swap3A_1572 : vector<1x1x16xi32> to vector<16xi32>
    %swap3A_1574 = vector.shape_cast %add3A_1566 : vector<16xi32> to vector<1x1x16xi32>
    tpu.vector_store %arg11[%swap3A_1569, %swap3A_1570, %swap3A_1571], %swap3A_1574 {strides = array<i32>} : memref<2x6x128xi32, #tpu.memory_space<vmem>>, vector<1x1x16xi32>,
    %get3A_1575 = arith.constant 1 : i32
    %get3A_1576 = arith.constant 3 : i32
    %get3A_1577 = arith.index_cast %get3A_1575 : i32 to index
    %get3A_1578 = arith.index_cast %get3A_1576 : i32 to index
    %get3A_1579 = arith.constant 0 : index
    %get3A_1580 = tpu.vector_load %arg11[%get3A_1577, %get3A_1578, %get3A_1579] {strides = array<i32>} : memref<2x6x128xi32, #tpu.memory_space<vmem>>, vector<1x1x16xi32>,
    %get3A_1581 = vector.shape_cast %get3A_1580 : vector<1x1x16xi32> to vector<16xi32>
    %add3A_1582 = arith.constant 348 : i32
    %add3A_1583 = vector.broadcast %add3A_1582 : i32 to vector<16xi32>
    %add3A_1584 = arith.addi %get3A_1581, %add3A_1583 : vector<16xi32>
    %swap3A_1585 = arith.constant 1 : i32
    %swap3A_1586 = arith.constant 3 : i32
    %swap3A_1587 = arith.index_cast %swap3A_1585 : i32 to index
    %swap3A_1588 = arith.index_cast %swap3A_1586 : i32 to index
    %swap3A_1589 = arith.constant 0 : index
    %swap3A_1590 = tpu.vector_load %arg11[%swap3A_1587, %swap3A_1588, %swap3A_1589] {strides = array<i32>} : memref<2x6x128xi32, #tpu.memory_space<vmem>>, vector<1x1x16xi32>,
    %swap3A_1591 = vector.shape_cast %swap3A_1590 : vector<1x1x16xi32> to vector<16xi32>
    %swap3A_1592 = vector.shape_cast %add3A_1584 : vector<16xi32> to vector<1x1x16xi32>
    tpu.vector_store %arg11[%swap3A_1587, %swap3A_1588, %swap3A_1589], %swap3A_1592 {strides = array<i32>} : memref<2x6x128xi32, #tpu.memory_space<vmem>>, vector<1x1x16xi32>,
    %get3A_1593 = arith.constant 1 : i32
    %get3A_1594 = arith.constant 3 : i32
    %get3A_1595 = arith.index_cast %get3A_1593 : i32 to index
    %get3A_1596 = arith.index_cast %get3A_1594 : i32 to index
    %get3A_1597 = arith.constant 16 : index
    %get3A_1598 = tpu.vector_load %arg11[%get3A_1595, %get3A_1596, %get3A_1597] {strides = array<i32>} : memref<2x6x128xi32, #tpu.memory_space<vmem>>, vector<1x1x16xi32>,
    %get3A_1599 = vector.shape_cast %get3A_1598 : vector<1x1x16xi32> to vector<16xi32>
    %add3A_1600 = arith.constant 348 : i32
    %add3A_1601 = vector.broadcast %add3A_1600 : i32 to vector<16xi32>
    %add3A_1602 = arith.addi %get3A_1599, %add3A_1601 : vector<16xi32>
    %swap3A_1603 = arith.constant 1 : i32
    %swap3A_1604 = arith.constant 3 : i32
    %swap3A_1605 = arith.index_cast %swap3A_1603 : i32 to index
    %swap3A_1606 = arith.index_cast %swap3A_1604 : i32 to index
    %swap3A_1607 = arith.constant 16 : index
    %swap3A_1608 = tpu.vector_load %arg11[%swap3A_1605, %swap3A_1606, %swap3A_1607] {strides = array<i32>} : memref<2x6x128xi32, #tpu.memory_space<vmem>>, vector<1x1x16xi32>,
    %swap3A_1609 = vector.shape_cast %swap3A_1608 : vector<1x1x16xi32> to vector<16xi32>
    %swap3A_1610 = vector.shape_cast %add3A_1602 : vector<16xi32> to vector<1x1x16xi32>
    tpu.vector_store %arg11[%swap3A_1605, %swap3A_1606, %swap3A_1607], %swap3A_1610 {strides = array<i32>} : memref<2x6x128xi32, #tpu.memory_space<vmem>>, vector<1x1x16xi32>,
    %get3A_1611 = arith.constant 1 : i32
    %get3A_1612 = arith.constant 3 : i32
    %get3A_1613 = arith.index_cast %get3A_1611 : i32 to index
    %get3A_1614 = arith.index_cast %get3A_1612 : i32 to index
    %get3A_1615 = arith.constant 32 : index
    %get3A_1616 = tpu.vector_load %arg11[%get3A_1613, %get3A_1614, %get3A_1615] {strides = array<i32>} : memref<2x6x128xi32, #tpu.memory_space<vmem>>, vector<1x1x16xi32>,
    %get3A_1617 = vector.shape_cast %get3A_1616 : vector<1x1x16xi32> to vector<16xi32>
    %add3A_1618 = arith.constant 348 : i32
    %add3A_1619 = vector.broadcast %add3A_1618 : i32 to vector<16xi32>
    %add3A_1620 = arith.addi %get3A_1617, %add3A_1619 : vector<16xi32>
    %swap3A_1621 = arith.constant 1 : i32
    %swap3A_1622 = arith.constant 3 : i32
    %swap3A_1623 = arith.index_cast %swap3A_1621 : i32 to index
    %swap3A_1624 = arith.index_cast %swap3A_1622 : i32 to index
    %swap3A_1625 = arith.constant 32 : index
    %swap3A_1626 = tpu.vector_load %arg11[%swap3A_1623, %swap3A_1624, %swap3A_1625] {strides = array<i32>} : memref<2x6x128xi32, #tpu.memory_space<vmem>>, vector<1x1x16xi32>,
    %swap3A_1627 = vector.shape_cast %swap3A_1626 : vector<1x1x16xi32> to vector<16xi32>
    %swap3A_1628 = vector.shape_cast %add3A_1620 : vector<16xi32> to vector<1x1x16xi32>
    tpu.vector_store %arg11[%swap3A_1623, %swap3A_1624, %swap3A_1625], %swap3A_1628 {strides = array<i32>} : memref<2x6x128xi32, #tpu.memory_space<vmem>>, vector<1x1x16xi32>,
    %get3A_1629 = arith.constant 1 : i32
    %get3A_1630 = arith.constant 3 : i32
    %get3A_1631 = arith.index_cast %get3A_1629 : i32 to index
    %get3A_1632 = arith.index_cast %get3A_1630 : i32 to index
    %get3A_1633 = arith.constant 48 : index
    %get3A_1634 = tpu.vector_load %arg11[%get3A_1631, %get3A_1632, %get3A_1633] {strides = array<i32>} : memref<2x6x128xi32, #tpu.memory_space<vmem>>, vector<1x1x16xi32>,
    %get3A_1635 = vector.shape_cast %get3A_1634 : vector<1x1x16xi32> to vector<16xi32>
    %add3A_1636 = arith.constant 348 : i32
    %add3A_1637 = vector.broadcast %add3A_1636 : i32 to vector<16xi32>
    %add3A_1638 = arith.addi %get3A_1635, %add3A_1637 : vector<16xi32>
    %swap3A_1639 = arith.constant 1 : i32
    %swap3A_1640 = arith.constant 3 : i32
    %swap3A_1641 = arith.index_cast %swap3A_1639 : i32 to index
    %swap3A_1642 = arith.index_cast %swap3A_1640 : i32 to index
    %swap3A_1643 = arith.constant 48 : index
    %swap3A_1644 = tpu.vector_load %arg11[%swap3A_1641, %swap3A_1642, %swap3A_1643] {strides = array<i32>} : memref<2x6x128xi32, #tpu.memory_space<vmem>>, vector<1x1x16xi32>,
    %swap3A_1645 = vector.shape_cast %swap3A_1644 : vector<1x1x16xi32> to vector<16xi32>
    %swap3A_1646 = vector.shape_cast %add3A_1638 : vector<16xi32> to vector<1x1x16xi32>
    tpu.vector_store %arg11[%swap3A_1641, %swap3A_1642, %swap3A_1643], %swap3A_1646 {strides = array<i32>} : memref<2x6x128xi32, #tpu.memory_space<vmem>>, vector<1x1x16xi32>,
    %get3A_1647 = arith.constant 1 : i32
    %get3A_1648 = arith.constant 3 : i32
    %get3A_1649 = arith.index_cast %get3A_1647 : i32 to index
    %get3A_1650 = arith.index_cast %get3A_1648 : i32 to index
    %get3A_1651 = arith.constant 64 : index
    %get3A_1652 = tpu.vector_load %arg11[%get3A_1649, %get3A_1650, %get3A_1651] {strides = array<i32>} : memref<2x6x128xi32, #tpu.memory_space<vmem>>, vector<1x1x16xi32>,
    %get3A_1653 = vector.shape_cast %get3A_1652 : vector<1x1x16xi32> to vector<16xi32>
    %add3A_1654 = arith.constant 348 : i32
    %add3A_1655 = vector.broadcast %add3A_1654 : i32 to vector<16xi32>
    %add3A_1656 = arith.addi %get3A_1653, %add3A_1655 : vector<16xi32>
    %swap3A_1657 = arith.constant 1 : i32
    %swap3A_1658 = arith.constant 3 : i32
    %swap3A_1659 = arith.index_cast %swap3A_1657 : i32 to index
    %swap3A_1660 = arith.index_cast %swap3A_1658 : i32 to index
    %swap3A_1661 = arith.constant 64 : index
    %swap3A_1662 = tpu.vector_load %arg11[%swap3A_1659, %swap3A_1660, %swap3A_1661] {strides = array<i32>} : memref<2x6x128xi32, #tpu.memory_space<vmem>>, vector<1x1x16xi32>,
    %swap3A_1663 = vector.shape_cast %swap3A_1662 : vector<1x1x16xi32> to vector<16xi32>
    %swap3A_1664 = vector.shape_cast %add3A_1656 : vector<16xi32> to vector<1x1x16xi32>
    tpu.vector_store %arg11[%swap3A_1659, %swap3A_1660, %swap3A_1661], %swap3A_1664 {strides = array<i32>} : memref<2x6x128xi32, #tpu.memory_space<vmem>>, vector<1x1x16xi32>,
    %get3A_1665 = arith.constant 1 : i32
    %get3A_1666 = arith.constant 3 : i32
    %get3A_1667 = arith.index_cast %get3A_1665 : i32 to index
    %get3A_1668 = arith.index_cast %get3A_1666 : i32 to index
    %get3A_1669 = arith.constant 80 : index
    %get3A_1670 = tpu.vector_load %arg11[%get3A_1667, %get3A_1668, %get3A_1669] {strides = array<i32>} : memref<2x6x128xi32, #tpu.memory_space<vmem>>, vector<1x1x16xi32>,
    %get3A_1671 = vector.shape_cast %get3A_1670 : vector<1x1x16xi32> to vector<16xi32>
    %add3A_1672 = arith.constant 348 : i32
    %add3A_1673 = vector.broadcast %add3A_1672 : i32 to vector<16xi32>
    %add3A_1674 = arith.addi %get3A_1671, %add3A_1673 : vector<16xi32>
    %swap3A_1675 = arith.constant 1 : i32
    %swap3A_1676 = arith.constant 3 : i32
    %swap3A_1677 = arith.index_cast %swap3A_1675 : i32 to index
    %swap3A_1678 = arith.index_cast %swap3A_1676 : i32 to index
    %swap3A_1679 = arith.constant 80 : index
    %swap3A_1680 = tpu.vector_load %arg11[%swap3A_1677, %swap3A_1678, %swap3A_1679] {strides = array<i32>} : memref<2x6x128xi32, #tpu.memory_space<vmem>>, vector<1x1x16xi32>,
    %swap3A_1681 = vector.shape_cast %swap3A_1680 : vector<1x1x16xi32> to vector<16xi32>
    %swap3A_1682 = vector.shape_cast %add3A_1674 : vector<16xi32> to vector<1x1x16xi32>
    tpu.vector_store %arg11[%swap3A_1677, %swap3A_1678, %swap3A_1679], %swap3A_1682 {strides = array<i32>} : memref<2x6x128xi32, #tpu.memory_space<vmem>>, vector<1x1x16xi32>,
    %get3A_1683 = arith.constant 1 : i32
    %get3A_1684 = arith.constant 3 : i32
    %get3A_1685 = arith.index_cast %get3A_1683 : i32 to index
    %get3A_1686 = arith.index_cast %get3A_1684 : i32 to index
    %get3A_1687 = arith.constant 96 : index
    %get3A_1688 = tpu.vector_load %arg11[%get3A_1685, %get3A_1686, %get3A_1687] {strides = array<i32>} : memref<2x6x128xi32, #tpu.memory_space<vmem>>, vector<1x1x16xi32>,
    %get3A_1689 = vector.shape_cast %get3A_1688 : vector<1x1x16xi32> to vector<16xi32>
    %add3A_1690 = arith.constant 348 : i32
    %add3A_1691 = vector.broadcast %add3A_1690 : i32 to vector<16xi32>
    %add3A_1692 = arith.addi %get3A_1689, %add3A_1691 : vector<16xi32>
    %swap3A_1693 = arith.constant 1 : i32
    %swap3A_1694 = arith.constant 3 : i32
    %swap3A_1695 = arith.index_cast %swap3A_1693 : i32 to index
    %swap3A_1696 = arith.index_cast %swap3A_1694 : i32 to index
    %swap3A_1697 = arith.constant 96 : index
    %swap3A_1698 = tpu.vector_load %arg11[%swap3A_1695, %swap3A_1696, %swap3A_1697] {strides = array<i32>} : memref<2x6x128xi32, #tpu.memory_space<vmem>>, vector<1x1x16xi32>,
    %swap3A_1699 = vector.shape_cast %swap3A_1698 : vector<1x1x16xi32> to vector<16xi32>
    %swap3A_1700 = vector.shape_cast %add3A_1692 : vector<16xi32> to vector<1x1x16xi32>
    tpu.vector_store %arg11[%swap3A_1695, %swap3A_1696, %swap3A_1697], %swap3A_1700 {strides = array<i32>} : memref<2x6x128xi32, #tpu.memory_space<vmem>>, vector<1x1x16xi32>,
    %get3A_1701 = arith.constant 1 : i32
    %get3A_1702 = arith.constant 3 : i32
    %get3A_1703 = arith.index_cast %get3A_1701 : i32 to index
    %get3A_1704 = arith.index_cast %get3A_1702 : i32 to index
    %get3A_1705 = arith.constant 112 : index
    %get3A_1706 = tpu.vector_load %arg11[%get3A_1703, %get3A_1704, %get3A_1705] {strides = array<i32>} : memref<2x6x128xi32, #tpu.memory_space<vmem>>, vector<1x1x16xi32>,
    %get3A_1707 = vector.shape_cast %get3A_1706 : vector<1x1x16xi32> to vector<16xi32>
    %add3A_1708 = arith.constant 348 : i32
    %add3A_1709 = vector.broadcast %add3A_1708 : i32 to vector<16xi32>
    %add3A_1710 = arith.addi %get3A_1707, %add3A_1709 : vector<16xi32>
    %swap3A_1711 = arith.constant 1 : i32
    %swap3A_1712 = arith.constant 3 : i32
    %swap3A_1713 = arith.index_cast %swap3A_1711 : i32 to index
    %swap3A_1714 = arith.index_cast %swap3A_1712 : i32 to index
    %swap3A_1715 = arith.constant 112 : index
    %swap3A_1716 = tpu.vector_load %arg11[%swap3A_1713, %swap3A_1714, %swap3A_1715] {strides = array<i32>} : memref<2x6x128xi32, #tpu.memory_space<vmem>>, vector<1x1x16xi32>,
    %swap3A_1717 = vector.shape_cast %swap3A_1716 : vector<1x1x16xi32> to vector<16xi32>
    %swap3A_1718 = vector.shape_cast %add3A_1710 : vector<16xi32> to vector<1x1x16xi32>
    tpu.vector_store %arg11[%swap3A_1713, %swap3A_1714, %swap3A_1715], %swap3A_1718 {strides = array<i32>} : memref<2x6x128xi32, #tpu.memory_space<vmem>>, vector<1x1x16xi32>,
    %get3A_1719 = arith.constant 1 : i32
    %get3A_1720 = arith.constant 4 : i32
    %get3A_1721 = arith.index_cast %get3A_1719 : i32 to index
    %get3A_1722 = arith.index_cast %get3A_1720 : i32 to index
    %get3A_1723 = arith.constant 0 : index
    %get3A_1724 = tpu.vector_load %arg11[%get3A_1721, %get3A_1722, %get3A_1723] {strides = array<i32>} : memref<2x6x128xi32, #tpu.memory_space<vmem>>, vector<1x1x16xi32>,
    %get3A_1725 = vector.shape_cast %get3A_1724 : vector<1x1x16xi32> to vector<16xi32>
    %add3A_1726 = arith.constant 874 : i32
    %add3A_1727 = vector.broadcast %add3A_1726 : i32 to vector<16xi32>
    %add3A_1728 = arith.addi %get3A_1725, %add3A_1727 : vector<16xi32>
    %swap3A_1729 = arith.constant 1 : i32
    %swap3A_1730 = arith.constant 4 : i32
    %swap3A_1731 = arith.index_cast %swap3A_1729 : i32 to index
    %swap3A_1732 = arith.index_cast %swap3A_1730 : i32 to index
    %swap3A_1733 = arith.constant 0 : index
    %swap3A_1734 = tpu.vector_load %arg11[%swap3A_1731, %swap3A_1732, %swap3A_1733] {strides = array<i32>} : memref<2x6x128xi32, #tpu.memory_space<vmem>>, vector<1x1x16xi32>,
    %swap3A_1735 = vector.shape_cast %swap3A_1734 : vector<1x1x16xi32> to vector<16xi32>
    %swap3A_1736 = vector.shape_cast %add3A_1728 : vector<16xi32> to vector<1x1x16xi32>
    tpu.vector_store %arg11[%swap3A_1731, %swap3A_1732, %swap3A_1733], %swap3A_1736 {strides = array<i32>} : memref<2x6x128xi32, #tpu.memory_space<vmem>>, vector<1x1x16xi32>,
    %get3A_1737 = arith.constant 1 : i32
    %get3A_1738 = arith.constant 4 : i32
    %get3A_1739 = arith.index_cast %get3A_1737 : i32 to index
    %get3A_1740 = arith.index_cast %get3A_1738 : i32 to index
    %get3A_1741 = arith.constant 16 : index
    %get3A_1742 = tpu.vector_load %arg11[%get3A_1739, %get3A_1740, %get3A_1741] {strides = array<i32>} : memref<2x6x128xi32, #tpu.memory_space<vmem>>, vector<1x1x16xi32>,
    %get3A_1743 = vector.shape_cast %get3A_1742 : vector<1x1x16xi32> to vector<16xi32>
    %add3A_1744 = arith.constant 874 : i32
    %add3A_1745 = vector.broadcast %add3A_1744 : i32 to vector<16xi32>
    %add3A_1746 = arith.addi %get3A_1743, %add3A_1745 : vector<16xi32>
    %swap3A_1747 = arith.constant 1 : i32
    %swap3A_1748 = arith.constant 4 : i32
    %swap3A_1749 = arith.index_cast %swap3A_1747 : i32 to index
    %swap3A_1750 = arith.index_cast %swap3A_1748 : i32 to index
    %swap3A_1751 = arith.constant 16 : index
    %swap3A_1752 = tpu.vector_load %arg11[%swap3A_1749, %swap3A_1750, %swap3A_1751] {strides = array<i32>} : memref<2x6x128xi32, #tpu.memory_space<vmem>>, vector<1x1x16xi32>,
    %swap3A_1753 = vector.shape_cast %swap3A_1752 : vector<1x1x16xi32> to vector<16xi32>
    %swap3A_1754 = vector.shape_cast %add3A_1746 : vector<16xi32> to vector<1x1x16xi32>
    tpu.vector_store %arg11[%swap3A_1749, %swap3A_1750, %swap3A_1751], %swap3A_1754 {strides = array<i32>} : memref<2x6x128xi32, #tpu.memory_space<vmem>>, vector<1x1x16xi32>,
    %get3A_1755 = arith.constant 1 : i32
    %get3A_1756 = arith.constant 4 : i32
    %get3A_1757 = arith.index_cast %get3A_1755 : i32 to index
    %get3A_1758 = arith.index_cast %get3A_1756 : i32 to index
    %get3A_1759 = arith.constant 32 : index
    %get3A_1760 = tpu.vector_load %arg11[%get3A_1757, %get3A_1758, %get3A_1759] {strides = array<i32>} : memref<2x6x128xi32, #tpu.memory_space<vmem>>, vector<1x1x16xi32>,
    %get3A_1761 = vector.shape_cast %get3A_1760 : vector<1x1x16xi32> to vector<16xi32>
    %add3A_1762 = arith.constant 874 : i32
    %add3A_1763 = vector.broadcast %add3A_1762 : i32 to vector<16xi32>
    %add3A_1764 = arith.addi %get3A_1761, %add3A_1763 : vector<16xi32>
    %swap3A_1765 = arith.constant 1 : i32
    %swap3A_1766 = arith.constant 4 : i32
    %swap3A_1767 = arith.index_cast %swap3A_1765 : i32 to index
    %swap3A_1768 = arith.index_cast %swap3A_1766 : i32 to index
    %swap3A_1769 = arith.constant 32 : index
    %swap3A_1770 = tpu.vector_load %arg11[%swap3A_1767, %swap3A_1768, %swap3A_1769] {strides = array<i32>} : memref<2x6x128xi32, #tpu.memory_space<vmem>>, vector<1x1x16xi32>,
    %swap3A_1771 = vector.shape_cast %swap3A_1770 : vector<1x1x16xi32> to vector<16xi32>
    %swap3A_1772 = vector.shape_cast %add3A_1764 : vector<16xi32> to vector<1x1x16xi32>
    tpu.vector_store %arg11[%swap3A_1767, %swap3A_1768, %swap3A_1769], %swap3A_1772 {strides = array<i32>} : memref<2x6x128xi32, #tpu.memory_space<vmem>>, vector<1x1x16xi32>,
    %get3A_1773 = arith.constant 1 : i32
    %get3A_1774 = arith.constant 4 : i32
    %get3A_1775 = arith.index_cast %get3A_1773 : i32 to index
    %get3A_1776 = arith.index_cast %get3A_1774 : i32 to index
    %get3A_1777 = arith.constant 48 : index
    %get3A_1778 = tpu.vector_load %arg11[%get3A_1775, %get3A_1776, %get3A_1777] {strides = array<i32>} : memref<2x6x128xi32, #tpu.memory_space<vmem>>, vector<1x1x16xi32>,
    %get3A_1779 = vector.shape_cast %get3A_1778 : vector<1x1x16xi32> to vector<16xi32>
    %add3A_1780 = arith.constant 874 : i32
    %add3A_1781 = vector.broadcast %add3A_1780 : i32 to vector<16xi32>
    %add3A_1782 = arith.addi %get3A_1779, %add3A_1781 : vector<16xi32>
    %swap3A_1783 = arith.constant 1 : i32
    %swap3A_1784 = arith.constant 4 : i32
    %swap3A_1785 = arith.index_cast %swap3A_1783 : i32 to index
    %swap3A_1786 = arith.index_cast %swap3A_1784 : i32 to index
    %swap3A_1787 = arith.constant 48 : index
    %swap3A_1788 = tpu.vector_load %arg11[%swap3A_1785, %swap3A_1786, %swap3A_1787] {strides = array<i32>} : memref<2x6x128xi32, #tpu.memory_space<vmem>>, vector<1x1x16xi32>,
    %swap3A_1789 = vector.shape_cast %swap3A_1788 : vector<1x1x16xi32> to vector<16xi32>
    %swap3A_1790 = vector.shape_cast %add3A_1782 : vector<16xi32> to vector<1x1x16xi32>
    tpu.vector_store %arg11[%swap3A_1785, %swap3A_1786, %swap3A_1787], %swap3A_1790 {strides = array<i32>} : memref<2x6x128xi32, #tpu.memory_space<vmem>>, vector<1x1x16xi32>,
    %get3A_1791 = arith.constant 1 : i32
    %get3A_1792 = arith.constant 4 : i32
    %get3A_1793 = arith.index_cast %get3A_1791 : i32 to index
    %get3A_1794 = arith.index_cast %get3A_1792 : i32 to index
    %get3A_1795 = arith.constant 64 : index
    %get3A_1796 = tpu.vector_load %arg11[%get3A_1793, %get3A_1794, %get3A_1795] {strides = array<i32>} : memref<2x6x128xi32, #tpu.memory_space<vmem>>, vector<1x1x16xi32>,
    %get3A_1797 = vector.shape_cast %get3A_1796 : vector<1x1x16xi32> to vector<16xi32>
    %add3A_1798 = arith.constant 874 : i32
    %add3A_1799 = vector.broadcast %add3A_1798 : i32 to vector<16xi32>
    %add3A_1800 = arith.addi %get3A_1797, %add3A_1799 : vector<16xi32>
    %swap3A_1801 = arith.constant 1 : i32
    %swap3A_1802 = arith.constant 4 : i32
    %swap3A_1803 = arith.index_cast %swap3A_1801 : i32 to index
    %swap3A_1804 = arith.index_cast %swap3A_1802 : i32 to index
    %swap3A_1805 = arith.constant 64 : index
    %swap3A_1806 = tpu.vector_load %arg11[%swap3A_1803, %swap3A_1804, %swap3A_1805] {strides = array<i32>} : memref<2x6x128xi32, #tpu.memory_space<vmem>>, vector<1x1x16xi32>,
    %swap3A_1807 = vector.shape_cast %swap3A_1806 : vector<1x1x16xi32> to vector<16xi32>
    %swap3A_1808 = vector.shape_cast %add3A_1800 : vector<16xi32> to vector<1x1x16xi32>
    tpu.vector_store %arg11[%swap3A_1803, %swap3A_1804, %swap3A_1805], %swap3A_1808 {strides = array<i32>} : memref<2x6x128xi32, #tpu.memory_space<vmem>>, vector<1x1x16xi32>,
    %get3A_1809 = arith.constant 1 : i32
    %get3A_1810 = arith.constant 4 : i32
    %get3A_1811 = arith.index_cast %get3A_1809 : i32 to index
    %get3A_1812 = arith.index_cast %get3A_1810 : i32 to index
    %get3A_1813 = arith.constant 80 : index
    %get3A_1814 = tpu.vector_load %arg11[%get3A_1811, %get3A_1812, %get3A_1813] {strides = array<i32>} : memref<2x6x128xi32, #tpu.memory_space<vmem>>, vector<1x1x16xi32>,
    %get3A_1815 = vector.shape_cast %get3A_1814 : vector<1x1x16xi32> to vector<16xi32>
    %add3A_1816 = arith.constant 874 : i32
    %add3A_1817 = vector.broadcast %add3A_1816 : i32 to vector<16xi32>
    %add3A_1818 = arith.addi %get3A_1815, %add3A_1817 : vector<16xi32>
    %swap3A_1819 = arith.constant 1 : i32
    %swap3A_1820 = arith.constant 4 : i32
    %swap3A_1821 = arith.index_cast %swap3A_1819 : i32 to index
    %swap3A_1822 = arith.index_cast %swap3A_1820 : i32 to index
    %swap3A_1823 = arith.constant 80 : index
    %swap3A_1824 = tpu.vector_load %arg11[%swap3A_1821, %swap3A_1822, %swap3A_1823] {strides = array<i32>} : memref<2x6x128xi32, #tpu.memory_space<vmem>>, vector<1x1x16xi32>,
    %swap3A_1825 = vector.shape_cast %swap3A_1824 : vector<1x1x16xi32> to vector<16xi32>
    %swap3A_1826 = vector.shape_cast %add3A_1818 : vector<16xi32> to vector<1x1x16xi32>
    tpu.vector_store %arg11[%swap3A_1821, %swap3A_1822, %swap3A_1823], %swap3A_1826 {strides = array<i32>} : memref<2x6x128xi32, #tpu.memory_space<vmem>>, vector<1x1x16xi32>,
    %get3A_1827 = arith.constant 1 : i32
    %get3A_1828 = arith.constant 4 : i32
    %get3A_1829 = arith.index_cast %get3A_1827 : i32 to index
    %get3A_1830 = arith.index_cast %get3A_1828 : i32 to index
    %get3A_1831 = arith.constant 96 : index
    %get3A_1832 = tpu.vector_load %arg11[%get3A_1829, %get3A_1830, %get3A_1831] {strides = array<i32>} : memref<2x6x128xi32, #tpu.memory_space<vmem>>, vector<1x1x16xi32>,
    %get3A_1833 = vector.shape_cast %get3A_1832 : vector<1x1x16xi32> to vector<16xi32>
    %add3A_1834 = arith.constant 874 : i32
    %add3A_1835 = vector.broadcast %add3A_1834 : i32 to vector<16xi32>
    %add3A_1836 = arith.addi %get3A_1833, %add3A_1835 : vector<16xi32>
    %swap3A_1837 = arith.constant 1 : i32
    %swap3A_1838 = arith.constant 4 : i32
    %swap3A_1839 = arith.index_cast %swap3A_1837 : i32 to index
    %swap3A_1840 = arith.index_cast %swap3A_1838 : i32 to index
    %swap3A_1841 = arith.constant 96 : index
    %swap3A_1842 = tpu.vector_load %arg11[%swap3A_1839, %swap3A_1840, %swap3A_1841] {strides = array<i32>} : memref<2x6x128xi32, #tpu.memory_space<vmem>>, vector<1x1x16xi32>,
    %swap3A_1843 = vector.shape_cast %swap3A_1842 : vector<1x1x16xi32> to vector<16xi32>
    %swap3A_1844 = vector.shape_cast %add3A_1836 : vector<16xi32> to vector<1x1x16xi32>
    tpu.vector_store %arg11[%swap3A_1839, %swap3A_1840, %swap3A_1841], %swap3A_1844 {strides = array<i32>} : memref<2x6x128xi32, #tpu.memory_space<vmem>>, vector<1x1x16xi32>,
    %get3A_1845 = arith.constant 1 : i32
    %get3A_1846 = arith.constant 4 : i32
    %get3A_1847 = arith.index_cast %get3A_1845 : i32 to index
    %get3A_1848 = arith.index_cast %get3A_1846 : i32 to index
    %get3A_1849 = arith.constant 112 : index
    %get3A_1850 = tpu.vector_load %arg11[%get3A_1847, %get3A_1848, %get3A_1849] {strides = array<i32>} : memref<2x6x128xi32, #tpu.memory_space<vmem>>, vector<1x1x16xi32>,
    %get3A_1851 = vector.shape_cast %get3A_1850 : vector<1x1x16xi32> to vector<16xi32>
    %add3A_1852 = arith.constant 874 : i32
    %add3A_1853 = vector.broadcast %add3A_1852 : i32 to vector<16xi32>
    %add3A_1854 = arith.addi %get3A_1851, %add3A_1853 : vector<16xi32>
    %swap3A_1855 = arith.constant 1 : i32
    %swap3A_1856 = arith.constant 4 : i32
    %swap3A_1857 = arith.index_cast %swap3A_1855 : i32 to index
    %swap3A_1858 = arith.index_cast %swap3A_1856 : i32 to index
    %swap3A_1859 = arith.constant 112 : index
    %swap3A_1860 = tpu.vector_load %arg11[%swap3A_1857, %swap3A_1858, %swap3A_1859] {strides = array<i32>} : memref<2x6x128xi32, #tpu.memory_space<vmem>>, vector<1x1x16xi32>,
    %swap3A_1861 = vector.shape_cast %swap3A_1860 : vector<1x1x16xi32> to vector<16xi32>
    %swap3A_1862 = vector.shape_cast %add3A_1854 : vector<16xi32> to vector<1x1x16xi32>
    tpu.vector_store %arg11[%swap3A_1857, %swap3A_1858, %swap3A_1859], %swap3A_1862 {strides = array<i32>} : memref<2x6x128xi32, #tpu.memory_space<vmem>>, vector<1x1x16xi32>,
    %get3A_1863 = arith.constant 1 : i32
    %get3A_1864 = arith.constant 5 : i32
    %get3A_1865 = arith.index_cast %get3A_1863 : i32 to index
    %get3A_1866 = arith.index_cast %get3A_1864 : i32 to index
    %get3A_1867 = arith.constant 0 : index
    %get3A_1868 = tpu.vector_load %arg11[%get3A_1865, %get3A_1866, %get3A_1867] {strides = array<i32>} : memref<2x6x128xi32, #tpu.memory_space<vmem>>, vector<1x1x16xi32>,
    %get3A_1869 = vector.shape_cast %get3A_1868 : vector<1x1x16xi32> to vector<16xi32>
    %add3A_1870 = arith.constant 895 : i32
    %add3A_1871 = vector.broadcast %add3A_1870 : i32 to vector<16xi32>
    %add3A_1872 = arith.addi %get3A_1869, %add3A_1871 : vector<16xi32>
    %swap3A_1873 = arith.constant 1 : i32
    %swap3A_1874 = arith.constant 5 : i32
    %swap3A_1875 = arith.index_cast %swap3A_1873 : i32 to index
    %swap3A_1876 = arith.index_cast %swap3A_1874 : i32 to index
    %swap3A_1877 = arith.constant 0 : index
    %swap3A_1878 = tpu.vector_load %arg11[%swap3A_1875, %swap3A_1876, %swap3A_1877] {strides = array<i32>} : memref<2x6x128xi32, #tpu.memory_space<vmem>>, vector<1x1x16xi32>,
    %swap3A_1879 = vector.shape_cast %swap3A_1878 : vector<1x1x16xi32> to vector<16xi32>
    %swap3A_1880 = vector.shape_cast %add3A_1872 : vector<16xi32> to vector<1x1x16xi32>
    tpu.vector_store %arg11[%swap3A_1875, %swap3A_1876, %swap3A_1877], %swap3A_1880 {strides = array<i32>} : memref<2x6x128xi32, #tpu.memory_space<vmem>>, vector<1x1x16xi32>,
    %get3A_1881 = arith.constant 1 : i32
    %get3A_1882 = arith.constant 5 : i32
    %get3A_1883 = arith.index_cast %get3A_1881 : i32 to index
    %get3A_1884 = arith.index_cast %get3A_1882 : i32 to index
    %get3A_1885 = arith.constant 16 : index
    %get3A_1886 = tpu.vector_load %arg11[%get3A_1883, %get3A_1884, %get3A_1885] {strides = array<i32>} : memref<2x6x128xi32, #tpu.memory_space<vmem>>, vector<1x1x16xi32>,
    %get3A_1887 = vector.shape_cast %get3A_1886 : vector<1x1x16xi32> to vector<16xi32>
    %add3A_1888 = arith.constant 895 : i32
    %add3A_1889 = vector.broadcast %add3A_1888 : i32 to vector<16xi32>
    %add3A_1890 = arith.addi %get3A_1887, %add3A_1889 : vector<16xi32>
    %swap3A_1891 = arith.constant 1 : i32
    %swap3A_1892 = arith.constant 5 : i32
    %swap3A_1893 = arith.index_cast %swap3A_1891 : i32 to index
    %swap3A_1894 = arith.index_cast %swap3A_1892 : i32 to index
    %swap3A_1895 = arith.constant 16 : index
    %swap3A_1896 = tpu.vector_load %arg11[%swap3A_1893, %swap3A_1894, %swap3A_1895] {strides = array<i32>} : memref<2x6x128xi32, #tpu.memory_space<vmem>>, vector<1x1x16xi32>,
    %swap3A_1897 = vector.shape_cast %swap3A_1896 : vector<1x1x16xi32> to vector<16xi32>
    %swap3A_1898 = vector.shape_cast %add3A_1890 : vector<16xi32> to vector<1x1x16xi32>
    tpu.vector_store %arg11[%swap3A_1893, %swap3A_1894, %swap3A_1895], %swap3A_1898 {strides = array<i32>} : memref<2x6x128xi32, #tpu.memory_space<vmem>>, vector<1x1x16xi32>,
    %get3A_1899 = arith.constant 1 : i32
    %get3A_1900 = arith.constant 5 : i32
    %get3A_1901 = arith.index_cast %get3A_1899 : i32 to index
    %get3A_1902 = arith.index_cast %get3A_1900 : i32 to index
    %get3A_1903 = arith.constant 32 : index
    %get3A_1904 = tpu.vector_load %arg11[%get3A_1901, %get3A_1902, %get3A_1903] {strides = array<i32>} : memref<2x6x128xi32, #tpu.memory_space<vmem>>, vector<1x1x16xi32>,
    %get3A_1905 = vector.shape_cast %get3A_1904 : vector<1x1x16xi32> to vector<16xi32>
    %add3A_1906 = arith.constant 895 : i32
    %add3A_1907 = vector.broadcast %add3A_1906 : i32 to vector<16xi32>
    %add3A_1908 = arith.addi %get3A_1905, %add3A_1907 : vector<16xi32>
    %swap3A_1909 = arith.constant 1 : i32
    %swap3A_1910 = arith.constant 5 : i32
    %swap3A_1911 = arith.index_cast %swap3A_1909 : i32 to index
    %swap3A_1912 = arith.index_cast %swap3A_1910 : i32 to index
    %swap3A_1913 = arith.constant 32 : index
    %swap3A_1914 = tpu.vector_load %arg11[%swap3A_1911, %swap3A_1912, %swap3A_1913] {strides = array<i32>} : memref<2x6x128xi32, #tpu.memory_space<vmem>>, vector<1x1x16xi32>,
    %swap3A_1915 = vector.shape_cast %swap3A_1914 : vector<1x1x16xi32> to vector<16xi32>
    %swap3A_1916 = vector.shape_cast %add3A_1908 : vector<16xi32> to vector<1x1x16xi32>
    tpu.vector_store %arg11[%swap3A_1911, %swap3A_1912, %swap3A_1913], %swap3A_1916 {strides = array<i32>} : memref<2x6x128xi32, #tpu.memory_space<vmem>>, vector<1x1x16xi32>,
    %get3A_1917 = arith.constant 1 : i32
    %get3A_1918 = arith.constant 5 : i32
    %get3A_1919 = arith.index_cast %get3A_1917 : i32 to index
    %get3A_1920 = arith.index_cast %get3A_1918 : i32 to index
    %get3A_1921 = arith.constant 48 : index
    %get3A_1922 = tpu.vector_load %arg11[%get3A_1919, %get3A_1920, %get3A_1921] {strides = array<i32>} : memref<2x6x128xi32, #tpu.memory_space<vmem>>, vector<1x1x16xi32>,
    %get3A_1923 = vector.shape_cast %get3A_1922 : vector<1x1x16xi32> to vector<16xi32>
    %add3A_1924 = arith.constant 895 : i32
    %add3A_1925 = vector.broadcast %add3A_1924 : i32 to vector<16xi32>
    %add3A_1926 = arith.addi %get3A_1923, %add3A_1925 : vector<16xi32>
    %swap3A_1927 = arith.constant 1 : i32
    %swap3A_1928 = arith.constant 5 : i32
    %swap3A_1929 = arith.index_cast %swap3A_1927 : i32 to index
    %swap3A_1930 = arith.index_cast %swap3A_1928 : i32 to index
    %swap3A_1931 = arith.constant 48 : index
    %swap3A_1932 = tpu.vector_load %arg11[%swap3A_1929, %swap3A_1930, %swap3A_1931] {strides = array<i32>} : memref<2x6x128xi32, #tpu.memory_space<vmem>>, vector<1x1x16xi32>,
    %swap3A_1933 = vector.shape_cast %swap3A_1932 : vector<1x1x16xi32> to vector<16xi32>
    %swap3A_1934 = vector.shape_cast %add3A_1926 : vector<16xi32> to vector<1x1x16xi32>
    tpu.vector_store %arg11[%swap3A_1929, %swap3A_1930, %swap3A_1931], %swap3A_1934 {strides = array<i32>} : memref<2x6x128xi32, #tpu.memory_space<vmem>>, vector<1x1x16xi32>,
    %get3A_1935 = arith.constant 1 : i32
    %get3A_1936 = arith.constant 5 : i32
    %get3A_1937 = arith.index_cast %get3A_1935 : i32 to index
    %get3A_1938 = arith.index_cast %get3A_1936 : i32 to index
    %get3A_1939 = arith.constant 64 : index
    %get3A_1940 = tpu.vector_load %arg11[%get3A_1937, %get3A_1938, %get3A_1939] {strides = array<i32>} : memref<2x6x128xi32, #tpu.memory_space<vmem>>, vector<1x1x16xi32>,
    %get3A_1941 = vector.shape_cast %get3A_1940 : vector<1x1x16xi32> to vector<16xi32>
    %add3A_1942 = arith.constant 895 : i32
    %add3A_1943 = vector.broadcast %add3A_1942 : i32 to vector<16xi32>
    %add3A_1944 = arith.addi %get3A_1941, %add3A_1943 : vector<16xi32>
    %swap3A_1945 = arith.constant 1 : i32
    %swap3A_1946 = arith.constant 5 : i32
    %swap3A_1947 = arith.index_cast %swap3A_1945 : i32 to index
    %swap3A_1948 = arith.index_cast %swap3A_1946 : i32 to index
    %swap3A_1949 = arith.constant 64 : index
    %swap3A_1950 = tpu.vector_load %arg11[%swap3A_1947, %swap3A_1948, %swap3A_1949] {strides = array<i32>} : memref<2x6x128xi32, #tpu.memory_space<vmem>>, vector<1x1x16xi32>,
    %swap3A_1951 = vector.shape_cast %swap3A_1950 : vector<1x1x16xi32> to vector<16xi32>
    %swap3A_1952 = vector.shape_cast %add3A_1944 : vector<16xi32> to vector<1x1x16xi32>
    tpu.vector_store %arg11[%swap3A_1947, %swap3A_1948, %swap3A_1949], %swap3A_1952 {strides = array<i32>} : memref<2x6x128xi32, #tpu.memory_space<vmem>>, vector<1x1x16xi32>,
    %get3A_1953 = arith.constant 1 : i32
    %get3A_1954 = arith.constant 5 : i32
    %get3A_1955 = arith.index_cast %get3A_1953 : i32 to index
    %get3A_1956 = arith.index_cast %get3A_1954 : i32 to index
    %get3A_1957 = arith.constant 80 : index
    %get3A_1958 = tpu.vector_load %arg11[%get3A_1955, %get3A_1956, %get3A_1957] {strides = array<i32>} : memref<2x6x128xi32, #tpu.memory_space<vmem>>, vector<1x1x16xi32>,
    %get3A_1959 = vector.shape_cast %get3A_1958 : vector<1x1x16xi32> to vector<16xi32>
    %add3A_1960 = arith.constant 895 : i32
    %add3A_1961 = vector.broadcast %add3A_1960 : i32 to vector<16xi32>
    %add3A_1962 = arith.addi %get3A_1959, %add3A_1961 : vector<16xi32>
    %swap3A_1963 = arith.constant 1 : i32
    %swap3A_1964 = arith.constant 5 : i32
    %swap3A_1965 = arith.index_cast %swap3A_1963 : i32 to index
    %swap3A_1966 = arith.index_cast %swap3A_1964 : i32 to index
    %swap3A_1967 = arith.constant 80 : index
    %swap3A_1968 = tpu.vector_load %arg11[%swap3A_1965, %swap3A_1966, %swap3A_1967] {strides = array<i32>} : memref<2x6x128xi32, #tpu.memory_space<vmem>>, vector<1x1x16xi32>,
    %swap3A_1969 = vector.shape_cast %swap3A_1968 : vector<1x1x16xi32> to vector<16xi32>
    %swap3A_1970 = vector.shape_cast %add3A_1962 : vector<16xi32> to vector<1x1x16xi32>
    tpu.vector_store %arg11[%swap3A_1965, %swap3A_1966, %swap3A_1967], %swap3A_1970 {strides = array<i32>} : memref<2x6x128xi32, #tpu.memory_space<vmem>>, vector<1x1x16xi32>,
    %get3A_1971 = arith.constant 1 : i32
    %get3A_1972 = arith.constant 5 : i32
    %get3A_1973 = arith.index_cast %get3A_1971 : i32 to index
    %get3A_1974 = arith.index_cast %get3A_1972 : i32 to index
    %get3A_1975 = arith.constant 96 : index
    %get3A_1976 = tpu.vector_load %arg11[%get3A_1973, %get3A_1974, %get3A_1975] {strides = array<i32>} : memref<2x6x128xi32, #tpu.memory_space<vmem>>, vector<1x1x16xi32>,
    %get3A_1977 = vector.shape_cast %get3A_1976 : vector<1x1x16xi32> to vector<16xi32>
    %add3A_1978 = arith.constant 895 : i32
    %add3A_1979 = vector.broadcast %add3A_1978 : i32 to vector<16xi32>
    %add3A_1980 = arith.addi %get3A_1977, %add3A_1979 : vector<16xi32>
    %swap3A_1981 = arith.constant 1 : i32
    %swap3A_1982 = arith.constant 5 : i32
    %swap3A_1983 = arith.index_cast %swap3A_1981 : i32 to index
    %swap3A_1984 = arith.index_cast %swap3A_1982 : i32 to index
    %swap3A_1985 = arith.constant 96 : index
    %swap3A_1986 = tpu.vector_load %arg11[%swap3A_1983, %swap3A_1984, %swap3A_1985] {strides = array<i32>} : memref<2x6x128xi32, #tpu.memory_space<vmem>>, vector<1x1x16xi32>,
    %swap3A_1987 = vector.shape_cast %swap3A_1986 : vector<1x1x16xi32> to vector<16xi32>
    %swap3A_1988 = vector.shape_cast %add3A_1980 : vector<16xi32> to vector<1x1x16xi32>
    tpu.vector_store %arg11[%swap3A_1983, %swap3A_1984, %swap3A_1985], %swap3A_1988 {strides = array<i32>} : memref<2x6x128xi32, #tpu.memory_space<vmem>>, vector<1x1x16xi32>,
    %get3A_1989 = arith.constant 1 : i32
    %get3A_1990 = arith.constant 5 : i32
    %get3A_1991 = arith.index_cast %get3A_1989 : i32 to index
    %get3A_1992 = arith.index_cast %get3A_1990 : i32 to index
    %get3A_1993 = arith.constant 112 : index
    %get3A_1994 = tpu.vector_load %arg11[%get3A_1991, %get3A_1992, %get3A_1993] {strides = array<i32>} : memref<2x6x128xi32, #tpu.memory_space<vmem>>, vector<1x1x16xi32>,
    %get3A_1995 = vector.shape_cast %get3A_1994 : vector<1x1x16xi32> to vector<16xi32>
    %add3A_1996 = arith.constant 895 : i32
    %add3A_1997 = vector.broadcast %add3A_1996 : i32 to vector<16xi32>
    %add3A_1998 = arith.addi %get3A_1995, %add3A_1997 : vector<16xi32>
    %swap3A_1999 = arith.constant 1 : i32
    %swap3A_2000 = arith.constant 5 : i32
    %swap3A_2001 = arith.index_cast %swap3A_1999 : i32 to index
    %swap3A_2002 = arith.index_cast %swap3A_2000 : i32 to index
    %swap3A_2003 = arith.constant 112 : index
    %swap3A_2004 = tpu.vector_load %arg11[%swap3A_2001, %swap3A_2002, %swap3A_2003] {strides = array<i32>} : memref<2x6x128xi32, #tpu.memory_space<vmem>>, vector<1x1x16xi32>,
    %swap3A_2005 = vector.shape_cast %swap3A_2004 : vector<1x1x16xi32> to vector<16xi32>
    %swap3A_2006 = vector.shape_cast %add3A_1998 : vector<16xi32> to vector<1x1x16xi32>
    tpu.vector_store %arg11[%swap3A_2001, %swap3A_2002, %swap3A_2003], %swap3A_2006 {strides = array<i32>} : memref<2x6x128xi32, #tpu.memory_space<vmem>>, vector<1x1x16xi32>,
    %dma_start3A_2007 = arith.constant 1 : i32
    %dma_start3A_2008 = arith.constant 0 : i32
    %dma_start3A_2009 = arith.constant 1 : i32
    %dma_start3A_2010 = arith.constant 0 : i32
    %dma_start3A_2011 = arith.constant 0 : i32
    %dma_start3A_2012 = arith.constant 0 : i32
    %dma_start3A_2013 = tpu.memref_slice %arg12[%dma_start3A_2009, %dma_start3A_2010, %dma_start3A_2011, %dma_start3A_2012] : memref<2x6x128x64xf32, #tpu.memory_space<vmem>> -> memref<1x1x128x64xf32, #tpu.memory_space<vmem>>
    %dma_start3A_2014 = tpu.memref_squeeze %dma_start3A_2013 : memref<1x1x128x64xf32, #tpu.memory_space<vmem>> -> memref<128x64xf32, #tpu.memory_space<vmem>>
    %dma_start3A_2015 = arith.constant 0 : i32
    %dma_start3A_2016 = tpu.memref_slice %arg11[%dma_start3A_2007, %dma_start3A_2008, %dma_start3A_2015] : memref<2x6x128xi32, #tpu.memory_space<vmem>> -> memref<1x1x128xi32, #tpu.memory_space<vmem>>
    %dma_start3A_2017 = tpu.memref_squeeze %dma_start3A_2016 : memref<1x1x128xi32, #tpu.memory_space<vmem>> -> memref<128xi32, #tpu.memory_space<vmem>>
    %dma_start3A_2018 = arith.constant 0 : i32
    %dma_start3A_2019 = arith.constant 0 : i32
    %dma_start3A_2020 = tpu.memref_slice %arg14[%dma_start3A_2018, %dma_start3A_2019] : memref<945x64xf32, #tpu.memory_space<vmem_shared>> -> memref<945x64xf32, #tpu.memory_space<vmem_shared>>
    tpu.enqueue_indirect_dma source(%dma_start3A_2020 : memref<945x64xf32, #tpu.memory_space<vmem_shared>>) target(%dma_start3A_2014 : memref<128x64xf32, #tpu.memory_space<vmem>>) offsets(%dma_start3A_2017 : memref<128xi32, #tpu.memory_space<vmem>>) semaphore(%arg16 : memref<!tpu.dma_semaphore, #tpu.memory_space<semaphore_mem>>)
    %dma_start3A_2021 = arith.constant 1 : i32
    %dma_start3A_2022 = arith.constant 1 : i32
    %dma_start3A_2023 = arith.constant 1 : i32
    %dma_start3A_2024 = arith.constant 1 : i32
    %dma_start3A_2025 = arith.constant 0 : i32
    %dma_start3A_2026 = arith.constant 0 : i32
    %dma_start3A_2027 = tpu.memref_slice %arg12[%dma_start3A_2023, %dma_start3A_2024, %dma_start3A_2025, %dma_start3A_2026] : memref<2x6x128x64xf32, #tpu.memory_space<vmem>> -> memref<1x1x128x64xf32, #tpu.memory_space<vmem>>
    %dma_start3A_2028 = tpu.memref_squeeze %dma_start3A_2027 : memref<1x1x128x64xf32, #tpu.memory_space<vmem>> -> memref<128x64xf32, #tpu.memory_space<vmem>>
    %dma_start3A_2029 = arith.constant 0 : i32
    %dma_start3A_2030 = tpu.memref_slice %arg11[%dma_start3A_2021, %dma_start3A_2022, %dma_start3A_2029] : memref<2x6x128xi32, #tpu.memory_space<vmem>> -> memref<1x1x128xi32, #tpu.memory_space<vmem>>
    %dma_start3A_2031 = tpu.memref_squeeze %dma_start3A_2030 : memref<1x1x128xi32, #tpu.memory_space<vmem>> -> memref<128xi32, #tpu.memory_space<vmem>>
    %dma_start3A_2032 = arith.constant 0 : i32
    %dma_start3A_2033 = arith.constant 0 : i32
    %dma_start3A_2034 = tpu.memref_slice %arg14[%dma_start3A_2032, %dma_start3A_2033] : memref<945x64xf32, #tpu.memory_space<vmem_shared>> -> memref<945x64xf32, #tpu.memory_space<vmem_shared>>
    tpu.enqueue_indirect_dma source(%dma_start3A_2034 : memref<945x64xf32, #tpu.memory_space<vmem_shared>>) target(%dma_start3A_2028 : memref<128x64xf32, #tpu.memory_space<vmem>>) offsets(%dma_start3A_2031 : memref<128xi32, #tpu.memory_space<vmem>>) semaphore(%arg16 : memref<!tpu.dma_semaphore, #tpu.memory_space<semaphore_mem>>)
    %dma_start3A_2035 = arith.constant 1 : i32
    %dma_start3A_2036 = arith.constant 2 : i32
    %dma_start3A_2037 = arith.constant 1 : i32
    %dma_start3A_2038 = arith.constant 2 : i32
    %dma_start3A_2039 = arith.constant 0 : i32
    %dma_start3A_2040 = arith.constant 0 : i32
    %dma_start3A_2041 = tpu.memref_slice %arg12[%dma_start3A_2037, %dma_start3A_2038, %dma_start3A_2039, %dma_start3A_2040] : memref<2x6x128x64xf32, #tpu.memory_space<vmem>> -> memref<1x1x128x64xf32, #tpu.memory_space<vmem>>
    %dma_start3A_2042 = tpu.memref_squeeze %dma_start3A_2041 : memref<1x1x128x64xf32, #tpu.memory_space<vmem>> -> memref<128x64xf32, #tpu.memory_space<vmem>>
    %dma_start3A_2043 = arith.constant 0 : i32
    %dma_start3A_2044 = tpu.memref_slice %arg11[%dma_start3A_2035, %dma_start3A_2036, %dma_start3A_2043] : memref<2x6x128xi32, #tpu.memory_space<vmem>> -> memref<1x1x128xi32, #tpu.memory_space<vmem>>
    %dma_start3A_2045 = tpu.memref_squeeze %dma_start3A_2044 : memref<1x1x128xi32, #tpu.memory_space<vmem>> -> memref<128xi32, #tpu.memory_space<vmem>>
    %dma_start3A_2046 = arith.constant 0 : i32
    %dma_start3A_2047 = arith.constant 0 : i32
    %dma_start3A_2048 = tpu.memref_slice %arg14[%dma_start3A_2046, %dma_start3A_2047] : memref<945x64xf32, #tpu.memory_space<vmem_shared>> -> memref<945x64xf32, #tpu.memory_space<vmem_shared>>
    tpu.enqueue_indirect_dma source(%dma_start3A_2048 : memref<945x64xf32, #tpu.memory_space<vmem_shared>>) target(%dma_start3A_2042 : memref<128x64xf32, #tpu.memory_space<vmem>>) offsets(%dma_start3A_2045 : memref<128xi32, #tpu.memory_space<vmem>>) semaphore(%arg16 : memref<!tpu.dma_semaphore, #tpu.memory_space<semaphore_mem>>)
    %dma_start3A_2049 = arith.constant 1 : i32
    %dma_start3A_2050 = arith.constant 3 : i32
    %dma_start3A_2051 = arith.constant 1 : i32
    %dma_start3A_2052 = arith.constant 3 : i32
    %dma_start3A_2053 = arith.constant 0 : i32
    %dma_start3A_2054 = arith.constant 0 : i32
    %dma_start3A_2055 = tpu.memref_slice %arg12[%dma_start3A_2051, %dma_start3A_2052, %dma_start3A_2053, %dma_start3A_2054] : memref<2x6x128x64xf32, #tpu.memory_space<vmem>> -> memref<1x1x128x64xf32, #tpu.memory_space<vmem>>
    %dma_start3A_2056 = tpu.memref_squeeze %dma_start3A_2055 : memref<1x1x128x64xf32, #tpu.memory_space<vmem>> -> memref<128x64xf32, #tpu.memory_space<vmem>>
    %dma_start3A_2057 = arith.constant 0 : i32
    %dma_start3A_2058 = tpu.memref_slice %arg11[%dma_start3A_2049, %dma_start3A_2050, %dma_start3A_2057] : memref<2x6x128xi32, #tpu.memory_space<vmem>> -> memref<1x1x128xi32, #tpu.memory_space<vmem>>
    %dma_start3A_2059 = tpu.memref_squeeze %dma_start3A_2058 : memref<1x1x128xi32, #tpu.memory_space<vmem>> -> memref<128xi32, #tpu.memory_space<vmem>>
    %dma_start3A_2060 = arith.constant 0 : i32
    %dma_start3A_2061 = arith.constant 0 : i32
    %dma_start3A_2062 = tpu.memref_slice %arg14[%dma_start3A_2060, %dma_start3A_2061] : memref<945x64xf32, #tpu.memory_space<vmem_shared>> -> memref<945x64xf32, #tpu.memory_space<vmem_shared>>
    tpu.enqueue_indirect_dma source(%dma_start3A_2062 : memref<945x64xf32, #tpu.memory_space<vmem_shared>>) target(%dma_start3A_2056 : memref<128x64xf32, #tpu.memory_space<vmem>>) offsets(%dma_start3A_2059 : memref<128xi32, #tpu.memory_space<vmem>>) semaphore(%arg16 : memref<!tpu.dma_semaphore, #tpu.memory_space<semaphore_mem>>)
    %dma_start3A_2063 = arith.constant 1 : i32
    %dma_start3A_2064 = arith.constant 4 : i32
    %dma_start3A_2065 = arith.constant 1 : i32
    %dma_start3A_2066 = arith.constant 4 : i32
    %dma_start3A_2067 = arith.constant 0 : i32
    %dma_start3A_2068 = arith.constant 0 : i32
    %dma_start3A_2069 = tpu.memref_slice %arg12[%dma_start3A_2065, %dma_start3A_2066, %dma_start3A_2067, %dma_start3A_2068] : memref<2x6x128x64xf32, #tpu.memory_space<vmem>> -> memref<1x1x128x64xf32, #tpu.memory_space<vmem>>
    %dma_start3A_2070 = tpu.memref_squeeze %dma_start3A_2069 : memref<1x1x128x64xf32, #tpu.memory_space<vmem>> -> memref<128x64xf32, #tpu.memory_space<vmem>>
    %dma_start3A_2071 = arith.constant 0 : i32
    %dma_start3A_2072 = tpu.memref_slice %arg11[%dma_start3A_2063, %dma_start3A_2064, %dma_start3A_2071] : memref<2x6x128xi32, #tpu.memory_space<vmem>> -> memref<1x1x128xi32, #tpu.memory_space<vmem>>
    %dma_start3A_2073 = tpu.memref_squeeze %dma_start3A_2072 : memref<1x1x128xi32, #tpu.memory_space<vmem>> -> memref<128xi32, #tpu.memory_space<vmem>>
    %dma_start3A_2074 = arith.constant 0 : i32
    %dma_start3A_2075 = arith.constant 0 : i32
    %dma_start3A_2076 = tpu.memref_slice %arg14[%dma_start3A_2074, %dma_start3A_2075] : memref<945x64xf32, #tpu.memory_space<vmem_shared>> -> memref<945x64xf32, #tpu.memory_space<vmem_shared>>
    tpu.enqueue_indirect_dma source(%dma_start3A_2076 : memref<945x64xf32, #tpu.memory_space<vmem_shared>>) target(%dma_start3A_2070 : memref<128x64xf32, #tpu.memory_space<vmem>>) offsets(%dma_start3A_2073 : memref<128xi32, #tpu.memory_space<vmem>>) semaphore(%arg16 : memref<!tpu.dma_semaphore, #tpu.memory_space<semaphore_mem>>)
    %dma_start3A_2077 = arith.constant 1 : i32
    %dma_start3A_2078 = arith.constant 5 : i32
    %dma_start3A_2079 = arith.constant 1 : i32
    %dma_start3A_2080 = arith.constant 5 : i32
    %dma_start3A_2081 = arith.constant 0 : i32
    %dma_start3A_2082 = arith.constant 0 : i32
    %dma_start3A_2083 = tpu.memref_slice %arg12[%dma_start3A_2079, %dma_start3A_2080, %dma_start3A_2081, %dma_start3A_2082] : memref<2x6x128x64xf32, #tpu.memory_space<vmem>> -> memref<1x1x128x64xf32, #tpu.memory_space<vmem>>
    %dma_start3A_2084 = tpu.memref_squeeze %dma_start3A_2083 : memref<1x1x128x64xf32, #tpu.memory_space<vmem>> -> memref<128x64xf32, #tpu.memory_space<vmem>>
    %dma_start3A_2085 = arith.constant 0 : i32
    %dma_start3A_2086 = tpu.memref_slice %arg11[%dma_start3A_2077, %dma_start3A_2078, %dma_start3A_2085] : memref<2x6x128xi32, #tpu.memory_space<vmem>> -> memref<1x1x128xi32, #tpu.memory_space<vmem>>
    %dma_start3A_2087 = tpu.memref_squeeze %dma_start3A_2086 : memref<1x1x128xi32, #tpu.memory_space<vmem>> -> memref<128xi32, #tpu.memory_space<vmem>>
    %dma_start3A_2088 = arith.constant 0 : i32
    %dma_start3A_2089 = arith.constant 0 : i32
    %dma_start3A_2090 = tpu.memref_slice %arg14[%dma_start3A_2088, %dma_start3A_2089] : memref<945x64xf32, #tpu.memory_space<vmem_shared>> -> memref<945x64xf32, #tpu.memory_space<vmem_shared>>
    tpu.enqueue_indirect_dma source(%dma_start3A_2090 : memref<945x64xf32, #tpu.memory_space<vmem_shared>>) target(%dma_start3A_2084 : memref<128x64xf32, #tpu.memory_space<vmem>>) offsets(%dma_start3A_2087 : memref<128xi32, #tpu.memory_space<vmem>>) semaphore(%arg16 : memref<!tpu.dma_semaphore, #tpu.memory_space<semaphore_mem>>)
    %dma_wait3A_2091 = arith.constant 1 : i32
    %dma_wait3A_2092 = arith.constant 0 : i32
    %dma_wait3A_2093 = arith.constant 1 : i32
    %dma_wait3A_2094 = arith.constant 0 : i32
    %dma_wait3A_2095 = arith.constant 0 : i32
    %dma_wait3A_2096 = arith.constant 0 : i32
    %dma_wait3A_2097 = tpu.memref_slice %arg12[%dma_wait3A_2093, %dma_wait3A_2094, %dma_wait3A_2095, %dma_wait3A_2096] : memref<2x6x128x64xf32, #tpu.memory_space<vmem>> -> memref<1x1x128x64xf32, #tpu.memory_space<vmem>>
    %dma_wait3A_2098 = tpu.memref_squeeze %dma_wait3A_2097 : memref<1x1x128x64xf32, #tpu.memory_space<vmem>> -> memref<128x64xf32, #tpu.memory_space<vmem>>
    %dma_wait3A_2099 = arith.constant 0 : i32
    %dma_wait3A_2100 = tpu.memref_slice %arg11[%dma_wait3A_2091, %dma_wait3A_2092, %dma_wait3A_2099] : memref<2x6x128xi32, #tpu.memory_space<vmem>> -> memref<1x1x128xi32, #tpu.memory_space<vmem>>
    %dma_wait3A_2101 = tpu.memref_squeeze %dma_wait3A_2100 : memref<1x1x128xi32, #tpu.memory_space<vmem>> -> memref<128xi32, #tpu.memory_space<vmem>>
    %dma_wait3A_2102 = arith.constant 0 : i32
    %dma_wait3A_2103 = arith.constant 0 : i32
    %dma_wait3A_2104 = tpu.memref_slice %arg14[%dma_wait3A_2102, %dma_wait3A_2103] : memref<945x64xf32, #tpu.memory_space<vmem_shared>> -> memref<945x64xf32, #tpu.memory_space<vmem_shared>>
    tpu.wait_indirect_dma semaphore(%arg16 : memref<!tpu.dma_semaphore, #tpu.memory_space<semaphore_mem>>) src(%dma_wait3A_2104 : memref<945x64xf32, #tpu.memory_space<vmem_shared>>) dst(%dma_wait3A_2098 : memref<128x64xf32, #tpu.memory_space<vmem>>)
    %dma_wait3A_2105 = arith.constant 1 : i32
    %dma_wait3A_2106 = arith.constant 1 : i32
    %dma_wait3A_2107 = arith.constant 1 : i32
    %dma_wait3A_2108 = arith.constant 1 : i32
    %dma_wait3A_2109 = arith.constant 0 : i32
    %dma_wait3A_2110 = arith.constant 0 : i32
    %dma_wait3A_2111 = tpu.memref_slice %arg12[%dma_wait3A_2107, %dma_wait3A_2108, %dma_wait3A_2109, %dma_wait3A_2110] : memref<2x6x128x64xf32, #tpu.memory_space<vmem>> -> memref<1x1x128x64xf32, #tpu.memory_space<vmem>>
    %dma_wait3A_2112 = tpu.memref_squeeze %dma_wait3A_2111 : memref<1x1x128x64xf32, #tpu.memory_space<vmem>> -> memref<128x64xf32, #tpu.memory_space<vmem>>
    %dma_wait3A_2113 = arith.constant 0 : i32
    %dma_wait3A_2114 = tpu.memref_slice %arg11[%dma_wait3A_2105, %dma_wait3A_2106, %dma_wait3A_2113] : memref<2x6x128xi32, #tpu.memory_space<vmem>> -> memref<1x1x128xi32, #tpu.memory_space<vmem>>
    %dma_wait3A_2115 = tpu.memref_squeeze %dma_wait3A_2114 : memref<1x1x128xi32, #tpu.memory_space<vmem>> -> memref<128xi32, #tpu.memory_space<vmem>>
    %dma_wait3A_2116 = arith.constant 0 : i32
    %dma_wait3A_2117 = arith.constant 0 : i32
    %dma_wait3A_2118 = tpu.memref_slice %arg14[%dma_wait3A_2116, %dma_wait3A_2117] : memref<945x64xf32, #tpu.memory_space<vmem_shared>> -> memref<945x64xf32, #tpu.memory_space<vmem_shared>>
    tpu.wait_indirect_dma semaphore(%arg16 : memref<!tpu.dma_semaphore, #tpu.memory_space<semaphore_mem>>) src(%dma_wait3A_2118 : memref<945x64xf32, #tpu.memory_space<vmem_shared>>) dst(%dma_wait3A_2112 : memref<128x64xf32, #tpu.memory_space<vmem>>)
    %dma_wait3A_2119 = arith.constant 1 : i32
    %dma_wait3A_2120 = arith.constant 2 : i32
    %dma_wait3A_2121 = arith.constant 1 : i32
    %dma_wait3A_2122 = arith.constant 2 : i32
    %dma_wait3A_2123 = arith.constant 0 : i32
    %dma_wait3A_2124 = arith.constant 0 : i32
    %dma_wait3A_2125 = tpu.memref_slice %arg12[%dma_wait3A_2121, %dma_wait3A_2122, %dma_wait3A_2123, %dma_wait3A_2124] : memref<2x6x128x64xf32, #tpu.memory_space<vmem>> -> memref<1x1x128x64xf32, #tpu.memory_space<vmem>>
    %dma_wait3A_2126 = tpu.memref_squeeze %dma_wait3A_2125 : memref<1x1x128x64xf32, #tpu.memory_space<vmem>> -> memref<128x64xf32, #tpu.memory_space<vmem>>
    %dma_wait3A_2127 = arith.constant 0 : i32
    %dma_wait3A_2128 = tpu.memref_slice %arg11[%dma_wait3A_2119, %dma_wait3A_2120, %dma_wait3A_2127] : memref<2x6x128xi32, #tpu.memory_space<vmem>> -> memref<1x1x128xi32, #tpu.memory_space<vmem>>
    %dma_wait3A_2129 = tpu.memref_squeeze %dma_wait3A_2128 : memref<1x1x128xi32, #tpu.memory_space<vmem>> -> memref<128xi32, #tpu.memory_space<vmem>>
    %dma_wait3A_2130 = arith.constant 0 : i32
    %dma_wait3A_2131 = arith.constant 0 : i32
    %dma_wait3A_2132 = tpu.memref_slice %arg14[%dma_wait3A_2130, %dma_wait3A_2131] : memref<945x64xf32, #tpu.memory_space<vmem_shared>> -> memref<945x64xf32, #tpu.memory_space<vmem_shared>>
    tpu.wait_indirect_dma semaphore(%arg16 : memref<!tpu.dma_semaphore, #tpu.memory_space<semaphore_mem>>) src(%dma_wait3A_2132 : memref<945x64xf32, #tpu.memory_space<vmem_shared>>) dst(%dma_wait3A_2126 : memref<128x64xf32, #tpu.memory_space<vmem>>)
    %dma_wait3A_2133 = arith.constant 1 : i32
    %dma_wait3A_2134 = arith.constant 3 : i32
    %dma_wait3A_2135 = arith.constant 1 : i32
    %dma_wait3A_2136 = arith.constant 3 : i32
    %dma_wait3A_2137 = arith.constant 0 : i32
    %dma_wait3A_2138 = arith.constant 0 : i32
    %dma_wait3A_2139 = tpu.memref_slice %arg12[%dma_wait3A_2135, %dma_wait3A_2136, %dma_wait3A_2137, %dma_wait3A_2138] : memref<2x6x128x64xf32, #tpu.memory_space<vmem>> -> memref<1x1x128x64xf32, #tpu.memory_space<vmem>>
    %dma_wait3A_2140 = tpu.memref_squeeze %dma_wait3A_2139 : memref<1x1x128x64xf32, #tpu.memory_space<vmem>> -> memref<128x64xf32, #tpu.memory_space<vmem>>
    %dma_wait3A_2141 = arith.constant 0 : i32
    %dma_wait3A_2142 = tpu.memref_slice %arg11[%dma_wait3A_2133, %dma_wait3A_2134, %dma_wait3A_2141] : memref<2x6x128xi32, #tpu.memory_space<vmem>> -> memref<1x1x128xi32, #tpu.memory_space<vmem>>
    %dma_wait3A_2143 = tpu.memref_squeeze %dma_wait3A_2142 : memref<1x1x128xi32, #tpu.memory_space<vmem>> -> memref<128xi32, #tpu.memory_space<vmem>>
    %dma_wait3A_2144 = arith.constant 0 : i32
    %dma_wait3A_2145 = arith.constant 0 : i32
    %dma_wait3A_2146 = tpu.memref_slice %arg14[%dma_wait3A_2144, %dma_wait3A_2145] : memref<945x64xf32, #tpu.memory_space<vmem_shared>> -> memref<945x64xf32, #tpu.memory_space<vmem_shared>>
    tpu.wait_indirect_dma semaphore(%arg16 : memref<!tpu.dma_semaphore, #tpu.memory_space<semaphore_mem>>) src(%dma_wait3A_2146 : memref<945x64xf32, #tpu.memory_space<vmem_shared>>) dst(%dma_wait3A_2140 : memref<128x64xf32, #tpu.memory_space<vmem>>)
    %dma_wait3A_2147 = arith.constant 1 : i32
    %dma_wait3A_2148 = arith.constant 4 : i32
    %dma_wait3A_2149 = arith.constant 1 : i32
    %dma_wait3A_2150 = arith.constant 4 : i32
    %dma_wait3A_2151 = arith.constant 0 : i32
    %dma_wait3A_2152 = arith.constant 0 : i32
    %dma_wait3A_2153 = tpu.memref_slice %arg12[%dma_wait3A_2149, %dma_wait3A_2150, %dma_wait3A_2151, %dma_wait3A_2152] : memref<2x6x128x64xf32, #tpu.memory_space<vmem>> -> memref<1x1x128x64xf32, #tpu.memory_space<vmem>>
    %dma_wait3A_2154 = tpu.memref_squeeze %dma_wait3A_2153 : memref<1x1x128x64xf32, #tpu.memory_space<vmem>> -> memref<128x64xf32, #tpu.memory_space<vmem>>
    %dma_wait3A_2155 = arith.constant 0 : i32
    %dma_wait3A_2156 = tpu.memref_slice %arg11[%dma_wait3A_2147, %dma_wait3A_2148, %dma_wait3A_2155] : memref<2x6x128xi32, #tpu.memory_space<vmem>> -> memref<1x1x128xi32, #tpu.memory_space<vmem>>
    %dma_wait3A_2157 = tpu.memref_squeeze %dma_wait3A_2156 : memref<1x1x128xi32, #tpu.memory_space<vmem>> -> memref<128xi32, #tpu.memory_space<vmem>>
    %dma_wait3A_2158 = arith.constant 0 : i32
    %dma_wait3A_2159 = arith.constant 0 : i32
    %dma_wait3A_2160 = tpu.memref_slice %arg14[%dma_wait3A_2158, %dma_wait3A_2159] : memref<945x64xf32, #tpu.memory_space<vmem_shared>> -> memref<945x64xf32, #tpu.memory_space<vmem_shared>>
    tpu.wait_indirect_dma semaphore(%arg16 : memref<!tpu.dma_semaphore, #tpu.memory_space<semaphore_mem>>) src(%dma_wait3A_2160 : memref<945x64xf32, #tpu.memory_space<vmem_shared>>) dst(%dma_wait3A_2154 : memref<128x64xf32, #tpu.memory_space<vmem>>)
    %dma_wait3A_2161 = arith.constant 1 : i32
    %dma_wait3A_2162 = arith.constant 5 : i32
    %dma_wait3A_2163 = arith.constant 1 : i32
    %dma_wait3A_2164 = arith.constant 5 : i32
    %dma_wait3A_2165 = arith.constant 0 : i32
    %dma_wait3A_2166 = arith.constant 0 : i32
    %dma_wait3A_2167 = tpu.memref_slice %arg12[%dma_wait3A_2163, %dma_wait3A_2164, %dma_wait3A_2165, %dma_wait3A_2166] : memref<2x6x128x64xf32, #tpu.memory_space<vmem>> -> memref<1x1x128x64xf32, #tpu.memory_space<vmem>>
    %dma_wait3A_2168 = tpu.memref_squeeze %dma_wait3A_2167 : memref<1x1x128x64xf32, #tpu.memory_space<vmem>> -> memref<128x64xf32, #tpu.memory_space<vmem>>
    %dma_wait3A_2169 = arith.constant 0 : i32
    %dma_wait3A_2170 = tpu.memref_slice %arg11[%dma_wait3A_2161, %dma_wait3A_2162, %dma_wait3A_2169] : memref<2x6x128xi32, #tpu.memory_space<vmem>> -> memref<1x1x128xi32, #tpu.memory_space<vmem>>
    %dma_wait3A_2171 = tpu.memref_squeeze %dma_wait3A_2170 : memref<1x1x128xi32, #tpu.memory_space<vmem>> -> memref<128xi32, #tpu.memory_space<vmem>>
    %dma_wait3A_2172 = arith.constant 0 : i32
    %dma_wait3A_2173 = arith.constant 0 : i32
    %dma_wait3A_2174 = tpu.memref_slice %arg14[%dma_wait3A_2172, %dma_wait3A_2173] : memref<945x64xf32, #tpu.memory_space<vmem_shared>> -> memref<945x64xf32, #tpu.memory_space<vmem_shared>>
    tpu.wait_indirect_dma semaphore(%arg16 : memref<!tpu.dma_semaphore, #tpu.memory_space<semaphore_mem>>) src(%dma_wait3A_2174 : memref<945x64xf32, #tpu.memory_space<vmem_shared>>) dst(%dma_wait3A_2168 : memref<128x64xf32, #tpu.memory_space<vmem>>)
    %dma_start3A_2175 = arith.constant 1 : i32
    %dma_start3A_2176 = arith.constant 0 : i32
    %dma_start3A_2177 = arith.constant 0 : i32
    %dma_start3A_2178 = arith.constant 0 : i32
    %dma_start3A_2179 = tpu.memref_slice %arg12[%dma_start3A_2175, %dma_start3A_2176, %dma_start3A_2177, %dma_start3A_2178] : memref<2x6x128x64xf32, #tpu.memory_space<vmem>> -> memref<1x1x128x64xf32, #tpu.memory_space<vmem>>
    %dma_start3A_2180 = tpu.memref_squeeze %dma_start3A_2179 : memref<1x1x128x64xf32, #tpu.memory_space<vmem>> -> memref<128x64xf32, #tpu.memory_space<vmem>>
    %dma_start3A_2181 = arith.constant 0 : i32
    %dma_start3A_2182 = tpu.memref_slice %arg10[%add3A_1164, %dma_start3A_2181] : memref<16384x385xf32, #tpu.memory_space<hbm>> -> memref<128x64xf32, #tpu.memory_space<hbm>>
    %dma_start3A_2183 = arith.constant 0 : i32
    %dma_start3A_2184 = tpu.memref_slice %arg10[%add3A_1164, %dma_start3A_2183] : memref<16384x385xf32, #tpu.memory_space<hbm>> -> memref<128x64xf32, #tpu.memory_space<hbm>>
    %dma_start3A_2185 = arith.constant 0 : i32
    %dma_start3A_2186 = arith.constant 0 : i32
    %dma_start3A_2187 = tpu.memref_slice %arg12[%dma_start3A_2175, %dma_start3A_2176, %dma_start3A_2185, %dma_start3A_2186] : memref<2x6x128x64xf32, #tpu.memory_space<vmem>> -> memref<1x1x128x64xf32, #tpu.memory_space<vmem>>
    %dma_start3A_2188 = tpu.memref_squeeze %dma_start3A_2187 : memref<1x1x128x64xf32, #tpu.memory_space<vmem>> -> memref<128x64xf32, #tpu.memory_space<vmem>>
    tpu.enqueue_dma source(%dma_start3A_2188 : memref<128x64xf32, #tpu.memory_space<vmem>>) target(%dma_start3A_2184 : memref<128x64xf32, #tpu.memory_space<hbm>>) target_semaphore(%arg17 : memref<!tpu.dma_semaphore, #tpu.memory_space<semaphore_mem>>)
    %dma_start3A_2189 = arith.constant 1 : i32
    %dma_start3A_2190 = arith.constant 1 : i32
    %dma_start3A_2191 = arith.constant 0 : i32
    %dma_start3A_2192 = arith.constant 0 : i32
    %dma_start3A_2193 = tpu.memref_slice %arg12[%dma_start3A_2189, %dma_start3A_2190, %dma_start3A_2191, %dma_start3A_2192] : memref<2x6x128x64xf32, #tpu.memory_space<vmem>> -> memref<1x1x128x64xf32, #tpu.memory_space<vmem>>
    %dma_start3A_2194 = tpu.memref_squeeze %dma_start3A_2193 : memref<1x1x128x64xf32, #tpu.memory_space<vmem>> -> memref<128x64xf32, #tpu.memory_space<vmem>>
    %dma_start3A_2195 = arith.constant 64 : i32
    %dma_start3A_2196 = tpu.memref_slice %arg10[%add3A_1164, %dma_start3A_2195] : memref<16384x385xf32, #tpu.memory_space<hbm>> -> memref<128x64xf32, #tpu.memory_space<hbm>>
    %dma_start3A_2197 = arith.constant 64 : i32
    %dma_start3A_2198 = tpu.memref_slice %arg10[%add3A_1164, %dma_start3A_2197] : memref<16384x385xf32, #tpu.memory_space<hbm>> -> memref<128x64xf32, #tpu.memory_space<hbm>>
    %dma_start3A_2199 = arith.constant 0 : i32
    %dma_start3A_2200 = arith.constant 0 : i32
    %dma_start3A_2201 = tpu.memref_slice %arg12[%dma_start3A_2189, %dma_start3A_2190, %dma_start3A_2199, %dma_start3A_2200] : memref<2x6x128x64xf32, #tpu.memory_space<vmem>> -> memref<1x1x128x64xf32, #tpu.memory_space<vmem>>
    %dma_start3A_2202 = tpu.memref_squeeze %dma_start3A_2201 : memref<1x1x128x64xf32, #tpu.memory_space<vmem>> -> memref<128x64xf32, #tpu.memory_space<vmem>>
    tpu.enqueue_dma source(%dma_start3A_2202 : memref<128x64xf32, #tpu.memory_space<vmem>>) target(%dma_start3A_2198 : memref<128x64xf32, #tpu.memory_space<hbm>>) target_semaphore(%arg17 : memref<!tpu.dma_semaphore, #tpu.memory_space<semaphore_mem>>)
    %dma_start3A_2203 = arith.constant 1 : i32
    %dma_start3A_2204 = arith.constant 2 : i32
    %dma_start3A_2205 = arith.constant 0 : i32
    %dma_start3A_2206 = arith.constant 0 : i32
    %dma_start3A_2207 = tpu.memref_slice %arg12[%dma_start3A_2203, %dma_start3A_2204, %dma_start3A_2205, %dma_start3A_2206] : memref<2x6x128x64xf32, #tpu.memory_space<vmem>> -> memref<1x1x128x64xf32, #tpu.memory_space<vmem>>
    %dma_start3A_2208 = tpu.memref_squeeze %dma_start3A_2207 : memref<1x1x128x64xf32, #tpu.memory_space<vmem>> -> memref<128x64xf32, #tpu.memory_space<vmem>>
    %dma_start3A_2209 = arith.constant 128 : i32
    %dma_start3A_2210 = tpu.memref_slice %arg10[%add3A_1164, %dma_start3A_2209] : memref<16384x385xf32, #tpu.memory_space<hbm>> -> memref<128x64xf32, #tpu.memory_space<hbm>>
    %dma_start3A_2211 = arith.constant 128 : i32
    %dma_start3A_2212 = tpu.memref_slice %arg10[%add3A_1164, %dma_start3A_2211] : memref<16384x385xf32, #tpu.memory_space<hbm>> -> memref<128x64xf32, #tpu.memory_space<hbm>>
    %dma_start3A_2213 = arith.constant 0 : i32
    %dma_start3A_2214 = arith.constant 0 : i32
    %dma_start3A_2215 = tpu.memref_slice %arg12[%dma_start3A_2203, %dma_start3A_2204, %dma_start3A_2213, %dma_start3A_2214] : memref<2x6x128x64xf32, #tpu.memory_space<vmem>> -> memref<1x1x128x64xf32, #tpu.memory_space<vmem>>
    %dma_start3A_2216 = tpu.memref_squeeze %dma_start3A_2215 : memref<1x1x128x64xf32, #tpu.memory_space<vmem>> -> memref<128x64xf32, #tpu.memory_space<vmem>>
    tpu.enqueue_dma source(%dma_start3A_2216 : memref<128x64xf32, #tpu.memory_space<vmem>>) target(%dma_start3A_2212 : memref<128x64xf32, #tpu.memory_space<hbm>>) target_semaphore(%arg17 : memref<!tpu.dma_semaphore, #tpu.memory_space<semaphore_mem>>)
    %dma_start3A_2217 = arith.constant 1 : i32
    %dma_start3A_2218 = arith.constant 3 : i32
    %dma_start3A_2219 = arith.constant 0 : i32
    %dma_start3A_2220 = arith.constant 0 : i32
    %dma_start3A_2221 = tpu.memref_slice %arg12[%dma_start3A_2217, %dma_start3A_2218, %dma_start3A_2219, %dma_start3A_2220] : memref<2x6x128x64xf32, #tpu.memory_space<vmem>> -> memref<1x1x128x64xf32, #tpu.memory_space<vmem>>
    %dma_start3A_2222 = tpu.memref_squeeze %dma_start3A_2221 : memref<1x1x128x64xf32, #tpu.memory_space<vmem>> -> memref<128x64xf32, #tpu.memory_space<vmem>>
    %dma_start3A_2223 = arith.constant 192 : i32
    %dma_start3A_2224 = tpu.memref_slice %arg10[%add3A_1164, %dma_start3A_2223] : memref<16384x385xf32, #tpu.memory_space<hbm>> -> memref<128x64xf32, #tpu.memory_space<hbm>>
    %dma_start3A_2225 = arith.constant 192 : i32
    %dma_start3A_2226 = tpu.memref_slice %arg10[%add3A_1164, %dma_start3A_2225] : memref<16384x385xf32, #tpu.memory_space<hbm>> -> memref<128x64xf32, #tpu.memory_space<hbm>>
    %dma_start3A_2227 = arith.constant 0 : i32
    %dma_start3A_2228 = arith.constant 0 : i32
    %dma_start3A_2229 = tpu.memref_slice %arg12[%dma_start3A_2217, %dma_start3A_2218, %dma_start3A_2227, %dma_start3A_2228] : memref<2x6x128x64xf32, #tpu.memory_space<vmem>> -> memref<1x1x128x64xf32, #tpu.memory_space<vmem>>
    %dma_start3A_2230 = tpu.memref_squeeze %dma_start3A_2229 : memref<1x1x128x64xf32, #tpu.memory_space<vmem>> -> memref<128x64xf32, #tpu.memory_space<vmem>>
    tpu.enqueue_dma source(%dma_start3A_2230 : memref<128x64xf32, #tpu.memory_space<vmem>>) target(%dma_start3A_2226 : memref<128x64xf32, #tpu.memory_space<hbm>>) target_semaphore(%arg17 : memref<!tpu.dma_semaphore, #tpu.memory_space<semaphore_mem>>)
    %dma_start3A_2231 = arith.constant 1 : i32
    %dma_start3A_2232 = arith.constant 4 : i32
    %dma_start3A_2233 = arith.constant 0 : i32
    %dma_start3A_2234 = arith.constant 0 : i32
    %dma_start3A_2235 = tpu.memref_slice %arg12[%dma_start3A_2231, %dma_start3A_2232, %dma_start3A_2233, %dma_start3A_2234] : memref<2x6x128x64xf32, #tpu.memory_space<vmem>> -> memref<1x1x128x64xf32, #tpu.memory_space<vmem>>
    %dma_start3A_2236 = tpu.memref_squeeze %dma_start3A_2235 : memref<1x1x128x64xf32, #tpu.memory_space<vmem>> -> memref<128x64xf32, #tpu.memory_space<vmem>>
    %dma_start3A_2237 = arith.constant 256 : i32
    %dma_start3A_2238 = tpu.memref_slice %arg10[%add3A_1164, %dma_start3A_2237] : memref<16384x385xf32, #tpu.memory_space<hbm>> -> memref<128x64xf32, #tpu.memory_space<hbm>>
    %dma_start3A_2239 = arith.constant 256 : i32
    %dma_start3A_2240 = tpu.memref_slice %arg10[%add3A_1164, %dma_start3A_2239] : memref<16384x385xf32, #tpu.memory_space<hbm>> -> memref<128x64xf32, #tpu.memory_space<hbm>>
    %dma_start3A_2241 = arith.constant 0 : i32
    %dma_start3A_2242 = arith.constant 0 : i32
    %dma_start3A_2243 = tpu.memref_slice %arg12[%dma_start3A_2231, %dma_start3A_2232, %dma_start3A_2241, %dma_start3A_2242] : memref<2x6x128x64xf32, #tpu.memory_space<vmem>> -> memref<1x1x128x64xf32, #tpu.memory_space<vmem>>
    %dma_start3A_2244 = tpu.memref_squeeze %dma_start3A_2243 : memref<1x1x128x64xf32, #tpu.memory_space<vmem>> -> memref<128x64xf32, #tpu.memory_space<vmem>>
    tpu.enqueue_dma source(%dma_start3A_2244 : memref<128x64xf32, #tpu.memory_space<vmem>>) target(%dma_start3A_2240 : memref<128x64xf32, #tpu.memory_space<hbm>>) target_semaphore(%arg17 : memref<!tpu.dma_semaphore, #tpu.memory_space<semaphore_mem>>)
    %dma_start3A_2245 = arith.constant 1 : i32
    %dma_start3A_2246 = arith.constant 5 : i32
    %dma_start3A_2247 = arith.constant 0 : i32
    %dma_start3A_2248 = arith.constant 0 : i32
    %dma_start3A_2249 = tpu.memref_slice %arg12[%dma_start3A_2245, %dma_start3A_2246, %dma_start3A_2247, %dma_start3A_2248] : memref<2x6x128x64xf32, #tpu.memory_space<vmem>> -> memref<1x1x128x64xf32, #tpu.memory_space<vmem>>
    %dma_start3A_2250 = tpu.memref_squeeze %dma_start3A_2249 : memref<1x1x128x64xf32, #tpu.memory_space<vmem>> -> memref<128x64xf32, #tpu.memory_space<vmem>>
    %dma_start3A_2251 = arith.constant 320 : i32
    %dma_start3A_2252 = tpu.memref_slice %arg10[%add3A_1164, %dma_start3A_2251] : memref<16384x385xf32, #tpu.memory_space<hbm>> -> memref<128x64xf32, #tpu.memory_space<hbm>>
    %dma_start3A_2253 = arith.constant 320 : i32
    %dma_start3A_2254 = tpu.memref_slice %arg10[%add3A_1164, %dma_start3A_2253] : memref<16384x385xf32, #tpu.memory_space<hbm>> -> memref<128x64xf32, #tpu.memory_space<hbm>>
    %dma_start3A_2255 = arith.constant 0 : i32
    %dma_start3A_2256 = arith.constant 0 : i32
    %dma_start3A_2257 = tpu.memref_slice %arg12[%dma_start3A_2245, %dma_start3A_2246, %dma_start3A_2255, %dma_start3A_2256] : memref<2x6x128x64xf32, #tpu.memory_space<vmem>> -> memref<1x1x128x64xf32, #tpu.memory_space<vmem>>
    %dma_start3A_2258 = tpu.memref_squeeze %dma_start3A_2257 : memref<1x1x128x64xf32, #tpu.memory_space<vmem>> -> memref<128x64xf32, #tpu.memory_space<vmem>>
    tpu.enqueue_dma source(%dma_start3A_2258 : memref<128x64xf32, #tpu.memory_space<vmem>>) target(%dma_start3A_2254 : memref<128x64xf32, #tpu.memory_space<hbm>>) target_semaphore(%arg17 : memref<!tpu.dma_semaphore, #tpu.memory_space<semaphore_mem>>)
    %add3A_2259 = arith.constant 256 : i32
    %add3A_2260 = arith.addi %mul3A_2, %add3A_2259 : i32
    %dma_wait3A_2261 = arith.constant 0 : i32
    %dma_wait3A_2262 = arith.constant 0 : i32
    %dma_wait3A_2263 = arith.constant 0 : i32
    %dma_wait3A_2264 = tpu.memref_slice %arg11[%dma_wait3A_2261, %dma_wait3A_2262, %dma_wait3A_2263] : memref<2x6x128xi32, #tpu.memory_space<vmem>> -> memref<1x1x128xi32, #tpu.memory_space<vmem>>
    %dma_wait3A_2265 = tpu.memref_squeeze %dma_wait3A_2264 : memref<1x1x128xi32, #tpu.memory_space<vmem>> -> memref<128xi32, #tpu.memory_space<vmem>>
    %dma_wait3A_2266 = tpu.memref_slice %arg2[%add3A_1226] : memref<16384xi32, #tpu.memory_space<hbm>> -> memref<128xi32, #tpu.memory_space<hbm>>
    %dma_wait3A_2267 = arith.constant 0 : i32
    %dma_wait3A_2268 = tpu.memref_slice %arg11[%dma_wait3A_2261, %dma_wait3A_2262, %dma_wait3A_2267] : memref<2x6x128xi32, #tpu.memory_space<vmem>> -> memref<1x1x128xi32, #tpu.memory_space<vmem>>
    %dma_wait3A_2269 = tpu.memref_squeeze %dma_wait3A_2268 : memref<1x1x128xi32, #tpu.memory_space<vmem>> -> memref<128xi32, #tpu.memory_space<vmem>>
    %dma_wait3A_2270 = tpu.memref_slice %arg2[%add3A_1226] : memref<16384xi32, #tpu.memory_space<hbm>> -> memref<128xi32, #tpu.memory_space<hbm>>
    tpu.wait_dma2 semaphore(%arg15 : memref<!tpu.dma_semaphore, #tpu.memory_space<semaphore_mem>>) src(%dma_wait3A_2270 : memref<128xi32, #tpu.memory_space<hbm>>) dst(%dma_wait3A_2269 : memref<128xi32, #tpu.memory_space<vmem>>)
    %dma_wait3A_2271 = arith.constant 0 : i32
    %dma_wait3A_2272 = arith.constant 1 : i32
    %dma_wait3A_2273 = arith.constant 0 : i32
    %dma_wait3A_2274 = tpu.memref_slice %arg11[%dma_wait3A_2271, %dma_wait3A_2272, %dma_wait3A_2273] : memref<2x6x128xi32, #tpu.memory_space<vmem>> -> memref<1x1x128xi32, #tpu.memory_space<vmem>>
    %dma_wait3A_2275 = tpu.memref_squeeze %dma_wait3A_2274 : memref<1x1x128xi32, #tpu.memory_space<vmem>> -> memref<128xi32, #tpu.memory_space<vmem>>
    %dma_wait3A_2276 = tpu.memref_slice %arg3[%add3A_1226] : memref<16384xi32, #tpu.memory_space<hbm>> -> memref<128xi32, #tpu.memory_space<hbm>>
    %dma_wait3A_2277 = arith.constant 0 : i32
    %dma_wait3A_2278 = tpu.memref_slice %arg11[%dma_wait3A_2271, %dma_wait3A_2272, %dma_wait3A_2277] : memref<2x6x128xi32, #tpu.memory_space<vmem>> -> memref<1x1x128xi32, #tpu.memory_space<vmem>>
    %dma_wait3A_2279 = tpu.memref_squeeze %dma_wait3A_2278 : memref<1x1x128xi32, #tpu.memory_space<vmem>> -> memref<128xi32, #tpu.memory_space<vmem>>
    %dma_wait3A_2280 = tpu.memref_slice %arg3[%add3A_1226] : memref<16384xi32, #tpu.memory_space<hbm>> -> memref<128xi32, #tpu.memory_space<hbm>>
    tpu.wait_dma2 semaphore(%arg15 : memref<!tpu.dma_semaphore, #tpu.memory_space<semaphore_mem>>) src(%dma_wait3A_2280 : memref<128xi32, #tpu.memory_space<hbm>>) dst(%dma_wait3A_2279 : memref<128xi32, #tpu.memory_space<vmem>>)
    %dma_wait3A_2281 = arith.constant 0 : i32
    %dma_wait3A_2282 = arith.constant 2 : i32
    %dma_wait3A_2283 = arith.constant 0 : i32
    %dma_wait3A_2284 = tpu.memref_slice %arg11[%dma_wait3A_2281, %dma_wait3A_2282, %dma_wait3A_2283] : memref<2x6x128xi32, #tpu.memory_space<vmem>> -> memref<1x1x128xi32, #tpu.memory_space<vmem>>
    %dma_wait3A_2285 = tpu.memref_squeeze %dma_wait3A_2284 : memref<1x1x128xi32, #tpu.memory_space<vmem>> -> memref<128xi32, #tpu.memory_space<vmem>>
    %dma_wait3A_2286 = tpu.memref_slice %arg4[%add3A_1226] : memref<16384xi32, #tpu.memory_space<hbm>> -> memref<128xi32, #tpu.memory_space<hbm>>
    %dma_wait3A_2287 = arith.constant 0 : i32
    %dma_wait3A_2288 = tpu.memref_slice %arg11[%dma_wait3A_2281, %dma_wait3A_2282, %dma_wait3A_2287] : memref<2x6x128xi32, #tpu.memory_space<vmem>> -> memref<1x1x128xi32, #tpu.memory_space<vmem>>
    %dma_wait3A_2289 = tpu.memref_squeeze %dma_wait3A_2288 : memref<1x1x128xi32, #tpu.memory_space<vmem>> -> memref<128xi32, #tpu.memory_space<vmem>>
    %dma_wait3A_2290 = tpu.memref_slice %arg4[%add3A_1226] : memref<16384xi32, #tpu.memory_space<hbm>> -> memref<128xi32, #tpu.memory_space<hbm>>
    tpu.wait_dma2 semaphore(%arg15 : memref<!tpu.dma_semaphore, #tpu.memory_space<semaphore_mem>>) src(%dma_wait3A_2290 : memref<128xi32, #tpu.memory_space<hbm>>) dst(%dma_wait3A_2289 : memref<128xi32, #tpu.memory_space<vmem>>)
    %dma_wait3A_2291 = arith.constant 0 : i32
    %dma_wait3A_2292 = arith.constant 3 : i32
    %dma_wait3A_2293 = arith.constant 0 : i32
    %dma_wait3A_2294 = tpu.memref_slice %arg11[%dma_wait3A_2291, %dma_wait3A_2292, %dma_wait3A_2293] : memref<2x6x128xi32, #tpu.memory_space<vmem>> -> memref<1x1x128xi32, #tpu.memory_space<vmem>>
    %dma_wait3A_2295 = tpu.memref_squeeze %dma_wait3A_2294 : memref<1x1x128xi32, #tpu.memory_space<vmem>> -> memref<128xi32, #tpu.memory_space<vmem>>
    %dma_wait3A_2296 = tpu.memref_slice %arg5[%add3A_1226] : memref<16384xi32, #tpu.memory_space<hbm>> -> memref<128xi32, #tpu.memory_space<hbm>>
    %dma_wait3A_2297 = arith.constant 0 : i32
    %dma_wait3A_2298 = tpu.memref_slice %arg11[%dma_wait3A_2291, %dma_wait3A_2292, %dma_wait3A_2297] : memref<2x6x128xi32, #tpu.memory_space<vmem>> -> memref<1x1x128xi32, #tpu.memory_space<vmem>>
    %dma_wait3A_2299 = tpu.memref_squeeze %dma_wait3A_2298 : memref<1x1x128xi32, #tpu.memory_space<vmem>> -> memref<128xi32, #tpu.memory_space<vmem>>
    %dma_wait3A_2300 = tpu.memref_slice %arg5[%add3A_1226] : memref<16384xi32, #tpu.memory_space<hbm>> -> memref<128xi32, #tpu.memory_space<hbm>>
    tpu.wait_dma2 semaphore(%arg15 : memref<!tpu.dma_semaphore, #tpu.memory_space<semaphore_mem>>) src(%dma_wait3A_2300 : memref<128xi32, #tpu.memory_space<hbm>>) dst(%dma_wait3A_2299 : memref<128xi32, #tpu.memory_space<vmem>>)
    %dma_wait3A_2301 = arith.constant 0 : i32
    %dma_wait3A_2302 = arith.constant 4 : i32
    %dma_wait3A_2303 = arith.constant 0 : i32
    %dma_wait3A_2304 = tpu.memref_slice %arg11[%dma_wait3A_2301, %dma_wait3A_2302, %dma_wait3A_2303] : memref<2x6x128xi32, #tpu.memory_space<vmem>> -> memref<1x1x128xi32, #tpu.memory_space<vmem>>
    %dma_wait3A_2305 = tpu.memref_squeeze %dma_wait3A_2304 : memref<1x1x128xi32, #tpu.memory_space<vmem>> -> memref<128xi32, #tpu.memory_space<vmem>>
    %dma_wait3A_2306 = tpu.memref_slice %arg6[%add3A_1226] : memref<16384xi32, #tpu.memory_space<hbm>> -> memref<128xi32, #tpu.memory_space<hbm>>
    %dma_wait3A_2307 = arith.constant 0 : i32
    %dma_wait3A_2308 = tpu.memref_slice %arg11[%dma_wait3A_2301, %dma_wait3A_2302, %dma_wait3A_2307] : memref<2x6x128xi32, #tpu.memory_space<vmem>> -> memref<1x1x128xi32, #tpu.memory_space<vmem>>
    %dma_wait3A_2309 = tpu.memref_squeeze %dma_wait3A_2308 : memref<1x1x128xi32, #tpu.memory_space<vmem>> -> memref<128xi32, #tpu.memory_space<vmem>>
    %dma_wait3A_2310 = tpu.memref_slice %arg6[%add3A_1226] : memref<16384xi32, #tpu.memory_space<hbm>> -> memref<128xi32, #tpu.memory_space<hbm>>
    tpu.wait_dma2 semaphore(%arg15 : memref<!tpu.dma_semaphore, #tpu.memory_space<semaphore_mem>>) src(%dma_wait3A_2310 : memref<128xi32, #tpu.memory_space<hbm>>) dst(%dma_wait3A_2309 : memref<128xi32, #tpu.memory_space<vmem>>)
    %dma_wait3A_2311 = arith.constant 0 : i32
    %dma_wait3A_2312 = arith.constant 5 : i32
    %dma_wait3A_2313 = arith.constant 0 : i32
    %dma_wait3A_2314 = tpu.memref_slice %arg11[%dma_wait3A_2311, %dma_wait3A_2312, %dma_wait3A_2313] : memref<2x6x128xi32, #tpu.memory_space<vmem>> -> memref<1x1x128xi32, #tpu.memory_space<vmem>>
    %dma_wait3A_2315 = tpu.memref_squeeze %dma_wait3A_2314 : memref<1x1x128xi32, #tpu.memory_space<vmem>> -> memref<128xi32, #tpu.memory_space<vmem>>
    %dma_wait3A_2316 = tpu.memref_slice %arg7[%add3A_1226] : memref<16384xi32, #tpu.memory_space<hbm>> -> memref<128xi32, #tpu.memory_space<hbm>>
    %dma_wait3A_2317 = arith.constant 0 : i32
    %dma_wait3A_2318 = tpu.memref_slice %arg11[%dma_wait3A_2311, %dma_wait3A_2312, %dma_wait3A_2317] : memref<2x6x128xi32, #tpu.memory_space<vmem>> -> memref<1x1x128xi32, #tpu.memory_space<vmem>>
    %dma_wait3A_2319 = tpu.memref_squeeze %dma_wait3A_2318 : memref<1x1x128xi32, #tpu.memory_space<vmem>> -> memref<128xi32, #tpu.memory_space<vmem>>
    %dma_wait3A_2320 = tpu.memref_slice %arg7[%add3A_1226] : memref<16384xi32, #tpu.memory_space<hbm>> -> memref<128xi32, #tpu.memory_space<hbm>>
    tpu.wait_dma2 semaphore(%arg15 : memref<!tpu.dma_semaphore, #tpu.memory_space<semaphore_mem>>) src(%dma_wait3A_2320 : memref<128xi32, #tpu.memory_space<hbm>>) dst(%dma_wait3A_2319 : memref<128xi32, #tpu.memory_space<vmem>>)
    %add3A_2321 = arith.constant 384 : i32
    %add3A_2322 = arith.addi %mul3A_2, %add3A_2321 : i32
    %dma_start3A_2323 = arith.constant 1 : i32
    %dma_start3A_2324 = arith.constant 0 : i32
    %dma_start3A_2325 = arith.constant 0 : i32
    %dma_start3A_2326 = tpu.memref_slice %arg11[%dma_start3A_2323, %dma_start3A_2324, %dma_start3A_2325] : memref<2x6x128xi32, #tpu.memory_space<vmem>> -> memref<1x1x128xi32, #tpu.memory_space<vmem>>
    %dma_start3A_2327 = tpu.memref_squeeze %dma_start3A_2326 : memref<1x1x128xi32, #tpu.memory_space<vmem>> -> memref<128xi32, #tpu.memory_space<vmem>>
    %dma_start3A_2328 = tpu.memref_slice %arg2[%add3A_2322] : memref<16384xi32, #tpu.memory_space<hbm>> -> memref<128xi32, #tpu.memory_space<hbm>>
    %dma_start3A_2329 = arith.constant 0 : i32
    %dma_start3A_2330 = tpu.memref_slice %arg11[%dma_start3A_2323, %dma_start3A_2324, %dma_start3A_2329] : memref<2x6x128xi32, #tpu.memory_space<vmem>> -> memref<1x1x128xi32, #tpu.memory_space<vmem>>
    %dma_start3A_2331 = tpu.memref_squeeze %dma_start3A_2330 : memref<1x1x128xi32, #tpu.memory_space<vmem>> -> memref<128xi32, #tpu.memory_space<vmem>>
    %dma_start3A_2332 = tpu.memref_slice %arg2[%add3A_2322] : memref<16384xi32, #tpu.memory_space<hbm>> -> memref<128xi32, #tpu.memory_space<hbm>>
    tpu.enqueue_dma source(%dma_start3A_2332 : memref<128xi32, #tpu.memory_space<hbm>>) target(%dma_start3A_2331 : memref<128xi32, #tpu.memory_space<vmem>>) target_semaphore(%arg15 : memref<!tpu.dma_semaphore, #tpu.memory_space<semaphore_mem>>)
    %dma_start3A_2333 = arith.constant 1 : i32
    %dma_start3A_2334 = arith.constant 1 : i32
    %dma_start3A_2335 = arith.constant 0 : i32
    %dma_start3A_2336 = tpu.memref_slice %arg11[%dma_start3A_2333, %dma_start3A_2334, %dma_start3A_2335] : memref<2x6x128xi32, #tpu.memory_space<vmem>> -> memref<1x1x128xi32, #tpu.memory_space<vmem>>
    %dma_start3A_2337 = tpu.memref_squeeze %dma_start3A_2336 : memref<1x1x128xi32, #tpu.memory_space<vmem>> -> memref<128xi32, #tpu.memory_space<vmem>>
    %dma_start3A_2338 = tpu.memref_slice %arg3[%add3A_2322] : memref<16384xi32, #tpu.memory_space<hbm>> -> memref<128xi32, #tpu.memory_space<hbm>>
    %dma_start3A_2339 = arith.constant 0 : i32
    %dma_start3A_2340 = tpu.memref_slice %arg11[%dma_start3A_2333, %dma_start3A_2334, %dma_start3A_2339] : memref<2x6x128xi32, #tpu.memory_space<vmem>> -> memref<1x1x128xi32, #tpu.memory_space<vmem>>
    %dma_start3A_2341 = tpu.memref_squeeze %dma_start3A_2340 : memref<1x1x128xi32, #tpu.memory_space<vmem>> -> memref<128xi32, #tpu.memory_space<vmem>>
    %dma_start3A_2342 = tpu.memref_slice %arg3[%add3A_2322] : memref<16384xi32, #tpu.memory_space<hbm>> -> memref<128xi32, #tpu.memory_space<hbm>>
    tpu.enqueue_dma source(%dma_start3A_2342 : memref<128xi32, #tpu.memory_space<hbm>>) target(%dma_start3A_2341 : memref<128xi32, #tpu.memory_space<vmem>>) target_semaphore(%arg15 : memref<!tpu.dma_semaphore, #tpu.memory_space<semaphore_mem>>)
    %dma_start3A_2343 = arith.constant 1 : i32
    %dma_start3A_2344 = arith.constant 2 : i32
    %dma_start3A_2345 = arith.constant 0 : i32
    %dma_start3A_2346 = tpu.memref_slice %arg11[%dma_start3A_2343, %dma_start3A_2344, %dma_start3A_2345] : memref<2x6x128xi32, #tpu.memory_space<vmem>> -> memref<1x1x128xi32, #tpu.memory_space<vmem>>
    %dma_start3A_2347 = tpu.memref_squeeze %dma_start3A_2346 : memref<1x1x128xi32, #tpu.memory_space<vmem>> -> memref<128xi32, #tpu.memory_space<vmem>>
    %dma_start3A_2348 = tpu.memref_slice %arg4[%add3A_2322] : memref<16384xi32, #tpu.memory_space<hbm>> -> memref<128xi32, #tpu.memory_space<hbm>>
    %dma_start3A_2349 = arith.constant 0 : i32
    %dma_start3A_2350 = tpu.memref_slice %arg11[%dma_start3A_2343, %dma_start3A_2344, %dma_start3A_2349] : memref<2x6x128xi32, #tpu.memory_space<vmem>> -> memref<1x1x128xi32, #tpu.memory_space<vmem>>
    %dma_start3A_2351 = tpu.memref_squeeze %dma_start3A_2350 : memref<1x1x128xi32, #tpu.memory_space<vmem>> -> memref<128xi32, #tpu.memory_space<vmem>>
    %dma_start3A_2352 = tpu.memref_slice %arg4[%add3A_2322] : memref<16384xi32, #tpu.memory_space<hbm>> -> memref<128xi32, #tpu.memory_space<hbm>>
    tpu.enqueue_dma source(%dma_start3A_2352 : memref<128xi32, #tpu.memory_space<hbm>>) target(%dma_start3A_2351 : memref<128xi32, #tpu.memory_space<vmem>>) target_semaphore(%arg15 : memref<!tpu.dma_semaphore, #tpu.memory_space<semaphore_mem>>)
    %dma_start3A_2353 = arith.constant 1 : i32
    %dma_start3A_2354 = arith.constant 3 : i32
    %dma_start3A_2355 = arith.constant 0 : i32
    %dma_start3A_2356 = tpu.memref_slice %arg11[%dma_start3A_2353, %dma_start3A_2354, %dma_start3A_2355] : memref<2x6x128xi32, #tpu.memory_space<vmem>> -> memref<1x1x128xi32, #tpu.memory_space<vmem>>
    %dma_start3A_2357 = tpu.memref_squeeze %dma_start3A_2356 : memref<1x1x128xi32, #tpu.memory_space<vmem>> -> memref<128xi32, #tpu.memory_space<vmem>>
    %dma_start3A_2358 = tpu.memref_slice %arg5[%add3A_2322] : memref<16384xi32, #tpu.memory_space<hbm>> -> memref<128xi32, #tpu.memory_space<hbm>>
    %dma_start3A_2359 = arith.constant 0 : i32
    %dma_start3A_2360 = tpu.memref_slice %arg11[%dma_start3A_2353, %dma_start3A_2354, %dma_start3A_2359] : memref<2x6x128xi32, #tpu.memory_space<vmem>> -> memref<1x1x128xi32, #tpu.memory_space<vmem>>
    %dma_start3A_2361 = tpu.memref_squeeze %dma_start3A_2360 : memref<1x1x128xi32, #tpu.memory_space<vmem>> -> memref<128xi32, #tpu.memory_space<vmem>>
    %dma_start3A_2362 = tpu.memref_slice %arg5[%add3A_2322] : memref<16384xi32, #tpu.memory_space<hbm>> -> memref<128xi32, #tpu.memory_space<hbm>>
    tpu.enqueue_dma source(%dma_start3A_2362 : memref<128xi32, #tpu.memory_space<hbm>>) target(%dma_start3A_2361 : memref<128xi32, #tpu.memory_space<vmem>>) target_semaphore(%arg15 : memref<!tpu.dma_semaphore, #tpu.memory_space<semaphore_mem>>)
    %dma_start3A_2363 = arith.constant 1 : i32
    %dma_start3A_2364 = arith.constant 4 : i32
    %dma_start3A_2365 = arith.constant 0 : i32
    %dma_start3A_2366 = tpu.memref_slice %arg11[%dma_start3A_2363, %dma_start3A_2364, %dma_start3A_2365] : memref<2x6x128xi32, #tpu.memory_space<vmem>> -> memref<1x1x128xi32, #tpu.memory_space<vmem>>
    %dma_start3A_2367 = tpu.memref_squeeze %dma_start3A_2366 : memref<1x1x128xi32, #tpu.memory_space<vmem>> -> memref<128xi32, #tpu.memory_space<vmem>>
    %dma_start3A_2368 = tpu.memref_slice %arg6[%add3A_2322] : memref<16384xi32, #tpu.memory_space<hbm>> -> memref<128xi32, #tpu.memory_space<hbm>>
    %dma_start3A_2369 = arith.constant 0 : i32
    %dma_start3A_2370 = tpu.memref_slice %arg11[%dma_start3A_2363, %dma_start3A_2364, %dma_start3A_2369] : memref<2x6x128xi32, #tpu.memory_space<vmem>> -> memref<1x1x128xi32, #tpu.memory_space<vmem>>
    %dma_start3A_2371 = tpu.memref_squeeze %dma_start3A_2370 : memref<1x1x128xi32, #tpu.memory_space<vmem>> -> memref<128xi32, #tpu.memory_space<vmem>>
    %dma_start3A_2372 = tpu.memref_slice %arg6[%add3A_2322] : memref<16384xi32, #tpu.memory_space<hbm>> -> memref<128xi32, #tpu.memory_space<hbm>>
    tpu.enqueue_dma source(%dma_start3A_2372 : memref<128xi32, #tpu.memory_space<hbm>>) target(%dma_start3A_2371 : memref<128xi32, #tpu.memory_space<vmem>>) target_semaphore(%arg15 : memref<!tpu.dma_semaphore, #tpu.memory_space<semaphore_mem>>)
    %dma_start3A_2373 = arith.constant 1 : i32
    %dma_start3A_2374 = arith.constant 5 : i32
    %dma_start3A_2375 = arith.constant 0 : i32
    %dma_start3A_2376 = tpu.memref_slice %arg11[%dma_start3A_2373, %dma_start3A_2374, %dma_start3A_2375] : memref<2x6x128xi32, #tpu.memory_space<vmem>> -> memref<1x1x128xi32, #tpu.memory_space<vmem>>
    %dma_start3A_2377 = tpu.memref_squeeze %dma_start3A_2376 : memref<1x1x128xi32, #tpu.memory_space<vmem>> -> memref<128xi32, #tpu.memory_space<vmem>>
    %dma_start3A_2378 = tpu.memref_slice %arg7[%add3A_2322] : memref<16384xi32, #tpu.memory_space<hbm>> -> memref<128xi32, #tpu.memory_space<hbm>>
    %dma_start3A_2379 = arith.constant 0 : i32
    %dma_start3A_2380 = tpu.memref_slice %arg11[%dma_start3A_2373, %dma_start3A_2374, %dma_start3A_2379] : memref<2x6x128xi32, #tpu.memory_space<vmem>> -> memref<1x1x128xi32, #tpu.memory_space<vmem>>
    %dma_start3A_2381 = tpu.memref_squeeze %dma_start3A_2380 : memref<1x1x128xi32, #tpu.memory_space<vmem>> -> memref<128xi32, #tpu.memory_space<vmem>>
    %dma_start3A_2382 = tpu.memref_slice %arg7[%add3A_2322] : memref<16384xi32, #tpu.memory_space<hbm>> -> memref<128xi32, #tpu.memory_space<hbm>>
    tpu.enqueue_dma source(%dma_start3A_2382 : memref<128xi32, #tpu.memory_space<hbm>>) target(%dma_start3A_2381 : memref<128xi32, #tpu.memory_space<vmem>>) target_semaphore(%arg15 : memref<!tpu.dma_semaphore, #tpu.memory_space<semaphore_mem>>)
    %dma_wait3A_2383 = arith.constant 0 : i32
    %dma_wait3A_2384 = arith.constant 0 : i32
    %dma_wait3A_2385 = arith.constant 0 : i32
    %dma_wait3A_2386 = arith.constant 0 : i32
    %dma_wait3A_2387 = tpu.memref_slice %arg12[%dma_wait3A_2383, %dma_wait3A_2384, %dma_wait3A_2385, %dma_wait3A_2386] : memref<2x6x128x64xf32, #tpu.memory_space<vmem>> -> memref<1x1x128x64xf32, #tpu.memory_space<vmem>>
    %dma_wait3A_2388 = tpu.memref_squeeze %dma_wait3A_2387 : memref<1x1x128x64xf32, #tpu.memory_space<vmem>> -> memref<128x64xf32, #tpu.memory_space<vmem>>
    %dma_wait3A_2389 = arith.constant 0 : i32
    %dma_wait3A_2390 = tpu.memref_slice %arg10[%add3A_71, %dma_wait3A_2389] : memref<16384x385xf32, #tpu.memory_space<hbm>> -> memref<128x64xf32, #tpu.memory_space<hbm>>
    %dma_wait3A_2391 = arith.constant 0 : i32
    %dma_wait3A_2392 = tpu.memref_slice %arg10[%add3A_71, %dma_wait3A_2391] : memref<16384x385xf32, #tpu.memory_space<hbm>> -> memref<128x64xf32, #tpu.memory_space<hbm>>
    %dma_wait3A_2393 = arith.constant 0 : i32
    %dma_wait3A_2394 = arith.constant 0 : i32
    %dma_wait3A_2395 = tpu.memref_slice %arg12[%dma_wait3A_2383, %dma_wait3A_2384, %dma_wait3A_2393, %dma_wait3A_2394] : memref<2x6x128x64xf32, #tpu.memory_space<vmem>> -> memref<1x1x128x64xf32, #tpu.memory_space<vmem>>
    %dma_wait3A_2396 = tpu.memref_squeeze %dma_wait3A_2395 : memref<1x1x128x64xf32, #tpu.memory_space<vmem>> -> memref<128x64xf32, #tpu.memory_space<vmem>>
    tpu.wait_dma2 semaphore(%arg17 : memref<!tpu.dma_semaphore, #tpu.memory_space<semaphore_mem>>) src(%dma_wait3A_2396 : memref<128x64xf32, #tpu.memory_space<vmem>>) dst(%dma_wait3A_2392 : memref<128x64xf32, #tpu.memory_space<hbm>>)
    %dma_wait3A_2397 = arith.constant 0 : i32
    %dma_wait3A_2398 = arith.constant 1 : i32
    %dma_wait3A_2399 = arith.constant 0 : i32
    %dma_wait3A_2400 = arith.constant 0 : i32
    %dma_wait3A_2401 = tpu.memref_slice %arg12[%dma_wait3A_2397, %dma_wait3A_2398, %dma_wait3A_2399, %dma_wait3A_2400] : memref<2x6x128x64xf32, #tpu.memory_space<vmem>> -> memref<1x1x128x64xf32, #tpu.memory_space<vmem>>
    %dma_wait3A_2402 = tpu.memref_squeeze %dma_wait3A_2401 : memref<1x1x128x64xf32, #tpu.memory_space<vmem>> -> memref<128x64xf32, #tpu.memory_space<vmem>>
    %dma_wait3A_2403 = arith.constant 64 : i32
    %dma_wait3A_2404 = tpu.memref_slice %arg10[%add3A_71, %dma_wait3A_2403] : memref<16384x385xf32, #tpu.memory_space<hbm>> -> memref<128x64xf32, #tpu.memory_space<hbm>>
    %dma_wait3A_2405 = arith.constant 64 : i32
    %dma_wait3A_2406 = tpu.memref_slice %arg10[%add3A_71, %dma_wait3A_2405] : memref<16384x385xf32, #tpu.memory_space<hbm>> -> memref<128x64xf32, #tpu.memory_space<hbm>>
    %dma_wait3A_2407 = arith.constant 0 : i32
    %dma_wait3A_2408 = arith.constant 0 : i32
    %dma_wait3A_2409 = tpu.memref_slice %arg12[%dma_wait3A_2397, %dma_wait3A_2398, %dma_wait3A_2407, %dma_wait3A_2408] : memref<2x6x128x64xf32, #tpu.memory_space<vmem>> -> memref<1x1x128x64xf32, #tpu.memory_space<vmem>>
    %dma_wait3A_2410 = tpu.memref_squeeze %dma_wait3A_2409 : memref<1x1x128x64xf32, #tpu.memory_space<vmem>> -> memref<128x64xf32, #tpu.memory_space<vmem>>
    tpu.wait_dma2 semaphore(%arg17 : memref<!tpu.dma_semaphore, #tpu.memory_space<semaphore_mem>>) src(%dma_wait3A_2410 : memref<128x64xf32, #tpu.memory_space<vmem>>) dst(%dma_wait3A_2406 : memref<128x64xf32, #tpu.memory_space<hbm>>)
    %dma_wait3A_2411 = arith.constant 0 : i32
    %dma_wait3A_2412 = arith.constant 2 : i32
    %dma_wait3A_2413 = arith.constant 0 : i32
    %dma_wait3A_2414 = arith.constant 0 : i32
    %dma_wait3A_2415 = tpu.memref_slice %arg12[%dma_wait3A_2411, %dma_wait3A_2412, %dma_wait3A_2413, %dma_wait3A_2414] : memref<2x6x128x64xf32, #tpu.memory_space<vmem>> -> memref<1x1x128x64xf32, #tpu.memory_space<vmem>>
    %dma_wait3A_2416 = tpu.memref_squeeze %dma_wait3A_2415 : memref<1x1x128x64xf32, #tpu.memory_space<vmem>> -> memref<128x64xf32, #tpu.memory_space<vmem>>
    %dma_wait3A_2417 = arith.constant 128 : i32
    %dma_wait3A_2418 = tpu.memref_slice %arg10[%add3A_71, %dma_wait3A_2417] : memref<16384x385xf32, #tpu.memory_space<hbm>> -> memref<128x64xf32, #tpu.memory_space<hbm>>
    %dma_wait3A_2419 = arith.constant 128 : i32
    %dma_wait3A_2420 = tpu.memref_slice %arg10[%add3A_71, %dma_wait3A_2419] : memref<16384x385xf32, #tpu.memory_space<hbm>> -> memref<128x64xf32, #tpu.memory_space<hbm>>
    %dma_wait3A_2421 = arith.constant 0 : i32
    %dma_wait3A_2422 = arith.constant 0 : i32
    %dma_wait3A_2423 = tpu.memref_slice %arg12[%dma_wait3A_2411, %dma_wait3A_2412, %dma_wait3A_2421, %dma_wait3A_2422] : memref<2x6x128x64xf32, #tpu.memory_space<vmem>> -> memref<1x1x128x64xf32, #tpu.memory_space<vmem>>
    %dma_wait3A_2424 = tpu.memref_squeeze %dma_wait3A_2423 : memref<1x1x128x64xf32, #tpu.memory_space<vmem>> -> memref<128x64xf32, #tpu.memory_space<vmem>>
    tpu.wait_dma2 semaphore(%arg17 : memref<!tpu.dma_semaphore, #tpu.memory_space<semaphore_mem>>) src(%dma_wait3A_2424 : memref<128x64xf32, #tpu.memory_space<vmem>>) dst(%dma_wait3A_2420 : memref<128x64xf32, #tpu.memory_space<hbm>>)
    %dma_wait3A_2425 = arith.constant 0 : i32
    %dma_wait3A_2426 = arith.constant 3 : i32
    %dma_wait3A_2427 = arith.constant 0 : i32
    %dma_wait3A_2428 = arith.constant 0 : i32
    %dma_wait3A_2429 = tpu.memref_slice %arg12[%dma_wait3A_2425, %dma_wait3A_2426, %dma_wait3A_2427, %dma_wait3A_2428] : memref<2x6x128x64xf32, #tpu.memory_space<vmem>> -> memref<1x1x128x64xf32, #tpu.memory_space<vmem>>
    %dma_wait3A_2430 = tpu.memref_squeeze %dma_wait3A_2429 : memref<1x1x128x64xf32, #tpu.memory_space<vmem>> -> memref<128x64xf32, #tpu.memory_space<vmem>>
    %dma_wait3A_2431 = arith.constant 192 : i32
    %dma_wait3A_2432 = tpu.memref_slice %arg10[%add3A_71, %dma_wait3A_2431] : memref<16384x385xf32, #tpu.memory_space<hbm>> -> memref<128x64xf32, #tpu.memory_space<hbm>>
    %dma_wait3A_2433 = arith.constant 192 : i32
    %dma_wait3A_2434 = tpu.memref_slice %arg10[%add3A_71, %dma_wait3A_2433] : memref<16384x385xf32, #tpu.memory_space<hbm>> -> memref<128x64xf32, #tpu.memory_space<hbm>>
    %dma_wait3A_2435 = arith.constant 0 : i32
    %dma_wait3A_2436 = arith.constant 0 : i32
    %dma_wait3A_2437 = tpu.memref_slice %arg12[%dma_wait3A_2425, %dma_wait3A_2426, %dma_wait3A_2435, %dma_wait3A_2436] : memref<2x6x128x64xf32, #tpu.memory_space<vmem>> -> memref<1x1x128x64xf32, #tpu.memory_space<vmem>>
    %dma_wait3A_2438 = tpu.memref_squeeze %dma_wait3A_2437 : memref<1x1x128x64xf32, #tpu.memory_space<vmem>> -> memref<128x64xf32, #tpu.memory_space<vmem>>
    tpu.wait_dma2 semaphore(%arg17 : memref<!tpu.dma_semaphore, #tpu.memory_space<semaphore_mem>>) src(%dma_wait3A_2438 : memref<128x64xf32, #tpu.memory_space<vmem>>) dst(%dma_wait3A_2434 : memref<128x64xf32, #tpu.memory_space<hbm>>)
    %dma_wait3A_2439 = arith.constant 0 : i32
    %dma_wait3A_2440 = arith.constant 4 : i32
    %dma_wait3A_2441 = arith.constant 0 : i32
    %dma_wait3A_2442 = arith.constant 0 : i32
    %dma_wait3A_2443 = tpu.memref_slice %arg12[%dma_wait3A_2439, %dma_wait3A_2440, %dma_wait3A_2441, %dma_wait3A_2442] : memref<2x6x128x64xf32, #tpu.memory_space<vmem>> -> memref<1x1x128x64xf32, #tpu.memory_space<vmem>>
    %dma_wait3A_2444 = tpu.memref_squeeze %dma_wait3A_2443 : memref<1x1x128x64xf32, #tpu.memory_space<vmem>> -> memref<128x64xf32, #tpu.memory_space<vmem>>
    %dma_wait3A_2445 = arith.constant 256 : i32
    %dma_wait3A_2446 = tpu.memref_slice %arg10[%add3A_71, %dma_wait3A_2445] : memref<16384x385xf32, #tpu.memory_space<hbm>> -> memref<128x64xf32, #tpu.memory_space<hbm>>
    %dma_wait3A_2447 = arith.constant 256 : i32
    %dma_wait3A_2448 = tpu.memref_slice %arg10[%add3A_71, %dma_wait3A_2447] : memref<16384x385xf32, #tpu.memory_space<hbm>> -> memref<128x64xf32, #tpu.memory_space<hbm>>
    %dma_wait3A_2449 = arith.constant 0 : i32
    %dma_wait3A_2450 = arith.constant 0 : i32
    %dma_wait3A_2451 = tpu.memref_slice %arg12[%dma_wait3A_2439, %dma_wait3A_2440, %dma_wait3A_2449, %dma_wait3A_2450] : memref<2x6x128x64xf32, #tpu.memory_space<vmem>> -> memref<1x1x128x64xf32, #tpu.memory_space<vmem>>
    %dma_wait3A_2452 = tpu.memref_squeeze %dma_wait3A_2451 : memref<1x1x128x64xf32, #tpu.memory_space<vmem>> -> memref<128x64xf32, #tpu.memory_space<vmem>>
    tpu.wait_dma2 semaphore(%arg17 : memref<!tpu.dma_semaphore, #tpu.memory_space<semaphore_mem>>) src(%dma_wait3A_2452 : memref<128x64xf32, #tpu.memory_space<vmem>>) dst(%dma_wait3A_2448 : memref<128x64xf32, #tpu.memory_space<hbm>>)
    %dma_wait3A_2453 = arith.constant 0 : i32
    %dma_wait3A_2454 = arith.constant 5 : i32
    %dma_wait3A_2455 = arith.constant 0 : i32
    %dma_wait3A_2456 = arith.constant 0 : i32
    %dma_wait3A_2457 = tpu.memref_slice %arg12[%dma_wait3A_2453, %dma_wait3A_2454, %dma_wait3A_2455, %dma_wait3A_2456] : memref<2x6x128x64xf32, #tpu.memory_space<vmem>> -> memref<1x1x128x64xf32, #tpu.memory_space<vmem>>
    %dma_wait3A_2458 = tpu.memref_squeeze %dma_wait3A_2457 : memref<1x1x128x64xf32, #tpu.memory_space<vmem>> -> memref<128x64xf32, #tpu.memory_space<vmem>>
    %dma_wait3A_2459 = arith.constant 320 : i32
    %dma_wait3A_2460 = tpu.memref_slice %arg10[%add3A_71, %dma_wait3A_2459] : memref<16384x385xf32, #tpu.memory_space<hbm>> -> memref<128x64xf32, #tpu.memory_space<hbm>>
    %dma_wait3A_2461 = arith.constant 320 : i32
    %dma_wait3A_2462 = tpu.memref_slice %arg10[%add3A_71, %dma_wait3A_2461] : memref<16384x385xf32, #tpu.memory_space<hbm>> -> memref<128x64xf32, #tpu.memory_space<hbm>>
    %dma_wait3A_2463 = arith.constant 0 : i32
    %dma_wait3A_2464 = arith.constant 0 : i32
    %dma_wait3A_2465 = tpu.memref_slice %arg12[%dma_wait3A_2453, %dma_wait3A_2454, %dma_wait3A_2463, %dma_wait3A_2464] : memref<2x6x128x64xf32, #tpu.memory_space<vmem>> -> memref<1x1x128x64xf32, #tpu.memory_space<vmem>>
    %dma_wait3A_2466 = tpu.memref_squeeze %dma_wait3A_2465 : memref<1x1x128x64xf32, #tpu.memory_space<vmem>> -> memref<128x64xf32, #tpu.memory_space<vmem>>
    tpu.wait_dma2 semaphore(%arg17 : memref<!tpu.dma_semaphore, #tpu.memory_space<semaphore_mem>>) src(%dma_wait3A_2466 : memref<128x64xf32, #tpu.memory_space<vmem>>) dst(%dma_wait3A_2462 : memref<128x64xf32, #tpu.memory_space<hbm>>)
    %get3A_2467 = arith.constant 0 : i32
    %get3A_2468 = arith.constant 1 : i32
    %get3A_2469 = arith.index_cast %get3A_2467 : i32 to index
    %get3A_2470 = arith.index_cast %get3A_2468 : i32 to index
    %get3A_2471 = arith.constant 0 : index
    %get3A_2472 = tpu.vector_load %arg11[%get3A_2469, %get3A_2470, %get3A_2471] {strides = array<i32>} : memref<2x6x128xi32, #tpu.memory_space<vmem>>, vector<1x1x16xi32>,
    %get3A_2473 = vector.shape_cast %get3A_2472 : vector<1x1x16xi32> to vector<16xi32>
    %add3A_2474 = arith.constant 235 : i32
    %add3A_2475 = vector.broadcast %add3A_2474 : i32 to vector<16xi32>
    %add3A_2476 = arith.addi %get3A_2473, %add3A_2475 : vector<16xi32>
    %swap3A_2477 = arith.constant 0 : i32
    %swap3A_2478 = arith.constant 1 : i32
    %swap3A_2479 = arith.index_cast %swap3A_2477 : i32 to index
    %swap3A_2480 = arith.index_cast %swap3A_2478 : i32 to index
    %swap3A_2481 = arith.constant 0 : index
    %swap3A_2482 = tpu.vector_load %arg11[%swap3A_2479, %swap3A_2480, %swap3A_2481] {strides = array<i32>} : memref<2x6x128xi32, #tpu.memory_space<vmem>>, vector<1x1x16xi32>,
    %swap3A_2483 = vector.shape_cast %swap3A_2482 : vector<1x1x16xi32> to vector<16xi32>
    %swap3A_2484 = vector.shape_cast %add3A_2476 : vector<16xi32> to vector<1x1x16xi32>
    tpu.vector_store %arg11[%swap3A_2479, %swap3A_2480, %swap3A_2481], %swap3A_2484 {strides = array<i32>} : memref<2x6x128xi32, #tpu.memory_space<vmem>>, vector<1x1x16xi32>,
    %get3A_2485 = arith.constant 0 : i32
    %get3A_2486 = arith.constant 1 : i32
    %get3A_2487 = arith.index_cast %get3A_2485 : i32 to index
    %get3A_2488 = arith.index_cast %get3A_2486 : i32 to index
    %get3A_2489 = arith.constant 16 : index
    %get3A_2490 = tpu.vector_load %arg11[%get3A_2487, %get3A_2488, %get3A_2489] {strides = array<i32>} : memref<2x6x128xi32, #tpu.memory_space<vmem>>, vector<1x1x16xi32>,
    %get3A_2491 = vector.shape_cast %get3A_2490 : vector<1x1x16xi32> to vector<16xi32>
    %add3A_2492 = arith.constant 235 : i32
    %add3A_2493 = vector.broadcast %add3A_2492 : i32 to vector<16xi32>
    %add3A_2494 = arith.addi %get3A_2491, %add3A_2493 : vector<16xi32>
    %swap3A_2495 = arith.constant 0 : i32
    %swap3A_2496 = arith.constant 1 : i32
    %swap3A_2497 = arith.index_cast %swap3A_2495 : i32 to index
    %swap3A_2498 = arith.index_cast %swap3A_2496 : i32 to index
    %swap3A_2499 = arith.constant 16 : index
    %swap3A_2500 = tpu.vector_load %arg11[%swap3A_2497, %swap3A_2498, %swap3A_2499] {strides = array<i32>} : memref<2x6x128xi32, #tpu.memory_space<vmem>>, vector<1x1x16xi32>,
    %swap3A_2501 = vector.shape_cast %swap3A_2500 : vector<1x1x16xi32> to vector<16xi32>
    %swap3A_2502 = vector.shape_cast %add3A_2494 : vector<16xi32> to vector<1x1x16xi32>
    tpu.vector_store %arg11[%swap3A_2497, %swap3A_2498, %swap3A_2499], %swap3A_2502 {strides = array<i32>} : memref<2x6x128xi32, #tpu.memory_space<vmem>>, vector<1x1x16xi32>,
    %get3A_2503 = arith.constant 0 : i32
    %get3A_2504 = arith.constant 1 : i32
    %get3A_2505 = arith.index_cast %get3A_2503 : i32 to index
    %get3A_2506 = arith.index_cast %get3A_2504 : i32 to index
    %get3A_2507 = arith.constant 32 : index
    %get3A_2508 = tpu.vector_load %arg11[%get3A_2505, %get3A_2506, %get3A_2507] {strides = array<i32>} : memref<2x6x128xi32, #tpu.memory_space<vmem>>, vector<1x1x16xi32>,
    %get3A_2509 = vector.shape_cast %get3A_2508 : vector<1x1x16xi32> to vector<16xi32>
    %add3A_2510 = arith.constant 235 : i32
    %add3A_2511 = vector.broadcast %add3A_2510 : i32 to vector<16xi32>
    %add3A_2512 = arith.addi %get3A_2509, %add3A_2511 : vector<16xi32>
    %swap3A_2513 = arith.constant 0 : i32
    %swap3A_2514 = arith.constant 1 : i32
    %swap3A_2515 = arith.index_cast %swap3A_2513 : i32 to index
    %swap3A_2516 = arith.index_cast %swap3A_2514 : i32 to index
    %swap3A_2517 = arith.constant 32 : index
    %swap3A_2518 = tpu.vector_load %arg11[%swap3A_2515, %swap3A_2516, %swap3A_2517] {strides = array<i32>} : memref<2x6x128xi32, #tpu.memory_space<vmem>>, vector<1x1x16xi32>,
    %swap3A_2519 = vector.shape_cast %swap3A_2518 : vector<1x1x16xi32> to vector<16xi32>
    %swap3A_2520 = vector.shape_cast %add3A_2512 : vector<16xi32> to vector<1x1x16xi32>
    tpu.vector_store %arg11[%swap3A_2515, %swap3A_2516, %swap3A_2517], %swap3A_2520 {strides = array<i32>} : memref<2x6x128xi32, #tpu.memory_space<vmem>>, vector<1x1x16xi32>,
    %get3A_2521 = arith.constant 0 : i32
    %get3A_2522 = arith.constant 1 : i32
    %get3A_2523 = arith.index_cast %get3A_2521 : i32 to index
    %get3A_2524 = arith.index_cast %get3A_2522 : i32 to index
    %get3A_2525 = arith.constant 48 : index
    %get3A_2526 = tpu.vector_load %arg11[%get3A_2523, %get3A_2524, %get3A_2525] {strides = array<i32>} : memref<2x6x128xi32, #tpu.memory_space<vmem>>, vector<1x1x16xi32>,
    %get3A_2527 = vector.shape_cast %get3A_2526 : vector<1x1x16xi32> to vector<16xi32>
    %add3A_2528 = arith.constant 235 : i32
    %add3A_2529 = vector.broadcast %add3A_2528 : i32 to vector<16xi32>
    %add3A_2530 = arith.addi %get3A_2527, %add3A_2529 : vector<16xi32>
    %swap3A_2531 = arith.constant 0 : i32
    %swap3A_2532 = arith.constant 1 : i32
    %swap3A_2533 = arith.index_cast %swap3A_2531 : i32 to index
    %swap3A_2534 = arith.index_cast %swap3A_2532 : i32 to index
    %swap3A_2535 = arith.constant 48 : index
    %swap3A_2536 = tpu.vector_load %arg11[%swap3A_2533, %swap3A_2534, %swap3A_2535] {strides = array<i32>} : memref<2x6x128xi32, #tpu.memory_space<vmem>>, vector<1x1x16xi32>,
    %swap3A_2537 = vector.shape_cast %swap3A_2536 : vector<1x1x16xi32> to vector<16xi32>
    %swap3A_2538 = vector.shape_cast %add3A_2530 : vector<16xi32> to vector<1x1x16xi32>
    tpu.vector_store %arg11[%swap3A_2533, %swap3A_2534, %swap3A_2535], %swap3A_2538 {strides = array<i32>} : memref<2x6x128xi32, #tpu.memory_space<vmem>>, vector<1x1x16xi32>,
    %get3A_2539 = arith.constant 0 : i32
    %get3A_2540 = arith.constant 1 : i32
    %get3A_2541 = arith.index_cast %get3A_2539 : i32 to index
    %get3A_2542 = arith.index_cast %get3A_2540 : i32 to index
    %get3A_2543 = arith.constant 64 : index
    %get3A_2544 = tpu.vector_load %arg11[%get3A_2541, %get3A_2542, %get3A_2543] {strides = array<i32>} : memref<2x6x128xi32, #tpu.memory_space<vmem>>, vector<1x1x16xi32>,
    %get3A_2545 = vector.shape_cast %get3A_2544 : vector<1x1x16xi32> to vector<16xi32>
    %add3A_2546 = arith.constant 235 : i32
    %add3A_2547 = vector.broadcast %add3A_2546 : i32 to vector<16xi32>
    %add3A_2548 = arith.addi %get3A_2545, %add3A_2547 : vector<16xi32>
    %swap3A_2549 = arith.constant 0 : i32
    %swap3A_2550 = arith.constant 1 : i32
    %swap3A_2551 = arith.index_cast %swap3A_2549 : i32 to index
    %swap3A_2552 = arith.index_cast %swap3A_2550 : i32 to index
    %swap3A_2553 = arith.constant 64 : index
    %swap3A_2554 = tpu.vector_load %arg11[%swap3A_2551, %swap3A_2552, %swap3A_2553] {strides = array<i32>} : memref<2x6x128xi32, #tpu.memory_space<vmem>>, vector<1x1x16xi32>,
    %swap3A_2555 = vector.shape_cast %swap3A_2554 : vector<1x1x16xi32> to vector<16xi32>
    %swap3A_2556 = vector.shape_cast %add3A_2548 : vector<16xi32> to vector<1x1x16xi32>
    tpu.vector_store %arg11[%swap3A_2551, %swap3A_2552, %swap3A_2553], %swap3A_2556 {strides = array<i32>} : memref<2x6x128xi32, #tpu.memory_space<vmem>>, vector<1x1x16xi32>,
    %get3A_2557 = arith.constant 0 : i32
    %get3A_2558 = arith.constant 1 : i32
    %get3A_2559 = arith.index_cast %get3A_2557 : i32 to index
    %get3A_2560 = arith.index_cast %get3A_2558 : i32 to index
    %get3A_2561 = arith.constant 80 : index
    %get3A_2562 = tpu.vector_load %arg11[%get3A_2559, %get3A_2560, %get3A_2561] {strides = array<i32>} : memref<2x6x128xi32, #tpu.memory_space<vmem>>, vector<1x1x16xi32>,
    %get3A_2563 = vector.shape_cast %get3A_2562 : vector<1x1x16xi32> to vector<16xi32>
    %add3A_2564 = arith.constant 235 : i32
    %add3A_2565 = vector.broadcast %add3A_2564 : i32 to vector<16xi32>
    %add3A_2566 = arith.addi %get3A_2563, %add3A_2565 : vector<16xi32>
    %swap3A_2567 = arith.constant 0 : i32
    %swap3A_2568 = arith.constant 1 : i32
    %swap3A_2569 = arith.index_cast %swap3A_2567 : i32 to index
    %swap3A_2570 = arith.index_cast %swap3A_2568 : i32 to index
    %swap3A_2571 = arith.constant 80 : index
    %swap3A_2572 = tpu.vector_load %arg11[%swap3A_2569, %swap3A_2570, %swap3A_2571] {strides = array<i32>} : memref<2x6x128xi32, #tpu.memory_space<vmem>>, vector<1x1x16xi32>,
    %swap3A_2573 = vector.shape_cast %swap3A_2572 : vector<1x1x16xi32> to vector<16xi32>
    %swap3A_2574 = vector.shape_cast %add3A_2566 : vector<16xi32> to vector<1x1x16xi32>
    tpu.vector_store %arg11[%swap3A_2569, %swap3A_2570, %swap3A_2571], %swap3A_2574 {strides = array<i32>} : memref<2x6x128xi32, #tpu.memory_space<vmem>>, vector<1x1x16xi32>,
    %get3A_2575 = arith.constant 0 : i32
    %get3A_2576 = arith.constant 1 : i32
    %get3A_2577 = arith.index_cast %get3A_2575 : i32 to index
    %get3A_2578 = arith.index_cast %get3A_2576 : i32 to index
    %get3A_2579 = arith.constant 96 : index
    %get3A_2580 = tpu.vector_load %arg11[%get3A_2577, %get3A_2578, %get3A_2579] {strides = array<i32>} : memref<2x6x128xi32, #tpu.memory_space<vmem>>, vector<1x1x16xi32>,
    %get3A_2581 = vector.shape_cast %get3A_2580 : vector<1x1x16xi32> to vector<16xi32>
    %add3A_2582 = arith.constant 235 : i32
    %add3A_2583 = vector.broadcast %add3A_2582 : i32 to vector<16xi32>
    %add3A_2584 = arith.addi %get3A_2581, %add3A_2583 : vector<16xi32>
    %swap3A_2585 = arith.constant 0 : i32
    %swap3A_2586 = arith.constant 1 : i32
    %swap3A_2587 = arith.index_cast %swap3A_2585 : i32 to index
    %swap3A_2588 = arith.index_cast %swap3A_2586 : i32 to index
    %swap3A_2589 = arith.constant 96 : index
    %swap3A_2590 = tpu.vector_load %arg11[%swap3A_2587, %swap3A_2588, %swap3A_2589] {strides = array<i32>} : memref<2x6x128xi32, #tpu.memory_space<vmem>>, vector<1x1x16xi32>,
    %swap3A_2591 = vector.shape_cast %swap3A_2590 : vector<1x1x16xi32> to vector<16xi32>
    %swap3A_2592 = vector.shape_cast %add3A_2584 : vector<16xi32> to vector<1x1x16xi32>
    tpu.vector_store %arg11[%swap3A_2587, %swap3A_2588, %swap3A_2589], %swap3A_2592 {strides = array<i32>} : memref<2x6x128xi32, #tpu.memory_space<vmem>>, vector<1x1x16xi32>,
    %get3A_2593 = arith.constant 0 : i32
    %get3A_2594 = arith.constant 1 : i32
    %get3A_2595 = arith.index_cast %get3A_2593 : i32 to index
    %get3A_2596 = arith.index_cast %get3A_2594 : i32 to index
    %get3A_2597 = arith.constant 112 : index
    %get3A_2598 = tpu.vector_load %arg11[%get3A_2595, %get3A_2596, %get3A_2597] {strides = array<i32>} : memref<2x6x128xi32, #tpu.memory_space<vmem>>, vector<1x1x16xi32>,
    %get3A_2599 = vector.shape_cast %get3A_2598 : vector<1x1x16xi32> to vector<16xi32>
    %add3A_2600 = arith.constant 235 : i32
    %add3A_2601 = vector.broadcast %add3A_2600 : i32 to vector<16xi32>
    %add3A_2602 = arith.addi %get3A_2599, %add3A_2601 : vector<16xi32>
    %swap3A_2603 = arith.constant 0 : i32
    %swap3A_2604 = arith.constant 1 : i32
    %swap3A_2605 = arith.index_cast %swap3A_2603 : i32 to index
    %swap3A_2606 = arith.index_cast %swap3A_2604 : i32 to index
    %swap3A_2607 = arith.constant 112 : index
    %swap3A_2608 = tpu.vector_load %arg11[%swap3A_2605, %swap3A_2606, %swap3A_2607] {strides = array<i32>} : memref<2x6x128xi32, #tpu.memory_space<vmem>>, vector<1x1x16xi32>,
    %swap3A_2609 = vector.shape_cast %swap3A_2608 : vector<1x1x16xi32> to vector<16xi32>
    %swap3A_2610 = vector.shape_cast %add3A_2602 : vector<16xi32> to vector<1x1x16xi32>
    tpu.vector_store %arg11[%swap3A_2605, %swap3A_2606, %swap3A_2607], %swap3A_2610 {strides = array<i32>} : memref<2x6x128xi32, #tpu.memory_space<vmem>>, vector<1x1x16xi32>,
    %get3A_2611 = arith.constant 0 : i32
    %get3A_2612 = arith.constant 2 : i32
    %get3A_2613 = arith.index_cast %get3A_2611 : i32 to index
    %get3A_2614 = arith.index_cast %get3A_2612 : i32 to index
    %get3A_2615 = arith.constant 0 : index
    %get3A_2616 = tpu.vector_load %arg11[%get3A_2613, %get3A_2614, %get3A_2615] {strides = array<i32>} : memref<2x6x128xi32, #tpu.memory_space<vmem>>, vector<1x1x16xi32>,
    %get3A_2617 = vector.shape_cast %get3A_2616 : vector<1x1x16xi32> to vector<16xi32>
    %add3A_2618 = arith.constant 237 : i32
    %add3A_2619 = vector.broadcast %add3A_2618 : i32 to vector<16xi32>
    %add3A_2620 = arith.addi %get3A_2617, %add3A_2619 : vector<16xi32>
    %swap3A_2621 = arith.constant 0 : i32
    %swap3A_2622 = arith.constant 2 : i32
    %swap3A_2623 = arith.index_cast %swap3A_2621 : i32 to index
    %swap3A_2624 = arith.index_cast %swap3A_2622 : i32 to index
    %swap3A_2625 = arith.constant 0 : index
    %swap3A_2626 = tpu.vector_load %arg11[%swap3A_2623, %swap3A_2624, %swap3A_2625] {strides = array<i32>} : memref<2x6x128xi32, #tpu.memory_space<vmem>>, vector<1x1x16xi32>,
    %swap3A_2627 = vector.shape_cast %swap3A_2626 : vector<1x1x16xi32> to vector<16xi32>
    %swap3A_2628 = vector.shape_cast %add3A_2620 : vector<16xi32> to vector<1x1x16xi32>
    tpu.vector_store %arg11[%swap3A_2623, %swap3A_2624, %swap3A_2625], %swap3A_2628 {strides = array<i32>} : memref<2x6x128xi32, #tpu.memory_space<vmem>>, vector<1x1x16xi32>,
    %get3A_2629 = arith.constant 0 : i32
    %get3A_2630 = arith.constant 2 : i32
    %get3A_2631 = arith.index_cast %get3A_2629 : i32 to index
    %get3A_2632 = arith.index_cast %get3A_2630 : i32 to index
    %get3A_2633 = arith.constant 16 : index
    %get3A_2634 = tpu.vector_load %arg11[%get3A_2631, %get3A_2632, %get3A_2633] {strides = array<i32>} : memref<2x6x128xi32, #tpu.memory_space<vmem>>, vector<1x1x16xi32>,
    %get3A_2635 = vector.shape_cast %get3A_2634 : vector<1x1x16xi32> to vector<16xi32>
    %add3A_2636 = arith.constant 237 : i32
    %add3A_2637 = vector.broadcast %add3A_2636 : i32 to vector<16xi32>
    %add3A_2638 = arith.addi %get3A_2635, %add3A_2637 : vector<16xi32>
    %swap3A_2639 = arith.constant 0 : i32
    %swap3A_2640 = arith.constant 2 : i32
    %swap3A_2641 = arith.index_cast %swap3A_2639 : i32 to index
    %swap3A_2642 = arith.index_cast %swap3A_2640 : i32 to index
    %swap3A_2643 = arith.constant 16 : index
    %swap3A_2644 = tpu.vector_load %arg11[%swap3A_2641, %swap3A_2642, %swap3A_2643] {strides = array<i32>} : memref<2x6x128xi32, #tpu.memory_space<vmem>>, vector<1x1x16xi32>,
    %swap3A_2645 = vector.shape_cast %swap3A_2644 : vector<1x1x16xi32> to vector<16xi32>
    %swap3A_2646 = vector.shape_cast %add3A_2638 : vector<16xi32> to vector<1x1x16xi32>
    tpu.vector_store %arg11[%swap3A_2641, %swap3A_2642, %swap3A_2643], %swap3A_2646 {strides = array<i32>} : memref<2x6x128xi32, #tpu.memory_space<vmem>>, vector<1x1x16xi32>,
    %get3A_2647 = arith.constant 0 : i32
    %get3A_2648 = arith.constant 2 : i32
    %get3A_2649 = arith.index_cast %get3A_2647 : i32 to index
    %get3A_2650 = arith.index_cast %get3A_2648 : i32 to index
    %get3A_2651 = arith.constant 32 : index
    %get3A_2652 = tpu.vector_load %arg11[%get3A_2649, %get3A_2650, %get3A_2651] {strides = array<i32>} : memref<2x6x128xi32, #tpu.memory_space<vmem>>, vector<1x1x16xi32>,
    %get3A_2653 = vector.shape_cast %get3A_2652 : vector<1x1x16xi32> to vector<16xi32>
    %add3A_2654 = arith.constant 237 : i32
    %add3A_2655 = vector.broadcast %add3A_2654 : i32 to vector<16xi32>
    %add3A_2656 = arith.addi %get3A_2653, %add3A_2655 : vector<16xi32>
    %swap3A_2657 = arith.constant 0 : i32
    %swap3A_2658 = arith.constant 2 : i32
    %swap3A_2659 = arith.index_cast %swap3A_2657 : i32 to index
    %swap3A_2660 = arith.index_cast %swap3A_2658 : i32 to index
    %swap3A_2661 = arith.constant 32 : index
    %swap3A_2662 = tpu.vector_load %arg11[%swap3A_2659, %swap3A_2660, %swap3A_2661] {strides = array<i32>} : memref<2x6x128xi32, #tpu.memory_space<vmem>>, vector<1x1x16xi32>,
    %swap3A_2663 = vector.shape_cast %swap3A_2662 : vector<1x1x16xi32> to vector<16xi32>
    %swap3A_2664 = vector.shape_cast %add3A_2656 : vector<16xi32> to vector<1x1x16xi32>
    tpu.vector_store %arg11[%swap3A_2659, %swap3A_2660, %swap3A_2661], %swap3A_2664 {strides = array<i32>} : memref<2x6x128xi32, #tpu.memory_space<vmem>>, vector<1x1x16xi32>,
    %get3A_2665 = arith.constant 0 : i32
    %get3A_2666 = arith.constant 2 : i32
    %get3A_2667 = arith.index_cast %get3A_2665 : i32 to index
    %get3A_2668 = arith.index_cast %get3A_2666 : i32 to index
    %get3A_2669 = arith.constant 48 : index
    %get3A_2670 = tpu.vector_load %arg11[%get3A_2667, %get3A_2668, %get3A_2669] {strides = array<i32>} : memref<2x6x128xi32, #tpu.memory_space<vmem>>, vector<1x1x16xi32>,
    %get3A_2671 = vector.shape_cast %get3A_2670 : vector<1x1x16xi32> to vector<16xi32>
    %add3A_2672 = arith.constant 237 : i32
    %add3A_2673 = vector.broadcast %add3A_2672 : i32 to vector<16xi32>
    %add3A_2674 = arith.addi %get3A_2671, %add3A_2673 : vector<16xi32>
    %swap3A_2675 = arith.constant 0 : i32
    %swap3A_2676 = arith.constant 2 : i32
    %swap3A_2677 = arith.index_cast %swap3A_2675 : i32 to index
    %swap3A_2678 = arith.index_cast %swap3A_2676 : i32 to index
    %swap3A_2679 = arith.constant 48 : index
    %swap3A_2680 = tpu.vector_load %arg11[%swap3A_2677, %swap3A_2678, %swap3A_2679] {strides = array<i32>} : memref<2x6x128xi32, #tpu.memory_space<vmem>>, vector<1x1x16xi32>,
    %swap3A_2681 = vector.shape_cast %swap3A_2680 : vector<1x1x16xi32> to vector<16xi32>
    %swap3A_2682 = vector.shape_cast %add3A_2674 : vector<16xi32> to vector<1x1x16xi32>
    tpu.vector_store %arg11[%swap3A_2677, %swap3A_2678, %swap3A_2679], %swap3A_2682 {strides = array<i32>} : memref<2x6x128xi32, #tpu.memory_space<vmem>>, vector<1x1x16xi32>,
    %get3A_2683 = arith.constant 0 : i32
    %get3A_2684 = arith.constant 2 : i32
    %get3A_2685 = arith.index_cast %get3A_2683 : i32 to index
    %get3A_2686 = arith.index_cast %get3A_2684 : i32 to index
    %get3A_2687 = arith.constant 64 : index
    %get3A_2688 = tpu.vector_load %arg11[%get3A_2685, %get3A_2686, %get3A_2687] {strides = array<i32>} : memref<2x6x128xi32, #tpu.memory_space<vmem>>, vector<1x1x16xi32>,
    %get3A_2689 = vector.shape_cast %get3A_2688 : vector<1x1x16xi32> to vector<16xi32>
    %add3A_2690 = arith.constant 237 : i32
    %add3A_2691 = vector.broadcast %add3A_2690 : i32 to vector<16xi32>
    %add3A_2692 = arith.addi %get3A_2689, %add3A_2691 : vector<16xi32>
    %swap3A_2693 = arith.constant 0 : i32
    %swap3A_2694 = arith.constant 2 : i32
    %swap3A_2695 = arith.index_cast %swap3A_2693 : i32 to index
    %swap3A_2696 = arith.index_cast %swap3A_2694 : i32 to index
    %swap3A_2697 = arith.constant 64 : index
    %swap3A_2698 = tpu.vector_load %arg11[%swap3A_2695, %swap3A_2696, %swap3A_2697] {strides = array<i32>} : memref<2x6x128xi32, #tpu.memory_space<vmem>>, vector<1x1x16xi32>,
    %swap3A_2699 = vector.shape_cast %swap3A_2698 : vector<1x1x16xi32> to vector<16xi32>
    %swap3A_2700 = vector.shape_cast %add3A_2692 : vector<16xi32> to vector<1x1x16xi32>
    tpu.vector_store %arg11[%swap3A_2695, %swap3A_2696, %swap3A_2697], %swap3A_2700 {strides = array<i32>} : memref<2x6x128xi32, #tpu.memory_space<vmem>>, vector<1x1x16xi32>,
    %get3A_2701 = arith.constant 0 : i32
    %get3A_2702 = arith.constant 2 : i32
    %get3A_2703 = arith.index_cast %get3A_2701 : i32 to index
    %get3A_2704 = arith.index_cast %get3A_2702 : i32 to index
    %get3A_2705 = arith.constant 80 : index
    %get3A_2706 = tpu.vector_load %arg11[%get3A_2703, %get3A_2704, %get3A_2705] {strides = array<i32>} : memref<2x6x128xi32, #tpu.memory_space<vmem>>, vector<1x1x16xi32>,
    %get3A_2707 = vector.shape_cast %get3A_2706 : vector<1x1x16xi32> to vector<16xi32>
    %add3A_2708 = arith.constant 237 : i32
    %add3A_2709 = vector.broadcast %add3A_2708 : i32 to vector<16xi32>
    %add3A_2710 = arith.addi %get3A_2707, %add3A_2709 : vector<16xi32>
    %swap3A_2711 = arith.constant 0 : i32
    %swap3A_2712 = arith.constant 2 : i32
    %swap3A_2713 = arith.index_cast %swap3A_2711 : i32 to index
    %swap3A_2714 = arith.index_cast %swap3A_2712 : i32 to index
    %swap3A_2715 = arith.constant 80 : index
    %swap3A_2716 = tpu.vector_load %arg11[%swap3A_2713, %swap3A_2714, %swap3A_2715] {strides = array<i32>} : memref<2x6x128xi32, #tpu.memory_space<vmem>>, vector<1x1x16xi32>,
    %swap3A_2717 = vector.shape_cast %swap3A_2716 : vector<1x1x16xi32> to vector<16xi32>
    %swap3A_2718 = vector.shape_cast %add3A_2710 : vector<16xi32> to vector<1x1x16xi32>
    tpu.vector_store %arg11[%swap3A_2713, %swap3A_2714, %swap3A_2715], %swap3A_2718 {strides = array<i32>} : memref<2x6x128xi32, #tpu.memory_space<vmem>>, vector<1x1x16xi32>,
    %get3A_2719 = arith.constant 0 : i32
    %get3A_2720 = arith.constant 2 : i32
    %get3A_2721 = arith.index_cast %get3A_2719 : i32 to index
    %get3A_2722 = arith.index_cast %get3A_2720 : i32 to index
    %get3A_2723 = arith.constant 96 : index
    %get3A_2724 = tpu.vector_load %arg11[%get3A_2721, %get3A_2722, %get3A_2723] {strides = array<i32>} : memref<2x6x128xi32, #tpu.memory_space<vmem>>, vector<1x1x16xi32>,
    %get3A_2725 = vector.shape_cast %get3A_2724 : vector<1x1x16xi32> to vector<16xi32>
    %add3A_2726 = arith.constant 237 : i32
    %add3A_2727 = vector.broadcast %add3A_2726 : i32 to vector<16xi32>
    %add3A_2728 = arith.addi %get3A_2725, %add3A_2727 : vector<16xi32>
    %swap3A_2729 = arith.constant 0 : i32
    %swap3A_2730 = arith.constant 2 : i32
    %swap3A_2731 = arith.index_cast %swap3A_2729 : i32 to index
    %swap3A_2732 = arith.index_cast %swap3A_2730 : i32 to index
    %swap3A_2733 = arith.constant 96 : index
    %swap3A_2734 = tpu.vector_load %arg11[%swap3A_2731, %swap3A_2732, %swap3A_2733] {strides = array<i32>} : memref<2x6x128xi32, #tpu.memory_space<vmem>>, vector<1x1x16xi32>,
    %swap3A_2735 = vector.shape_cast %swap3A_2734 : vector<1x1x16xi32> to vector<16xi32>
    %swap3A_2736 = vector.shape_cast %add3A_2728 : vector<16xi32> to vector<1x1x16xi32>
    tpu.vector_store %arg11[%swap3A_2731, %swap3A_2732, %swap3A_2733], %swap3A_2736 {strides = array<i32>} : memref<2x6x128xi32, #tpu.memory_space<vmem>>, vector<1x1x16xi32>,
    %get3A_2737 = arith.constant 0 : i32
    %get3A_2738 = arith.constant 2 : i32
    %get3A_2739 = arith.index_cast %get3A_2737 : i32 to index
    %get3A_2740 = arith.index_cast %get3A_2738 : i32 to index
    %get3A_2741 = arith.constant 112 : index
    %get3A_2742 = tpu.vector_load %arg11[%get3A_2739, %get3A_2740, %get3A_2741] {strides = array<i32>} : memref<2x6x128xi32, #tpu.memory_space<vmem>>, vector<1x1x16xi32>,
    %get3A_2743 = vector.shape_cast %get3A_2742 : vector<1x1x16xi32> to vector<16xi32>
    %add3A_2744 = arith.constant 237 : i32
    %add3A_2745 = vector.broadcast %add3A_2744 : i32 to vector<16xi32>
    %add3A_2746 = arith.addi %get3A_2743, %add3A_2745 : vector<16xi32>
    %swap3A_2747 = arith.constant 0 : i32
    %swap3A_2748 = arith.constant 2 : i32
    %swap3A_2749 = arith.index_cast %swap3A_2747 : i32 to index
    %swap3A_2750 = arith.index_cast %swap3A_2748 : i32 to index
    %swap3A_2751 = arith.constant 112 : index
    %swap3A_2752 = tpu.vector_load %arg11[%swap3A_2749, %swap3A_2750, %swap3A_2751] {strides = array<i32>} : memref<2x6x128xi32, #tpu.memory_space<vmem>>, vector<1x1x16xi32>,
    %swap3A_2753 = vector.shape_cast %swap3A_2752 : vector<1x1x16xi32> to vector<16xi32>
    %swap3A_2754 = vector.shape_cast %add3A_2746 : vector<16xi32> to vector<1x1x16xi32>
    tpu.vector_store %arg11[%swap3A_2749, %swap3A_2750, %swap3A_2751], %swap3A_2754 {strides = array<i32>} : memref<2x6x128xi32, #tpu.memory_space<vmem>>, vector<1x1x16xi32>,
    %get3A_2755 = arith.constant 0 : i32
    %get3A_2756 = arith.constant 3 : i32
    %get3A_2757 = arith.index_cast %get3A_2755 : i32 to index
    %get3A_2758 = arith.index_cast %get3A_2756 : i32 to index
    %get3A_2759 = arith.constant 0 : index
    %get3A_2760 = tpu.vector_load %arg11[%get3A_2757, %get3A_2758, %get3A_2759] {strides = array<i32>} : memref<2x6x128xi32, #tpu.memory_space<vmem>>, vector<1x1x16xi32>,
    %get3A_2761 = vector.shape_cast %get3A_2760 : vector<1x1x16xi32> to vector<16xi32>
    %add3A_2762 = arith.constant 348 : i32
    %add3A_2763 = vector.broadcast %add3A_2762 : i32 to vector<16xi32>
    %add3A_2764 = arith.addi %get3A_2761, %add3A_2763 : vector<16xi32>
    %swap3A_2765 = arith.constant 0 : i32
    %swap3A_2766 = arith.constant 3 : i32
    %swap3A_2767 = arith.index_cast %swap3A_2765 : i32 to index
    %swap3A_2768 = arith.index_cast %swap3A_2766 : i32 to index
    %swap3A_2769 = arith.constant 0 : index
    %swap3A_2770 = tpu.vector_load %arg11[%swap3A_2767, %swap3A_2768, %swap3A_2769] {strides = array<i32>} : memref<2x6x128xi32, #tpu.memory_space<vmem>>, vector<1x1x16xi32>,
    %swap3A_2771 = vector.shape_cast %swap3A_2770 : vector<1x1x16xi32> to vector<16xi32>
    %swap3A_2772 = vector.shape_cast %add3A_2764 : vector<16xi32> to vector<1x1x16xi32>
    tpu.vector_store %arg11[%swap3A_2767, %swap3A_2768, %swap3A_2769], %swap3A_2772 {strides = array<i32>} : memref<2x6x128xi32, #tpu.memory_space<vmem>>, vector<1x1x16xi32>,
    %get3A_2773 = arith.constant 0 : i32
    %get3A_2774 = arith.constant 3 : i32
    %get3A_2775 = arith.index_cast %get3A_2773 : i32 to index
    %get3A_2776 = arith.index_cast %get3A_2774 : i32 to index
    %get3A_2777 = arith.constant 16 : index
    %get3A_2778 = tpu.vector_load %arg11[%get3A_2775, %get3A_2776, %get3A_2777] {strides = array<i32>} : memref<2x6x128xi32, #tpu.memory_space<vmem>>, vector<1x1x16xi32>,
    %get3A_2779 = vector.shape_cast %get3A_2778 : vector<1x1x16xi32> to vector<16xi32>
    %add3A_2780 = arith.constant 348 : i32
    %add3A_2781 = vector.broadcast %add3A_2780 : i32 to vector<16xi32>
    %add3A_2782 = arith.addi %get3A_2779, %add3A_2781 : vector<16xi32>
    %swap3A_2783 = arith.constant 0 : i32
    %swap3A_2784 = arith.constant 3 : i32
    %swap3A_2785 = arith.index_cast %swap3A_2783 : i32 to index
    %swap3A_2786 = arith.index_cast %swap3A_2784 : i32 to index
    %swap3A_2787 = arith.constant 16 : index
    %swap3A_2788 = tpu.vector_load %arg11[%swap3A_2785, %swap3A_2786, %swap3A_2787] {strides = array<i32>} : memref<2x6x128xi32, #tpu.memory_space<vmem>>, vector<1x1x16xi32>,
    %swap3A_2789 = vector.shape_cast %swap3A_2788 : vector<1x1x16xi32> to vector<16xi32>
    %swap3A_2790 = vector.shape_cast %add3A_2782 : vector<16xi32> to vector<1x1x16xi32>
    tpu.vector_store %arg11[%swap3A_2785, %swap3A_2786, %swap3A_2787], %swap3A_2790 {strides = array<i32>} : memref<2x6x128xi32, #tpu.memory_space<vmem>>, vector<1x1x16xi32>,
    %get3A_2791 = arith.constant 0 : i32
    %get3A_2792 = arith.constant 3 : i32
    %get3A_2793 = arith.index_cast %get3A_2791 : i32 to index
    %get3A_2794 = arith.index_cast %get3A_2792 : i32 to index
    %get3A_2795 = arith.constant 32 : index
    %get3A_2796 = tpu.vector_load %arg11[%get3A_2793, %get3A_2794, %get3A_2795] {strides = array<i32>} : memref<2x6x128xi32, #tpu.memory_space<vmem>>, vector<1x1x16xi32>,
    %get3A_2797 = vector.shape_cast %get3A_2796 : vector<1x1x16xi32> to vector<16xi32>
    %add3A_2798 = arith.constant 348 : i32
    %add3A_2799 = vector.broadcast %add3A_2798 : i32 to vector<16xi32>
    %add3A_2800 = arith.addi %get3A_2797, %add3A_2799 : vector<16xi32>
    %swap3A_2801 = arith.constant 0 : i32
    %swap3A_2802 = arith.constant 3 : i32
    %swap3A_2803 = arith.index_cast %swap3A_2801 : i32 to index
    %swap3A_2804 = arith.index_cast %swap3A_2802 : i32 to index
    %swap3A_2805 = arith.constant 32 : index
    %swap3A_2806 = tpu.vector_load %arg11[%swap3A_2803, %swap3A_2804, %swap3A_2805] {strides = array<i32>} : memref<2x6x128xi32, #tpu.memory_space<vmem>>, vector<1x1x16xi32>,
    %swap3A_2807 = vector.shape_cast %swap3A_2806 : vector<1x1x16xi32> to vector<16xi32>
    %swap3A_2808 = vector.shape_cast %add3A_2800 : vector<16xi32> to vector<1x1x16xi32>
    tpu.vector_store %arg11[%swap3A_2803, %swap3A_2804, %swap3A_2805], %swap3A_2808 {strides = array<i32>} : memref<2x6x128xi32, #tpu.memory_space<vmem>>, vector<1x1x16xi32>,
    %get3A_2809 = arith.constant 0 : i32
    %get3A_2810 = arith.constant 3 : i32
    %get3A_2811 = arith.index_cast %get3A_2809 : i32 to index
    %get3A_2812 = arith.index_cast %get3A_2810 : i32 to index
    %get3A_2813 = arith.constant 48 : index
    %get3A_2814 = tpu.vector_load %arg11[%get3A_2811, %get3A_2812, %get3A_2813] {strides = array<i32>} : memref<2x6x128xi32, #tpu.memory_space<vmem>>, vector<1x1x16xi32>,
    %get3A_2815 = vector.shape_cast %get3A_2814 : vector<1x1x16xi32> to vector<16xi32>
    %add3A_2816 = arith.constant 348 : i32
    %add3A_2817 = vector.broadcast %add3A_2816 : i32 to vector<16xi32>
    %add3A_2818 = arith.addi %get3A_2815, %add3A_2817 : vector<16xi32>
    %swap3A_2819 = arith.constant 0 : i32
    %swap3A_2820 = arith.constant 3 : i32
    %swap3A_2821 = arith.index_cast %swap3A_2819 : i32 to index
    %swap3A_2822 = arith.index_cast %swap3A_2820 : i32 to index
    %swap3A_2823 = arith.constant 48 : index
    %swap3A_2824 = tpu.vector_load %arg11[%swap3A_2821, %swap3A_2822, %swap3A_2823] {strides = array<i32>} : memref<2x6x128xi32, #tpu.memory_space<vmem>>, vector<1x1x16xi32>,
    %swap3A_2825 = vector.shape_cast %swap3A_2824 : vector<1x1x16xi32> to vector<16xi32>
    %swap3A_2826 = vector.shape_cast %add3A_2818 : vector<16xi32> to vector<1x1x16xi32>
    tpu.vector_store %arg11[%swap3A_2821, %swap3A_2822, %swap3A_2823], %swap3A_2826 {strides = array<i32>} : memref<2x6x128xi32, #tpu.memory_space<vmem>>, vector<1x1x16xi32>,
    %get3A_2827 = arith.constant 0 : i32
    %get3A_2828 = arith.constant 3 : i32
    %get3A_2829 = arith.index_cast %get3A_2827 : i32 to index
    %get3A_2830 = arith.index_cast %get3A_2828 : i32 to index
    %get3A_2831 = arith.constant 64 : index
    %get3A_2832 = tpu.vector_load %arg11[%get3A_2829, %get3A_2830, %get3A_2831] {strides = array<i32>} : memref<2x6x128xi32, #tpu.memory_space<vmem>>, vector<1x1x16xi32>,
    %get3A_2833 = vector.shape_cast %get3A_2832 : vector<1x1x16xi32> to vector<16xi32>
    %add3A_2834 = arith.constant 348 : i32
    %add3A_2835 = vector.broadcast %add3A_2834 : i32 to vector<16xi32>
    %add3A_2836 = arith.addi %get3A_2833, %add3A_2835 : vector<16xi32>
    %swap3A_2837 = arith.constant 0 : i32
    %swap3A_2838 = arith.constant 3 : i32
    %swap3A_2839 = arith.index_cast %swap3A_2837 : i32 to index
    %swap3A_2840 = arith.index_cast %swap3A_2838 : i32 to index
    %swap3A_2841 = arith.constant 64 : index
    %swap3A_2842 = tpu.vector_load %arg11[%swap3A_2839, %swap3A_2840, %swap3A_2841] {strides = array<i32>} : memref<2x6x128xi32, #tpu.memory_space<vmem>>, vector<1x1x16xi32>,
    %swap3A_2843 = vector.shape_cast %swap3A_2842 : vector<1x1x16xi32> to vector<16xi32>
    %swap3A_2844 = vector.shape_cast %add3A_2836 : vector<16xi32> to vector<1x1x16xi32>
    tpu.vector_store %arg11[%swap3A_2839, %swap3A_2840, %swap3A_2841], %swap3A_2844 {strides = array<i32>} : memref<2x6x128xi32, #tpu.memory_space<vmem>>, vector<1x1x16xi32>,
    %get3A_2845 = arith.constant 0 : i32
    %get3A_2846 = arith.constant 3 : i32
    %get3A_2847 = arith.index_cast %get3A_2845 : i32 to index
    %get3A_2848 = arith.index_cast %get3A_2846 : i32 to index
    %get3A_2849 = arith.constant 80 : index
    %get3A_2850 = tpu.vector_load %arg11[%get3A_2847, %get3A_2848, %get3A_2849] {strides = array<i32>} : memref<2x6x128xi32, #tpu.memory_space<vmem>>, vector<1x1x16xi32>,
    %get3A_2851 = vector.shape_cast %get3A_2850 : vector<1x1x16xi32> to vector<16xi32>
    %add3A_2852 = arith.constant 348 : i32
    %add3A_2853 = vector.broadcast %add3A_2852 : i32 to vector<16xi32>
    %add3A_2854 = arith.addi %get3A_2851, %add3A_2853 : vector<16xi32>
    %swap3A_2855 = arith.constant 0 : i32
    %swap3A_2856 = arith.constant 3 : i32
    %swap3A_2857 = arith.index_cast %swap3A_2855 : i32 to index
    %swap3A_2858 = arith.index_cast %swap3A_2856 : i32 to index
    %swap3A_2859 = arith.constant 80 : index
    %swap3A_2860 = tpu.vector_load %arg11[%swap3A_2857, %swap3A_2858, %swap3A_2859] {strides = array<i32>} : memref<2x6x128xi32, #tpu.memory_space<vmem>>, vector<1x1x16xi32>,
    %swap3A_2861 = vector.shape_cast %swap3A_2860 : vector<1x1x16xi32> to vector<16xi32>
    %swap3A_2862 = vector.shape_cast %add3A_2854 : vector<16xi32> to vector<1x1x16xi32>
    tpu.vector_store %arg11[%swap3A_2857, %swap3A_2858, %swap3A_2859], %swap3A_2862 {strides = array<i32>} : memref<2x6x128xi32, #tpu.memory_space<vmem>>, vector<1x1x16xi32>,
    %get3A_2863 = arith.constant 0 : i32
    %get3A_2864 = arith.constant 3 : i32
    %get3A_2865 = arith.index_cast %get3A_2863 : i32 to index
    %get3A_2866 = arith.index_cast %get3A_2864 : i32 to index
    %get3A_2867 = arith.constant 96 : index
    %get3A_2868 = tpu.vector_load %arg11[%get3A_2865, %get3A_2866, %get3A_2867] {strides = array<i32>} : memref<2x6x128xi32, #tpu.memory_space<vmem>>, vector<1x1x16xi32>,
    %get3A_2869 = vector.shape_cast %get3A_2868 : vector<1x1x16xi32> to vector<16xi32>
    %add3A_2870 = arith.constant 348 : i32
    %add3A_2871 = vector.broadcast %add3A_2870 : i32 to vector<16xi32>
    %add3A_2872 = arith.addi %get3A_2869, %add3A_2871 : vector<16xi32>
    %swap3A_2873 = arith.constant 0 : i32
    %swap3A_2874 = arith.constant 3 : i32
    %swap3A_2875 = arith.index_cast %swap3A_2873 : i32 to index
    %swap3A_2876 = arith.index_cast %swap3A_2874 : i32 to index
    %swap3A_2877 = arith.constant 96 : index
    %swap3A_2878 = tpu.vector_load %arg11[%swap3A_2875, %swap3A_2876, %swap3A_2877] {strides = array<i32>} : memref<2x6x128xi32, #tpu.memory_space<vmem>>, vector<1x1x16xi32>,
    %swap3A_2879 = vector.shape_cast %swap3A_2878 : vector<1x1x16xi32> to vector<16xi32>
    %swap3A_2880 = vector.shape_cast %add3A_2872 : vector<16xi32> to vector<1x1x16xi32>
    tpu.vector_store %arg11[%swap3A_2875, %swap3A_2876, %swap3A_2877], %swap3A_2880 {strides = array<i32>} : memref<2x6x128xi32, #tpu.memory_space<vmem>>, vector<1x1x16xi32>,
    %get3A_2881 = arith.constant 0 : i32
    %get3A_2882 = arith.constant 3 : i32
    %get3A_2883 = arith.index_cast %get3A_2881 : i32 to index
    %get3A_2884 = arith.index_cast %get3A_2882 : i32 to index
    %get3A_2885 = arith.constant 112 : index
    %get3A_2886 = tpu.vector_load %arg11[%get3A_2883, %get3A_2884, %get3A_2885] {strides = array<i32>} : memref<2x6x128xi32, #tpu.memory_space<vmem>>, vector<1x1x16xi32>,
    %get3A_2887 = vector.shape_cast %get3A_2886 : vector<1x1x16xi32> to vector<16xi32>
    %add3A_2888 = arith.constant 348 : i32
    %add3A_2889 = vector.broadcast %add3A_2888 : i32 to vector<16xi32>
    %add3A_2890 = arith.addi %get3A_2887, %add3A_2889 : vector<16xi32>
    %swap3A_2891 = arith.constant 0 : i32
    %swap3A_2892 = arith.constant 3 : i32
    %swap3A_2893 = arith.index_cast %swap3A_2891 : i32 to index
    %swap3A_2894 = arith.index_cast %swap3A_2892 : i32 to index
    %swap3A_2895 = arith.constant 112 : index
    %swap3A_2896 = tpu.vector_load %arg11[%swap3A_2893, %swap3A_2894, %swap3A_2895] {strides = array<i32>} : memref<2x6x128xi32, #tpu.memory_space<vmem>>, vector<1x1x16xi32>,
    %swap3A_2897 = vector.shape_cast %swap3A_2896 : vector<1x1x16xi32> to vector<16xi32>
    %swap3A_2898 = vector.shape_cast %add3A_2890 : vector<16xi32> to vector<1x1x16xi32>
    tpu.vector_store %arg11[%swap3A_2893, %swap3A_2894, %swap3A_2895], %swap3A_2898 {strides = array<i32>} : memref<2x6x128xi32, #tpu.memory_space<vmem>>, vector<1x1x16xi32>,
    %get3A_2899 = arith.constant 0 : i32
    %get3A_2900 = arith.constant 4 : i32
    %get3A_2901 = arith.index_cast %get3A_2899 : i32 to index
    %get3A_2902 = arith.index_cast %get3A_2900 : i32 to index
    %get3A_2903 = arith.constant 0 : index
    %get3A_2904 = tpu.vector_load %arg11[%get3A_2901, %get3A_2902, %get3A_2903] {strides = array<i32>} : memref<2x6x128xi32, #tpu.memory_space<vmem>>, vector<1x1x16xi32>,
    %get3A_2905 = vector.shape_cast %get3A_2904 : vector<1x1x16xi32> to vector<16xi32>
    %add3A_2906 = arith.constant 874 : i32
    %add3A_2907 = vector.broadcast %add3A_2906 : i32 to vector<16xi32>
    %add3A_2908 = arith.addi %get3A_2905, %add3A_2907 : vector<16xi32>
    %swap3A_2909 = arith.constant 0 : i32
    %swap3A_2910 = arith.constant 4 : i32
    %swap3A_2911 = arith.index_cast %swap3A_2909 : i32 to index
    %swap3A_2912 = arith.index_cast %swap3A_2910 : i32 to index
    %swap3A_2913 = arith.constant 0 : index
    %swap3A_2914 = tpu.vector_load %arg11[%swap3A_2911, %swap3A_2912, %swap3A_2913] {strides = array<i32>} : memref<2x6x128xi32, #tpu.memory_space<vmem>>, vector<1x1x16xi32>,
    %swap3A_2915 = vector.shape_cast %swap3A_2914 : vector<1x1x16xi32> to vector<16xi32>
    %swap3A_2916 = vector.shape_cast %add3A_2908 : vector<16xi32> to vector<1x1x16xi32>
    tpu.vector_store %arg11[%swap3A_2911, %swap3A_2912, %swap3A_2913], %swap3A_2916 {strides = array<i32>} : memref<2x6x128xi32, #tpu.memory_space<vmem>>, vector<1x1x16xi32>,
    %get3A_2917 = arith.constant 0 : i32
    %get3A_2918 = arith.constant 4 : i32
    %get3A_2919 = arith.index_cast %get3A_2917 : i32 to index
    %get3A_2920 = arith.index_cast %get3A_2918 : i32 to index
    %get3A_2921 = arith.constant 16 : index
    %get3A_2922 = tpu.vector_load %arg11[%get3A_2919, %get3A_2920, %get3A_2921] {strides = array<i32>} : memref<2x6x128xi32, #tpu.memory_space<vmem>>, vector<1x1x16xi32>,
    %get3A_2923 = vector.shape_cast %get3A_2922 : vector<1x1x16xi32> to vector<16xi32>
    %add3A_2924 = arith.constant 874 : i32
    %add3A_2925 = vector.broadcast %add3A_2924 : i32 to vector<16xi32>
    %add3A_2926 = arith.addi %get3A_2923, %add3A_2925 : vector<16xi32>
    %swap3A_2927 = arith.constant 0 : i32
    %swap3A_2928 = arith.constant 4 : i32
    %swap3A_2929 = arith.index_cast %swap3A_2927 : i32 to index
    %swap3A_2930 = arith.index_cast %swap3A_2928 : i32 to index
    %swap3A_2931 = arith.constant 16 : index
    %swap3A_2932 = tpu.vector_load %arg11[%swap3A_2929, %swap3A_2930, %swap3A_2931] {strides = array<i32>} : memref<2x6x128xi32, #tpu.memory_space<vmem>>, vector<1x1x16xi32>,
    %swap3A_2933 = vector.shape_cast %swap3A_2932 : vector<1x1x16xi32> to vector<16xi32>
    %swap3A_2934 = vector.shape_cast %add3A_2926 : vector<16xi32> to vector<1x1x16xi32>
    tpu.vector_store %arg11[%swap3A_2929, %swap3A_2930, %swap3A_2931], %swap3A_2934 {strides = array<i32>} : memref<2x6x128xi32, #tpu.memory_space<vmem>>, vector<1x1x16xi32>,
    %get3A_2935 = arith.constant 0 : i32
    %get3A_2936 = arith.constant 4 : i32
    %get3A_2937 = arith.index_cast %get3A_2935 : i32 to index
    %get3A_2938 = arith.index_cast %get3A_2936 : i32 to index
    %get3A_2939 = arith.constant 32 : index
    %get3A_2940 = tpu.vector_load %arg11[%get3A_2937, %get3A_2938, %get3A_2939] {strides = array<i32>} : memref<2x6x128xi32, #tpu.memory_space<vmem>>, vector<1x1x16xi32>,
    %get3A_2941 = vector.shape_cast %get3A_2940 : vector<1x1x16xi32> to vector<16xi32>
    %add3A_2942 = arith.constant 874 : i32
    %add3A_2943 = vector.broadcast %add3A_2942 : i32 to vector<16xi32>
    %add3A_2944 = arith.addi %get3A_2941, %add3A_2943 : vector<16xi32>
    %swap3A_2945 = arith.constant 0 : i32
    %swap3A_2946 = arith.constant 4 : i32
    %swap3A_2947 = arith.index_cast %swap3A_2945 : i32 to index
    %swap3A_2948 = arith.index_cast %swap3A_2946 : i32 to index
    %swap3A_2949 = arith.constant 32 : index
    %swap3A_2950 = tpu.vector_load %arg11[%swap3A_2947, %swap3A_2948, %swap3A_2949] {strides = array<i32>} : memref<2x6x128xi32, #tpu.memory_space<vmem>>, vector<1x1x16xi32>,
    %swap3A_2951 = vector.shape_cast %swap3A_2950 : vector<1x1x16xi32> to vector<16xi32>
    %swap3A_2952 = vector.shape_cast %add3A_2944 : vector<16xi32> to vector<1x1x16xi32>
    tpu.vector_store %arg11[%swap3A_2947, %swap3A_2948, %swap3A_2949], %swap3A_2952 {strides = array<i32>} : memref<2x6x128xi32, #tpu.memory_space<vmem>>, vector<1x1x16xi32>,
    %get3A_2953 = arith.constant 0 : i32
    %get3A_2954 = arith.constant 4 : i32
    %get3A_2955 = arith.index_cast %get3A_2953 : i32 to index
    %get3A_2956 = arith.index_cast %get3A_2954 : i32 to index
    %get3A_2957 = arith.constant 48 : index
    %get3A_2958 = tpu.vector_load %arg11[%get3A_2955, %get3A_2956, %get3A_2957] {strides = array<i32>} : memref<2x6x128xi32, #tpu.memory_space<vmem>>, vector<1x1x16xi32>,
    %get3A_2959 = vector.shape_cast %get3A_2958 : vector<1x1x16xi32> to vector<16xi32>
    %add3A_2960 = arith.constant 874 : i32
    %add3A_2961 = vector.broadcast %add3A_2960 : i32 to vector<16xi32>
    %add3A_2962 = arith.addi %get3A_2959, %add3A_2961 : vector<16xi32>
    %swap3A_2963 = arith.constant 0 : i32
    %swap3A_2964 = arith.constant 4 : i32
    %swap3A_2965 = arith.index_cast %swap3A_2963 : i32 to index
    %swap3A_2966 = arith.index_cast %swap3A_2964 : i32 to index
    %swap3A_2967 = arith.constant 48 : index
    %swap3A_2968 = tpu.vector_load %arg11[%swap3A_2965, %swap3A_2966, %swap3A_2967] {strides = array<i32>} : memref<2x6x128xi32, #tpu.memory_space<vmem>>, vector<1x1x16xi32>,
    %swap3A_2969 = vector.shape_cast %swap3A_2968 : vector<1x1x16xi32> to vector<16xi32>
    %swap3A_2970 = vector.shape_cast %add3A_2962 : vector<16xi32> to vector<1x1x16xi32>
    tpu.vector_store %arg11[%swap3A_2965, %swap3A_2966, %swap3A_2967], %swap3A_2970 {strides = array<i32>} : memref<2x6x128xi32, #tpu.memory_space<vmem>>, vector<1x1x16xi32>,
    %get3A_2971 = arith.constant 0 : i32
    %get3A_2972 = arith.constant 4 : i32
    %get3A_2973 = arith.index_cast %get3A_2971 : i32 to index
    %get3A_2974 = arith.index_cast %get3A_2972 : i32 to index
    %get3A_2975 = arith.constant 64 : index
    %get3A_2976 = tpu.vector_load %arg11[%get3A_2973, %get3A_2974, %get3A_2975] {strides = array<i32>} : memref<2x6x128xi32, #tpu.memory_space<vmem>>, vector<1x1x16xi32>,
    %get3A_2977 = vector.shape_cast %get3A_2976 : vector<1x1x16xi32> to vector<16xi32>
    %add3A_2978 = arith.constant 874 : i32
    %add3A_2979 = vector.broadcast %add3A_2978 : i32 to vector<16xi32>
    %add3A_2980 = arith.addi %get3A_2977, %add3A_2979 : vector<16xi32>
    %swap3A_2981 = arith.constant 0 : i32
    %swap3A_2982 = arith.constant 4 : i32
    %swap3A_2983 = arith.index_cast %swap3A_2981 : i32 to index
    %swap3A_2984 = arith.index_cast %swap3A_2982 : i32 to index
    %swap3A_2985 = arith.constant 64 : index
    %swap3A_2986 = tpu.vector_load %arg11[%swap3A_2983, %swap3A_2984, %swap3A_2985] {strides = array<i32>} : memref<2x6x128xi32, #tpu.memory_space<vmem>>, vector<1x1x16xi32>,
    %swap3A_2987 = vector.shape_cast %swap3A_2986 : vector<1x1x16xi32> to vector<16xi32>
    %swap3A_2988 = vector.shape_cast %add3A_2980 : vector<16xi32> to vector<1x1x16xi32>
    tpu.vector_store %arg11[%swap3A_2983, %swap3A_2984, %swap3A_2985], %swap3A_2988 {strides = array<i32>} : memref<2x6x128xi32, #tpu.memory_space<vmem>>, vector<1x1x16xi32>,
    %get3A_2989 = arith.constant 0 : i32
    %get3A_2990 = arith.constant 4 : i32
    %get3A_2991 = arith.index_cast %get3A_2989 : i32 to index
    %get3A_2992 = arith.index_cast %get3A_2990 : i32 to index
    %get3A_2993 = arith.constant 80 : index
    %get3A_2994 = tpu.vector_load %arg11[%get3A_2991, %get3A_2992, %get3A_2993] {strides = array<i32>} : memref<2x6x128xi32, #tpu.memory_space<vmem>>, vector<1x1x16xi32>,
    %get3A_2995 = vector.shape_cast %get3A_2994 : vector<1x1x16xi32> to vector<16xi32>
    %add3A_2996 = arith.constant 874 : i32
    %add3A_2997 = vector.broadcast %add3A_2996 : i32 to vector<16xi32>
    %add3A_2998 = arith.addi %get3A_2995, %add3A_2997 : vector<16xi32>
    %swap3A_2999 = arith.constant 0 : i32
    %swap3A_3000 = arith.constant 4 : i32
    %swap3A_3001 = arith.index_cast %swap3A_2999 : i32 to index
    %swap3A_3002 = arith.index_cast %swap3A_3000 : i32 to index
    %swap3A_3003 = arith.constant 80 : index
    %swap3A_3004 = tpu.vector_load %arg11[%swap3A_3001, %swap3A_3002, %swap3A_3003] {strides = array<i32>} : memref<2x6x128xi32, #tpu.memory_space<vmem>>, vector<1x1x16xi32>,
    %swap3A_3005 = vector.shape_cast %swap3A_3004 : vector<1x1x16xi32> to vector<16xi32>
    %swap3A_3006 = vector.shape_cast %add3A_2998 : vector<16xi32> to vector<1x1x16xi32>
    tpu.vector_store %arg11[%swap3A_3001, %swap3A_3002, %swap3A_3003], %swap3A_3006 {strides = array<i32>} : memref<2x6x128xi32, #tpu.memory_space<vmem>>, vector<1x1x16xi32>,
    %get3A_3007 = arith.constant 0 : i32
    %get3A_3008 = arith.constant 4 : i32
    %get3A_3009 = arith.index_cast %get3A_3007 : i32 to index
    %get3A_3010 = arith.index_cast %get3A_3008 : i32 to index
    %get3A_3011 = arith.constant 96 : index
    %get3A_3012 = tpu.vector_load %arg11[%get3A_3009, %get3A_3010, %get3A_3011] {strides = array<i32>} : memref<2x6x128xi32, #tpu.memory_space<vmem>>, vector<1x1x16xi32>,
    %get3A_3013 = vector.shape_cast %get3A_3012 : vector<1x1x16xi32> to vector<16xi32>
    %add3A_3014 = arith.constant 874 : i32
    %add3A_3015 = vector.broadcast %add3A_3014 : i32 to vector<16xi32>
    %add3A_3016 = arith.addi %get3A_3013, %add3A_3015 : vector<16xi32>
    %swap3A_3017 = arith.constant 0 : i32
    %swap3A_3018 = arith.constant 4 : i32
    %swap3A_3019 = arith.index_cast %swap3A_3017 : i32 to index
    %swap3A_3020 = arith.index_cast %swap3A_3018 : i32 to index
    %swap3A_3021 = arith.constant 96 : index
    %swap3A_3022 = tpu.vector_load %arg11[%swap3A_3019, %swap3A_3020, %swap3A_3021] {strides = array<i32>} : memref<2x6x128xi32, #tpu.memory_space<vmem>>, vector<1x1x16xi32>,
    %swap3A_3023 = vector.shape_cast %swap3A_3022 : vector<1x1x16xi32> to vector<16xi32>
    %swap3A_3024 = vector.shape_cast %add3A_3016 : vector<16xi32> to vector<1x1x16xi32>
    tpu.vector_store %arg11[%swap3A_3019, %swap3A_3020, %swap3A_3021], %swap3A_3024 {strides = array<i32>} : memref<2x6x128xi32, #tpu.memory_space<vmem>>, vector<1x1x16xi32>,
    %get3A_3025 = arith.constant 0 : i32
    %get3A_3026 = arith.constant 4 : i32
    %get3A_3027 = arith.index_cast %get3A_3025 : i32 to index
    %get3A_3028 = arith.index_cast %get3A_3026 : i32 to index
    %get3A_3029 = arith.constant 112 : index
    %get3A_3030 = tpu.vector_load %arg11[%get3A_3027, %get3A_3028, %get3A_3029] {strides = array<i32>} : memref<2x6x128xi32, #tpu.memory_space<vmem>>, vector<1x1x16xi32>,
    %get3A_3031 = vector.shape_cast %get3A_3030 : vector<1x1x16xi32> to vector<16xi32>
    %add3A_3032 = arith.constant 874 : i32
    %add3A_3033 = vector.broadcast %add3A_3032 : i32 to vector<16xi32>
    %add3A_3034 = arith.addi %get3A_3031, %add3A_3033 : vector<16xi32>
    %swap3A_3035 = arith.constant 0 : i32
    %swap3A_3036 = arith.constant 4 : i32
    %swap3A_3037 = arith.index_cast %swap3A_3035 : i32 to index
    %swap3A_3038 = arith.index_cast %swap3A_3036 : i32 to index
    %swap3A_3039 = arith.constant 112 : index
    %swap3A_3040 = tpu.vector_load %arg11[%swap3A_3037, %swap3A_3038, %swap3A_3039] {strides = array<i32>} : memref<2x6x128xi32, #tpu.memory_space<vmem>>, vector<1x1x16xi32>,
    %swap3A_3041 = vector.shape_cast %swap3A_3040 : vector<1x1x16xi32> to vector<16xi32>
    %swap3A_3042 = vector.shape_cast %add3A_3034 : vector<16xi32> to vector<1x1x16xi32>
    tpu.vector_store %arg11[%swap3A_3037, %swap3A_3038, %swap3A_3039], %swap3A_3042 {strides = array<i32>} : memref<2x6x128xi32, #tpu.memory_space<vmem>>, vector<1x1x16xi32>,
    %get3A_3043 = arith.constant 0 : i32
    %get3A_3044 = arith.constant 5 : i32
    %get3A_3045 = arith.index_cast %get3A_3043 : i32 to index
    %get3A_3046 = arith.index_cast %get3A_3044 : i32 to index
    %get3A_3047 = arith.constant 0 : index
    %get3A_3048 = tpu.vector_load %arg11[%get3A_3045, %get3A_3046, %get3A_3047] {strides = array<i32>} : memref<2x6x128xi32, #tpu.memory_space<vmem>>, vector<1x1x16xi32>,
    %get3A_3049 = vector.shape_cast %get3A_3048 : vector<1x1x16xi32> to vector<16xi32>
    %add3A_3050 = arith.constant 895 : i32
    %add3A_3051 = vector.broadcast %add3A_3050 : i32 to vector<16xi32>
    %add3A_3052 = arith.addi %get3A_3049, %add3A_3051 : vector<16xi32>
    %swap3A_3053 = arith.constant 0 : i32
    %swap3A_3054 = arith.constant 5 : i32
    %swap3A_3055 = arith.index_cast %swap3A_3053 : i32 to index
    %swap3A_3056 = arith.index_cast %swap3A_3054 : i32 to index
    %swap3A_3057 = arith.constant 0 : index
    %swap3A_3058 = tpu.vector_load %arg11[%swap3A_3055, %swap3A_3056, %swap3A_3057] {strides = array<i32>} : memref<2x6x128xi32, #tpu.memory_space<vmem>>, vector<1x1x16xi32>,
    %swap3A_3059 = vector.shape_cast %swap3A_3058 : vector<1x1x16xi32> to vector<16xi32>
    %swap3A_3060 = vector.shape_cast %add3A_3052 : vector<16xi32> to vector<1x1x16xi32>
    tpu.vector_store %arg11[%swap3A_3055, %swap3A_3056, %swap3A_3057], %swap3A_3060 {strides = array<i32>} : memref<2x6x128xi32, #tpu.memory_space<vmem>>, vector<1x1x16xi32>,
    %get3A_3061 = arith.constant 0 : i32
    %get3A_3062 = arith.constant 5 : i32
    %get3A_3063 = arith.index_cast %get3A_3061 : i32 to index
    %get3A_3064 = arith.index_cast %get3A_3062 : i32 to index
    %get3A_3065 = arith.constant 16 : index
    %get3A_3066 = tpu.vector_load %arg11[%get3A_3063, %get3A_3064, %get3A_3065] {strides = array<i32>} : memref<2x6x128xi32, #tpu.memory_space<vmem>>, vector<1x1x16xi32>,
    %get3A_3067 = vector.shape_cast %get3A_3066 : vector<1x1x16xi32> to vector<16xi32>
    %add3A_3068 = arith.constant 895 : i32
    %add3A_3069 = vector.broadcast %add3A_3068 : i32 to vector<16xi32>
    %add3A_3070 = arith.addi %get3A_3067, %add3A_3069 : vector<16xi32>
    %swap3A_3071 = arith.constant 0 : i32
    %swap3A_3072 = arith.constant 5 : i32
    %swap3A_3073 = arith.index_cast %swap3A_3071 : i32 to index
    %swap3A_3074 = arith.index_cast %swap3A_3072 : i32 to index
    %swap3A_3075 = arith.constant 16 : index
    %swap3A_3076 = tpu.vector_load %arg11[%swap3A_3073, %swap3A_3074, %swap3A_3075] {strides = array<i32>} : memref<2x6x128xi32, #tpu.memory_space<vmem>>, vector<1x1x16xi32>,
    %swap3A_3077 = vector.shape_cast %swap3A_3076 : vector<1x1x16xi32> to vector<16xi32>
    %swap3A_3078 = vector.shape_cast %add3A_3070 : vector<16xi32> to vector<1x1x16xi32>
    tpu.vector_store %arg11[%swap3A_3073, %swap3A_3074, %swap3A_3075], %swap3A_3078 {strides = array<i32>} : memref<2x6x128xi32, #tpu.memory_space<vmem>>, vector<1x1x16xi32>,
    %get3A_3079 = arith.constant 0 : i32
    %get3A_3080 = arith.constant 5 : i32
    %get3A_3081 = arith.index_cast %get3A_3079 : i32 to index
    %get3A_3082 = arith.index_cast %get3A_3080 : i32 to index
    %get3A_3083 = arith.constant 32 : index
    %get3A_3084 = tpu.vector_load %arg11[%get3A_3081, %get3A_3082, %get3A_3083] {strides = array<i32>} : memref<2x6x128xi32, #tpu.memory_space<vmem>>, vector<1x1x16xi32>,
    %get3A_3085 = vector.shape_cast %get3A_3084 : vector<1x1x16xi32> to vector<16xi32>
    %add3A_3086 = arith.constant 895 : i32
    %add3A_3087 = vector.broadcast %add3A_3086 : i32 to vector<16xi32>
    %add3A_3088 = arith.addi %get3A_3085, %add3A_3087 : vector<16xi32>
    %swap3A_3089 = arith.constant 0 : i32
    %swap3A_3090 = arith.constant 5 : i32
    %swap3A_3091 = arith.index_cast %swap3A_3089 : i32 to index
    %swap3A_3092 = arith.index_cast %swap3A_3090 : i32 to index
    %swap3A_3093 = arith.constant 32 : index
    %swap3A_3094 = tpu.vector_load %arg11[%swap3A_3091, %swap3A_3092, %swap3A_3093] {strides = array<i32>} : memref<2x6x128xi32, #tpu.memory_space<vmem>>, vector<1x1x16xi32>,
    %swap3A_3095 = vector.shape_cast %swap3A_3094 : vector<1x1x16xi32> to vector<16xi32>
    %swap3A_3096 = vector.shape_cast %add3A_3088 : vector<16xi32> to vector<1x1x16xi32>
    tpu.vector_store %arg11[%swap3A_3091, %swap3A_3092, %swap3A_3093], %swap3A_3096 {strides = array<i32>} : memref<2x6x128xi32, #tpu.memory_space<vmem>>, vector<1x1x16xi32>,
    %get3A_3097 = arith.constant 0 : i32
    %get3A_3098 = arith.constant 5 : i32
    %get3A_3099 = arith.index_cast %get3A_3097 : i32 to index
    %get3A_3100 = arith.index_cast %get3A_3098 : i32 to index
    %get3A_3101 = arith.constant 48 : index
    %get3A_3102 = tpu.vector_load %arg11[%get3A_3099, %get3A_3100, %get3A_3101] {strides = array<i32>} : memref<2x6x128xi32, #tpu.memory_space<vmem>>, vector<1x1x16xi32>,
    %get3A_3103 = vector.shape_cast %get3A_3102 : vector<1x1x16xi32> to vector<16xi32>
    %add3A_3104 = arith.constant 895 : i32
    %add3A_3105 = vector.broadcast %add3A_3104 : i32 to vector<16xi32>
    %add3A_3106 = arith.addi %get3A_3103, %add3A_3105 : vector<16xi32>
    %swap3A_3107 = arith.constant 0 : i32
    %swap3A_3108 = arith.constant 5 : i32
    %swap3A_3109 = arith.index_cast %swap3A_3107 : i32 to index
    %swap3A_3110 = arith.index_cast %swap3A_3108 : i32 to index
    %swap3A_3111 = arith.constant 48 : index
    %swap3A_3112 = tpu.vector_load %arg11[%swap3A_3109, %swap3A_3110, %swap3A_3111] {strides = array<i32>} : memref<2x6x128xi32, #tpu.memory_space<vmem>>, vector<1x1x16xi32>,
    %swap3A_3113 = vector.shape_cast %swap3A_3112 : vector<1x1x16xi32> to vector<16xi32>
    %swap3A_3114 = vector.shape_cast %add3A_3106 : vector<16xi32> to vector<1x1x16xi32>
    tpu.vector_store %arg11[%swap3A_3109, %swap3A_3110, %swap3A_3111], %swap3A_3114 {strides = array<i32>} : memref<2x6x128xi32, #tpu.memory_space<vmem>>, vector<1x1x16xi32>,
    %get3A_3115 = arith.constant 0 : i32
    %get3A_3116 = arith.constant 5 : i32
    %get3A_3117 = arith.index_cast %get3A_3115 : i32 to index
    %get3A_3118 = arith.index_cast %get3A_3116 : i32 to index
    %get3A_3119 = arith.constant 64 : index
    %get3A_3120 = tpu.vector_load %arg11[%get3A_3117, %get3A_3118, %get3A_3119] {strides = array<i32>} : memref<2x6x128xi32, #tpu.memory_space<vmem>>, vector<1x1x16xi32>,
    %get3A_3121 = vector.shape_cast %get3A_3120 : vector<1x1x16xi32> to vector<16xi32>
    %add3A_3122 = arith.constant 895 : i32
    %add3A_3123 = vector.broadcast %add3A_3122 : i32 to vector<16xi32>
    %add3A_3124 = arith.addi %get3A_3121, %add3A_3123 : vector<16xi32>
    %swap3A_3125 = arith.constant 0 : i32
    %swap3A_3126 = arith.constant 5 : i32
    %swap3A_3127 = arith.index_cast %swap3A_3125 : i32 to index
    %swap3A_3128 = arith.index_cast %swap3A_3126 : i32 to index
    %swap3A_3129 = arith.constant 64 : index
    %swap3A_3130 = tpu.vector_load %arg11[%swap3A_3127, %swap3A_3128, %swap3A_3129] {strides = array<i32>} : memref<2x6x128xi32, #tpu.memory_space<vmem>>, vector<1x1x16xi32>,
    %swap3A_3131 = vector.shape_cast %swap3A_3130 : vector<1x1x16xi32> to vector<16xi32>
    %swap3A_3132 = vector.shape_cast %add3A_3124 : vector<16xi32> to vector<1x1x16xi32>
    tpu.vector_store %arg11[%swap3A_3127, %swap3A_3128, %swap3A_3129], %swap3A_3132 {strides = array<i32>} : memref<2x6x128xi32, #tpu.memory_space<vmem>>, vector<1x1x16xi32>,
    %get3A_3133 = arith.constant 0 : i32
    %get3A_3134 = arith.constant 5 : i32
    %get3A_3135 = arith.index_cast %get3A_3133 : i32 to index
    %get3A_3136 = arith.index_cast %get3A_3134 : i32 to index
    %get3A_3137 = arith.constant 80 : index
    %get3A_3138 = tpu.vector_load %arg11[%get3A_3135, %get3A_3136, %get3A_3137] {strides = array<i32>} : memref<2x6x128xi32, #tpu.memory_space<vmem>>, vector<1x1x16xi32>,
    %get3A_3139 = vector.shape_cast %get3A_3138 : vector<1x1x16xi32> to vector<16xi32>
    %add3A_3140 = arith.constant 895 : i32
    %add3A_3141 = vector.broadcast %add3A_3140 : i32 to vector<16xi32>
    %add3A_3142 = arith.addi %get3A_3139, %add3A_3141 : vector<16xi32>
    %swap3A_3143 = arith.constant 0 : i32
    %swap3A_3144 = arith.constant 5 : i32
    %swap3A_3145 = arith.index_cast %swap3A_3143 : i32 to index
    %swap3A_3146 = arith.index_cast %swap3A_3144 : i32 to index
    %swap3A_3147 = arith.constant 80 : index
    %swap3A_3148 = tpu.vector_load %arg11[%swap3A_3145, %swap3A_3146, %swap3A_3147] {strides = array<i32>} : memref<2x6x128xi32, #tpu.memory_space<vmem>>, vector<1x1x16xi32>,
    %swap3A_3149 = vector.shape_cast %swap3A_3148 : vector<1x1x16xi32> to vector<16xi32>
    %swap3A_3150 = vector.shape_cast %add3A_3142 : vector<16xi32> to vector<1x1x16xi32>
    tpu.vector_store %arg11[%swap3A_3145, %swap3A_3146, %swap3A_3147], %swap3A_3150 {strides = array<i32>} : memref<2x6x128xi32, #tpu.memory_space<vmem>>, vector<1x1x16xi32>,
    %get3A_3151 = arith.constant 0 : i32
    %get3A_3152 = arith.constant 5 : i32
    %get3A_3153 = arith.index_cast %get3A_3151 : i32 to index
    %get3A_3154 = arith.index_cast %get3A_3152 : i32 to index
    %get3A_3155 = arith.constant 96 : index
    %get3A_3156 = tpu.vector_load %arg11[%get3A_3153, %get3A_3154, %get3A_3155] {strides = array<i32>} : memref<2x6x128xi32, #tpu.memory_space<vmem>>, vector<1x1x16xi32>,
    %get3A_3157 = vector.shape_cast %get3A_3156 : vector<1x1x16xi32> to vector<16xi32>
    %add3A_3158 = arith.constant 895 : i32
    %add3A_3159 = vector.broadcast %add3A_3158 : i32 to vector<16xi32>
    %add3A_3160 = arith.addi %get3A_3157, %add3A_3159 : vector<16xi32>
    %swap3A_3161 = arith.constant 0 : i32
    %swap3A_3162 = arith.constant 5 : i32
    %swap3A_3163 = arith.index_cast %swap3A_3161 : i32 to index
    %swap3A_3164 = arith.index_cast %swap3A_3162 : i32 to index
    %swap3A_3165 = arith.constant 96 : index
    %swap3A_3166 = tpu.vector_load %arg11[%swap3A_3163, %swap3A_3164, %swap3A_3165] {strides = array<i32>} : memref<2x6x128xi32, #tpu.memory_space<vmem>>, vector<1x1x16xi32>,
    %swap3A_3167 = vector.shape_cast %swap3A_3166 : vector<1x1x16xi32> to vector<16xi32>
    %swap3A_3168 = vector.shape_cast %add3A_3160 : vector<16xi32> to vector<1x1x16xi32>
    tpu.vector_store %arg11[%swap3A_3163, %swap3A_3164, %swap3A_3165], %swap3A_3168 {strides = array<i32>} : memref<2x6x128xi32, #tpu.memory_space<vmem>>, vector<1x1x16xi32>,
    %get3A_3169 = arith.constant 0 : i32
    %get3A_3170 = arith.constant 5 : i32
    %get3A_3171 = arith.index_cast %get3A_3169 : i32 to index
    %get3A_3172 = arith.index_cast %get3A_3170 : i32 to index
    %get3A_3173 = arith.constant 112 : index
    %get3A_3174 = tpu.vector_load %arg11[%get3A_3171, %get3A_3172, %get3A_3173] {strides = array<i32>} : memref<2x6x128xi32, #tpu.memory_space<vmem>>, vector<1x1x16xi32>,
    %get3A_3175 = vector.shape_cast %get3A_3174 : vector<1x1x16xi32> to vector<16xi32>
    %add3A_3176 = arith.constant 895 : i32
    %add3A_3177 = vector.broadcast %add3A_3176 : i32 to vector<16xi32>
    %add3A_3178 = arith.addi %get3A_3175, %add3A_3177 : vector<16xi32>
    %swap3A_3179 = arith.constant 0 : i32
    %swap3A_3180 = arith.constant 5 : i32
    %swap3A_3181 = arith.index_cast %swap3A_3179 : i32 to index
    %swap3A_3182 = arith.index_cast %swap3A_3180 : i32 to index
    %swap3A_3183 = arith.constant 112 : index
    %swap3A_3184 = tpu.vector_load %arg11[%swap3A_3181, %swap3A_3182, %swap3A_3183] {strides = array<i32>} : memref<2x6x128xi32, #tpu.memory_space<vmem>>, vector<1x1x16xi32>,
    %swap3A_3185 = vector.shape_cast %swap3A_3184 : vector<1x1x16xi32> to vector<16xi32>
    %swap3A_3186 = vector.shape_cast %add3A_3178 : vector<16xi32> to vector<1x1x16xi32>
    tpu.vector_store %arg11[%swap3A_3181, %swap3A_3182, %swap3A_3183], %swap3A_3186 {strides = array<i32>} : memref<2x6x128xi32, #tpu.memory_space<vmem>>, vector<1x1x16xi32>,
    %dma_start3A_3187 = arith.constant 0 : i32
    %dma_start3A_3188 = arith.constant 0 : i32
    %dma_start3A_3189 = arith.constant 0 : i32
    %dma_start3A_3190 = arith.constant 0 : i32
    %dma_start3A_3191 = arith.constant 0 : i32
    %dma_start3A_3192 = arith.constant 0 : i32
    %dma_start3A_3193 = tpu.memref_slice %arg12[%dma_start3A_3189, %dma_start3A_3190, %dma_start3A_3191, %dma_start3A_3192] : memref<2x6x128x64xf32, #tpu.memory_space<vmem>> -> memref<1x1x128x64xf32, #tpu.memory_space<vmem>>
    %dma_start3A_3194 = tpu.memref_squeeze %dma_start3A_3193 : memref<1x1x128x64xf32, #tpu.memory_space<vmem>> -> memref<128x64xf32, #tpu.memory_space<vmem>>
    %dma_start3A_3195 = arith.constant 0 : i32
    %dma_start3A_3196 = tpu.memref_slice %arg11[%dma_start3A_3187, %dma_start3A_3188, %dma_start3A_3195] : memref<2x6x128xi32, #tpu.memory_space<vmem>> -> memref<1x1x128xi32, #tpu.memory_space<vmem>>
    %dma_start3A_3197 = tpu.memref_squeeze %dma_start3A_3196 : memref<1x1x128xi32, #tpu.memory_space<vmem>> -> memref<128xi32, #tpu.memory_space<vmem>>
    %dma_start3A_3198 = arith.constant 0 : i32
    %dma_start3A_3199 = arith.constant 0 : i32
    %dma_start3A_3200 = tpu.memref_slice %arg14[%dma_start3A_3198, %dma_start3A_3199] : memref<945x64xf32, #tpu.memory_space<vmem_shared>> -> memref<945x64xf32, #tpu.memory_space<vmem_shared>>
    tpu.enqueue_indirect_dma source(%dma_start3A_3200 : memref<945x64xf32, #tpu.memory_space<vmem_shared>>) target(%dma_start3A_3194 : memref<128x64xf32, #tpu.memory_space<vmem>>) offsets(%dma_start3A_3197 : memref<128xi32, #tpu.memory_space<vmem>>) semaphore(%arg16 : memref<!tpu.dma_semaphore, #tpu.memory_space<semaphore_mem>>)
    %dma_start3A_3201 = arith.constant 0 : i32
    %dma_start3A_3202 = arith.constant 1 : i32
    %dma_start3A_3203 = arith.constant 0 : i32
    %dma_start3A_3204 = arith.constant 1 : i32
    %dma_start3A_3205 = arith.constant 0 : i32
    %dma_start3A_3206 = arith.constant 0 : i32
    %dma_start3A_3207 = tpu.memref_slice %arg12[%dma_start3A_3203, %dma_start3A_3204, %dma_start3A_3205, %dma_start3A_3206] : memref<2x6x128x64xf32, #tpu.memory_space<vmem>> -> memref<1x1x128x64xf32, #tpu.memory_space<vmem>>
    %dma_start3A_3208 = tpu.memref_squeeze %dma_start3A_3207 : memref<1x1x128x64xf32, #tpu.memory_space<vmem>> -> memref<128x64xf32, #tpu.memory_space<vmem>>
    %dma_start3A_3209 = arith.constant 0 : i32
    %dma_start3A_3210 = tpu.memref_slice %arg11[%dma_start3A_3201, %dma_start3A_3202, %dma_start3A_3209] : memref<2x6x128xi32, #tpu.memory_space<vmem>> -> memref<1x1x128xi32, #tpu.memory_space<vmem>>
    %dma_start3A_3211 = tpu.memref_squeeze %dma_start3A_3210 : memref<1x1x128xi32, #tpu.memory_space<vmem>> -> memref<128xi32, #tpu.memory_space<vmem>>
    %dma_start3A_3212 = arith.constant 0 : i32
    %dma_start3A_3213 = arith.constant 0 : i32
    %dma_start3A_3214 = tpu.memref_slice %arg14[%dma_start3A_3212, %dma_start3A_3213] : memref<945x64xf32, #tpu.memory_space<vmem_shared>> -> memref<945x64xf32, #tpu.memory_space<vmem_shared>>
    tpu.enqueue_indirect_dma source(%dma_start3A_3214 : memref<945x64xf32, #tpu.memory_space<vmem_shared>>) target(%dma_start3A_3208 : memref<128x64xf32, #tpu.memory_space<vmem>>) offsets(%dma_start3A_3211 : memref<128xi32, #tpu.memory_space<vmem>>) semaphore(%arg16 : memref<!tpu.dma_semaphore, #tpu.memory_space<semaphore_mem>>)
    %dma_start3A_3215 = arith.constant 0 : i32
    %dma_start3A_3216 = arith.constant 2 : i32
    %dma_start3A_3217 = arith.constant 0 : i32
    %dma_start3A_3218 = arith.constant 2 : i32
    %dma_start3A_3219 = arith.constant 0 : i32
    %dma_start3A_3220 = arith.constant 0 : i32
    %dma_start3A_3221 = tpu.memref_slice %arg12[%dma_start3A_3217, %dma_start3A_3218, %dma_start3A_3219, %dma_start3A_3220] : memref<2x6x128x64xf32, #tpu.memory_space<vmem>> -> memref<1x1x128x64xf32, #tpu.memory_space<vmem>>
    %dma_start3A_3222 = tpu.memref_squeeze %dma_start3A_3221 : memref<1x1x128x64xf32, #tpu.memory_space<vmem>> -> memref<128x64xf32, #tpu.memory_space<vmem>>
    %dma_start3A_3223 = arith.constant 0 : i32
    %dma_start3A_3224 = tpu.memref_slice %arg11[%dma_start3A_3215, %dma_start3A_3216, %dma_start3A_3223] : memref<2x6x128xi32, #tpu.memory_space<vmem>> -> memref<1x1x128xi32, #tpu.memory_space<vmem>>
    %dma_start3A_3225 = tpu.memref_squeeze %dma_start3A_3224 : memref<1x1x128xi32, #tpu.memory_space<vmem>> -> memref<128xi32, #tpu.memory_space<vmem>>
    %dma_start3A_3226 = arith.constant 0 : i32
    %dma_start3A_3227 = arith.constant 0 : i32
    %dma_start3A_3228 = tpu.memref_slice %arg14[%dma_start3A_3226, %dma_start3A_3227] : memref<945x64xf32, #tpu.memory_space<vmem_shared>> -> memref<945x64xf32, #tpu.memory_space<vmem_shared>>
    tpu.enqueue_indirect_dma source(%dma_start3A_3228 : memref<945x64xf32, #tpu.memory_space<vmem_shared>>) target(%dma_start3A_3222 : memref<128x64xf32, #tpu.memory_space<vmem>>) offsets(%dma_start3A_3225 : memref<128xi32, #tpu.memory_space<vmem>>) semaphore(%arg16 : memref<!tpu.dma_semaphore, #tpu.memory_space<semaphore_mem>>)
    %dma_start3A_3229 = arith.constant 0 : i32
    %dma_start3A_3230 = arith.constant 3 : i32
    %dma_start3A_3231 = arith.constant 0 : i32
    %dma_start3A_3232 = arith.constant 3 : i32
    %dma_start3A_3233 = arith.constant 0 : i32
    %dma_start3A_3234 = arith.constant 0 : i32
    %dma_start3A_3235 = tpu.memref_slice %arg12[%dma_start3A_3231, %dma_start3A_3232, %dma_start3A_3233, %dma_start3A_3234] : memref<2x6x128x64xf32, #tpu.memory_space<vmem>> -> memref<1x1x128x64xf32, #tpu.memory_space<vmem>>
    %dma_start3A_3236 = tpu.memref_squeeze %dma_start3A_3235 : memref<1x1x128x64xf32, #tpu.memory_space<vmem>> -> memref<128x64xf32, #tpu.memory_space<vmem>>
    %dma_start3A_3237 = arith.constant 0 : i32
    %dma_start3A_3238 = tpu.memref_slice %arg11[%dma_start3A_3229, %dma_start3A_3230, %dma_start3A_3237] : memref<2x6x128xi32, #tpu.memory_space<vmem>> -> memref<1x1x128xi32, #tpu.memory_space<vmem>>
    %dma_start3A_3239 = tpu.memref_squeeze %dma_start3A_3238 : memref<1x1x128xi32, #tpu.memory_space<vmem>> -> memref<128xi32, #tpu.memory_space<vmem>>
    %dma_start3A_3240 = arith.constant 0 : i32
    %dma_start3A_3241 = arith.constant 0 : i32
    %dma_start3A_3242 = tpu.memref_slice %arg14[%dma_start3A_3240, %dma_start3A_3241] : memref<945x64xf32, #tpu.memory_space<vmem_shared>> -> memref<945x64xf32, #tpu.memory_space<vmem_shared>>
    tpu.enqueue_indirect_dma source(%dma_start3A_3242 : memref<945x64xf32, #tpu.memory_space<vmem_shared>>) target(%dma_start3A_3236 : memref<128x64xf32, #tpu.memory_space<vmem>>) offsets(%dma_start3A_3239 : memref<128xi32, #tpu.memory_space<vmem>>) semaphore(%arg16 : memref<!tpu.dma_semaphore, #tpu.memory_space<semaphore_mem>>)
    %dma_start3A_3243 = arith.constant 0 : i32
    %dma_start3A_3244 = arith.constant 4 : i32
    %dma_start3A_3245 = arith.constant 0 : i32
    %dma_start3A_3246 = arith.constant 4 : i32
    %dma_start3A_3247 = arith.constant 0 : i32
    %dma_start3A_3248 = arith.constant 0 : i32
    %dma_start3A_3249 = tpu.memref_slice %arg12[%dma_start3A_3245, %dma_start3A_3246, %dma_start3A_3247, %dma_start3A_3248] : memref<2x6x128x64xf32, #tpu.memory_space<vmem>> -> memref<1x1x128x64xf32, #tpu.memory_space<vmem>>
    %dma_start3A_3250 = tpu.memref_squeeze %dma_start3A_3249 : memref<1x1x128x64xf32, #tpu.memory_space<vmem>> -> memref<128x64xf32, #tpu.memory_space<vmem>>
    %dma_start3A_3251 = arith.constant 0 : i32
    %dma_start3A_3252 = tpu.memref_slice %arg11[%dma_start3A_3243, %dma_start3A_3244, %dma_start3A_3251] : memref<2x6x128xi32, #tpu.memory_space<vmem>> -> memref<1x1x128xi32, #tpu.memory_space<vmem>>
    %dma_start3A_3253 = tpu.memref_squeeze %dma_start3A_3252 : memref<1x1x128xi32, #tpu.memory_space<vmem>> -> memref<128xi32, #tpu.memory_space<vmem>>
    %dma_start3A_3254 = arith.constant 0 : i32
    %dma_start3A_3255 = arith.constant 0 : i32
    %dma_start3A_3256 = tpu.memref_slice %arg14[%dma_start3A_3254, %dma_start3A_3255] : memref<945x64xf32, #tpu.memory_space<vmem_shared>> -> memref<945x64xf32, #tpu.memory_space<vmem_shared>>
    tpu.enqueue_indirect_dma source(%dma_start3A_3256 : memref<945x64xf32, #tpu.memory_space<vmem_shared>>) target(%dma_start3A_3250 : memref<128x64xf32, #tpu.memory_space<vmem>>) offsets(%dma_start3A_3253 : memref<128xi32, #tpu.memory_space<vmem>>) semaphore(%arg16 : memref<!tpu.dma_semaphore, #tpu.memory_space<semaphore_mem>>)
    %dma_start3A_3257 = arith.constant 0 : i32
    %dma_start3A_3258 = arith.constant 5 : i32
    %dma_start3A_3259 = arith.constant 0 : i32
    %dma_start3A_3260 = arith.constant 5 : i32
    %dma_start3A_3261 = arith.constant 0 : i32
    %dma_start3A_3262 = arith.constant 0 : i32
    %dma_start3A_3263 = tpu.memref_slice %arg12[%dma_start3A_3259, %dma_start3A_3260, %dma_start3A_3261, %dma_start3A_3262] : memref<2x6x128x64xf32, #tpu.memory_space<vmem>> -> memref<1x1x128x64xf32, #tpu.memory_space<vmem>>
    %dma_start3A_3264 = tpu.memref_squeeze %dma_start3A_3263 : memref<1x1x128x64xf32, #tpu.memory_space<vmem>> -> memref<128x64xf32, #tpu.memory_space<vmem>>
    %dma_start3A_3265 = arith.constant 0 : i32
    %dma_start3A_3266 = tpu.memref_slice %arg11[%dma_start3A_3257, %dma_start3A_3258, %dma_start3A_3265] : memref<2x6x128xi32, #tpu.memory_space<vmem>> -> memref<1x1x128xi32, #tpu.memory_space<vmem>>
    %dma_start3A_3267 = tpu.memref_squeeze %dma_start3A_3266 : memref<1x1x128xi32, #tpu.memory_space<vmem>> -> memref<128xi32, #tpu.memory_space<vmem>>
    %dma_start3A_3268 = arith.constant 0 : i32
    %dma_start3A_3269 = arith.constant 0 : i32
    %dma_start3A_3270 = tpu.memref_slice %arg14[%dma_start3A_3268, %dma_start3A_3269] : memref<945x64xf32, #tpu.memory_space<vmem_shared>> -> memref<945x64xf32, #tpu.memory_space<vmem_shared>>
    tpu.enqueue_indirect_dma source(%dma_start3A_3270 : memref<945x64xf32, #tpu.memory_space<vmem_shared>>) target(%dma_start3A_3264 : memref<128x64xf32, #tpu.memory_space<vmem>>) offsets(%dma_start3A_3267 : memref<128xi32, #tpu.memory_space<vmem>>) semaphore(%arg16 : memref<!tpu.dma_semaphore, #tpu.memory_space<semaphore_mem>>)
    %dma_wait3A_3271 = arith.constant 0 : i32
    %dma_wait3A_3272 = arith.constant 0 : i32
    %dma_wait3A_3273 = arith.constant 0 : i32
    %dma_wait3A_3274 = arith.constant 0 : i32
    %dma_wait3A_3275 = arith.constant 0 : i32
    %dma_wait3A_3276 = arith.constant 0 : i32
    %dma_wait3A_3277 = tpu.memref_slice %arg12[%dma_wait3A_3273, %dma_wait3A_3274, %dma_wait3A_3275, %dma_wait3A_3276] : memref<2x6x128x64xf32, #tpu.memory_space<vmem>> -> memref<1x1x128x64xf32, #tpu.memory_space<vmem>>
    %dma_wait3A_3278 = tpu.memref_squeeze %dma_wait3A_3277 : memref<1x1x128x64xf32, #tpu.memory_space<vmem>> -> memref<128x64xf32, #tpu.memory_space<vmem>>
    %dma_wait3A_3279 = arith.constant 0 : i32
    %dma_wait3A_3280 = tpu.memref_slice %arg11[%dma_wait3A_3271, %dma_wait3A_3272, %dma_wait3A_3279] : memref<2x6x128xi32, #tpu.memory_space<vmem>> -> memref<1x1x128xi32, #tpu.memory_space<vmem>>
    %dma_wait3A_3281 = tpu.memref_squeeze %dma_wait3A_3280 : memref<1x1x128xi32, #tpu.memory_space<vmem>> -> memref<128xi32, #tpu.memory_space<vmem>>
    %dma_wait3A_3282 = arith.constant 0 : i32
    %dma_wait3A_3283 = arith.constant 0 : i32
    %dma_wait3A_3284 = tpu.memref_slice %arg14[%dma_wait3A_3282, %dma_wait3A_3283] : memref<945x64xf32, #tpu.memory_space<vmem_shared>> -> memref<945x64xf32, #tpu.memory_space<vmem_shared>>
    tpu.wait_indirect_dma semaphore(%arg16 : memref<!tpu.dma_semaphore, #tpu.memory_space<semaphore_mem>>) src(%dma_wait3A_3284 : memref<945x64xf32, #tpu.memory_space<vmem_shared>>) dst(%dma_wait3A_3278 : memref<128x64xf32, #tpu.memory_space<vmem>>)
    %dma_wait3A_3285 = arith.constant 0 : i32
    %dma_wait3A_3286 = arith.constant 1 : i32
    %dma_wait3A_3287 = arith.constant 0 : i32
    %dma_wait3A_3288 = arith.constant 1 : i32
    %dma_wait3A_3289 = arith.constant 0 : i32
    %dma_wait3A_3290 = arith.constant 0 : i32
    %dma_wait3A_3291 = tpu.memref_slice %arg12[%dma_wait3A_3287, %dma_wait3A_3288, %dma_wait3A_3289, %dma_wait3A_3290] : memref<2x6x128x64xf32, #tpu.memory_space<vmem>> -> memref<1x1x128x64xf32, #tpu.memory_space<vmem>>
    %dma_wait3A_3292 = tpu.memref_squeeze %dma_wait3A_3291 : memref<1x1x128x64xf32, #tpu.memory_space<vmem>> -> memref<128x64xf32, #tpu.memory_space<vmem>>
    %dma_wait3A_3293 = arith.constant 0 : i32
    %dma_wait3A_3294 = tpu.memref_slice %arg11[%dma_wait3A_3285, %dma_wait3A_3286, %dma_wait3A_3293] : memref<2x6x128xi32, #tpu.memory_space<vmem>> -> memref<1x1x128xi32, #tpu.memory_space<vmem>>
    %dma_wait3A_3295 = tpu.memref_squeeze %dma_wait3A_3294 : memref<1x1x128xi32, #tpu.memory_space<vmem>> -> memref<128xi32, #tpu.memory_space<vmem>>
    %dma_wait3A_3296 = arith.constant 0 : i32
    %dma_wait3A_3297 = arith.constant 0 : i32
    %dma_wait3A_3298 = tpu.memref_slice %arg14[%dma_wait3A_3296, %dma_wait3A_3297] : memref<945x64xf32, #tpu.memory_space<vmem_shared>> -> memref<945x64xf32, #tpu.memory_space<vmem_shared>>
    tpu.wait_indirect_dma semaphore(%arg16 : memref<!tpu.dma_semaphore, #tpu.memory_space<semaphore_mem>>) src(%dma_wait3A_3298 : memref<945x64xf32, #tpu.memory_space<vmem_shared>>) dst(%dma_wait3A_3292 : memref<128x64xf32, #tpu.memory_space<vmem>>)
    %dma_wait3A_3299 = arith.constant 0 : i32
    %dma_wait3A_3300 = arith.constant 2 : i32
    %dma_wait3A_3301 = arith.constant 0 : i32
    %dma_wait3A_3302 = arith.constant 2 : i32
    %dma_wait3A_3303 = arith.constant 0 : i32
    %dma_wait3A_3304 = arith.constant 0 : i32
    %dma_wait3A_3305 = tpu.memref_slice %arg12[%dma_wait3A_3301, %dma_wait3A_3302, %dma_wait3A_3303, %dma_wait3A_3304] : memref<2x6x128x64xf32, #tpu.memory_space<vmem>> -> memref<1x1x128x64xf32, #tpu.memory_space<vmem>>
    %dma_wait3A_3306 = tpu.memref_squeeze %dma_wait3A_3305 : memref<1x1x128x64xf32, #tpu.memory_space<vmem>> -> memref<128x64xf32, #tpu.memory_space<vmem>>
    %dma_wait3A_3307 = arith.constant 0 : i32
    %dma_wait3A_3308 = tpu.memref_slice %arg11[%dma_wait3A_3299, %dma_wait3A_3300, %dma_wait3A_3307] : memref<2x6x128xi32, #tpu.memory_space<vmem>> -> memref<1x1x128xi32, #tpu.memory_space<vmem>>
    %dma_wait3A_3309 = tpu.memref_squeeze %dma_wait3A_3308 : memref<1x1x128xi32, #tpu.memory_space<vmem>> -> memref<128xi32, #tpu.memory_space<vmem>>
    %dma_wait3A_3310 = arith.constant 0 : i32
    %dma_wait3A_3311 = arith.constant 0 : i32
    %dma_wait3A_3312 = tpu.memref_slice %arg14[%dma_wait3A_3310, %dma_wait3A_3311] : memref<945x64xf32, #tpu.memory_space<vmem_shared>> -> memref<945x64xf32, #tpu.memory_space<vmem_shared>>
    tpu.wait_indirect_dma semaphore(%arg16 : memref<!tpu.dma_semaphore, #tpu.memory_space<semaphore_mem>>) src(%dma_wait3A_3312 : memref<945x64xf32, #tpu.memory_space<vmem_shared>>) dst(%dma_wait3A_3306 : memref<128x64xf32, #tpu.memory_space<vmem>>)
    %dma_wait3A_3313 = arith.constant 0 : i32
    %dma_wait3A_3314 = arith.constant 3 : i32
    %dma_wait3A_3315 = arith.constant 0 : i32
    %dma_wait3A_3316 = arith.constant 3 : i32
    %dma_wait3A_3317 = arith.constant 0 : i32
    %dma_wait3A_3318 = arith.constant 0 : i32
    %dma_wait3A_3319 = tpu.memref_slice %arg12[%dma_wait3A_3315, %dma_wait3A_3316, %dma_wait3A_3317, %dma_wait3A_3318] : memref<2x6x128x64xf32, #tpu.memory_space<vmem>> -> memref<1x1x128x64xf32, #tpu.memory_space<vmem>>
    %dma_wait3A_3320 = tpu.memref_squeeze %dma_wait3A_3319 : memref<1x1x128x64xf32, #tpu.memory_space<vmem>> -> memref<128x64xf32, #tpu.memory_space<vmem>>
    %dma_wait3A_3321 = arith.constant 0 : i32
    %dma_wait3A_3322 = tpu.memref_slice %arg11[%dma_wait3A_3313, %dma_wait3A_3314, %dma_wait3A_3321] : memref<2x6x128xi32, #tpu.memory_space<vmem>> -> memref<1x1x128xi32, #tpu.memory_space<vmem>>
    %dma_wait3A_3323 = tpu.memref_squeeze %dma_wait3A_3322 : memref<1x1x128xi32, #tpu.memory_space<vmem>> -> memref<128xi32, #tpu.memory_space<vmem>>
    %dma_wait3A_3324 = arith.constant 0 : i32
    %dma_wait3A_3325 = arith.constant 0 : i32
    %dma_wait3A_3326 = tpu.memref_slice %arg14[%dma_wait3A_3324, %dma_wait3A_3325] : memref<945x64xf32, #tpu.memory_space<vmem_shared>> -> memref<945x64xf32, #tpu.memory_space<vmem_shared>>
    tpu.wait_indirect_dma semaphore(%arg16 : memref<!tpu.dma_semaphore, #tpu.memory_space<semaphore_mem>>) src(%dma_wait3A_3326 : memref<945x64xf32, #tpu.memory_space<vmem_shared>>) dst(%dma_wait3A_3320 : memref<128x64xf32, #tpu.memory_space<vmem>>)
    %dma_wait3A_3327 = arith.constant 0 : i32
    %dma_wait3A_3328 = arith.constant 4 : i32
    %dma_wait3A_3329 = arith.constant 0 : i32
    %dma_wait3A_3330 = arith.constant 4 : i32
    %dma_wait3A_3331 = arith.constant 0 : i32
    %dma_wait3A_3332 = arith.constant 0 : i32
    %dma_wait3A_3333 = tpu.memref_slice %arg12[%dma_wait3A_3329, %dma_wait3A_3330, %dma_wait3A_3331, %dma_wait3A_3332] : memref<2x6x128x64xf32, #tpu.memory_space<vmem>> -> memref<1x1x128x64xf32, #tpu.memory_space<vmem>>
    %dma_wait3A_3334 = tpu.memref_squeeze %dma_wait3A_3333 : memref<1x1x128x64xf32, #tpu.memory_space<vmem>> -> memref<128x64xf32, #tpu.memory_space<vmem>>
    %dma_wait3A_3335 = arith.constant 0 : i32
    %dma_wait3A_3336 = tpu.memref_slice %arg11[%dma_wait3A_3327, %dma_wait3A_3328, %dma_wait3A_3335] : memref<2x6x128xi32, #tpu.memory_space<vmem>> -> memref<1x1x128xi32, #tpu.memory_space<vmem>>
    %dma_wait3A_3337 = tpu.memref_squeeze %dma_wait3A_3336 : memref<1x1x128xi32, #tpu.memory_space<vmem>> -> memref<128xi32, #tpu.memory_space<vmem>>
    %dma_wait3A_3338 = arith.constant 0 : i32
    %dma_wait3A_3339 = arith.constant 0 : i32
    %dma_wait3A_3340 = tpu.memref_slice %arg14[%dma_wait3A_3338, %dma_wait3A_3339] : memref<945x64xf32, #tpu.memory_space<vmem_shared>> -> memref<945x64xf32, #tpu.memory_space<vmem_shared>>
    tpu.wait_indirect_dma semaphore(%arg16 : memref<!tpu.dma_semaphore, #tpu.memory_space<semaphore_mem>>) src(%dma_wait3A_3340 : memref<945x64xf32, #tpu.memory_space<vmem_shared>>) dst(%dma_wait3A_3334 : memref<128x64xf32, #tpu.memory_space<vmem>>)
    %dma_wait3A_3341 = arith.constant 0 : i32
    %dma_wait3A_3342 = arith.constant 5 : i32
    %dma_wait3A_3343 = arith.constant 0 : i32
    %dma_wait3A_3344 = arith.constant 5 : i32
    %dma_wait3A_3345 = arith.constant 0 : i32
    %dma_wait3A_3346 = arith.constant 0 : i32
    %dma_wait3A_3347 = tpu.memref_slice %arg12[%dma_wait3A_3343, %dma_wait3A_3344, %dma_wait3A_3345, %dma_wait3A_3346] : memref<2x6x128x64xf32, #tpu.memory_space<vmem>> -> memref<1x1x128x64xf32, #tpu.memory_space<vmem>>
    %dma_wait3A_3348 = tpu.memref_squeeze %dma_wait3A_3347 : memref<1x1x128x64xf32, #tpu.memory_space<vmem>> -> memref<128x64xf32, #tpu.memory_space<vmem>>
    %dma_wait3A_3349 = arith.constant 0 : i32
    %dma_wait3A_3350 = tpu.memref_slice %arg11[%dma_wait3A_3341, %dma_wait3A_3342, %dma_wait3A_3349] : memref<2x6x128xi32, #tpu.memory_space<vmem>> -> memref<1x1x128xi32, #tpu.memory_space<vmem>>
    %dma_wait3A_3351 = tpu.memref_squeeze %dma_wait3A_3350 : memref<1x1x128xi32, #tpu.memory_space<vmem>> -> memref<128xi32, #tpu.memory_space<vmem>>
    %dma_wait3A_3352 = arith.constant 0 : i32
    %dma_wait3A_3353 = arith.constant 0 : i32
    %dma_wait3A_3354 = tpu.memref_slice %arg14[%dma_wait3A_3352, %dma_wait3A_3353] : memref<945x64xf32, #tpu.memory_space<vmem_shared>> -> memref<945x64xf32, #tpu.memory_space<vmem_shared>>
    tpu.wait_indirect_dma semaphore(%arg16 : memref<!tpu.dma_semaphore, #tpu.memory_space<semaphore_mem>>) src(%dma_wait3A_3354 : memref<945x64xf32, #tpu.memory_space<vmem_shared>>) dst(%dma_wait3A_3348 : memref<128x64xf32, #tpu.memory_space<vmem>>)
    %dma_start3A_3355 = arith.constant 0 : i32
    %dma_start3A_3356 = arith.constant 0 : i32
    %dma_start3A_3357 = arith.constant 0 : i32
    %dma_start3A_3358 = arith.constant 0 : i32
    %dma_start3A_3359 = tpu.memref_slice %arg12[%dma_start3A_3355, %dma_start3A_3356, %dma_start3A_3357, %dma_start3A_3358] : memref<2x6x128x64xf32, #tpu.memory_space<vmem>> -> memref<1x1x128x64xf32, #tpu.memory_space<vmem>>
    %dma_start3A_3360 = tpu.memref_squeeze %dma_start3A_3359 : memref<1x1x128x64xf32, #tpu.memory_space<vmem>> -> memref<128x64xf32, #tpu.memory_space<vmem>>
    %dma_start3A_3361 = arith.constant 0 : i32
    %dma_start3A_3362 = tpu.memref_slice %arg10[%add3A_2260, %dma_start3A_3361] : memref<16384x385xf32, #tpu.memory_space<hbm>> -> memref<128x64xf32, #tpu.memory_space<hbm>>
    %dma_start3A_3363 = arith.constant 0 : i32
    %dma_start3A_3364 = tpu.memref_slice %arg10[%add3A_2260, %dma_start3A_3363] : memref<16384x385xf32, #tpu.memory_space<hbm>> -> memref<128x64xf32, #tpu.memory_space<hbm>>
    %dma_start3A_3365 = arith.constant 0 : i32
    %dma_start3A_3366 = arith.constant 0 : i32
    %dma_start3A_3367 = tpu.memref_slice %arg12[%dma_start3A_3355, %dma_start3A_3356, %dma_start3A_3365, %dma_start3A_3366] : memref<2x6x128x64xf32, #tpu.memory_space<vmem>> -> memref<1x1x128x64xf32, #tpu.memory_space<vmem>>
    %dma_start3A_3368 = tpu.memref_squeeze %dma_start3A_3367 : memref<1x1x128x64xf32, #tpu.memory_space<vmem>> -> memref<128x64xf32, #tpu.memory_space<vmem>>
    tpu.enqueue_dma source(%dma_start3A_3368 : memref<128x64xf32, #tpu.memory_space<vmem>>) target(%dma_start3A_3364 : memref<128x64xf32, #tpu.memory_space<hbm>>) target_semaphore(%arg17 : memref<!tpu.dma_semaphore, #tpu.memory_space<semaphore_mem>>)
    %dma_start3A_3369 = arith.constant 0 : i32
    %dma_start3A_3370 = arith.constant 1 : i32
    %dma_start3A_3371 = arith.constant 0 : i32
    %dma_start3A_3372 = arith.constant 0 : i32
    %dma_start3A_3373 = tpu.memref_slice %arg12[%dma_start3A_3369, %dma_start3A_3370, %dma_start3A_3371, %dma_start3A_3372] : memref<2x6x128x64xf32, #tpu.memory_space<vmem>> -> memref<1x1x128x64xf32, #tpu.memory_space<vmem>>
    %dma_start3A_3374 = tpu.memref_squeeze %dma_start3A_3373 : memref<1x1x128x64xf32, #tpu.memory_space<vmem>> -> memref<128x64xf32, #tpu.memory_space<vmem>>
    %dma_start3A_3375 = arith.constant 64 : i32
    %dma_start3A_3376 = tpu.memref_slice %arg10[%add3A_2260, %dma_start3A_3375] : memref<16384x385xf32, #tpu.memory_space<hbm>> -> memref<128x64xf32, #tpu.memory_space<hbm>>
    %dma_start3A_3377 = arith.constant 64 : i32
    %dma_start3A_3378 = tpu.memref_slice %arg10[%add3A_2260, %dma_start3A_3377] : memref<16384x385xf32, #tpu.memory_space<hbm>> -> memref<128x64xf32, #tpu.memory_space<hbm>>
    %dma_start3A_3379 = arith.constant 0 : i32
    %dma_start3A_3380 = arith.constant 0 : i32
    %dma_start3A_3381 = tpu.memref_slice %arg12[%dma_start3A_3369, %dma_start3A_3370, %dma_start3A_3379, %dma_start3A_3380] : memref<2x6x128x64xf32, #tpu.memory_space<vmem>> -> memref<1x1x128x64xf32, #tpu.memory_space<vmem>>
    %dma_start3A_3382 = tpu.memref_squeeze %dma_start3A_3381 : memref<1x1x128x64xf32, #tpu.memory_space<vmem>> -> memref<128x64xf32, #tpu.memory_space<vmem>>
    tpu.enqueue_dma source(%dma_start3A_3382 : memref<128x64xf32, #tpu.memory_space<vmem>>) target(%dma_start3A_3378 : memref<128x64xf32, #tpu.memory_space<hbm>>) target_semaphore(%arg17 : memref<!tpu.dma_semaphore, #tpu.memory_space<semaphore_mem>>)
    %dma_start3A_3383 = arith.constant 0 : i32
    %dma_start3A_3384 = arith.constant 2 : i32
    %dma_start3A_3385 = arith.constant 0 : i32
    %dma_start3A_3386 = arith.constant 0 : i32
    %dma_start3A_3387 = tpu.memref_slice %arg12[%dma_start3A_3383, %dma_start3A_3384, %dma_start3A_3385, %dma_start3A_3386] : memref<2x6x128x64xf32, #tpu.memory_space<vmem>> -> memref<1x1x128x64xf32, #tpu.memory_space<vmem>>
    %dma_start3A_3388 = tpu.memref_squeeze %dma_start3A_3387 : memref<1x1x128x64xf32, #tpu.memory_space<vmem>> -> memref<128x64xf32, #tpu.memory_space<vmem>>
    %dma_start3A_3389 = arith.constant 128 : i32
    %dma_start3A_3390 = tpu.memref_slice %arg10[%add3A_2260, %dma_start3A_3389] : memref<16384x385xf32, #tpu.memory_space<hbm>> -> memref<128x64xf32, #tpu.memory_space<hbm>>
    %dma_start3A_3391 = arith.constant 128 : i32
    %dma_start3A_3392 = tpu.memref_slice %arg10[%add3A_2260, %dma_start3A_3391] : memref<16384x385xf32, #tpu.memory_space<hbm>> -> memref<128x64xf32, #tpu.memory_space<hbm>>
    %dma_start3A_3393 = arith.constant 0 : i32
    %dma_start3A_3394 = arith.constant 0 : i32
    %dma_start3A_3395 = tpu.memref_slice %arg12[%dma_start3A_3383, %dma_start3A_3384, %dma_start3A_3393, %dma_start3A_3394] : memref<2x6x128x64xf32, #tpu.memory_space<vmem>> -> memref<1x1x128x64xf32, #tpu.memory_space<vmem>>
    %dma_start3A_3396 = tpu.memref_squeeze %dma_start3A_3395 : memref<1x1x128x64xf32, #tpu.memory_space<vmem>> -> memref<128x64xf32, #tpu.memory_space<vmem>>
    tpu.enqueue_dma source(%dma_start3A_3396 : memref<128x64xf32, #tpu.memory_space<vmem>>) target(%dma_start3A_3392 : memref<128x64xf32, #tpu.memory_space<hbm>>) target_semaphore(%arg17 : memref<!tpu.dma_semaphore, #tpu.memory_space<semaphore_mem>>)
    %dma_start3A_3397 = arith.constant 0 : i32
    %dma_start3A_3398 = arith.constant 3 : i32
    %dma_start3A_3399 = arith.constant 0 : i32
    %dma_start3A_3400 = arith.constant 0 : i32
    %dma_start3A_3401 = tpu.memref_slice %arg12[%dma_start3A_3397, %dma_start3A_3398, %dma_start3A_3399, %dma_start3A_3400] : memref<2x6x128x64xf32, #tpu.memory_space<vmem>> -> memref<1x1x128x64xf32, #tpu.memory_space<vmem>>
    %dma_start3A_3402 = tpu.memref_squeeze %dma_start3A_3401 : memref<1x1x128x64xf32, #tpu.memory_space<vmem>> -> memref<128x64xf32, #tpu.memory_space<vmem>>
    %dma_start3A_3403 = arith.constant 192 : i32
    %dma_start3A_3404 = tpu.memref_slice %arg10[%add3A_2260, %dma_start3A_3403] : memref<16384x385xf32, #tpu.memory_space<hbm>> -> memref<128x64xf32, #tpu.memory_space<hbm>>
    %dma_start3A_3405 = arith.constant 192 : i32
    %dma_start3A_3406 = tpu.memref_slice %arg10[%add3A_2260, %dma_start3A_3405] : memref<16384x385xf32, #tpu.memory_space<hbm>> -> memref<128x64xf32, #tpu.memory_space<hbm>>
    %dma_start3A_3407 = arith.constant 0 : i32
    %dma_start3A_3408 = arith.constant 0 : i32
    %dma_start3A_3409 = tpu.memref_slice %arg12[%dma_start3A_3397, %dma_start3A_3398, %dma_start3A_3407, %dma_start3A_3408] : memref<2x6x128x64xf32, #tpu.memory_space<vmem>> -> memref<1x1x128x64xf32, #tpu.memory_space<vmem>>
    %dma_start3A_3410 = tpu.memref_squeeze %dma_start3A_3409 : memref<1x1x128x64xf32, #tpu.memory_space<vmem>> -> memref<128x64xf32, #tpu.memory_space<vmem>>
    tpu.enqueue_dma source(%dma_start3A_3410 : memref<128x64xf32, #tpu.memory_space<vmem>>) target(%dma_start3A_3406 : memref<128x64xf32, #tpu.memory_space<hbm>>) target_semaphore(%arg17 : memref<!tpu.dma_semaphore, #tpu.memory_space<semaphore_mem>>)
    %dma_start3A_3411 = arith.constant 0 : i32
    %dma_start3A_3412 = arith.constant 4 : i32
    %dma_start3A_3413 = arith.constant 0 : i32
    %dma_start3A_3414 = arith.constant 0 : i32
    %dma_start3A_3415 = tpu.memref_slice %arg12[%dma_start3A_3411, %dma_start3A_3412, %dma_start3A_3413, %dma_start3A_3414] : memref<2x6x128x64xf32, #tpu.memory_space<vmem>> -> memref<1x1x128x64xf32, #tpu.memory_space<vmem>>
    %dma_start3A_3416 = tpu.memref_squeeze %dma_start3A_3415 : memref<1x1x128x64xf32, #tpu.memory_space<vmem>> -> memref<128x64xf32, #tpu.memory_space<vmem>>
    %dma_start3A_3417 = arith.constant 256 : i32
    %dma_start3A_3418 = tpu.memref_slice %arg10[%add3A_2260, %dma_start3A_3417] : memref<16384x385xf32, #tpu.memory_space<hbm>> -> memref<128x64xf32, #tpu.memory_space<hbm>>
    %dma_start3A_3419 = arith.constant 256 : i32
    %dma_start3A_3420 = tpu.memref_slice %arg10[%add3A_2260, %dma_start3A_3419] : memref<16384x385xf32, #tpu.memory_space<hbm>> -> memref<128x64xf32, #tpu.memory_space<hbm>>
    %dma_start3A_3421 = arith.constant 0 : i32
    %dma_start3A_3422 = arith.constant 0 : i32
    %dma_start3A_3423 = tpu.memref_slice %arg12[%dma_start3A_3411, %dma_start3A_3412, %dma_start3A_3421, %dma_start3A_3422] : memref<2x6x128x64xf32, #tpu.memory_space<vmem>> -> memref<1x1x128x64xf32, #tpu.memory_space<vmem>>
    %dma_start3A_3424 = tpu.memref_squeeze %dma_start3A_3423 : memref<1x1x128x64xf32, #tpu.memory_space<vmem>> -> memref<128x64xf32, #tpu.memory_space<vmem>>
    tpu.enqueue_dma source(%dma_start3A_3424 : memref<128x64xf32, #tpu.memory_space<vmem>>) target(%dma_start3A_3420 : memref<128x64xf32, #tpu.memory_space<hbm>>) target_semaphore(%arg17 : memref<!tpu.dma_semaphore, #tpu.memory_space<semaphore_mem>>)
    %dma_start3A_3425 = arith.constant 0 : i32
    %dma_start3A_3426 = arith.constant 5 : i32
    %dma_start3A_3427 = arith.constant 0 : i32
    %dma_start3A_3428 = arith.constant 0 : i32
    %dma_start3A_3429 = tpu.memref_slice %arg12[%dma_start3A_3425, %dma_start3A_3426, %dma_start3A_3427, %dma_start3A_3428] : memref<2x6x128x64xf32, #tpu.memory_space<vmem>> -> memref<1x1x128x64xf32, #tpu.memory_space<vmem>>
    %dma_start3A_3430 = tpu.memref_squeeze %dma_start3A_3429 : memref<1x1x128x64xf32, #tpu.memory_space<vmem>> -> memref<128x64xf32, #tpu.memory_space<vmem>>
    %dma_start3A_3431 = arith.constant 320 : i32
    %dma_start3A_3432 = tpu.memref_slice %arg10[%add3A_2260, %dma_start3A_3431] : memref<16384x385xf32, #tpu.memory_space<hbm>> -> memref<128x64xf32, #tpu.memory_space<hbm>>
    %dma_start3A_3433 = arith.constant 320 : i32
    %dma_start3A_3434 = tpu.memref_slice %arg10[%add3A_2260, %dma_start3A_3433] : memref<16384x385xf32, #tpu.memory_space<hbm>> -> memref<128x64xf32, #tpu.memory_space<hbm>>
    %dma_start3A_3435 = arith.constant 0 : i32
    %dma_start3A_3436 = arith.constant 0 : i32
    %dma_start3A_3437 = tpu.memref_slice %arg12[%dma_start3A_3425, %dma_start3A_3426, %dma_start3A_3435, %dma_start3A_3436] : memref<2x6x128x64xf32, #tpu.memory_space<vmem>> -> memref<1x1x128x64xf32, #tpu.memory_space<vmem>>
    %dma_start3A_3438 = tpu.memref_squeeze %dma_start3A_3437 : memref<1x1x128x64xf32, #tpu.memory_space<vmem>> -> memref<128x64xf32, #tpu.memory_space<vmem>>
    tpu.enqueue_dma source(%dma_start3A_3438 : memref<128x64xf32, #tpu.memory_space<vmem>>) target(%dma_start3A_3434 : memref<128x64xf32, #tpu.memory_space<hbm>>) target_semaphore(%arg17 : memref<!tpu.dma_semaphore, #tpu.memory_space<semaphore_mem>>)
    %add3A_3439 = arith.constant 384 : i32
    %add3A_3440 = arith.addi %mul3A_2, %add3A_3439 : i32
    %dma_wait3A_3441 = arith.constant 1 : i32
    %dma_wait3A_3442 = arith.constant 0 : i32
    %dma_wait3A_3443 = arith.constant 0 : i32
    %dma_wait3A_3444 = tpu.memref_slice %arg11[%dma_wait3A_3441, %dma_wait3A_3442, %dma_wait3A_3443] : memref<2x6x128xi32, #tpu.memory_space<vmem>> -> memref<1x1x128xi32, #tpu.memory_space<vmem>>
    %dma_wait3A_3445 = tpu.memref_squeeze %dma_wait3A_3444 : memref<1x1x128xi32, #tpu.memory_space<vmem>> -> memref<128xi32, #tpu.memory_space<vmem>>
    %dma_wait3A_3446 = tpu.memref_slice %arg2[%add3A_2322] : memref<16384xi32, #tpu.memory_space<hbm>> -> memref<128xi32, #tpu.memory_space<hbm>>
    %dma_wait3A_3447 = arith.constant 0 : i32
    %dma_wait3A_3448 = tpu.memref_slice %arg11[%dma_wait3A_3441, %dma_wait3A_3442, %dma_wait3A_3447] : memref<2x6x128xi32, #tpu.memory_space<vmem>> -> memref<1x1x128xi32, #tpu.memory_space<vmem>>
    %dma_wait3A_3449 = tpu.memref_squeeze %dma_wait3A_3448 : memref<1x1x128xi32, #tpu.memory_space<vmem>> -> memref<128xi32, #tpu.memory_space<vmem>>
    %dma_wait3A_3450 = tpu.memref_slice %arg2[%add3A_2322] : memref<16384xi32, #tpu.memory_space<hbm>> -> memref<128xi32, #tpu.memory_space<hbm>>
    tpu.wait_dma2 semaphore(%arg15 : memref<!tpu.dma_semaphore, #tpu.memory_space<semaphore_mem>>) src(%dma_wait3A_3450 : memref<128xi32, #tpu.memory_space<hbm>>) dst(%dma_wait3A_3449 : memref<128xi32, #tpu.memory_space<vmem>>)
    %dma_wait3A_3451 = arith.constant 1 : i32
    %dma_wait3A_3452 = arith.constant 1 : i32
    %dma_wait3A_3453 = arith.constant 0 : i32
    %dma_wait3A_3454 = tpu.memref_slice %arg11[%dma_wait3A_3451, %dma_wait3A_3452, %dma_wait3A_3453] : memref<2x6x128xi32, #tpu.memory_space<vmem>> -> memref<1x1x128xi32, #tpu.memory_space<vmem>>
    %dma_wait3A_3455 = tpu.memref_squeeze %dma_wait3A_3454 : memref<1x1x128xi32, #tpu.memory_space<vmem>> -> memref<128xi32, #tpu.memory_space<vmem>>
    %dma_wait3A_3456 = tpu.memref_slice %arg3[%add3A_2322] : memref<16384xi32, #tpu.memory_space<hbm>> -> memref<128xi32, #tpu.memory_space<hbm>>
    %dma_wait3A_3457 = arith.constant 0 : i32
    %dma_wait3A_3458 = tpu.memref_slice %arg11[%dma_wait3A_3451, %dma_wait3A_3452, %dma_wait3A_3457] : memref<2x6x128xi32, #tpu.memory_space<vmem>> -> memref<1x1x128xi32, #tpu.memory_space<vmem>>
    %dma_wait3A_3459 = tpu.memref_squeeze %dma_wait3A_3458 : memref<1x1x128xi32, #tpu.memory_space<vmem>> -> memref<128xi32, #tpu.memory_space<vmem>>
    %dma_wait3A_3460 = tpu.memref_slice %arg3[%add3A_2322] : memref<16384xi32, #tpu.memory_space<hbm>> -> memref<128xi32, #tpu.memory_space<hbm>>
    tpu.wait_dma2 semaphore(%arg15 : memref<!tpu.dma_semaphore, #tpu.memory_space<semaphore_mem>>) src(%dma_wait3A_3460 : memref<128xi32, #tpu.memory_space<hbm>>) dst(%dma_wait3A_3459 : memref<128xi32, #tpu.memory_space<vmem>>)
    %dma_wait3A_3461 = arith.constant 1 : i32
    %dma_wait3A_3462 = arith.constant 2 : i32
    %dma_wait3A_3463 = arith.constant 0 : i32
    %dma_wait3A_3464 = tpu.memref_slice %arg11[%dma_wait3A_3461, %dma_wait3A_3462, %dma_wait3A_3463] : memref<2x6x128xi32, #tpu.memory_space<vmem>> -> memref<1x1x128xi32, #tpu.memory_space<vmem>>
    %dma_wait3A_3465 = tpu.memref_squeeze %dma_wait3A_3464 : memref<1x1x128xi32, #tpu.memory_space<vmem>> -> memref<128xi32, #tpu.memory_space<vmem>>
    %dma_wait3A_3466 = tpu.memref_slice %arg4[%add3A_2322] : memref<16384xi32, #tpu.memory_space<hbm>> -> memref<128xi32, #tpu.memory_space<hbm>>
    %dma_wait3A_3467 = arith.constant 0 : i32
    %dma_wait3A_3468 = tpu.memref_slice %arg11[%dma_wait3A_3461, %dma_wait3A_3462, %dma_wait3A_3467] : memref<2x6x128xi32, #tpu.memory_space<vmem>> -> memref<1x1x128xi32, #tpu.memory_space<vmem>>
    %dma_wait3A_3469 = tpu.memref_squeeze %dma_wait3A_3468 : memref<1x1x128xi32, #tpu.memory_space<vmem>> -> memref<128xi32, #tpu.memory_space<vmem>>
    %dma_wait3A_3470 = tpu.memref_slice %arg4[%add3A_2322] : memref<16384xi32, #tpu.memory_space<hbm>> -> memref<128xi32, #tpu.memory_space<hbm>>
    tpu.wait_dma2 semaphore(%arg15 : memref<!tpu.dma_semaphore, #tpu.memory_space<semaphore_mem>>) src(%dma_wait3A_3470 : memref<128xi32, #tpu.memory_space<hbm>>) dst(%dma_wait3A_3469 : memref<128xi32, #tpu.memory_space<vmem>>)
    %dma_wait3A_3471 = arith.constant 1 : i32
    %dma_wait3A_3472 = arith.constant 3 : i32
    %dma_wait3A_3473 = arith.constant 0 : i32
    %dma_wait3A_3474 = tpu.memref_slice %arg11[%dma_wait3A_3471, %dma_wait3A_3472, %dma_wait3A_3473] : memref<2x6x128xi32, #tpu.memory_space<vmem>> -> memref<1x1x128xi32, #tpu.memory_space<vmem>>
    %dma_wait3A_3475 = tpu.memref_squeeze %dma_wait3A_3474 : memref<1x1x128xi32, #tpu.memory_space<vmem>> -> memref<128xi32, #tpu.memory_space<vmem>>
    %dma_wait3A_3476 = tpu.memref_slice %arg5[%add3A_2322] : memref<16384xi32, #tpu.memory_space<hbm>> -> memref<128xi32, #tpu.memory_space<hbm>>
    %dma_wait3A_3477 = arith.constant 0 : i32
    %dma_wait3A_3478 = tpu.memref_slice %arg11[%dma_wait3A_3471, %dma_wait3A_3472, %dma_wait3A_3477] : memref<2x6x128xi32, #tpu.memory_space<vmem>> -> memref<1x1x128xi32, #tpu.memory_space<vmem>>
    %dma_wait3A_3479 = tpu.memref_squeeze %dma_wait3A_3478 : memref<1x1x128xi32, #tpu.memory_space<vmem>> -> memref<128xi32, #tpu.memory_space<vmem>>
    %dma_wait3A_3480 = tpu.memref_slice %arg5[%add3A_2322] : memref<16384xi32, #tpu.memory_space<hbm>> -> memref<128xi32, #tpu.memory_space<hbm>>
    tpu.wait_dma2 semaphore(%arg15 : memref<!tpu.dma_semaphore, #tpu.memory_space<semaphore_mem>>) src(%dma_wait3A_3480 : memref<128xi32, #tpu.memory_space<hbm>>) dst(%dma_wait3A_3479 : memref<128xi32, #tpu.memory_space<vmem>>)
    %dma_wait3A_3481 = arith.constant 1 : i32
    %dma_wait3A_3482 = arith.constant 4 : i32
    %dma_wait3A_3483 = arith.constant 0 : i32
    %dma_wait3A_3484 = tpu.memref_slice %arg11[%dma_wait3A_3481, %dma_wait3A_3482, %dma_wait3A_3483] : memref<2x6x128xi32, #tpu.memory_space<vmem>> -> memref<1x1x128xi32, #tpu.memory_space<vmem>>
    %dma_wait3A_3485 = tpu.memref_squeeze %dma_wait3A_3484 : memref<1x1x128xi32, #tpu.memory_space<vmem>> -> memref<128xi32, #tpu.memory_space<vmem>>
    %dma_wait3A_3486 = tpu.memref_slice %arg6[%add3A_2322] : memref<16384xi32, #tpu.memory_space<hbm>> -> memref<128xi32, #tpu.memory_space<hbm>>
    %dma_wait3A_3487 = arith.constant 0 : i32
    %dma_wait3A_3488 = tpu.memref_slice %arg11[%dma_wait3A_3481, %dma_wait3A_3482, %dma_wait3A_3487] : memref<2x6x128xi32, #tpu.memory_space<vmem>> -> memref<1x1x128xi32, #tpu.memory_space<vmem>>
    %dma_wait3A_3489 = tpu.memref_squeeze %dma_wait3A_3488 : memref<1x1x128xi32, #tpu.memory_space<vmem>> -> memref<128xi32, #tpu.memory_space<vmem>>
    %dma_wait3A_3490 = tpu.memref_slice %arg6[%add3A_2322] : memref<16384xi32, #tpu.memory_space<hbm>> -> memref<128xi32, #tpu.memory_space<hbm>>
    tpu.wait_dma2 semaphore(%arg15 : memref<!tpu.dma_semaphore, #tpu.memory_space<semaphore_mem>>) src(%dma_wait3A_3490 : memref<128xi32, #tpu.memory_space<hbm>>) dst(%dma_wait3A_3489 : memref<128xi32, #tpu.memory_space<vmem>>)
    %dma_wait3A_3491 = arith.constant 1 : i32
    %dma_wait3A_3492 = arith.constant 5 : i32
    %dma_wait3A_3493 = arith.constant 0 : i32
    %dma_wait3A_3494 = tpu.memref_slice %arg11[%dma_wait3A_3491, %dma_wait3A_3492, %dma_wait3A_3493] : memref<2x6x128xi32, #tpu.memory_space<vmem>> -> memref<1x1x128xi32, #tpu.memory_space<vmem>>
    %dma_wait3A_3495 = tpu.memref_squeeze %dma_wait3A_3494 : memref<1x1x128xi32, #tpu.memory_space<vmem>> -> memref<128xi32, #tpu.memory_space<vmem>>
    %dma_wait3A_3496 = tpu.memref_slice %arg7[%add3A_2322] : memref<16384xi32, #tpu.memory_space<hbm>> -> memref<128xi32, #tpu.memory_space<hbm>>
    %dma_wait3A_3497 = arith.constant 0 : i32
    %dma_wait3A_3498 = tpu.memref_slice %arg11[%dma_wait3A_3491, %dma_wait3A_3492, %dma_wait3A_3497] : memref<2x6x128xi32, #tpu.memory_space<vmem>> -> memref<1x1x128xi32, #tpu.memory_space<vmem>>
    %dma_wait3A_3499 = tpu.memref_squeeze %dma_wait3A_3498 : memref<1x1x128xi32, #tpu.memory_space<vmem>> -> memref<128xi32, #tpu.memory_space<vmem>>
    %dma_wait3A_3500 = tpu.memref_slice %arg7[%add3A_2322] : memref<16384xi32, #tpu.memory_space<hbm>> -> memref<128xi32, #tpu.memory_space<hbm>>
    tpu.wait_dma2 semaphore(%arg15 : memref<!tpu.dma_semaphore, #tpu.memory_space<semaphore_mem>>) src(%dma_wait3A_3500 : memref<128xi32, #tpu.memory_space<hbm>>) dst(%dma_wait3A_3499 : memref<128xi32, #tpu.memory_space<vmem>>)
    %dma_wait3A_3501 = arith.constant 1 : i32
    %dma_wait3A_3502 = arith.constant 0 : i32
    %dma_wait3A_3503 = arith.constant 0 : i32
    %dma_wait3A_3504 = arith.constant 0 : i32
    %dma_wait3A_3505 = tpu.memref_slice %arg12[%dma_wait3A_3501, %dma_wait3A_3502, %dma_wait3A_3503, %dma_wait3A_3504] : memref<2x6x128x64xf32, #tpu.memory_space<vmem>> -> memref<1x1x128x64xf32, #tpu.memory_space<vmem>>
    %dma_wait3A_3506 = tpu.memref_squeeze %dma_wait3A_3505 : memref<1x1x128x64xf32, #tpu.memory_space<vmem>> -> memref<128x64xf32, #tpu.memory_space<vmem>>
    %dma_wait3A_3507 = arith.constant 0 : i32
    %dma_wait3A_3508 = tpu.memref_slice %arg10[%add3A_1164, %dma_wait3A_3507] : memref<16384x385xf32, #tpu.memory_space<hbm>> -> memref<128x64xf32, #tpu.memory_space<hbm>>
    %dma_wait3A_3509 = arith.constant 0 : i32
    %dma_wait3A_3510 = tpu.memref_slice %arg10[%add3A_1164, %dma_wait3A_3509] : memref<16384x385xf32, #tpu.memory_space<hbm>> -> memref<128x64xf32, #tpu.memory_space<hbm>>
    %dma_wait3A_3511 = arith.constant 0 : i32
    %dma_wait3A_3512 = arith.constant 0 : i32
    %dma_wait3A_3513 = tpu.memref_slice %arg12[%dma_wait3A_3501, %dma_wait3A_3502, %dma_wait3A_3511, %dma_wait3A_3512] : memref<2x6x128x64xf32, #tpu.memory_space<vmem>> -> memref<1x1x128x64xf32, #tpu.memory_space<vmem>>
    %dma_wait3A_3514 = tpu.memref_squeeze %dma_wait3A_3513 : memref<1x1x128x64xf32, #tpu.memory_space<vmem>> -> memref<128x64xf32, #tpu.memory_space<vmem>>
    tpu.wait_dma2 semaphore(%arg17 : memref<!tpu.dma_semaphore, #tpu.memory_space<semaphore_mem>>) src(%dma_wait3A_3514 : memref<128x64xf32, #tpu.memory_space<vmem>>) dst(%dma_wait3A_3510 : memref<128x64xf32, #tpu.memory_space<hbm>>)
    %dma_wait3A_3515 = arith.constant 1 : i32
    %dma_wait3A_3516 = arith.constant 1 : i32
    %dma_wait3A_3517 = arith.constant 0 : i32
    %dma_wait3A_3518 = arith.constant 0 : i32
    %dma_wait3A_3519 = tpu.memref_slice %arg12[%dma_wait3A_3515, %dma_wait3A_3516, %dma_wait3A_3517, %dma_wait3A_3518] : memref<2x6x128x64xf32, #tpu.memory_space<vmem>> -> memref<1x1x128x64xf32, #tpu.memory_space<vmem>>
    %dma_wait3A_3520 = tpu.memref_squeeze %dma_wait3A_3519 : memref<1x1x128x64xf32, #tpu.memory_space<vmem>> -> memref<128x64xf32, #tpu.memory_space<vmem>>
    %dma_wait3A_3521 = arith.constant 64 : i32
    %dma_wait3A_3522 = tpu.memref_slice %arg10[%add3A_1164, %dma_wait3A_3521] : memref<16384x385xf32, #tpu.memory_space<hbm>> -> memref<128x64xf32, #tpu.memory_space<hbm>>
    %dma_wait3A_3523 = arith.constant 64 : i32
    %dma_wait3A_3524 = tpu.memref_slice %arg10[%add3A_1164, %dma_wait3A_3523] : memref<16384x385xf32, #tpu.memory_space<hbm>> -> memref<128x64xf32, #tpu.memory_space<hbm>>
    %dma_wait3A_3525 = arith.constant 0 : i32
    %dma_wait3A_3526 = arith.constant 0 : i32
    %dma_wait3A_3527 = tpu.memref_slice %arg12[%dma_wait3A_3515, %dma_wait3A_3516, %dma_wait3A_3525, %dma_wait3A_3526] : memref<2x6x128x64xf32, #tpu.memory_space<vmem>> -> memref<1x1x128x64xf32, #tpu.memory_space<vmem>>
    %dma_wait3A_3528 = tpu.memref_squeeze %dma_wait3A_3527 : memref<1x1x128x64xf32, #tpu.memory_space<vmem>> -> memref<128x64xf32, #tpu.memory_space<vmem>>
    tpu.wait_dma2 semaphore(%arg17 : memref<!tpu.dma_semaphore, #tpu.memory_space<semaphore_mem>>) src(%dma_wait3A_3528 : memref<128x64xf32, #tpu.memory_space<vmem>>) dst(%dma_wait3A_3524 : memref<128x64xf32, #tpu.memory_space<hbm>>)
    %dma_wait3A_3529 = arith.constant 1 : i32
    %dma_wait3A_3530 = arith.constant 2 : i32
    %dma_wait3A_3531 = arith.constant 0 : i32
    %dma_wait3A_3532 = arith.constant 0 : i32
    %dma_wait3A_3533 = tpu.memref_slice %arg12[%dma_wait3A_3529, %dma_wait3A_3530, %dma_wait3A_3531, %dma_wait3A_3532] : memref<2x6x128x64xf32, #tpu.memory_space<vmem>> -> memref<1x1x128x64xf32, #tpu.memory_space<vmem>>
    %dma_wait3A_3534 = tpu.memref_squeeze %dma_wait3A_3533 : memref<1x1x128x64xf32, #tpu.memory_space<vmem>> -> memref<128x64xf32, #tpu.memory_space<vmem>>
    %dma_wait3A_3535 = arith.constant 128 : i32
    %dma_wait3A_3536 = tpu.memref_slice %arg10[%add3A_1164, %dma_wait3A_3535] : memref<16384x385xf32, #tpu.memory_space<hbm>> -> memref<128x64xf32, #tpu.memory_space<hbm>>
    %dma_wait3A_3537 = arith.constant 128 : i32
    %dma_wait3A_3538 = tpu.memref_slice %arg10[%add3A_1164, %dma_wait3A_3537] : memref<16384x385xf32, #tpu.memory_space<hbm>> -> memref<128x64xf32, #tpu.memory_space<hbm>>
    %dma_wait3A_3539 = arith.constant 0 : i32
    %dma_wait3A_3540 = arith.constant 0 : i32
    %dma_wait3A_3541 = tpu.memref_slice %arg12[%dma_wait3A_3529, %dma_wait3A_3530, %dma_wait3A_3539, %dma_wait3A_3540] : memref<2x6x128x64xf32, #tpu.memory_space<vmem>> -> memref<1x1x128x64xf32, #tpu.memory_space<vmem>>
    %dma_wait3A_3542 = tpu.memref_squeeze %dma_wait3A_3541 : memref<1x1x128x64xf32, #tpu.memory_space<vmem>> -> memref<128x64xf32, #tpu.memory_space<vmem>>
    tpu.wait_dma2 semaphore(%arg17 : memref<!tpu.dma_semaphore, #tpu.memory_space<semaphore_mem>>) src(%dma_wait3A_3542 : memref<128x64xf32, #tpu.memory_space<vmem>>) dst(%dma_wait3A_3538 : memref<128x64xf32, #tpu.memory_space<hbm>>)
    %dma_wait3A_3543 = arith.constant 1 : i32
    %dma_wait3A_3544 = arith.constant 3 : i32
    %dma_wait3A_3545 = arith.constant 0 : i32
    %dma_wait3A_3546 = arith.constant 0 : i32
    %dma_wait3A_3547 = tpu.memref_slice %arg12[%dma_wait3A_3543, %dma_wait3A_3544, %dma_wait3A_3545, %dma_wait3A_3546] : memref<2x6x128x64xf32, #tpu.memory_space<vmem>> -> memref<1x1x128x64xf32, #tpu.memory_space<vmem>>
    %dma_wait3A_3548 = tpu.memref_squeeze %dma_wait3A_3547 : memref<1x1x128x64xf32, #tpu.memory_space<vmem>> -> memref<128x64xf32, #tpu.memory_space<vmem>>
    %dma_wait3A_3549 = arith.constant 192 : i32
    %dma_wait3A_3550 = tpu.memref_slice %arg10[%add3A_1164, %dma_wait3A_3549] : memref<16384x385xf32, #tpu.memory_space<hbm>> -> memref<128x64xf32, #tpu.memory_space<hbm>>
    %dma_wait3A_3551 = arith.constant 192 : i32
    %dma_wait3A_3552 = tpu.memref_slice %arg10[%add3A_1164, %dma_wait3A_3551] : memref<16384x385xf32, #tpu.memory_space<hbm>> -> memref<128x64xf32, #tpu.memory_space<hbm>>
    %dma_wait3A_3553 = arith.constant 0 : i32
    %dma_wait3A_3554 = arith.constant 0 : i32
    %dma_wait3A_3555 = tpu.memref_slice %arg12[%dma_wait3A_3543, %dma_wait3A_3544, %dma_wait3A_3553, %dma_wait3A_3554] : memref<2x6x128x64xf32, #tpu.memory_space<vmem>> -> memref<1x1x128x64xf32, #tpu.memory_space<vmem>>
    %dma_wait3A_3556 = tpu.memref_squeeze %dma_wait3A_3555 : memref<1x1x128x64xf32, #tpu.memory_space<vmem>> -> memref<128x64xf32, #tpu.memory_space<vmem>>
    tpu.wait_dma2 semaphore(%arg17 : memref<!tpu.dma_semaphore, #tpu.memory_space<semaphore_mem>>) src(%dma_wait3A_3556 : memref<128x64xf32, #tpu.memory_space<vmem>>) dst(%dma_wait3A_3552 : memref<128x64xf32, #tpu.memory_space<hbm>>)
    %dma_wait3A_3557 = arith.constant 1 : i32
    %dma_wait3A_3558 = arith.constant 4 : i32
    %dma_wait3A_3559 = arith.constant 0 : i32
    %dma_wait3A_3560 = arith.constant 0 : i32
    %dma_wait3A_3561 = tpu.memref_slice %arg12[%dma_wait3A_3557, %dma_wait3A_3558, %dma_wait3A_3559, %dma_wait3A_3560] : memref<2x6x128x64xf32, #tpu.memory_space<vmem>> -> memref<1x1x128x64xf32, #tpu.memory_space<vmem>>
    %dma_wait3A_3562 = tpu.memref_squeeze %dma_wait3A_3561 : memref<1x1x128x64xf32, #tpu.memory_space<vmem>> -> memref<128x64xf32, #tpu.memory_space<vmem>>
    %dma_wait3A_3563 = arith.constant 256 : i32
    %dma_wait3A_3564 = tpu.memref_slice %arg10[%add3A_1164, %dma_wait3A_3563] : memref<16384x385xf32, #tpu.memory_space<hbm>> -> memref<128x64xf32, #tpu.memory_space<hbm>>
    %dma_wait3A_3565 = arith.constant 256 : i32
    %dma_wait3A_3566 = tpu.memref_slice %arg10[%add3A_1164, %dma_wait3A_3565] : memref<16384x385xf32, #tpu.memory_space<hbm>> -> memref<128x64xf32, #tpu.memory_space<hbm>>
    %dma_wait3A_3567 = arith.constant 0 : i32
    %dma_wait3A_3568 = arith.constant 0 : i32
    %dma_wait3A_3569 = tpu.memref_slice %arg12[%dma_wait3A_3557, %dma_wait3A_3558, %dma_wait3A_3567, %dma_wait3A_3568] : memref<2x6x128x64xf32, #tpu.memory_space<vmem>> -> memref<1x1x128x64xf32, #tpu.memory_space<vmem>>
    %dma_wait3A_3570 = tpu.memref_squeeze %dma_wait3A_3569 : memref<1x1x128x64xf32, #tpu.memory_space<vmem>> -> memref<128x64xf32, #tpu.memory_space<vmem>>
    tpu.wait_dma2 semaphore(%arg17 : memref<!tpu.dma_semaphore, #tpu.memory_space<semaphore_mem>>) src(%dma_wait3A_3570 : memref<128x64xf32, #tpu.memory_space<vmem>>) dst(%dma_wait3A_3566 : memref<128x64xf32, #tpu.memory_space<hbm>>)
    %dma_wait3A_3571 = arith.constant 1 : i32
    %dma_wait3A_3572 = arith.constant 5 : i32
    %dma_wait3A_3573 = arith.constant 0 : i32
    %dma_wait3A_3574 = arith.constant 0 : i32
    %dma_wait3A_3575 = tpu.memref_slice %arg12[%dma_wait3A_3571, %dma_wait3A_3572, %dma_wait3A_3573, %dma_wait3A_3574] : memref<2x6x128x64xf32, #tpu.memory_space<vmem>> -> memref<1x1x128x64xf32, #tpu.memory_space<vmem>>
    %dma_wait3A_3576 = tpu.memref_squeeze %dma_wait3A_3575 : memref<1x1x128x64xf32, #tpu.memory_space<vmem>> -> memref<128x64xf32, #tpu.memory_space<vmem>>
    %dma_wait3A_3577 = arith.constant 320 : i32
    %dma_wait3A_3578 = tpu.memref_slice %arg10[%add3A_1164, %dma_wait3A_3577] : memref<16384x385xf32, #tpu.memory_space<hbm>> -> memref<128x64xf32, #tpu.memory_space<hbm>>
    %dma_wait3A_3579 = arith.constant 320 : i32
    %dma_wait3A_3580 = tpu.memref_slice %arg10[%add3A_1164, %dma_wait3A_3579] : memref<16384x385xf32, #tpu.memory_space<hbm>> -> memref<128x64xf32, #tpu.memory_space<hbm>>
    %dma_wait3A_3581 = arith.constant 0 : i32
    %dma_wait3A_3582 = arith.constant 0 : i32
    %dma_wait3A_3583 = tpu.memref_slice %arg12[%dma_wait3A_3571, %dma_wait3A_3572, %dma_wait3A_3581, %dma_wait3A_3582] : memref<2x6x128x64xf32, #tpu.memory_space<vmem>> -> memref<1x1x128x64xf32, #tpu.memory_space<vmem>>
    %dma_wait3A_3584 = tpu.memref_squeeze %dma_wait3A_3583 : memref<1x1x128x64xf32, #tpu.memory_space<vmem>> -> memref<128x64xf32, #tpu.memory_space<vmem>>
    tpu.wait_dma2 semaphore(%arg17 : memref<!tpu.dma_semaphore, #tpu.memory_space<semaphore_mem>>) src(%dma_wait3A_3584 : memref<128x64xf32, #tpu.memory_space<vmem>>) dst(%dma_wait3A_3580 : memref<128x64xf32, #tpu.memory_space<hbm>>)
    %get3A_3585 = arith.constant 1 : i32
    %get3A_3586 = arith.constant 1 : i32
    %get3A_3587 = arith.index_cast %get3A_3585 : i32 to index
    %get3A_3588 = arith.index_cast %get3A_3586 : i32 to index
    %get3A_3589 = arith.constant 0 : index
    %get3A_3590 = tpu.vector_load %arg11[%get3A_3587, %get3A_3588, %get3A_3589] {strides = array<i32>} : memref<2x6x128xi32, #tpu.memory_space<vmem>>, vector<1x1x16xi32>,
    %get3A_3591 = vector.shape_cast %get3A_3590 : vector<1x1x16xi32> to vector<16xi32>
    %add3A_3592 = arith.constant 235 : i32
    %add3A_3593 = vector.broadcast %add3A_3592 : i32 to vector<16xi32>
    %add3A_3594 = arith.addi %get3A_3591, %add3A_3593 : vector<16xi32>
    %swap3A_3595 = arith.constant 1 : i32
    %swap3A_3596 = arith.constant 1 : i32
    %swap3A_3597 = arith.index_cast %swap3A_3595 : i32 to index
    %swap3A_3598 = arith.index_cast %swap3A_3596 : i32 to index
    %swap3A_3599 = arith.constant 0 : index
    %swap3A_3600 = tpu.vector_load %arg11[%swap3A_3597, %swap3A_3598, %swap3A_3599] {strides = array<i32>} : memref<2x6x128xi32, #tpu.memory_space<vmem>>, vector<1x1x16xi32>,
    %swap3A_3601 = vector.shape_cast %swap3A_3600 : vector<1x1x16xi32> to vector<16xi32>
    %swap3A_3602 = vector.shape_cast %add3A_3594 : vector<16xi32> to vector<1x1x16xi32>
    tpu.vector_store %arg11[%swap3A_3597, %swap3A_3598, %swap3A_3599], %swap3A_3602 {strides = array<i32>} : memref<2x6x128xi32, #tpu.memory_space<vmem>>, vector<1x1x16xi32>,
    %get3A_3603 = arith.constant 1 : i32
    %get3A_3604 = arith.constant 1 : i32
    %get3A_3605 = arith.index_cast %get3A_3603 : i32 to index
    %get3A_3606 = arith.index_cast %get3A_3604 : i32 to index
    %get3A_3607 = arith.constant 16 : index
    %get3A_3608 = tpu.vector_load %arg11[%get3A_3605, %get3A_3606, %get3A_3607] {strides = array<i32>} : memref<2x6x128xi32, #tpu.memory_space<vmem>>, vector<1x1x16xi32>,
    %get3A_3609 = vector.shape_cast %get3A_3608 : vector<1x1x16xi32> to vector<16xi32>
    %add3A_3610 = arith.constant 235 : i32
    %add3A_3611 = vector.broadcast %add3A_3610 : i32 to vector<16xi32>
    %add3A_3612 = arith.addi %get3A_3609, %add3A_3611 : vector<16xi32>
    %swap3A_3613 = arith.constant 1 : i32
    %swap3A_3614 = arith.constant 1 : i32
    %swap3A_3615 = arith.index_cast %swap3A_3613 : i32 to index
    %swap3A_3616 = arith.index_cast %swap3A_3614 : i32 to index
    %swap3A_3617 = arith.constant 16 : index
    %swap3A_3618 = tpu.vector_load %arg11[%swap3A_3615, %swap3A_3616, %swap3A_3617] {strides = array<i32>} : memref<2x6x128xi32, #tpu.memory_space<vmem>>, vector<1x1x16xi32>,
    %swap3A_3619 = vector.shape_cast %swap3A_3618 : vector<1x1x16xi32> to vector<16xi32>
    %swap3A_3620 = vector.shape_cast %add3A_3612 : vector<16xi32> to vector<1x1x16xi32>
    tpu.vector_store %arg11[%swap3A_3615, %swap3A_3616, %swap3A_3617], %swap3A_3620 {strides = array<i32>} : memref<2x6x128xi32, #tpu.memory_space<vmem>>, vector<1x1x16xi32>,
    %get3A_3621 = arith.constant 1 : i32
    %get3A_3622 = arith.constant 1 : i32
    %get3A_3623 = arith.index_cast %get3A_3621 : i32 to index
    %get3A_3624 = arith.index_cast %get3A_3622 : i32 to index
    %get3A_3625 = arith.constant 32 : index
    %get3A_3626 = tpu.vector_load %arg11[%get3A_3623, %get3A_3624, %get3A_3625] {strides = array<i32>} : memref<2x6x128xi32, #tpu.memory_space<vmem>>, vector<1x1x16xi32>,
    %get3A_3627 = vector.shape_cast %get3A_3626 : vector<1x1x16xi32> to vector<16xi32>
    %add3A_3628 = arith.constant 235 : i32
    %add3A_3629 = vector.broadcast %add3A_3628 : i32 to vector<16xi32>
    %add3A_3630 = arith.addi %get3A_3627, %add3A_3629 : vector<16xi32>
    %swap3A_3631 = arith.constant 1 : i32
    %swap3A_3632 = arith.constant 1 : i32
    %swap3A_3633 = arith.index_cast %swap3A_3631 : i32 to index
    %swap3A_3634 = arith.index_cast %swap3A_3632 : i32 to index
    %swap3A_3635 = arith.constant 32 : index
    %swap3A_3636 = tpu.vector_load %arg11[%swap3A_3633, %swap3A_3634, %swap3A_3635] {strides = array<i32>} : memref<2x6x128xi32, #tpu.memory_space<vmem>>, vector<1x1x16xi32>,
    %swap3A_3637 = vector.shape_cast %swap3A_3636 : vector<1x1x16xi32> to vector<16xi32>
    %swap3A_3638 = vector.shape_cast %add3A_3630 : vector<16xi32> to vector<1x1x16xi32>
    tpu.vector_store %arg11[%swap3A_3633, %swap3A_3634, %swap3A_3635], %swap3A_3638 {strides = array<i32>} : memref<2x6x128xi32, #tpu.memory_space<vmem>>, vector<1x1x16xi32>,
    %get3A_3639 = arith.constant 1 : i32
    %get3A_3640 = arith.constant 1 : i32
    %get3A_3641 = arith.index_cast %get3A_3639 : i32 to index
    %get3A_3642 = arith.index_cast %get3A_3640 : i32 to index
    %get3A_3643 = arith.constant 48 : index
    %get3A_3644 = tpu.vector_load %arg11[%get3A_3641, %get3A_3642, %get3A_3643] {strides = array<i32>} : memref<2x6x128xi32, #tpu.memory_space<vmem>>, vector<1x1x16xi32>,
    %get3A_3645 = vector.shape_cast %get3A_3644 : vector<1x1x16xi32> to vector<16xi32>
    %add3A_3646 = arith.constant 235 : i32
    %add3A_3647 = vector.broadcast %add3A_3646 : i32 to vector<16xi32>
    %add3A_3648 = arith.addi %get3A_3645, %add3A_3647 : vector<16xi32>
    %swap3A_3649 = arith.constant 1 : i32
    %swap3A_3650 = arith.constant 1 : i32
    %swap3A_3651 = arith.index_cast %swap3A_3649 : i32 to index
    %swap3A_3652 = arith.index_cast %swap3A_3650 : i32 to index
    %swap3A_3653 = arith.constant 48 : index
    %swap3A_3654 = tpu.vector_load %arg11[%swap3A_3651, %swap3A_3652, %swap3A_3653] {strides = array<i32>} : memref<2x6x128xi32, #tpu.memory_space<vmem>>, vector<1x1x16xi32>,
    %swap3A_3655 = vector.shape_cast %swap3A_3654 : vector<1x1x16xi32> to vector<16xi32>
    %swap3A_3656 = vector.shape_cast %add3A_3648 : vector<16xi32> to vector<1x1x16xi32>
    tpu.vector_store %arg11[%swap3A_3651, %swap3A_3652, %swap3A_3653], %swap3A_3656 {strides = array<i32>} : memref<2x6x128xi32, #tpu.memory_space<vmem>>, vector<1x1x16xi32>,
    %get3A_3657 = arith.constant 1 : i32
    %get3A_3658 = arith.constant 1 : i32
    %get3A_3659 = arith.index_cast %get3A_3657 : i32 to index
    %get3A_3660 = arith.index_cast %get3A_3658 : i32 to index
    %get3A_3661 = arith.constant 64 : index
    %get3A_3662 = tpu.vector_load %arg11[%get3A_3659, %get3A_3660, %get3A_3661] {strides = array<i32>} : memref<2x6x128xi32, #tpu.memory_space<vmem>>, vector<1x1x16xi32>,
    %get3A_3663 = vector.shape_cast %get3A_3662 : vector<1x1x16xi32> to vector<16xi32>
    %add3A_3664 = arith.constant 235 : i32
    %add3A_3665 = vector.broadcast %add3A_3664 : i32 to vector<16xi32>
    %add3A_3666 = arith.addi %get3A_3663, %add3A_3665 : vector<16xi32>
    %swap3A_3667 = arith.constant 1 : i32
    %swap3A_3668 = arith.constant 1 : i32
    %swap3A_3669 = arith.index_cast %swap3A_3667 : i32 to index
    %swap3A_3670 = arith.index_cast %swap3A_3668 : i32 to index
    %swap3A_3671 = arith.constant 64 : index
    %swap3A_3672 = tpu.vector_load %arg11[%swap3A_3669, %swap3A_3670, %swap3A_3671] {strides = array<i32>} : memref<2x6x128xi32, #tpu.memory_space<vmem>>, vector<1x1x16xi32>,
    %swap3A_3673 = vector.shape_cast %swap3A_3672 : vector<1x1x16xi32> to vector<16xi32>
    %swap3A_3674 = vector.shape_cast %add3A_3666 : vector<16xi32> to vector<1x1x16xi32>
    tpu.vector_store %arg11[%swap3A_3669, %swap3A_3670, %swap3A_3671], %swap3A_3674 {strides = array<i32>} : memref<2x6x128xi32, #tpu.memory_space<vmem>>, vector<1x1x16xi32>,
    %get3A_3675 = arith.constant 1 : i32
    %get3A_3676 = arith.constant 1 : i32
    %get3A_3677 = arith.index_cast %get3A_3675 : i32 to index
    %get3A_3678 = arith.index_cast %get3A_3676 : i32 to index
    %get3A_3679 = arith.constant 80 : index
    %get3A_3680 = tpu.vector_load %arg11[%get3A_3677, %get3A_3678, %get3A_3679] {strides = array<i32>} : memref<2x6x128xi32, #tpu.memory_space<vmem>>, vector<1x1x16xi32>,
    %get3A_3681 = vector.shape_cast %get3A_3680 : vector<1x1x16xi32> to vector<16xi32>
    %add3A_3682 = arith.constant 235 : i32
    %add3A_3683 = vector.broadcast %add3A_3682 : i32 to vector<16xi32>
    %add3A_3684 = arith.addi %get3A_3681, %add3A_3683 : vector<16xi32>
    %swap3A_3685 = arith.constant 1 : i32
    %swap3A_3686 = arith.constant 1 : i32
    %swap3A_3687 = arith.index_cast %swap3A_3685 : i32 to index
    %swap3A_3688 = arith.index_cast %swap3A_3686 : i32 to index
    %swap3A_3689 = arith.constant 80 : index
    %swap3A_3690 = tpu.vector_load %arg11[%swap3A_3687, %swap3A_3688, %swap3A_3689] {strides = array<i32>} : memref<2x6x128xi32, #tpu.memory_space<vmem>>, vector<1x1x16xi32>,
    %swap3A_3691 = vector.shape_cast %swap3A_3690 : vector<1x1x16xi32> to vector<16xi32>
    %swap3A_3692 = vector.shape_cast %add3A_3684 : vector<16xi32> to vector<1x1x16xi32>
    tpu.vector_store %arg11[%swap3A_3687, %swap3A_3688, %swap3A_3689], %swap3A_3692 {strides = array<i32>} : memref<2x6x128xi32, #tpu.memory_space<vmem>>, vector<1x1x16xi32>,
    %get3A_3693 = arith.constant 1 : i32
    %get3A_3694 = arith.constant 1 : i32
    %get3A_3695 = arith.index_cast %get3A_3693 : i32 to index
    %get3A_3696 = arith.index_cast %get3A_3694 : i32 to index
    %get3A_3697 = arith.constant 96 : index
    %get3A_3698 = tpu.vector_load %arg11[%get3A_3695, %get3A_3696, %get3A_3697] {strides = array<i32>} : memref<2x6x128xi32, #tpu.memory_space<vmem>>, vector<1x1x16xi32>,
    %get3A_3699 = vector.shape_cast %get3A_3698 : vector<1x1x16xi32> to vector<16xi32>
    %add3A_3700 = arith.constant 235 : i32
    %add3A_3701 = vector.broadcast %add3A_3700 : i32 to vector<16xi32>
    %add3A_3702 = arith.addi %get3A_3699, %add3A_3701 : vector<16xi32>
    %swap3A_3703 = arith.constant 1 : i32
    %swap3A_3704 = arith.constant 1 : i32
    %swap3A_3705 = arith.index_cast %swap3A_3703 : i32 to index
    %swap3A_3706 = arith.index_cast %swap3A_3704 : i32 to index
    %swap3A_3707 = arith.constant 96 : index
    %swap3A_3708 = tpu.vector_load %arg11[%swap3A_3705, %swap3A_3706, %swap3A_3707] {strides = array<i32>} : memref<2x6x128xi32, #tpu.memory_space<vmem>>, vector<1x1x16xi32>,
    %swap3A_3709 = vector.shape_cast %swap3A_3708 : vector<1x1x16xi32> to vector<16xi32>
    %swap3A_3710 = vector.shape_cast %add3A_3702 : vector<16xi32> to vector<1x1x16xi32>
    tpu.vector_store %arg11[%swap3A_3705, %swap3A_3706, %swap3A_3707], %swap3A_3710 {strides = array<i32>} : memref<2x6x128xi32, #tpu.memory_space<vmem>>, vector<1x1x16xi32>,
    %get3A_3711 = arith.constant 1 : i32
    %get3A_3712 = arith.constant 1 : i32
    %get3A_3713 = arith.index_cast %get3A_3711 : i32 to index
    %get3A_3714 = arith.index_cast %get3A_3712 : i32 to index
    %get3A_3715 = arith.constant 112 : index
    %get3A_3716 = tpu.vector_load %arg11[%get3A_3713, %get3A_3714, %get3A_3715] {strides = array<i32>} : memref<2x6x128xi32, #tpu.memory_space<vmem>>, vector<1x1x16xi32>,
    %get3A_3717 = vector.shape_cast %get3A_3716 : vector<1x1x16xi32> to vector<16xi32>
    %add3A_3718 = arith.constant 235 : i32
    %add3A_3719 = vector.broadcast %add3A_3718 : i32 to vector<16xi32>
    %add3A_3720 = arith.addi %get3A_3717, %add3A_3719 : vector<16xi32>
    %swap3A_3721 = arith.constant 1 : i32
    %swap3A_3722 = arith.constant 1 : i32
    %swap3A_3723 = arith.index_cast %swap3A_3721 : i32 to index
    %swap3A_3724 = arith.index_cast %swap3A_3722 : i32 to index
    %swap3A_3725 = arith.constant 112 : index
    %swap3A_3726 = tpu.vector_load %arg11[%swap3A_3723, %swap3A_3724, %swap3A_3725] {strides = array<i32>} : memref<2x6x128xi32, #tpu.memory_space<vmem>>, vector<1x1x16xi32>,
    %swap3A_3727 = vector.shape_cast %swap3A_3726 : vector<1x1x16xi32> to vector<16xi32>
    %swap3A_3728 = vector.shape_cast %add3A_3720 : vector<16xi32> to vector<1x1x16xi32>
    tpu.vector_store %arg11[%swap3A_3723, %swap3A_3724, %swap3A_3725], %swap3A_3728 {strides = array<i32>} : memref<2x6x128xi32, #tpu.memory_space<vmem>>, vector<1x1x16xi32>,
    %get3A_3729 = arith.constant 1 : i32
    %get3A_3730 = arith.constant 2 : i32
    %get3A_3731 = arith.index_cast %get3A_3729 : i32 to index
    %get3A_3732 = arith.index_cast %get3A_3730 : i32 to index
    %get3A_3733 = arith.constant 0 : index
    %get3A_3734 = tpu.vector_load %arg11[%get3A_3731, %get3A_3732, %get3A_3733] {strides = array<i32>} : memref<2x6x128xi32, #tpu.memory_space<vmem>>, vector<1x1x16xi32>,
    %get3A_3735 = vector.shape_cast %get3A_3734 : vector<1x1x16xi32> to vector<16xi32>
    %add3A_3736 = arith.constant 237 : i32
    %add3A_3737 = vector.broadcast %add3A_3736 : i32 to vector<16xi32>
    %add3A_3738 = arith.addi %get3A_3735, %add3A_3737 : vector<16xi32>
    %swap3A_3739 = arith.constant 1 : i32
    %swap3A_3740 = arith.constant 2 : i32
    %swap3A_3741 = arith.index_cast %swap3A_3739 : i32 to index
    %swap3A_3742 = arith.index_cast %swap3A_3740 : i32 to index
    %swap3A_3743 = arith.constant 0 : index
    %swap3A_3744 = tpu.vector_load %arg11[%swap3A_3741, %swap3A_3742, %swap3A_3743] {strides = array<i32>} : memref<2x6x128xi32, #tpu.memory_space<vmem>>, vector<1x1x16xi32>,
    %swap3A_3745 = vector.shape_cast %swap3A_3744 : vector<1x1x16xi32> to vector<16xi32>
    %swap3A_3746 = vector.shape_cast %add3A_3738 : vector<16xi32> to vector<1x1x16xi32>
    tpu.vector_store %arg11[%swap3A_3741, %swap3A_3742, %swap3A_3743], %swap3A_3746 {strides = array<i32>} : memref<2x6x128xi32, #tpu.memory_space<vmem>>, vector<1x1x16xi32>,
    %get3A_3747 = arith.constant 1 : i32
    %get3A_3748 = arith.constant 2 : i32
    %get3A_3749 = arith.index_cast %get3A_3747 : i32 to index
    %get3A_3750 = arith.index_cast %get3A_3748 : i32 to index
    %get3A_3751 = arith.constant 16 : index
    %get3A_3752 = tpu.vector_load %arg11[%get3A_3749, %get3A_3750, %get3A_3751] {strides = array<i32>} : memref<2x6x128xi32, #tpu.memory_space<vmem>>, vector<1x1x16xi32>,
    %get3A_3753 = vector.shape_cast %get3A_3752 : vector<1x1x16xi32> to vector<16xi32>
    %add3A_3754 = arith.constant 237 : i32
    %add3A_3755 = vector.broadcast %add3A_3754 : i32 to vector<16xi32>
    %add3A_3756 = arith.addi %get3A_3753, %add3A_3755 : vector<16xi32>
    %swap3A_3757 = arith.constant 1 : i32
    %swap3A_3758 = arith.constant 2 : i32
    %swap3A_3759 = arith.index_cast %swap3A_3757 : i32 to index
    %swap3A_3760 = arith.index_cast %swap3A_3758 : i32 to index
    %swap3A_3761 = arith.constant 16 : index
    %swap3A_3762 = tpu.vector_load %arg11[%swap3A_3759, %swap3A_3760, %swap3A_3761] {strides = array<i32>} : memref<2x6x128xi32, #tpu.memory_space<vmem>>, vector<1x1x16xi32>,
    %swap3A_3763 = vector.shape_cast %swap3A_3762 : vector<1x1x16xi32> to vector<16xi32>
    %swap3A_3764 = vector.shape_cast %add3A_3756 : vector<16xi32> to vector<1x1x16xi32>
    tpu.vector_store %arg11[%swap3A_3759, %swap3A_3760, %swap3A_3761], %swap3A_3764 {strides = array<i32>} : memref<2x6x128xi32, #tpu.memory_space<vmem>>, vector<1x1x16xi32>,
    %get3A_3765 = arith.constant 1 : i32
    %get3A_3766 = arith.constant 2 : i32
    %get3A_3767 = arith.index_cast %get3A_3765 : i32 to index
    %get3A_3768 = arith.index_cast %get3A_3766 : i32 to index
    %get3A_3769 = arith.constant 32 : index
    %get3A_3770 = tpu.vector_load %arg11[%get3A_3767, %get3A_3768, %get3A_3769] {strides = array<i32>} : memref<2x6x128xi32, #tpu.memory_space<vmem>>, vector<1x1x16xi32>,
    %get3A_3771 = vector.shape_cast %get3A_3770 : vector<1x1x16xi32> to vector<16xi32>
    %add3A_3772 = arith.constant 237 : i32
    %add3A_3773 = vector.broadcast %add3A_3772 : i32 to vector<16xi32>
    %add3A_3774 = arith.addi %get3A_3771, %add3A_3773 : vector<16xi32>
    %swap3A_3775 = arith.constant 1 : i32
    %swap3A_3776 = arith.constant 2 : i32
    %swap3A_3777 = arith.index_cast %swap3A_3775 : i32 to index
    %swap3A_3778 = arith.index_cast %swap3A_3776 : i32 to index
    %swap3A_3779 = arith.constant 32 : index
    %swap3A_3780 = tpu.vector_load %arg11[%swap3A_3777, %swap3A_3778, %swap3A_3779] {strides = array<i32>} : memref<2x6x128xi32, #tpu.memory_space<vmem>>, vector<1x1x16xi32>,
    %swap3A_3781 = vector.shape_cast %swap3A_3780 : vector<1x1x16xi32> to vector<16xi32>
    %swap3A_3782 = vector.shape_cast %add3A_3774 : vector<16xi32> to vector<1x1x16xi32>
    tpu.vector_store %arg11[%swap3A_3777, %swap3A_3778, %swap3A_3779], %swap3A_3782 {strides = array<i32>} : memref<2x6x128xi32, #tpu.memory_space<vmem>>, vector<1x1x16xi32>,
    %get3A_3783 = arith.constant 1 : i32
    %get3A_3784 = arith.constant 2 : i32
    %get3A_3785 = arith.index_cast %get3A_3783 : i32 to index
    %get3A_3786 = arith.index_cast %get3A_3784 : i32 to index
    %get3A_3787 = arith.constant 48 : index
    %get3A_3788 = tpu.vector_load %arg11[%get3A_3785, %get3A_3786, %get3A_3787] {strides = array<i32>} : memref<2x6x128xi32, #tpu.memory_space<vmem>>, vector<1x1x16xi32>,
    %get3A_3789 = vector.shape_cast %get3A_3788 : vector<1x1x16xi32> to vector<16xi32>
    %add3A_3790 = arith.constant 237 : i32
    %add3A_3791 = vector.broadcast %add3A_3790 : i32 to vector<16xi32>
    %add3A_3792 = arith.addi %get3A_3789, %add3A_3791 : vector<16xi32>
    %swap3A_3793 = arith.constant 1 : i32
    %swap3A_3794 = arith.constant 2 : i32
    %swap3A_3795 = arith.index_cast %swap3A_3793 : i32 to index
    %swap3A_3796 = arith.index_cast %swap3A_3794 : i32 to index
    %swap3A_3797 = arith.constant 48 : index
    %swap3A_3798 = tpu.vector_load %arg11[%swap3A_3795, %swap3A_3796, %swap3A_3797] {strides = array<i32>} : memref<2x6x128xi32, #tpu.memory_space<vmem>>, vector<1x1x16xi32>,
    %swap3A_3799 = vector.shape_cast %swap3A_3798 : vector<1x1x16xi32> to vector<16xi32>
    %swap3A_3800 = vector.shape_cast %add3A_3792 : vector<16xi32> to vector<1x1x16xi32>
    tpu.vector_store %arg11[%swap3A_3795, %swap3A_3796, %swap3A_3797], %swap3A_3800 {strides = array<i32>} : memref<2x6x128xi32, #tpu.memory_space<vmem>>, vector<1x1x16xi32>,
    %get3A_3801 = arith.constant 1 : i32
    %get3A_3802 = arith.constant 2 : i32
    %get3A_3803 = arith.index_cast %get3A_3801 : i32 to index
    %get3A_3804 = arith.index_cast %get3A_3802 : i32 to index
    %get3A_3805 = arith.constant 64 : index
    %get3A_3806 = tpu.vector_load %arg11[%get3A_3803, %get3A_3804, %get3A_3805] {strides = array<i32>} : memref<2x6x128xi32, #tpu.memory_space<vmem>>, vector<1x1x16xi32>,
    %get3A_3807 = vector.shape_cast %get3A_3806 : vector<1x1x16xi32> to vector<16xi32>
    %add3A_3808 = arith.constant 237 : i32
    %add3A_3809 = vector.broadcast %add3A_3808 : i32 to vector<16xi32>
    %add3A_3810 = arith.addi %get3A_3807, %add3A_3809 : vector<16xi32>
    %swap3A_3811 = arith.constant 1 : i32
    %swap3A_3812 = arith.constant 2 : i32
    %swap3A_3813 = arith.index_cast %swap3A_3811 : i32 to index
    %swap3A_3814 = arith.index_cast %swap3A_3812 : i32 to index
    %swap3A_3815 = arith.constant 64 : index
    %swap3A_3816 = tpu.vector_load %arg11[%swap3A_3813, %swap3A_3814, %swap3A_3815] {strides = array<i32>} : memref<2x6x128xi32, #tpu.memory_space<vmem>>, vector<1x1x16xi32>,
    %swap3A_3817 = vector.shape_cast %swap3A_3816 : vector<1x1x16xi32> to vector<16xi32>
    %swap3A_3818 = vector.shape_cast %add3A_3810 : vector<16xi32> to vector<1x1x16xi32>
    tpu.vector_store %arg11[%swap3A_3813, %swap3A_3814, %swap3A_3815], %swap3A_3818 {strides = array<i32>} : memref<2x6x128xi32, #tpu.memory_space<vmem>>, vector<1x1x16xi32>,
    %get3A_3819 = arith.constant 1 : i32
    %get3A_3820 = arith.constant 2 : i32
    %get3A_3821 = arith.index_cast %get3A_3819 : i32 to index
    %get3A_3822 = arith.index_cast %get3A_3820 : i32 to index
    %get3A_3823 = arith.constant 80 : index
    %get3A_3824 = tpu.vector_load %arg11[%get3A_3821, %get3A_3822, %get3A_3823] {strides = array<i32>} : memref<2x6x128xi32, #tpu.memory_space<vmem>>, vector<1x1x16xi32>,
    %get3A_3825 = vector.shape_cast %get3A_3824 : vector<1x1x16xi32> to vector<16xi32>
    %add3A_3826 = arith.constant 237 : i32
    %add3A_3827 = vector.broadcast %add3A_3826 : i32 to vector<16xi32>
    %add3A_3828 = arith.addi %get3A_3825, %add3A_3827 : vector<16xi32>
    %swap3A_3829 = arith.constant 1 : i32
    %swap3A_3830 = arith.constant 2 : i32
    %swap3A_3831 = arith.index_cast %swap3A_3829 : i32 to index
    %swap3A_3832 = arith.index_cast %swap3A_3830 : i32 to index
    %swap3A_3833 = arith.constant 80 : index
    %swap3A_3834 = tpu.vector_load %arg11[%swap3A_3831, %swap3A_3832, %swap3A_3833] {strides = array<i32>} : memref<2x6x128xi32, #tpu.memory_space<vmem>>, vector<1x1x16xi32>,
    %swap3A_3835 = vector.shape_cast %swap3A_3834 : vector<1x1x16xi32> to vector<16xi32>
    %swap3A_3836 = vector.shape_cast %add3A_3828 : vector<16xi32> to vector<1x1x16xi32>
    tpu.vector_store %arg11[%swap3A_3831, %swap3A_3832, %swap3A_3833], %swap3A_3836 {strides = array<i32>} : memref<2x6x128xi32, #tpu.memory_space<vmem>>, vector<1x1x16xi32>,
    %get3A_3837 = arith.constant 1 : i32
    %get3A_3838 = arith.constant 2 : i32
    %get3A_3839 = arith.index_cast %get3A_3837 : i32 to index
    %get3A_3840 = arith.index_cast %get3A_3838 : i32 to index
    %get3A_3841 = arith.constant 96 : index
    %get3A_3842 = tpu.vector_load %arg11[%get3A_3839, %get3A_3840, %get3A_3841] {strides = array<i32>} : memref<2x6x128xi32, #tpu.memory_space<vmem>>, vector<1x1x16xi32>,
    %get3A_3843 = vector.shape_cast %get3A_3842 : vector<1x1x16xi32> to vector<16xi32>
    %add3A_3844 = arith.constant 237 : i32
    %add3A_3845 = vector.broadcast %add3A_3844 : i32 to vector<16xi32>
    %add3A_3846 = arith.addi %get3A_3843, %add3A_3845 : vector<16xi32>
    %swap3A_3847 = arith.constant 1 : i32
    %swap3A_3848 = arith.constant 2 : i32
    %swap3A_3849 = arith.index_cast %swap3A_3847 : i32 to index
    %swap3A_3850 = arith.index_cast %swap3A_3848 : i32 to index
    %swap3A_3851 = arith.constant 96 : index
    %swap3A_3852 = tpu.vector_load %arg11[%swap3A_3849, %swap3A_3850, %swap3A_3851] {strides = array<i32>} : memref<2x6x128xi32, #tpu.memory_space<vmem>>, vector<1x1x16xi32>,
    %swap3A_3853 = vector.shape_cast %swap3A_3852 : vector<1x1x16xi32> to vector<16xi32>
    %swap3A_3854 = vector.shape_cast %add3A_3846 : vector<16xi32> to vector<1x1x16xi32>
    tpu.vector_store %arg11[%swap3A_3849, %swap3A_3850, %swap3A_3851], %swap3A_3854 {strides = array<i32>} : memref<2x6x128xi32, #tpu.memory_space<vmem>>, vector<1x1x16xi32>,
    %get3A_3855 = arith.constant 1 : i32
    %get3A_3856 = arith.constant 2 : i32
    %get3A_3857 = arith.index_cast %get3A_3855 : i32 to index
    %get3A_3858 = arith.index_cast %get3A_3856 : i32 to index
    %get3A_3859 = arith.constant 112 : index
    %get3A_3860 = tpu.vector_load %arg11[%get3A_3857, %get3A_3858, %get3A_3859] {strides = array<i32>} : memref<2x6x128xi32, #tpu.memory_space<vmem>>, vector<1x1x16xi32>,
    %get3A_3861 = vector.shape_cast %get3A_3860 : vector<1x1x16xi32> to vector<16xi32>
    %add3A_3862 = arith.constant 237 : i32
    %add3A_3863 = vector.broadcast %add3A_3862 : i32 to vector<16xi32>
    %add3A_3864 = arith.addi %get3A_3861, %add3A_3863 : vector<16xi32>
    %swap3A_3865 = arith.constant 1 : i32
    %swap3A_3866 = arith.constant 2 : i32
    %swap3A_3867 = arith.index_cast %swap3A_3865 : i32 to index
    %swap3A_3868 = arith.index_cast %swap3A_3866 : i32 to index
    %swap3A_3869 = arith.constant 112 : index
    %swap3A_3870 = tpu.vector_load %arg11[%swap3A_3867, %swap3A_3868, %swap3A_3869] {strides = array<i32>} : memref<2x6x128xi32, #tpu.memory_space<vmem>>, vector<1x1x16xi32>,
    %swap3A_3871 = vector.shape_cast %swap3A_3870 : vector<1x1x16xi32> to vector<16xi32>
    %swap3A_3872 = vector.shape_cast %add3A_3864 : vector<16xi32> to vector<1x1x16xi32>
    tpu.vector_store %arg11[%swap3A_3867, %swap3A_3868, %swap3A_3869], %swap3A_3872 {strides = array<i32>} : memref<2x6x128xi32, #tpu.memory_space<vmem>>, vector<1x1x16xi32>,
    %get3A_3873 = arith.constant 1 : i32
    %get3A_3874 = arith.constant 3 : i32
    %get3A_3875 = arith.index_cast %get3A_3873 : i32 to index
    %get3A_3876 = arith.index_cast %get3A_3874 : i32 to index
    %get3A_3877 = arith.constant 0 : index
    %get3A_3878 = tpu.vector_load %arg11[%get3A_3875, %get3A_3876, %get3A_3877] {strides = array<i32>} : memref<2x6x128xi32, #tpu.memory_space<vmem>>, vector<1x1x16xi32>,
    %get3A_3879 = vector.shape_cast %get3A_3878 : vector<1x1x16xi32> to vector<16xi32>
    %add3A_3880 = arith.constant 348 : i32
    %add3A_3881 = vector.broadcast %add3A_3880 : i32 to vector<16xi32>
    %add3A_3882 = arith.addi %get3A_3879, %add3A_3881 : vector<16xi32>
    %swap3A_3883 = arith.constant 1 : i32
    %swap3A_3884 = arith.constant 3 : i32
    %swap3A_3885 = arith.index_cast %swap3A_3883 : i32 to index
    %swap3A_3886 = arith.index_cast %swap3A_3884 : i32 to index
    %swap3A_3887 = arith.constant 0 : index
    %swap3A_3888 = tpu.vector_load %arg11[%swap3A_3885, %swap3A_3886, %swap3A_3887] {strides = array<i32>} : memref<2x6x128xi32, #tpu.memory_space<vmem>>, vector<1x1x16xi32>,
    %swap3A_3889 = vector.shape_cast %swap3A_3888 : vector<1x1x16xi32> to vector<16xi32>
    %swap3A_3890 = vector.shape_cast %add3A_3882 : vector<16xi32> to vector<1x1x16xi32>
    tpu.vector_store %arg11[%swap3A_3885, %swap3A_3886, %swap3A_3887], %swap3A_3890 {strides = array<i32>} : memref<2x6x128xi32, #tpu.memory_space<vmem>>, vector<1x1x16xi32>,
    %get3A_3891 = arith.constant 1 : i32
    %get3A_3892 = arith.constant 3 : i32
    %get3A_3893 = arith.index_cast %get3A_3891 : i32 to index
    %get3A_3894 = arith.index_cast %get3A_3892 : i32 to index
    %get3A_3895 = arith.constant 16 : index
    %get3A_3896 = tpu.vector_load %arg11[%get3A_3893, %get3A_3894, %get3A_3895] {strides = array<i32>} : memref<2x6x128xi32, #tpu.memory_space<vmem>>, vector<1x1x16xi32>,
    %get3A_3897 = vector.shape_cast %get3A_3896 : vector<1x1x16xi32> to vector<16xi32>
    %add3A_3898 = arith.constant 348 : i32
    %add3A_3899 = vector.broadcast %add3A_3898 : i32 to vector<16xi32>
    %add3A_3900 = arith.addi %get3A_3897, %add3A_3899 : vector<16xi32>
    %swap3A_3901 = arith.constant 1 : i32
    %swap3A_3902 = arith.constant 3 : i32
    %swap3A_3903 = arith.index_cast %swap3A_3901 : i32 to index
    %swap3A_3904 = arith.index_cast %swap3A_3902 : i32 to index
    %swap3A_3905 = arith.constant 16 : index
    %swap3A_3906 = tpu.vector_load %arg11[%swap3A_3903, %swap3A_3904, %swap3A_3905] {strides = array<i32>} : memref<2x6x128xi32, #tpu.memory_space<vmem>>, vector<1x1x16xi32>,
    %swap3A_3907 = vector.shape_cast %swap3A_3906 : vector<1x1x16xi32> to vector<16xi32>
    %swap3A_3908 = vector.shape_cast %add3A_3900 : vector<16xi32> to vector<1x1x16xi32>
    tpu.vector_store %arg11[%swap3A_3903, %swap3A_3904, %swap3A_3905], %swap3A_3908 {strides = array<i32>} : memref<2x6x128xi32, #tpu.memory_space<vmem>>, vector<1x1x16xi32>,
    %get3A_3909 = arith.constant 1 : i32
    %get3A_3910 = arith.constant 3 : i32
    %get3A_3911 = arith.index_cast %get3A_3909 : i32 to index
    %get3A_3912 = arith.index_cast %get3A_3910 : i32 to index
    %get3A_3913 = arith.constant 32 : index
    %get3A_3914 = tpu.vector_load %arg11[%get3A_3911, %get3A_3912, %get3A_3913] {strides = array<i32>} : memref<2x6x128xi32, #tpu.memory_space<vmem>>, vector<1x1x16xi32>,
    %get3A_3915 = vector.shape_cast %get3A_3914 : vector<1x1x16xi32> to vector<16xi32>
    %add3A_3916 = arith.constant 348 : i32
    %add3A_3917 = vector.broadcast %add3A_3916 : i32 to vector<16xi32>
    %add3A_3918 = arith.addi %get3A_3915, %add3A_3917 : vector<16xi32>
    %swap3A_3919 = arith.constant 1 : i32
    %swap3A_3920 = arith.constant 3 : i32
    %swap3A_3921 = arith.index_cast %swap3A_3919 : i32 to index
    %swap3A_3922 = arith.index_cast %swap3A_3920 : i32 to index
    %swap3A_3923 = arith.constant 32 : index
    %swap3A_3924 = tpu.vector_load %arg11[%swap3A_3921, %swap3A_3922, %swap3A_3923] {strides = array<i32>} : memref<2x6x128xi32, #tpu.memory_space<vmem>>, vector<1x1x16xi32>,
    %swap3A_3925 = vector.shape_cast %swap3A_3924 : vector<1x1x16xi32> to vector<16xi32>
    %swap3A_3926 = vector.shape_cast %add3A_3918 : vector<16xi32> to vector<1x1x16xi32>
    tpu.vector_store %arg11[%swap3A_3921, %swap3A_3922, %swap3A_3923], %swap3A_3926 {strides = array<i32>} : memref<2x6x128xi32, #tpu.memory_space<vmem>>, vector<1x1x16xi32>,
    %get3A_3927 = arith.constant 1 : i32
    %get3A_3928 = arith.constant 3 : i32
    %get3A_3929 = arith.index_cast %get3A_3927 : i32 to index
    %get3A_3930 = arith.index_cast %get3A_3928 : i32 to index
    %get3A_3931 = arith.constant 48 : index
    %get3A_3932 = tpu.vector_load %arg11[%get3A_3929, %get3A_3930, %get3A_3931] {strides = array<i32>} : memref<2x6x128xi32, #tpu.memory_space<vmem>>, vector<1x1x16xi32>,
    %get3A_3933 = vector.shape_cast %get3A_3932 : vector<1x1x16xi32> to vector<16xi32>
    %add3A_3934 = arith.constant 348 : i32
    %add3A_3935 = vector.broadcast %add3A_3934 : i32 to vector<16xi32>
    %add3A_3936 = arith.addi %get3A_3933, %add3A_3935 : vector<16xi32>
    %swap3A_3937 = arith.constant 1 : i32
    %swap3A_3938 = arith.constant 3 : i32
    %swap3A_3939 = arith.index_cast %swap3A_3937 : i32 to index
    %swap3A_3940 = arith.index_cast %swap3A_3938 : i32 to index
    %swap3A_3941 = arith.constant 48 : index
    %swap3A_3942 = tpu.vector_load %arg11[%swap3A_3939, %swap3A_3940, %swap3A_3941] {strides = array<i32>} : memref<2x6x128xi32, #tpu.memory_space<vmem>>, vector<1x1x16xi32>,
    %swap3A_3943 = vector.shape_cast %swap3A_3942 : vector<1x1x16xi32> to vector<16xi32>
    %swap3A_3944 = vector.shape_cast %add3A_3936 : vector<16xi32> to vector<1x1x16xi32>
    tpu.vector_store %arg11[%swap3A_3939, %swap3A_3940, %swap3A_3941], %swap3A_3944 {strides = array<i32>} : memref<2x6x128xi32, #tpu.memory_space<vmem>>, vector<1x1x16xi32>,
    %get3A_3945 = arith.constant 1 : i32
    %get3A_3946 = arith.constant 3 : i32
    %get3A_3947 = arith.index_cast %get3A_3945 : i32 to index
    %get3A_3948 = arith.index_cast %get3A_3946 : i32 to index
    %get3A_3949 = arith.constant 64 : index
    %get3A_3950 = tpu.vector_load %arg11[%get3A_3947, %get3A_3948, %get3A_3949] {strides = array<i32>} : memref<2x6x128xi32, #tpu.memory_space<vmem>>, vector<1x1x16xi32>,
    %get3A_3951 = vector.shape_cast %get3A_3950 : vector<1x1x16xi32> to vector<16xi32>
    %add3A_3952 = arith.constant 348 : i32
    %add3A_3953 = vector.broadcast %add3A_3952 : i32 to vector<16xi32>
    %add3A_3954 = arith.addi %get3A_3951, %add3A_3953 : vector<16xi32>
    %swap3A_3955 = arith.constant 1 : i32
    %swap3A_3956 = arith.constant 3 : i32
    %swap3A_3957 = arith.index_cast %swap3A_3955 : i32 to index
    %swap3A_3958 = arith.index_cast %swap3A_3956 : i32 to index
    %swap3A_3959 = arith.constant 64 : index
    %swap3A_3960 = tpu.vector_load %arg11[%swap3A_3957, %swap3A_3958, %swap3A_3959] {strides = array<i32>} : memref<2x6x128xi32, #tpu.memory_space<vmem>>, vector<1x1x16xi32>,
    %swap3A_3961 = vector.shape_cast %swap3A_3960 : vector<1x1x16xi32> to vector<16xi32>
    %swap3A_3962 = vector.shape_cast %add3A_3954 : vector<16xi32> to vector<1x1x16xi32>
    tpu.vector_store %arg11[%swap3A_3957, %swap3A_3958, %swap3A_3959], %swap3A_3962 {strides = array<i32>} : memref<2x6x128xi32, #tpu.memory_space<vmem>>, vector<1x1x16xi32>,
    %get3A_3963 = arith.constant 1 : i32
    %get3A_3964 = arith.constant 3 : i32
    %get3A_3965 = arith.index_cast %get3A_3963 : i32 to index
    %get3A_3966 = arith.index_cast %get3A_3964 : i32 to index
    %get3A_3967 = arith.constant 80 : index
    %get3A_3968 = tpu.vector_load %arg11[%get3A_3965, %get3A_3966, %get3A_3967] {strides = array<i32>} : memref<2x6x128xi32, #tpu.memory_space<vmem>>, vector<1x1x16xi32>,
    %get3A_3969 = vector.shape_cast %get3A_3968 : vector<1x1x16xi32> to vector<16xi32>
    %add3A_3970 = arith.constant 348 : i32
    %add3A_3971 = vector.broadcast %add3A_3970 : i32 to vector<16xi32>
    %add3A_3972 = arith.addi %get3A_3969, %add3A_3971 : vector<16xi32>
    %swap3A_3973 = arith.constant 1 : i32
    %swap3A_3974 = arith.constant 3 : i32
    %swap3A_3975 = arith.index_cast %swap3A_3973 : i32 to index
    %swap3A_3976 = arith.index_cast %swap3A_3974 : i32 to index
    %swap3A_3977 = arith.constant 80 : index
    %swap3A_3978 = tpu.vector_load %arg11[%swap3A_3975, %swap3A_3976, %swap3A_3977] {strides = array<i32>} : memref<2x6x128xi32, #tpu.memory_space<vmem>>, vector<1x1x16xi32>,
    %swap3A_3979 = vector.shape_cast %swap3A_3978 : vector<1x1x16xi32> to vector<16xi32>
    %swap3A_3980 = vector.shape_cast %add3A_3972 : vector<16xi32> to vector<1x1x16xi32>
    tpu.vector_store %arg11[%swap3A_3975, %swap3A_3976, %swap3A_3977], %swap3A_3980 {strides = array<i32>} : memref<2x6x128xi32, #tpu.memory_space<vmem>>, vector<1x1x16xi32>,
    %get3A_3981 = arith.constant 1 : i32
    %get3A_3982 = arith.constant 3 : i32
    %get3A_3983 = arith.index_cast %get3A_3981 : i32 to index
    %get3A_3984 = arith.index_cast %get3A_3982 : i32 to index
    %get3A_3985 = arith.constant 96 : index
    %get3A_3986 = tpu.vector_load %arg11[%get3A_3983, %get3A_3984, %get3A_3985] {strides = array<i32>} : memref<2x6x128xi32, #tpu.memory_space<vmem>>, vector<1x1x16xi32>,
    %get3A_3987 = vector.shape_cast %get3A_3986 : vector<1x1x16xi32> to vector<16xi32>
    %add3A_3988 = arith.constant 348 : i32
    %add3A_3989 = vector.broadcast %add3A_3988 : i32 to vector<16xi32>
    %add3A_3990 = arith.addi %get3A_3987, %add3A_3989 : vector<16xi32>
    %swap3A_3991 = arith.constant 1 : i32
    %swap3A_3992 = arith.constant 3 : i32
    %swap3A_3993 = arith.index_cast %swap3A_3991 : i32 to index
    %swap3A_3994 = arith.index_cast %swap3A_3992 : i32 to index
    %swap3A_3995 = arith.constant 96 : index
    %swap3A_3996 = tpu.vector_load %arg11[%swap3A_3993, %swap3A_3994, %swap3A_3995] {strides = array<i32>} : memref<2x6x128xi32, #tpu.memory_space<vmem>>, vector<1x1x16xi32>,
    %swap3A_3997 = vector.shape_cast %swap3A_3996 : vector<1x1x16xi32> to vector<16xi32>
    %swap3A_3998 = vector.shape_cast %add3A_3990 : vector<16xi32> to vector<1x1x16xi32>
    tpu.vector_store %arg11[%swap3A_3993, %swap3A_3994, %swap3A_3995], %swap3A_3998 {strides = array<i32>} : memref<2x6x128xi32, #tpu.memory_space<vmem>>, vector<1x1x16xi32>,
    %get3A_3999 = arith.constant 1 : i32
    %get3A_4000 = arith.constant 3 : i32
    %get3A_4001 = arith.index_cast %get3A_3999 : i32 to index
    %get3A_4002 = arith.index_cast %get3A_4000 : i32 to index
    %get3A_4003 = arith.constant 112 : index
    %get3A_4004 = tpu.vector_load %arg11[%get3A_4001, %get3A_4002, %get3A_4003] {strides = array<i32>} : memref<2x6x128xi32, #tpu.memory_space<vmem>>, vector<1x1x16xi32>,
    %get3A_4005 = vector.shape_cast %get3A_4004 : vector<1x1x16xi32> to vector<16xi32>
    %add3A_4006 = arith.constant 348 : i32
    %add3A_4007 = vector.broadcast %add3A_4006 : i32 to vector<16xi32>
    %add3A_4008 = arith.addi %get3A_4005, %add3A_4007 : vector<16xi32>
    %swap3A_4009 = arith.constant 1 : i32
    %swap3A_4010 = arith.constant 3 : i32
    %swap3A_4011 = arith.index_cast %swap3A_4009 : i32 to index
    %swap3A_4012 = arith.index_cast %swap3A_4010 : i32 to index
    %swap3A_4013 = arith.constant 112 : index
    %swap3A_4014 = tpu.vector_load %arg11[%swap3A_4011, %swap3A_4012, %swap3A_4013] {strides = array<i32>} : memref<2x6x128xi32, #tpu.memory_space<vmem>>, vector<1x1x16xi32>,
    %swap3A_4015 = vector.shape_cast %swap3A_4014 : vector<1x1x16xi32> to vector<16xi32>
    %swap3A_4016 = vector.shape_cast %add3A_4008 : vector<16xi32> to vector<1x1x16xi32>
    tpu.vector_store %arg11[%swap3A_4011, %swap3A_4012, %swap3A_4013], %swap3A_4016 {strides = array<i32>} : memref<2x6x128xi32, #tpu.memory_space<vmem>>, vector<1x1x16xi32>,
    %get3A_4017 = arith.constant 1 : i32
    %get3A_4018 = arith.constant 4 : i32
    %get3A_4019 = arith.index_cast %get3A_4017 : i32 to index
    %get3A_4020 = arith.index_cast %get3A_4018 : i32 to index
    %get3A_4021 = arith.constant 0 : index
    %get3A_4022 = tpu.vector_load %arg11[%get3A_4019, %get3A_4020, %get3A_4021] {strides = array<i32>} : memref<2x6x128xi32, #tpu.memory_space<vmem>>, vector<1x1x16xi32>,
    %get3A_4023 = vector.shape_cast %get3A_4022 : vector<1x1x16xi32> to vector<16xi32>
    %add3A_4024 = arith.constant 874 : i32
    %add3A_4025 = vector.broadcast %add3A_4024 : i32 to vector<16xi32>
    %add3A_4026 = arith.addi %get3A_4023, %add3A_4025 : vector<16xi32>
    %swap3A_4027 = arith.constant 1 : i32
    %swap3A_4028 = arith.constant 4 : i32
    %swap3A_4029 = arith.index_cast %swap3A_4027 : i32 to index
    %swap3A_4030 = arith.index_cast %swap3A_4028 : i32 to index
    %swap3A_4031 = arith.constant 0 : index
    %swap3A_4032 = tpu.vector_load %arg11[%swap3A_4029, %swap3A_4030, %swap3A_4031] {strides = array<i32>} : memref<2x6x128xi32, #tpu.memory_space<vmem>>, vector<1x1x16xi32>,
    %swap3A_4033 = vector.shape_cast %swap3A_4032 : vector<1x1x16xi32> to vector<16xi32>
    %swap3A_4034 = vector.shape_cast %add3A_4026 : vector<16xi32> to vector<1x1x16xi32>
    tpu.vector_store %arg11[%swap3A_4029, %swap3A_4030, %swap3A_4031], %swap3A_4034 {strides = array<i32>} : memref<2x6x128xi32, #tpu.memory_space<vmem>>, vector<1x1x16xi32>,
    %get3A_4035 = arith.constant 1 : i32
    %get3A_4036 = arith.constant 4 : i32
    %get3A_4037 = arith.index_cast %get3A_4035 : i32 to index
    %get3A_4038 = arith.index_cast %get3A_4036 : i32 to index
    %get3A_4039 = arith.constant 16 : index
    %get3A_4040 = tpu.vector_load %arg11[%get3A_4037, %get3A_4038, %get3A_4039] {strides = array<i32>} : memref<2x6x128xi32, #tpu.memory_space<vmem>>, vector<1x1x16xi32>,
    %get3A_4041 = vector.shape_cast %get3A_4040 : vector<1x1x16xi32> to vector<16xi32>
    %add3A_4042 = arith.constant 874 : i32
    %add3A_4043 = vector.broadcast %add3A_4042 : i32 to vector<16xi32>
    %add3A_4044 = arith.addi %get3A_4041, %add3A_4043 : vector<16xi32>
    %swap3A_4045 = arith.constant 1 : i32
    %swap3A_4046 = arith.constant 4 : i32
    %swap3A_4047 = arith.index_cast %swap3A_4045 : i32 to index
    %swap3A_4048 = arith.index_cast %swap3A_4046 : i32 to index
    %swap3A_4049 = arith.constant 16 : index
    %swap3A_4050 = tpu.vector_load %arg11[%swap3A_4047, %swap3A_4048, %swap3A_4049] {strides = array<i32>} : memref<2x6x128xi32, #tpu.memory_space<vmem>>, vector<1x1x16xi32>,
    %swap3A_4051 = vector.shape_cast %swap3A_4050 : vector<1x1x16xi32> to vector<16xi32>
    %swap3A_4052 = vector.shape_cast %add3A_4044 : vector<16xi32> to vector<1x1x16xi32>
    tpu.vector_store %arg11[%swap3A_4047, %swap3A_4048, %swap3A_4049], %swap3A_4052 {strides = array<i32>} : memref<2x6x128xi32, #tpu.memory_space<vmem>>, vector<1x1x16xi32>,
    %get3A_4053 = arith.constant 1 : i32
    %get3A_4054 = arith.constant 4 : i32
    %get3A_4055 = arith.index_cast %get3A_4053 : i32 to index
    %get3A_4056 = arith.index_cast %get3A_4054 : i32 to index
    %get3A_4057 = arith.constant 32 : index
    %get3A_4058 = tpu.vector_load %arg11[%get3A_4055, %get3A_4056, %get3A_4057] {strides = array<i32>} : memref<2x6x128xi32, #tpu.memory_space<vmem>>, vector<1x1x16xi32>,
    %get3A_4059 = vector.shape_cast %get3A_4058 : vector<1x1x16xi32> to vector<16xi32>
    %add3A_4060 = arith.constant 874 : i32
    %add3A_4061 = vector.broadcast %add3A_4060 : i32 to vector<16xi32>
    %add3A_4062 = arith.addi %get3A_4059, %add3A_4061 : vector<16xi32>
    %swap3A_4063 = arith.constant 1 : i32
    %swap3A_4064 = arith.constant 4 : i32
    %swap3A_4065 = arith.index_cast %swap3A_4063 : i32 to index
    %swap3A_4066 = arith.index_cast %swap3A_4064 : i32 to index
    %swap3A_4067 = arith.constant 32 : index
    %swap3A_4068 = tpu.vector_load %arg11[%swap3A_4065, %swap3A_4066, %swap3A_4067] {strides = array<i32>} : memref<2x6x128xi32, #tpu.memory_space<vmem>>, vector<1x1x16xi32>,
    %swap3A_4069 = vector.shape_cast %swap3A_4068 : vector<1x1x16xi32> to vector<16xi32>
    %swap3A_4070 = vector.shape_cast %add3A_4062 : vector<16xi32> to vector<1x1x16xi32>
    tpu.vector_store %arg11[%swap3A_4065, %swap3A_4066, %swap3A_4067], %swap3A_4070 {strides = array<i32>} : memref<2x6x128xi32, #tpu.memory_space<vmem>>, vector<1x1x16xi32>,
    %get3A_4071 = arith.constant 1 : i32
    %get3A_4072 = arith.constant 4 : i32
    %get3A_4073 = arith.index_cast %get3A_4071 : i32 to index
    %get3A_4074 = arith.index_cast %get3A_4072 : i32 to index
    %get3A_4075 = arith.constant 48 : index
    %get3A_4076 = tpu.vector_load %arg11[%get3A_4073, %get3A_4074, %get3A_4075] {strides = array<i32>} : memref<2x6x128xi32, #tpu.memory_space<vmem>>, vector<1x1x16xi32>,
    %get3A_4077 = vector.shape_cast %get3A_4076 : vector<1x1x16xi32> to vector<16xi32>
    %add3A_4078 = arith.constant 874 : i32
    %add3A_4079 = vector.broadcast %add3A_4078 : i32 to vector<16xi32>
    %add3A_4080 = arith.addi %get3A_4077, %add3A_4079 : vector<16xi32>
    %swap3A_4081 = arith.constant 1 : i32
    %swap3A_4082 = arith.constant 4 : i32
    %swap3A_4083 = arith.index_cast %swap3A_4081 : i32 to index
    %swap3A_4084 = arith.index_cast %swap3A_4082 : i32 to index
    %swap3A_4085 = arith.constant 48 : index
    %swap3A_4086 = tpu.vector_load %arg11[%swap3A_4083, %swap3A_4084, %swap3A_4085] {strides = array<i32>} : memref<2x6x128xi32, #tpu.memory_space<vmem>>, vector<1x1x16xi32>,
    %swap3A_4087 = vector.shape_cast %swap3A_4086 : vector<1x1x16xi32> to vector<16xi32>
    %swap3A_4088 = vector.shape_cast %add3A_4080 : vector<16xi32> to vector<1x1x16xi32>
    tpu.vector_store %arg11[%swap3A_4083, %swap3A_4084, %swap3A_4085], %swap3A_4088 {strides = array<i32>} : memref<2x6x128xi32, #tpu.memory_space<vmem>>, vector<1x1x16xi32>,
    %get3A_4089 = arith.constant 1 : i32
    %get3A_4090 = arith.constant 4 : i32
    %get3A_4091 = arith.index_cast %get3A_4089 : i32 to index
    %get3A_4092 = arith.index_cast %get3A_4090 : i32 to index
    %get3A_4093 = arith.constant 64 : index
    %get3A_4094 = tpu.vector_load %arg11[%get3A_4091, %get3A_4092, %get3A_4093] {strides = array<i32>} : memref<2x6x128xi32, #tpu.memory_space<vmem>>, vector<1x1x16xi32>,
    %get3A_4095 = vector.shape_cast %get3A_4094 : vector<1x1x16xi32> to vector<16xi32>
    %add3A_4096 = arith.constant 874 : i32
    %add3A_4097 = vector.broadcast %add3A_4096 : i32 to vector<16xi32>
    %add3A_4098 = arith.addi %get3A_4095, %add3A_4097 : vector<16xi32>
    %swap3A_4099 = arith.constant 1 : i32
    %swap3A_4100 = arith.constant 4 : i32
    %swap3A_4101 = arith.index_cast %swap3A_4099 : i32 to index
    %swap3A_4102 = arith.index_cast %swap3A_4100 : i32 to index
    %swap3A_4103 = arith.constant 64 : index
    %swap3A_4104 = tpu.vector_load %arg11[%swap3A_4101, %swap3A_4102, %swap3A_4103] {strides = array<i32>} : memref<2x6x128xi32, #tpu.memory_space<vmem>>, vector<1x1x16xi32>,
    %swap3A_4105 = vector.shape_cast %swap3A_4104 : vector<1x1x16xi32> to vector<16xi32>
    %swap3A_4106 = vector.shape_cast %add3A_4098 : vector<16xi32> to vector<1x1x16xi32>
    tpu.vector_store %arg11[%swap3A_4101, %swap3A_4102, %swap3A_4103], %swap3A_4106 {strides = array<i32>} : memref<2x6x128xi32, #tpu.memory_space<vmem>>, vector<1x1x16xi32>,
    %get3A_4107 = arith.constant 1 : i32
    %get3A_4108 = arith.constant 4 : i32
    %get3A_4109 = arith.index_cast %get3A_4107 : i32 to index
    %get3A_4110 = arith.index_cast %get3A_4108 : i32 to index
    %get3A_4111 = arith.constant 80 : index
    %get3A_4112 = tpu.vector_load %arg11[%get3A_4109, %get3A_4110, %get3A_4111] {strides = array<i32>} : memref<2x6x128xi32, #tpu.memory_space<vmem>>, vector<1x1x16xi32>,
    %get3A_4113 = vector.shape_cast %get3A_4112 : vector<1x1x16xi32> to vector<16xi32>
    %add3A_4114 = arith.constant 874 : i32
    %add3A_4115 = vector.broadcast %add3A_4114 : i32 to vector<16xi32>
    %add3A_4116 = arith.addi %get3A_4113, %add3A_4115 : vector<16xi32>
    %swap3A_4117 = arith.constant 1 : i32
    %swap3A_4118 = arith.constant 4 : i32
    %swap3A_4119 = arith.index_cast %swap3A_4117 : i32 to index
    %swap3A_4120 = arith.index_cast %swap3A_4118 : i32 to index
    %swap3A_4121 = arith.constant 80 : index
    %swap3A_4122 = tpu.vector_load %arg11[%swap3A_4119, %swap3A_4120, %swap3A_4121] {strides = array<i32>} : memref<2x6x128xi32, #tpu.memory_space<vmem>>, vector<1x1x16xi32>,
    %swap3A_4123 = vector.shape_cast %swap3A_4122 : vector<1x1x16xi32> to vector<16xi32>
    %swap3A_4124 = vector.shape_cast %add3A_4116 : vector<16xi32> to vector<1x1x16xi32>
    tpu.vector_store %arg11[%swap3A_4119, %swap3A_4120, %swap3A_4121], %swap3A_4124 {strides = array<i32>} : memref<2x6x128xi32, #tpu.memory_space<vmem>>, vector<1x1x16xi32>,
    %get3A_4125 = arith.constant 1 : i32
    %get3A_4126 = arith.constant 4 : i32
    %get3A_4127 = arith.index_cast %get3A_4125 : i32 to index
    %get3A_4128 = arith.index_cast %get3A_4126 : i32 to index
    %get3A_4129 = arith.constant 96 : index
    %get3A_4130 = tpu.vector_load %arg11[%get3A_4127, %get3A_4128, %get3A_4129] {strides = array<i32>} : memref<2x6x128xi32, #tpu.memory_space<vmem>>, vector<1x1x16xi32>,
    %get3A_4131 = vector.shape_cast %get3A_4130 : vector<1x1x16xi32> to vector<16xi32>
    %add3A_4132 = arith.constant 874 : i32
    %add3A_4133 = vector.broadcast %add3A_4132 : i32 to vector<16xi32>
    %add3A_4134 = arith.addi %get3A_4131, %add3A_4133 : vector<16xi32>
    %swap3A_4135 = arith.constant 1 : i32
    %swap3A_4136 = arith.constant 4 : i32
    %swap3A_4137 = arith.index_cast %swap3A_4135 : i32 to index
    %swap3A_4138 = arith.index_cast %swap3A_4136 : i32 to index
    %swap3A_4139 = arith.constant 96 : index
    %swap3A_4140 = tpu.vector_load %arg11[%swap3A_4137, %swap3A_4138, %swap3A_4139] {strides = array<i32>} : memref<2x6x128xi32, #tpu.memory_space<vmem>>, vector<1x1x16xi32>,
    %swap3A_4141 = vector.shape_cast %swap3A_4140 : vector<1x1x16xi32> to vector<16xi32>
    %swap3A_4142 = vector.shape_cast %add3A_4134 : vector<16xi32> to vector<1x1x16xi32>
    tpu.vector_store %arg11[%swap3A_4137, %swap3A_4138, %swap3A_4139], %swap3A_4142 {strides = array<i32>} : memref<2x6x128xi32, #tpu.memory_space<vmem>>, vector<1x1x16xi32>,
    %get3A_4143 = arith.constant 1 : i32
    %get3A_4144 = arith.constant 4 : i32
    %get3A_4145 = arith.index_cast %get3A_4143 : i32 to index
    %get3A_4146 = arith.index_cast %get3A_4144 : i32 to index
    %get3A_4147 = arith.constant 112 : index
    %get3A_4148 = tpu.vector_load %arg11[%get3A_4145, %get3A_4146, %get3A_4147] {strides = array<i32>} : memref<2x6x128xi32, #tpu.memory_space<vmem>>, vector<1x1x16xi32>,
    %get3A_4149 = vector.shape_cast %get3A_4148 : vector<1x1x16xi32> to vector<16xi32>
    %add3A_4150 = arith.constant 874 : i32
    %add3A_4151 = vector.broadcast %add3A_4150 : i32 to vector<16xi32>
    %add3A_4152 = arith.addi %get3A_4149, %add3A_4151 : vector<16xi32>
    %swap3A_4153 = arith.constant 1 : i32
    %swap3A_4154 = arith.constant 4 : i32
    %swap3A_4155 = arith.index_cast %swap3A_4153 : i32 to index
    %swap3A_4156 = arith.index_cast %swap3A_4154 : i32 to index
    %swap3A_4157 = arith.constant 112 : index
    %swap3A_4158 = tpu.vector_load %arg11[%swap3A_4155, %swap3A_4156, %swap3A_4157] {strides = array<i32>} : memref<2x6x128xi32, #tpu.memory_space<vmem>>, vector<1x1x16xi32>,
    %swap3A_4159 = vector.shape_cast %swap3A_4158 : vector<1x1x16xi32> to vector<16xi32>
    %swap3A_4160 = vector.shape_cast %add3A_4152 : vector<16xi32> to vector<1x1x16xi32>
    tpu.vector_store %arg11[%swap3A_4155, %swap3A_4156, %swap3A_4157], %swap3A_4160 {strides = array<i32>} : memref<2x6x128xi32, #tpu.memory_space<vmem>>, vector<1x1x16xi32>,
    %get3A_4161 = arith.constant 1 : i32
    %get3A_4162 = arith.constant 5 : i32
    %get3A_4163 = arith.index_cast %get3A_4161 : i32 to index
    %get3A_4164 = arith.index_cast %get3A_4162 : i32 to index
    %get3A_4165 = arith.constant 0 : index
    %get3A_4166 = tpu.vector_load %arg11[%get3A_4163, %get3A_4164, %get3A_4165] {strides = array<i32>} : memref<2x6x128xi32, #tpu.memory_space<vmem>>, vector<1x1x16xi32>,
    %get3A_4167 = vector.shape_cast %get3A_4166 : vector<1x1x16xi32> to vector<16xi32>
    %add3A_4168 = arith.constant 895 : i32
    %add3A_4169 = vector.broadcast %add3A_4168 : i32 to vector<16xi32>
    %add3A_4170 = arith.addi %get3A_4167, %add3A_4169 : vector<16xi32>
    %swap3A_4171 = arith.constant 1 : i32
    %swap3A_4172 = arith.constant 5 : i32
    %swap3A_4173 = arith.index_cast %swap3A_4171 : i32 to index
    %swap3A_4174 = arith.index_cast %swap3A_4172 : i32 to index
    %swap3A_4175 = arith.constant 0 : index
    %swap3A_4176 = tpu.vector_load %arg11[%swap3A_4173, %swap3A_4174, %swap3A_4175] {strides = array<i32>} : memref<2x6x128xi32, #tpu.memory_space<vmem>>, vector<1x1x16xi32>,
    %swap3A_4177 = vector.shape_cast %swap3A_4176 : vector<1x1x16xi32> to vector<16xi32>
    %swap3A_4178 = vector.shape_cast %add3A_4170 : vector<16xi32> to vector<1x1x16xi32>
    tpu.vector_store %arg11[%swap3A_4173, %swap3A_4174, %swap3A_4175], %swap3A_4178 {strides = array<i32>} : memref<2x6x128xi32, #tpu.memory_space<vmem>>, vector<1x1x16xi32>,
    %get3A_4179 = arith.constant 1 : i32
    %get3A_4180 = arith.constant 5 : i32
    %get3A_4181 = arith.index_cast %get3A_4179 : i32 to index
    %get3A_4182 = arith.index_cast %get3A_4180 : i32 to index
    %get3A_4183 = arith.constant 16 : index
    %get3A_4184 = tpu.vector_load %arg11[%get3A_4181, %get3A_4182, %get3A_4183] {strides = array<i32>} : memref<2x6x128xi32, #tpu.memory_space<vmem>>, vector<1x1x16xi32>,
    %get3A_4185 = vector.shape_cast %get3A_4184 : vector<1x1x16xi32> to vector<16xi32>
    %add3A_4186 = arith.constant 895 : i32
    %add3A_4187 = vector.broadcast %add3A_4186 : i32 to vector<16xi32>
    %add3A_4188 = arith.addi %get3A_4185, %add3A_4187 : vector<16xi32>
    %swap3A_4189 = arith.constant 1 : i32
    %swap3A_4190 = arith.constant 5 : i32
    %swap3A_4191 = arith.index_cast %swap3A_4189 : i32 to index
    %swap3A_4192 = arith.index_cast %swap3A_4190 : i32 to index
    %swap3A_4193 = arith.constant 16 : index
    %swap3A_4194 = tpu.vector_load %arg11[%swap3A_4191, %swap3A_4192, %swap3A_4193] {strides = array<i32>} : memref<2x6x128xi32, #tpu.memory_space<vmem>>, vector<1x1x16xi32>,
    %swap3A_4195 = vector.shape_cast %swap3A_4194 : vector<1x1x16xi32> to vector<16xi32>
    %swap3A_4196 = vector.shape_cast %add3A_4188 : vector<16xi32> to vector<1x1x16xi32>
    tpu.vector_store %arg11[%swap3A_4191, %swap3A_4192, %swap3A_4193], %swap3A_4196 {strides = array<i32>} : memref<2x6x128xi32, #tpu.memory_space<vmem>>, vector<1x1x16xi32>,
    %get3A_4197 = arith.constant 1 : i32
    %get3A_4198 = arith.constant 5 : i32
    %get3A_4199 = arith.index_cast %get3A_4197 : i32 to index
    %get3A_4200 = arith.index_cast %get3A_4198 : i32 to index
    %get3A_4201 = arith.constant 32 : index
    %get3A_4202 = tpu.vector_load %arg11[%get3A_4199, %get3A_4200, %get3A_4201] {strides = array<i32>} : memref<2x6x128xi32, #tpu.memory_space<vmem>>, vector<1x1x16xi32>,
    %get3A_4203 = vector.shape_cast %get3A_4202 : vector<1x1x16xi32> to vector<16xi32>
    %add3A_4204 = arith.constant 895 : i32
    %add3A_4205 = vector.broadcast %add3A_4204 : i32 to vector<16xi32>
    %add3A_4206 = arith.addi %get3A_4203, %add3A_4205 : vector<16xi32>
    %swap3A_4207 = arith.constant 1 : i32
    %swap3A_4208 = arith.constant 5 : i32
    %swap3A_4209 = arith.index_cast %swap3A_4207 : i32 to index
    %swap3A_4210 = arith.index_cast %swap3A_4208 : i32 to index
    %swap3A_4211 = arith.constant 32 : index
    %swap3A_4212 = tpu.vector_load %arg11[%swap3A_4209, %swap3A_4210, %swap3A_4211] {strides = array<i32>} : memref<2x6x128xi32, #tpu.memory_space<vmem>>, vector<1x1x16xi32>,
    %swap3A_4213 = vector.shape_cast %swap3A_4212 : vector<1x1x16xi32> to vector<16xi32>
    %swap3A_4214 = vector.shape_cast %add3A_4206 : vector<16xi32> to vector<1x1x16xi32>
    tpu.vector_store %arg11[%swap3A_4209, %swap3A_4210, %swap3A_4211], %swap3A_4214 {strides = array<i32>} : memref<2x6x128xi32, #tpu.memory_space<vmem>>, vector<1x1x16xi32>,
    %get3A_4215 = arith.constant 1 : i32
    %get3A_4216 = arith.constant 5 : i32
    %get3A_4217 = arith.index_cast %get3A_4215 : i32 to index
    %get3A_4218 = arith.index_cast %get3A_4216 : i32 to index
    %get3A_4219 = arith.constant 48 : index
    %get3A_4220 = tpu.vector_load %arg11[%get3A_4217, %get3A_4218, %get3A_4219] {strides = array<i32>} : memref<2x6x128xi32, #tpu.memory_space<vmem>>, vector<1x1x16xi32>,
    %get3A_4221 = vector.shape_cast %get3A_4220 : vector<1x1x16xi32> to vector<16xi32>
    %add3A_4222 = arith.constant 895 : i32
    %add3A_4223 = vector.broadcast %add3A_4222 : i32 to vector<16xi32>
    %add3A_4224 = arith.addi %get3A_4221, %add3A_4223 : vector<16xi32>
    %swap3A_4225 = arith.constant 1 : i32
    %swap3A_4226 = arith.constant 5 : i32
    %swap3A_4227 = arith.index_cast %swap3A_4225 : i32 to index
    %swap3A_4228 = arith.index_cast %swap3A_4226 : i32 to index
    %swap3A_4229 = arith.constant 48 : index
    %swap3A_4230 = tpu.vector_load %arg11[%swap3A_4227, %swap3A_4228, %swap3A_4229] {strides = array<i32>} : memref<2x6x128xi32, #tpu.memory_space<vmem>>, vector<1x1x16xi32>,
    %swap3A_4231 = vector.shape_cast %swap3A_4230 : vector<1x1x16xi32> to vector<16xi32>
    %swap3A_4232 = vector.shape_cast %add3A_4224 : vector<16xi32> to vector<1x1x16xi32>
    tpu.vector_store %arg11[%swap3A_4227, %swap3A_4228, %swap3A_4229], %swap3A_4232 {strides = array<i32>} : memref<2x6x128xi32, #tpu.memory_space<vmem>>, vector<1x1x16xi32>,
    %get3A_4233 = arith.constant 1 : i32
    %get3A_4234 = arith.constant 5 : i32
    %get3A_4235 = arith.index_cast %get3A_4233 : i32 to index
    %get3A_4236 = arith.index_cast %get3A_4234 : i32 to index
    %get3A_4237 = arith.constant 64 : index
    %get3A_4238 = tpu.vector_load %arg11[%get3A_4235, %get3A_4236, %get3A_4237] {strides = array<i32>} : memref<2x6x128xi32, #tpu.memory_space<vmem>>, vector<1x1x16xi32>,
    %get3A_4239 = vector.shape_cast %get3A_4238 : vector<1x1x16xi32> to vector<16xi32>
    %add3A_4240 = arith.constant 895 : i32
    %add3A_4241 = vector.broadcast %add3A_4240 : i32 to vector<16xi32>
    %add3A_4242 = arith.addi %get3A_4239, %add3A_4241 : vector<16xi32>
    %swap3A_4243 = arith.constant 1 : i32
    %swap3A_4244 = arith.constant 5 : i32
    %swap3A_4245 = arith.index_cast %swap3A_4243 : i32 to index
    %swap3A_4246 = arith.index_cast %swap3A_4244 : i32 to index
    %swap3A_4247 = arith.constant 64 : index
    %swap3A_4248 = tpu.vector_load %arg11[%swap3A_4245, %swap3A_4246, %swap3A_4247] {strides = array<i32>} : memref<2x6x128xi32, #tpu.memory_space<vmem>>, vector<1x1x16xi32>,
    %swap3A_4249 = vector.shape_cast %swap3A_4248 : vector<1x1x16xi32> to vector<16xi32>
    %swap3A_4250 = vector.shape_cast %add3A_4242 : vector<16xi32> to vector<1x1x16xi32>
    tpu.vector_store %arg11[%swap3A_4245, %swap3A_4246, %swap3A_4247], %swap3A_4250 {strides = array<i32>} : memref<2x6x128xi32, #tpu.memory_space<vmem>>, vector<1x1x16xi32>,
    %get3A_4251 = arith.constant 1 : i32
    %get3A_4252 = arith.constant 5 : i32
    %get3A_4253 = arith.index_cast %get3A_4251 : i32 to index
    %get3A_4254 = arith.index_cast %get3A_4252 : i32 to index
    %get3A_4255 = arith.constant 80 : index
    %get3A_4256 = tpu.vector_load %arg11[%get3A_4253, %get3A_4254, %get3A_4255] {strides = array<i32>} : memref<2x6x128xi32, #tpu.memory_space<vmem>>, vector<1x1x16xi32>,
    %get3A_4257 = vector.shape_cast %get3A_4256 : vector<1x1x16xi32> to vector<16xi32>
    %add3A_4258 = arith.constant 895 : i32
    %add3A_4259 = vector.broadcast %add3A_4258 : i32 to vector<16xi32>
    %add3A_4260 = arith.addi %get3A_4257, %add3A_4259 : vector<16xi32>
    %swap3A_4261 = arith.constant 1 : i32
    %swap3A_4262 = arith.constant 5 : i32
    %swap3A_4263 = arith.index_cast %swap3A_4261 : i32 to index
    %swap3A_4264 = arith.index_cast %swap3A_4262 : i32 to index
    %swap3A_4265 = arith.constant 80 : index
    %swap3A_4266 = tpu.vector_load %arg11[%swap3A_4263, %swap3A_4264, %swap3A_4265] {strides = array<i32>} : memref<2x6x128xi32, #tpu.memory_space<vmem>>, vector<1x1x16xi32>,
    %swap3A_4267 = vector.shape_cast %swap3A_4266 : vector<1x1x16xi32> to vector<16xi32>
    %swap3A_4268 = vector.shape_cast %add3A_4260 : vector<16xi32> to vector<1x1x16xi32>
    tpu.vector_store %arg11[%swap3A_4263, %swap3A_4264, %swap3A_4265], %swap3A_4268 {strides = array<i32>} : memref<2x6x128xi32, #tpu.memory_space<vmem>>, vector<1x1x16xi32>,
    %get3A_4269 = arith.constant 1 : i32
    %get3A_4270 = arith.constant 5 : i32
    %get3A_4271 = arith.index_cast %get3A_4269 : i32 to index
    %get3A_4272 = arith.index_cast %get3A_4270 : i32 to index
    %get3A_4273 = arith.constant 96 : index
    %get3A_4274 = tpu.vector_load %arg11[%get3A_4271, %get3A_4272, %get3A_4273] {strides = array<i32>} : memref<2x6x128xi32, #tpu.memory_space<vmem>>, vector<1x1x16xi32>,
    %get3A_4275 = vector.shape_cast %get3A_4274 : vector<1x1x16xi32> to vector<16xi32>
    %add3A_4276 = arith.constant 895 : i32
    %add3A_4277 = vector.broadcast %add3A_4276 : i32 to vector<16xi32>
    %add3A_4278 = arith.addi %get3A_4275, %add3A_4277 : vector<16xi32>
    %swap3A_4279 = arith.constant 1 : i32
    %swap3A_4280 = arith.constant 5 : i32
    %swap3A_4281 = arith.index_cast %swap3A_4279 : i32 to index
    %swap3A_4282 = arith.index_cast %swap3A_4280 : i32 to index
    %swap3A_4283 = arith.constant 96 : index
    %swap3A_4284 = tpu.vector_load %arg11[%swap3A_4281, %swap3A_4282, %swap3A_4283] {strides = array<i32>} : memref<2x6x128xi32, #tpu.memory_space<vmem>>, vector<1x1x16xi32>,
    %swap3A_4285 = vector.shape_cast %swap3A_4284 : vector<1x1x16xi32> to vector<16xi32>
    %swap3A_4286 = vector.shape_cast %add3A_4278 : vector<16xi32> to vector<1x1x16xi32>
    tpu.vector_store %arg11[%swap3A_4281, %swap3A_4282, %swap3A_4283], %swap3A_4286 {strides = array<i32>} : memref<2x6x128xi32, #tpu.memory_space<vmem>>, vector<1x1x16xi32>,
    %get3A_4287 = arith.constant 1 : i32
    %get3A_4288 = arith.constant 5 : i32
    %get3A_4289 = arith.index_cast %get3A_4287 : i32 to index
    %get3A_4290 = arith.index_cast %get3A_4288 : i32 to index
    %get3A_4291 = arith.constant 112 : index
    %get3A_4292 = tpu.vector_load %arg11[%get3A_4289, %get3A_4290, %get3A_4291] {strides = array<i32>} : memref<2x6x128xi32, #tpu.memory_space<vmem>>, vector<1x1x16xi32>,
    %get3A_4293 = vector.shape_cast %get3A_4292 : vector<1x1x16xi32> to vector<16xi32>
    %add3A_4294 = arith.constant 895 : i32
    %add3A_4295 = vector.broadcast %add3A_4294 : i32 to vector<16xi32>
    %add3A_4296 = arith.addi %get3A_4293, %add3A_4295 : vector<16xi32>
    %swap3A_4297 = arith.constant 1 : i32
    %swap3A_4298 = arith.constant 5 : i32
    %swap3A_4299 = arith.index_cast %swap3A_4297 : i32 to index
    %swap3A_4300 = arith.index_cast %swap3A_4298 : i32 to index
    %swap3A_4301 = arith.constant 112 : index
    %swap3A_4302 = tpu.vector_load %arg11[%swap3A_4299, %swap3A_4300, %swap3A_4301] {strides = array<i32>} : memref<2x6x128xi32, #tpu.memory_space<vmem>>, vector<1x1x16xi32>,
    %swap3A_4303 = vector.shape_cast %swap3A_4302 : vector<1x1x16xi32> to vector<16xi32>
    %swap3A_4304 = vector.shape_cast %add3A_4296 : vector<16xi32> to vector<1x1x16xi32>
    tpu.vector_store %arg11[%swap3A_4299, %swap3A_4300, %swap3A_4301], %swap3A_4304 {strides = array<i32>} : memref<2x6x128xi32, #tpu.memory_space<vmem>>, vector<1x1x16xi32>,
    %dma_start3A_4305 = arith.constant 1 : i32
    %dma_start3A_4306 = arith.constant 0 : i32
    %dma_start3A_4307 = arith.constant 1 : i32
    %dma_start3A_4308 = arith.constant 0 : i32
    %dma_start3A_4309 = arith.constant 0 : i32
    %dma_start3A_4310 = arith.constant 0 : i32
    %dma_start3A_4311 = tpu.memref_slice %arg12[%dma_start3A_4307, %dma_start3A_4308, %dma_start3A_4309, %dma_start3A_4310] : memref<2x6x128x64xf32, #tpu.memory_space<vmem>> -> memref<1x1x128x64xf32, #tpu.memory_space<vmem>>
    %dma_start3A_4312 = tpu.memref_squeeze %dma_start3A_4311 : memref<1x1x128x64xf32, #tpu.memory_space<vmem>> -> memref<128x64xf32, #tpu.memory_space<vmem>>
    %dma_start3A_4313 = arith.constant 0 : i32
    %dma_start3A_4314 = tpu.memref_slice %arg11[%dma_start3A_4305, %dma_start3A_4306, %dma_start3A_4313] : memref<2x6x128xi32, #tpu.memory_space<vmem>> -> memref<1x1x128xi32, #tpu.memory_space<vmem>>
    %dma_start3A_4315 = tpu.memref_squeeze %dma_start3A_4314 : memref<1x1x128xi32, #tpu.memory_space<vmem>> -> memref<128xi32, #tpu.memory_space<vmem>>
    %dma_start3A_4316 = arith.constant 0 : i32
    %dma_start3A_4317 = arith.constant 0 : i32
    %dma_start3A_4318 = tpu.memref_slice %arg14[%dma_start3A_4316, %dma_start3A_4317] : memref<945x64xf32, #tpu.memory_space<vmem_shared>> -> memref<945x64xf32, #tpu.memory_space<vmem_shared>>
    tpu.enqueue_indirect_dma source(%dma_start3A_4318 : memref<945x64xf32, #tpu.memory_space<vmem_shared>>) target(%dma_start3A_4312 : memref<128x64xf32, #tpu.memory_space<vmem>>) offsets(%dma_start3A_4315 : memref<128xi32, #tpu.memory_space<vmem>>) semaphore(%arg16 : memref<!tpu.dma_semaphore, #tpu.memory_space<semaphore_mem>>)
    %dma_start3A_4319 = arith.constant 1 : i32
    %dma_start3A_4320 = arith.constant 1 : i32
    %dma_start3A_4321 = arith.constant 1 : i32
    %dma_start3A_4322 = arith.constant 1 : i32
    %dma_start3A_4323 = arith.constant 0 : i32
    %dma_start3A_4324 = arith.constant 0 : i32
    %dma_start3A_4325 = tpu.memref_slice %arg12[%dma_start3A_4321, %dma_start3A_4322, %dma_start3A_4323, %dma_start3A_4324] : memref<2x6x128x64xf32, #tpu.memory_space<vmem>> -> memref<1x1x128x64xf32, #tpu.memory_space<vmem>>
    %dma_start3A_4326 = tpu.memref_squeeze %dma_start3A_4325 : memref<1x1x128x64xf32, #tpu.memory_space<vmem>> -> memref<128x64xf32, #tpu.memory_space<vmem>>
    %dma_start3A_4327 = arith.constant 0 : i32
    %dma_start3A_4328 = tpu.memref_slice %arg11[%dma_start3A_4319, %dma_start3A_4320, %dma_start3A_4327] : memref<2x6x128xi32, #tpu.memory_space<vmem>> -> memref<1x1x128xi32, #tpu.memory_space<vmem>>
    %dma_start3A_4329 = tpu.memref_squeeze %dma_start3A_4328 : memref<1x1x128xi32, #tpu.memory_space<vmem>> -> memref<128xi32, #tpu.memory_space<vmem>>
    %dma_start3A_4330 = arith.constant 0 : i32
    %dma_start3A_4331 = arith.constant 0 : i32
    %dma_start3A_4332 = tpu.memref_slice %arg14[%dma_start3A_4330, %dma_start3A_4331] : memref<945x64xf32, #tpu.memory_space<vmem_shared>> -> memref<945x64xf32, #tpu.memory_space<vmem_shared>>
    tpu.enqueue_indirect_dma source(%dma_start3A_4332 : memref<945x64xf32, #tpu.memory_space<vmem_shared>>) target(%dma_start3A_4326 : memref<128x64xf32, #tpu.memory_space<vmem>>) offsets(%dma_start3A_4329 : memref<128xi32, #tpu.memory_space<vmem>>) semaphore(%arg16 : memref<!tpu.dma_semaphore, #tpu.memory_space<semaphore_mem>>)
    %dma_start3A_4333 = arith.constant 1 : i32
    %dma_start3A_4334 = arith.constant 2 : i32
    %dma_start3A_4335 = arith.constant 1 : i32
    %dma_start3A_4336 = arith.constant 2 : i32
    %dma_start3A_4337 = arith.constant 0 : i32
    %dma_start3A_4338 = arith.constant 0 : i32
    %dma_start3A_4339 = tpu.memref_slice %arg12[%dma_start3A_4335, %dma_start3A_4336, %dma_start3A_4337, %dma_start3A_4338] : memref<2x6x128x64xf32, #tpu.memory_space<vmem>> -> memref<1x1x128x64xf32, #tpu.memory_space<vmem>>
    %dma_start3A_4340 = tpu.memref_squeeze %dma_start3A_4339 : memref<1x1x128x64xf32, #tpu.memory_space<vmem>> -> memref<128x64xf32, #tpu.memory_space<vmem>>
    %dma_start3A_4341 = arith.constant 0 : i32
    %dma_start3A_4342 = tpu.memref_slice %arg11[%dma_start3A_4333, %dma_start3A_4334, %dma_start3A_4341] : memref<2x6x128xi32, #tpu.memory_space<vmem>> -> memref<1x1x128xi32, #tpu.memory_space<vmem>>
    %dma_start3A_4343 = tpu.memref_squeeze %dma_start3A_4342 : memref<1x1x128xi32, #tpu.memory_space<vmem>> -> memref<128xi32, #tpu.memory_space<vmem>>
    %dma_start3A_4344 = arith.constant 0 : i32
    %dma_start3A_4345 = arith.constant 0 : i32
    %dma_start3A_4346 = tpu.memref_slice %arg14[%dma_start3A_4344, %dma_start3A_4345] : memref<945x64xf32, #tpu.memory_space<vmem_shared>> -> memref<945x64xf32, #tpu.memory_space<vmem_shared>>
    tpu.enqueue_indirect_dma source(%dma_start3A_4346 : memref<945x64xf32, #tpu.memory_space<vmem_shared>>) target(%dma_start3A_4340 : memref<128x64xf32, #tpu.memory_space<vmem>>) offsets(%dma_start3A_4343 : memref<128xi32, #tpu.memory_space<vmem>>) semaphore(%arg16 : memref<!tpu.dma_semaphore, #tpu.memory_space<semaphore_mem>>)
    %dma_start3A_4347 = arith.constant 1 : i32
    %dma_start3A_4348 = arith.constant 3 : i32
    %dma_start3A_4349 = arith.constant 1 : i32
    %dma_start3A_4350 = arith.constant 3 : i32
    %dma_start3A_4351 = arith.constant 0 : i32
    %dma_start3A_4352 = arith.constant 0 : i32
    %dma_start3A_4353 = tpu.memref_slice %arg12[%dma_start3A_4349, %dma_start3A_4350, %dma_start3A_4351, %dma_start3A_4352] : memref<2x6x128x64xf32, #tpu.memory_space<vmem>> -> memref<1x1x128x64xf32, #tpu.memory_space<vmem>>
    %dma_start3A_4354 = tpu.memref_squeeze %dma_start3A_4353 : memref<1x1x128x64xf32, #tpu.memory_space<vmem>> -> memref<128x64xf32, #tpu.memory_space<vmem>>
    %dma_start3A_4355 = arith.constant 0 : i32
    %dma_start3A_4356 = tpu.memref_slice %arg11[%dma_start3A_4347, %dma_start3A_4348, %dma_start3A_4355] : memref<2x6x128xi32, #tpu.memory_space<vmem>> -> memref<1x1x128xi32, #tpu.memory_space<vmem>>
    %dma_start3A_4357 = tpu.memref_squeeze %dma_start3A_4356 : memref<1x1x128xi32, #tpu.memory_space<vmem>> -> memref<128xi32, #tpu.memory_space<vmem>>
    %dma_start3A_4358 = arith.constant 0 : i32
    %dma_start3A_4359 = arith.constant 0 : i32
    %dma_start3A_4360 = tpu.memref_slice %arg14[%dma_start3A_4358, %dma_start3A_4359] : memref<945x64xf32, #tpu.memory_space<vmem_shared>> -> memref<945x64xf32, #tpu.memory_space<vmem_shared>>
    tpu.enqueue_indirect_dma source(%dma_start3A_4360 : memref<945x64xf32, #tpu.memory_space<vmem_shared>>) target(%dma_start3A_4354 : memref<128x64xf32, #tpu.memory_space<vmem>>) offsets(%dma_start3A_4357 : memref<128xi32, #tpu.memory_space<vmem>>) semaphore(%arg16 : memref<!tpu.dma_semaphore, #tpu.memory_space<semaphore_mem>>)
    %dma_start3A_4361 = arith.constant 1 : i32
    %dma_start3A_4362 = arith.constant 4 : i32
    %dma_start3A_4363 = arith.constant 1 : i32
    %dma_start3A_4364 = arith.constant 4 : i32
    %dma_start3A_4365 = arith.constant 0 : i32
    %dma_start3A_4366 = arith.constant 0 : i32
    %dma_start3A_4367 = tpu.memref_slice %arg12[%dma_start3A_4363, %dma_start3A_4364, %dma_start3A_4365, %dma_start3A_4366] : memref<2x6x128x64xf32, #tpu.memory_space<vmem>> -> memref<1x1x128x64xf32, #tpu.memory_space<vmem>>
    %dma_start3A_4368 = tpu.memref_squeeze %dma_start3A_4367 : memref<1x1x128x64xf32, #tpu.memory_space<vmem>> -> memref<128x64xf32, #tpu.memory_space<vmem>>
    %dma_start3A_4369 = arith.constant 0 : i32
    %dma_start3A_4370 = tpu.memref_slice %arg11[%dma_start3A_4361, %dma_start3A_4362, %dma_start3A_4369] : memref<2x6x128xi32, #tpu.memory_space<vmem>> -> memref<1x1x128xi32, #tpu.memory_space<vmem>>
    %dma_start3A_4371 = tpu.memref_squeeze %dma_start3A_4370 : memref<1x1x128xi32, #tpu.memory_space<vmem>> -> memref<128xi32, #tpu.memory_space<vmem>>
    %dma_start3A_4372 = arith.constant 0 : i32
    %dma_start3A_4373 = arith.constant 0 : i32
    %dma_start3A_4374 = tpu.memref_slice %arg14[%dma_start3A_4372, %dma_start3A_4373] : memref<945x64xf32, #tpu.memory_space<vmem_shared>> -> memref<945x64xf32, #tpu.memory_space<vmem_shared>>
    tpu.enqueue_indirect_dma source(%dma_start3A_4374 : memref<945x64xf32, #tpu.memory_space<vmem_shared>>) target(%dma_start3A_4368 : memref<128x64xf32, #tpu.memory_space<vmem>>) offsets(%dma_start3A_4371 : memref<128xi32, #tpu.memory_space<vmem>>) semaphore(%arg16 : memref<!tpu.dma_semaphore, #tpu.memory_space<semaphore_mem>>)
    %dma_start3A_4375 = arith.constant 1 : i32
    %dma_start3A_4376 = arith.constant 5 : i32
    %dma_start3A_4377 = arith.constant 1 : i32
    %dma_start3A_4378 = arith.constant 5 : i32
    %dma_start3A_4379 = arith.constant 0 : i32
    %dma_start3A_4380 = arith.constant 0 : i32
    %dma_start3A_4381 = tpu.memref_slice %arg12[%dma_start3A_4377, %dma_start3A_4378, %dma_start3A_4379, %dma_start3A_4380] : memref<2x6x128x64xf32, #tpu.memory_space<vmem>> -> memref<1x1x128x64xf32, #tpu.memory_space<vmem>>
    %dma_start3A_4382 = tpu.memref_squeeze %dma_start3A_4381 : memref<1x1x128x64xf32, #tpu.memory_space<vmem>> -> memref<128x64xf32, #tpu.memory_space<vmem>>
    %dma_start3A_4383 = arith.constant 0 : i32
    %dma_start3A_4384 = tpu.memref_slice %arg11[%dma_start3A_4375, %dma_start3A_4376, %dma_start3A_4383] : memref<2x6x128xi32, #tpu.memory_space<vmem>> -> memref<1x1x128xi32, #tpu.memory_space<vmem>>
    %dma_start3A_4385 = tpu.memref_squeeze %dma_start3A_4384 : memref<1x1x128xi32, #tpu.memory_space<vmem>> -> memref<128xi32, #tpu.memory_space<vmem>>
    %dma_start3A_4386 = arith.constant 0 : i32
    %dma_start3A_4387 = arith.constant 0 : i32
    %dma_start3A_4388 = tpu.memref_slice %arg14[%dma_start3A_4386, %dma_start3A_4387] : memref<945x64xf32, #tpu.memory_space<vmem_shared>> -> memref<945x64xf32, #tpu.memory_space<vmem_shared>>
    tpu.enqueue_indirect_dma source(%dma_start3A_4388 : memref<945x64xf32, #tpu.memory_space<vmem_shared>>) target(%dma_start3A_4382 : memref<128x64xf32, #tpu.memory_space<vmem>>) offsets(%dma_start3A_4385 : memref<128xi32, #tpu.memory_space<vmem>>) semaphore(%arg16 : memref<!tpu.dma_semaphore, #tpu.memory_space<semaphore_mem>>)
    %dma_wait3A_4389 = arith.constant 1 : i32
    %dma_wait3A_4390 = arith.constant 0 : i32
    %dma_wait3A_4391 = arith.constant 1 : i32
    %dma_wait3A_4392 = arith.constant 0 : i32
    %dma_wait3A_4393 = arith.constant 0 : i32
    %dma_wait3A_4394 = arith.constant 0 : i32
    %dma_wait3A_4395 = tpu.memref_slice %arg12[%dma_wait3A_4391, %dma_wait3A_4392, %dma_wait3A_4393, %dma_wait3A_4394] : memref<2x6x128x64xf32, #tpu.memory_space<vmem>> -> memref<1x1x128x64xf32, #tpu.memory_space<vmem>>
    %dma_wait3A_4396 = tpu.memref_squeeze %dma_wait3A_4395 : memref<1x1x128x64xf32, #tpu.memory_space<vmem>> -> memref<128x64xf32, #tpu.memory_space<vmem>>
    %dma_wait3A_4397 = arith.constant 0 : i32
    %dma_wait3A_4398 = tpu.memref_slice %arg11[%dma_wait3A_4389, %dma_wait3A_4390, %dma_wait3A_4397] : memref<2x6x128xi32, #tpu.memory_space<vmem>> -> memref<1x1x128xi32, #tpu.memory_space<vmem>>
    %dma_wait3A_4399 = tpu.memref_squeeze %dma_wait3A_4398 : memref<1x1x128xi32, #tpu.memory_space<vmem>> -> memref<128xi32, #tpu.memory_space<vmem>>
    %dma_wait3A_4400 = arith.constant 0 : i32
    %dma_wait3A_4401 = arith.constant 0 : i32
    %dma_wait3A_4402 = tpu.memref_slice %arg14[%dma_wait3A_4400, %dma_wait3A_4401] : memref<945x64xf32, #tpu.memory_space<vmem_shared>> -> memref<945x64xf32, #tpu.memory_space<vmem_shared>>
    tpu.wait_indirect_dma semaphore(%arg16 : memref<!tpu.dma_semaphore, #tpu.memory_space<semaphore_mem>>) src(%dma_wait3A_4402 : memref<945x64xf32, #tpu.memory_space<vmem_shared>>) dst(%dma_wait3A_4396 : memref<128x64xf32, #tpu.memory_space<vmem>>)
    %dma_wait3A_4403 = arith.constant 1 : i32
    %dma_wait3A_4404 = arith.constant 1 : i32
    %dma_wait3A_4405 = arith.constant 1 : i32
    %dma_wait3A_4406 = arith.constant 1 : i32
    %dma_wait3A_4407 = arith.constant 0 : i32
    %dma_wait3A_4408 = arith.constant 0 : i32
    %dma_wait3A_4409 = tpu.memref_slice %arg12[%dma_wait3A_4405, %dma_wait3A_4406, %dma_wait3A_4407, %dma_wait3A_4408] : memref<2x6x128x64xf32, #tpu.memory_space<vmem>> -> memref<1x1x128x64xf32, #tpu.memory_space<vmem>>
    %dma_wait3A_4410 = tpu.memref_squeeze %dma_wait3A_4409 : memref<1x1x128x64xf32, #tpu.memory_space<vmem>> -> memref<128x64xf32, #tpu.memory_space<vmem>>
    %dma_wait3A_4411 = arith.constant 0 : i32
    %dma_wait3A_4412 = tpu.memref_slice %arg11[%dma_wait3A_4403, %dma_wait3A_4404, %dma_wait3A_4411] : memref<2x6x128xi32, #tpu.memory_space<vmem>> -> memref<1x1x128xi32, #tpu.memory_space<vmem>>
    %dma_wait3A_4413 = tpu.memref_squeeze %dma_wait3A_4412 : memref<1x1x128xi32, #tpu.memory_space<vmem>> -> memref<128xi32, #tpu.memory_space<vmem>>
    %dma_wait3A_4414 = arith.constant 0 : i32
    %dma_wait3A_4415 = arith.constant 0 : i32
    %dma_wait3A_4416 = tpu.memref_slice %arg14[%dma_wait3A_4414, %dma_wait3A_4415] : memref<945x64xf32, #tpu.memory_space<vmem_shared>> -> memref<945x64xf32, #tpu.memory_space<vmem_shared>>
    tpu.wait_indirect_dma semaphore(%arg16 : memref<!tpu.dma_semaphore, #tpu.memory_space<semaphore_mem>>) src(%dma_wait3A_4416 : memref<945x64xf32, #tpu.memory_space<vmem_shared>>) dst(%dma_wait3A_4410 : memref<128x64xf32, #tpu.memory_space<vmem>>)
    %dma_wait3A_4417 = arith.constant 1 : i32
    %dma_wait3A_4418 = arith.constant 2 : i32
    %dma_wait3A_4419 = arith.constant 1 : i32
    %dma_wait3A_4420 = arith.constant 2 : i32
    %dma_wait3A_4421 = arith.constant 0 : i32
    %dma_wait3A_4422 = arith.constant 0 : i32
    %dma_wait3A_4423 = tpu.memref_slice %arg12[%dma_wait3A_4419, %dma_wait3A_4420, %dma_wait3A_4421, %dma_wait3A_4422] : memref<2x6x128x64xf32, #tpu.memory_space<vmem>> -> memref<1x1x128x64xf32, #tpu.memory_space<vmem>>
    %dma_wait3A_4424 = tpu.memref_squeeze %dma_wait3A_4423 : memref<1x1x128x64xf32, #tpu.memory_space<vmem>> -> memref<128x64xf32, #tpu.memory_space<vmem>>
    %dma_wait3A_4425 = arith.constant 0 : i32
    %dma_wait3A_4426 = tpu.memref_slice %arg11[%dma_wait3A_4417, %dma_wait3A_4418, %dma_wait3A_4425] : memref<2x6x128xi32, #tpu.memory_space<vmem>> -> memref<1x1x128xi32, #tpu.memory_space<vmem>>
    %dma_wait3A_4427 = tpu.memref_squeeze %dma_wait3A_4426 : memref<1x1x128xi32, #tpu.memory_space<vmem>> -> memref<128xi32, #tpu.memory_space<vmem>>
    %dma_wait3A_4428 = arith.constant 0 : i32
    %dma_wait3A_4429 = arith.constant 0 : i32
    %dma_wait3A_4430 = tpu.memref_slice %arg14[%dma_wait3A_4428, %dma_wait3A_4429] : memref<945x64xf32, #tpu.memory_space<vmem_shared>> -> memref<945x64xf32, #tpu.memory_space<vmem_shared>>
    tpu.wait_indirect_dma semaphore(%arg16 : memref<!tpu.dma_semaphore, #tpu.memory_space<semaphore_mem>>) src(%dma_wait3A_4430 : memref<945x64xf32, #tpu.memory_space<vmem_shared>>) dst(%dma_wait3A_4424 : memref<128x64xf32, #tpu.memory_space<vmem>>)
    %dma_wait3A_4431 = arith.constant 1 : i32
    %dma_wait3A_4432 = arith.constant 3 : i32
    %dma_wait3A_4433 = arith.constant 1 : i32
    %dma_wait3A_4434 = arith.constant 3 : i32
    %dma_wait3A_4435 = arith.constant 0 : i32
    %dma_wait3A_4436 = arith.constant 0 : i32
    %dma_wait3A_4437 = tpu.memref_slice %arg12[%dma_wait3A_4433, %dma_wait3A_4434, %dma_wait3A_4435, %dma_wait3A_4436] : memref<2x6x128x64xf32, #tpu.memory_space<vmem>> -> memref<1x1x128x64xf32, #tpu.memory_space<vmem>>
    %dma_wait3A_4438 = tpu.memref_squeeze %dma_wait3A_4437 : memref<1x1x128x64xf32, #tpu.memory_space<vmem>> -> memref<128x64xf32, #tpu.memory_space<vmem>>
    %dma_wait3A_4439 = arith.constant 0 : i32
    %dma_wait3A_4440 = tpu.memref_slice %arg11[%dma_wait3A_4431, %dma_wait3A_4432, %dma_wait3A_4439] : memref<2x6x128xi32, #tpu.memory_space<vmem>> -> memref<1x1x128xi32, #tpu.memory_space<vmem>>
    %dma_wait3A_4441 = tpu.memref_squeeze %dma_wait3A_4440 : memref<1x1x128xi32, #tpu.memory_space<vmem>> -> memref<128xi32, #tpu.memory_space<vmem>>
    %dma_wait3A_4442 = arith.constant 0 : i32
    %dma_wait3A_4443 = arith.constant 0 : i32
    %dma_wait3A_4444 = tpu.memref_slice %arg14[%dma_wait3A_4442, %dma_wait3A_4443] : memref<945x64xf32, #tpu.memory_space<vmem_shared>> -> memref<945x64xf32, #tpu.memory_space<vmem_shared>>
    tpu.wait_indirect_dma semaphore(%arg16 : memref<!tpu.dma_semaphore, #tpu.memory_space<semaphore_mem>>) src(%dma_wait3A_4444 : memref<945x64xf32, #tpu.memory_space<vmem_shared>>) dst(%dma_wait3A_4438 : memref<128x64xf32, #tpu.memory_space<vmem>>)
    %dma_wait3A_4445 = arith.constant 1 : i32
    %dma_wait3A_4446 = arith.constant 4 : i32
    %dma_wait3A_4447 = arith.constant 1 : i32
    %dma_wait3A_4448 = arith.constant 4 : i32
    %dma_wait3A_4449 = arith.constant 0 : i32
    %dma_wait3A_4450 = arith.constant 0 : i32
    %dma_wait3A_4451 = tpu.memref_slice %arg12[%dma_wait3A_4447, %dma_wait3A_4448, %dma_wait3A_4449, %dma_wait3A_4450] : memref<2x6x128x64xf32, #tpu.memory_space<vmem>> -> memref<1x1x128x64xf32, #tpu.memory_space<vmem>>
    %dma_wait3A_4452 = tpu.memref_squeeze %dma_wait3A_4451 : memref<1x1x128x64xf32, #tpu.memory_space<vmem>> -> memref<128x64xf32, #tpu.memory_space<vmem>>
    %dma_wait3A_4453 = arith.constant 0 : i32
    %dma_wait3A_4454 = tpu.memref_slice %arg11[%dma_wait3A_4445, %dma_wait3A_4446, %dma_wait3A_4453] : memref<2x6x128xi32, #tpu.memory_space<vmem>> -> memref<1x1x128xi32, #tpu.memory_space<vmem>>
    %dma_wait3A_4455 = tpu.memref_squeeze %dma_wait3A_4454 : memref<1x1x128xi32, #tpu.memory_space<vmem>> -> memref<128xi32, #tpu.memory_space<vmem>>
    %dma_wait3A_4456 = arith.constant 0 : i32
    %dma_wait3A_4457 = arith.constant 0 : i32
    %dma_wait3A_4458 = tpu.memref_slice %arg14[%dma_wait3A_4456, %dma_wait3A_4457] : memref<945x64xf32, #tpu.memory_space<vmem_shared>> -> memref<945x64xf32, #tpu.memory_space<vmem_shared>>
    tpu.wait_indirect_dma semaphore(%arg16 : memref<!tpu.dma_semaphore, #tpu.memory_space<semaphore_mem>>) src(%dma_wait3A_4458 : memref<945x64xf32, #tpu.memory_space<vmem_shared>>) dst(%dma_wait3A_4452 : memref<128x64xf32, #tpu.memory_space<vmem>>)
    %dma_wait3A_4459 = arith.constant 1 : i32
    %dma_wait3A_4460 = arith.constant 5 : i32
    %dma_wait3A_4461 = arith.constant 1 : i32
    %dma_wait3A_4462 = arith.constant 5 : i32
    %dma_wait3A_4463 = arith.constant 0 : i32
    %dma_wait3A_4464 = arith.constant 0 : i32
    %dma_wait3A_4465 = tpu.memref_slice %arg12[%dma_wait3A_4461, %dma_wait3A_4462, %dma_wait3A_4463, %dma_wait3A_4464] : memref<2x6x128x64xf32, #tpu.memory_space<vmem>> -> memref<1x1x128x64xf32, #tpu.memory_space<vmem>>
    %dma_wait3A_4466 = tpu.memref_squeeze %dma_wait3A_4465 : memref<1x1x128x64xf32, #tpu.memory_space<vmem>> -> memref<128x64xf32, #tpu.memory_space<vmem>>
    %dma_wait3A_4467 = arith.constant 0 : i32
    %dma_wait3A_4468 = tpu.memref_slice %arg11[%dma_wait3A_4459, %dma_wait3A_4460, %dma_wait3A_4467] : memref<2x6x128xi32, #tpu.memory_space<vmem>> -> memref<1x1x128xi32, #tpu.memory_space<vmem>>
    %dma_wait3A_4469 = tpu.memref_squeeze %dma_wait3A_4468 : memref<1x1x128xi32, #tpu.memory_space<vmem>> -> memref<128xi32, #tpu.memory_space<vmem>>
    %dma_wait3A_4470 = arith.constant 0 : i32
    %dma_wait3A_4471 = arith.constant 0 : i32
    %dma_wait3A_4472 = tpu.memref_slice %arg14[%dma_wait3A_4470, %dma_wait3A_4471] : memref<945x64xf32, #tpu.memory_space<vmem_shared>> -> memref<945x64xf32, #tpu.memory_space<vmem_shared>>
    tpu.wait_indirect_dma semaphore(%arg16 : memref<!tpu.dma_semaphore, #tpu.memory_space<semaphore_mem>>) src(%dma_wait3A_4472 : memref<945x64xf32, #tpu.memory_space<vmem_shared>>) dst(%dma_wait3A_4466 : memref<128x64xf32, #tpu.memory_space<vmem>>)
    %dma_start3A_4473 = arith.constant 1 : i32
    %dma_start3A_4474 = arith.constant 0 : i32
    %dma_start3A_4475 = arith.constant 0 : i32
    %dma_start3A_4476 = arith.constant 0 : i32
    %dma_start3A_4477 = tpu.memref_slice %arg12[%dma_start3A_4473, %dma_start3A_4474, %dma_start3A_4475, %dma_start3A_4476] : memref<2x6x128x64xf32, #tpu.memory_space<vmem>> -> memref<1x1x128x64xf32, #tpu.memory_space<vmem>>
    %dma_start3A_4478 = tpu.memref_squeeze %dma_start3A_4477 : memref<1x1x128x64xf32, #tpu.memory_space<vmem>> -> memref<128x64xf32, #tpu.memory_space<vmem>>
    %dma_start3A_4479 = arith.constant 0 : i32
    %dma_start3A_4480 = tpu.memref_slice %arg10[%add3A_3440, %dma_start3A_4479] : memref<16384x385xf32, #tpu.memory_space<hbm>> -> memref<128x64xf32, #tpu.memory_space<hbm>>
    %dma_start3A_4481 = arith.constant 0 : i32
    %dma_start3A_4482 = tpu.memref_slice %arg10[%add3A_3440, %dma_start3A_4481] : memref<16384x385xf32, #tpu.memory_space<hbm>> -> memref<128x64xf32, #tpu.memory_space<hbm>>
    %dma_start3A_4483 = arith.constant 0 : i32
    %dma_start3A_4484 = arith.constant 0 : i32
    %dma_start3A_4485 = tpu.memref_slice %arg12[%dma_start3A_4473, %dma_start3A_4474, %dma_start3A_4483, %dma_start3A_4484] : memref<2x6x128x64xf32, #tpu.memory_space<vmem>> -> memref<1x1x128x64xf32, #tpu.memory_space<vmem>>
    %dma_start3A_4486 = tpu.memref_squeeze %dma_start3A_4485 : memref<1x1x128x64xf32, #tpu.memory_space<vmem>> -> memref<128x64xf32, #tpu.memory_space<vmem>>
    tpu.enqueue_dma source(%dma_start3A_4486 : memref<128x64xf32, #tpu.memory_space<vmem>>) target(%dma_start3A_4482 : memref<128x64xf32, #tpu.memory_space<hbm>>) target_semaphore(%arg17 : memref<!tpu.dma_semaphore, #tpu.memory_space<semaphore_mem>>)
    %dma_start3A_4487 = arith.constant 1 : i32
    %dma_start3A_4488 = arith.constant 1 : i32
    %dma_start3A_4489 = arith.constant 0 : i32
    %dma_start3A_4490 = arith.constant 0 : i32
    %dma_start3A_4491 = tpu.memref_slice %arg12[%dma_start3A_4487, %dma_start3A_4488, %dma_start3A_4489, %dma_start3A_4490] : memref<2x6x128x64xf32, #tpu.memory_space<vmem>> -> memref<1x1x128x64xf32, #tpu.memory_space<vmem>>
    %dma_start3A_4492 = tpu.memref_squeeze %dma_start3A_4491 : memref<1x1x128x64xf32, #tpu.memory_space<vmem>> -> memref<128x64xf32, #tpu.memory_space<vmem>>
    %dma_start3A_4493 = arith.constant 64 : i32
    %dma_start3A_4494 = tpu.memref_slice %arg10[%add3A_3440, %dma_start3A_4493] : memref<16384x385xf32, #tpu.memory_space<hbm>> -> memref<128x64xf32, #tpu.memory_space<hbm>>
    %dma_start3A_4495 = arith.constant 64 : i32
    %dma_start3A_4496 = tpu.memref_slice %arg10[%add3A_3440, %dma_start3A_4495] : memref<16384x385xf32, #tpu.memory_space<hbm>> -> memref<128x64xf32, #tpu.memory_space<hbm>>
    %dma_start3A_4497 = arith.constant 0 : i32
    %dma_start3A_4498 = arith.constant 0 : i32
    %dma_start3A_4499 = tpu.memref_slice %arg12[%dma_start3A_4487, %dma_start3A_4488, %dma_start3A_4497, %dma_start3A_4498] : memref<2x6x128x64xf32, #tpu.memory_space<vmem>> -> memref<1x1x128x64xf32, #tpu.memory_space<vmem>>
    %dma_start3A_4500 = tpu.memref_squeeze %dma_start3A_4499 : memref<1x1x128x64xf32, #tpu.memory_space<vmem>> -> memref<128x64xf32, #tpu.memory_space<vmem>>
    tpu.enqueue_dma source(%dma_start3A_4500 : memref<128x64xf32, #tpu.memory_space<vmem>>) target(%dma_start3A_4496 : memref<128x64xf32, #tpu.memory_space<hbm>>) target_semaphore(%arg17 : memref<!tpu.dma_semaphore, #tpu.memory_space<semaphore_mem>>)
    %dma_start3A_4501 = arith.constant 1 : i32
    %dma_start3A_4502 = arith.constant 2 : i32
    %dma_start3A_4503 = arith.constant 0 : i32
    %dma_start3A_4504 = arith.constant 0 : i32
    %dma_start3A_4505 = tpu.memref_slice %arg12[%dma_start3A_4501, %dma_start3A_4502, %dma_start3A_4503, %dma_start3A_4504] : memref<2x6x128x64xf32, #tpu.memory_space<vmem>> -> memref<1x1x128x64xf32, #tpu.memory_space<vmem>>
    %dma_start3A_4506 = tpu.memref_squeeze %dma_start3A_4505 : memref<1x1x128x64xf32, #tpu.memory_space<vmem>> -> memref<128x64xf32, #tpu.memory_space<vmem>>
    %dma_start3A_4507 = arith.constant 128 : i32
    %dma_start3A_4508 = tpu.memref_slice %arg10[%add3A_3440, %dma_start3A_4507] : memref<16384x385xf32, #tpu.memory_space<hbm>> -> memref<128x64xf32, #tpu.memory_space<hbm>>
    %dma_start3A_4509 = arith.constant 128 : i32
    %dma_start3A_4510 = tpu.memref_slice %arg10[%add3A_3440, %dma_start3A_4509] : memref<16384x385xf32, #tpu.memory_space<hbm>> -> memref<128x64xf32, #tpu.memory_space<hbm>>
    %dma_start3A_4511 = arith.constant 0 : i32
    %dma_start3A_4512 = arith.constant 0 : i32
    %dma_start3A_4513 = tpu.memref_slice %arg12[%dma_start3A_4501, %dma_start3A_4502, %dma_start3A_4511, %dma_start3A_4512] : memref<2x6x128x64xf32, #tpu.memory_space<vmem>> -> memref<1x1x128x64xf32, #tpu.memory_space<vmem>>
    %dma_start3A_4514 = tpu.memref_squeeze %dma_start3A_4513 : memref<1x1x128x64xf32, #tpu.memory_space<vmem>> -> memref<128x64xf32, #tpu.memory_space<vmem>>
    tpu.enqueue_dma source(%dma_start3A_4514 : memref<128x64xf32, #tpu.memory_space<vmem>>) target(%dma_start3A_4510 : memref<128x64xf32, #tpu.memory_space<hbm>>) target_semaphore(%arg17 : memref<!tpu.dma_semaphore, #tpu.memory_space<semaphore_mem>>)
    %dma_start3A_4515 = arith.constant 1 : i32
    %dma_start3A_4516 = arith.constant 3 : i32
    %dma_start3A_4517 = arith.constant 0 : i32
    %dma_start3A_4518 = arith.constant 0 : i32
    %dma_start3A_4519 = tpu.memref_slice %arg12[%dma_start3A_4515, %dma_start3A_4516, %dma_start3A_4517, %dma_start3A_4518] : memref<2x6x128x64xf32, #tpu.memory_space<vmem>> -> memref<1x1x128x64xf32, #tpu.memory_space<vmem>>
    %dma_start3A_4520 = tpu.memref_squeeze %dma_start3A_4519 : memref<1x1x128x64xf32, #tpu.memory_space<vmem>> -> memref<128x64xf32, #tpu.memory_space<vmem>>
    %dma_start3A_4521 = arith.constant 192 : i32
    %dma_start3A_4522 = tpu.memref_slice %arg10[%add3A_3440, %dma_start3A_4521] : memref<16384x385xf32, #tpu.memory_space<hbm>> -> memref<128x64xf32, #tpu.memory_space<hbm>>
    %dma_start3A_4523 = arith.constant 192 : i32
    %dma_start3A_4524 = tpu.memref_slice %arg10[%add3A_3440, %dma_start3A_4523] : memref<16384x385xf32, #tpu.memory_space<hbm>> -> memref<128x64xf32, #tpu.memory_space<hbm>>
    %dma_start3A_4525 = arith.constant 0 : i32
    %dma_start3A_4526 = arith.constant 0 : i32
    %dma_start3A_4527 = tpu.memref_slice %arg12[%dma_start3A_4515, %dma_start3A_4516, %dma_start3A_4525, %dma_start3A_4526] : memref<2x6x128x64xf32, #tpu.memory_space<vmem>> -> memref<1x1x128x64xf32, #tpu.memory_space<vmem>>
    %dma_start3A_4528 = tpu.memref_squeeze %dma_start3A_4527 : memref<1x1x128x64xf32, #tpu.memory_space<vmem>> -> memref<128x64xf32, #tpu.memory_space<vmem>>
    tpu.enqueue_dma source(%dma_start3A_4528 : memref<128x64xf32, #tpu.memory_space<vmem>>) target(%dma_start3A_4524 : memref<128x64xf32, #tpu.memory_space<hbm>>) target_semaphore(%arg17 : memref<!tpu.dma_semaphore, #tpu.memory_space<semaphore_mem>>)
    %dma_start3A_4529 = arith.constant 1 : i32
    %dma_start3A_4530 = arith.constant 4 : i32
    %dma_start3A_4531 = arith.constant 0 : i32
    %dma_start3A_4532 = arith.constant 0 : i32
    %dma_start3A_4533 = tpu.memref_slice %arg12[%dma_start3A_4529, %dma_start3A_4530, %dma_start3A_4531, %dma_start3A_4532] : memref<2x6x128x64xf32, #tpu.memory_space<vmem>> -> memref<1x1x128x64xf32, #tpu.memory_space<vmem>>
    %dma_start3A_4534 = tpu.memref_squeeze %dma_start3A_4533 : memref<1x1x128x64xf32, #tpu.memory_space<vmem>> -> memref<128x64xf32, #tpu.memory_space<vmem>>
    %dma_start3A_4535 = arith.constant 256 : i32
    %dma_start3A_4536 = tpu.memref_slice %arg10[%add3A_3440, %dma_start3A_4535] : memref<16384x385xf32, #tpu.memory_space<hbm>> -> memref<128x64xf32, #tpu.memory_space<hbm>>
    %dma_start3A_4537 = arith.constant 256 : i32
    %dma_start3A_4538 = tpu.memref_slice %arg10[%add3A_3440, %dma_start3A_4537] : memref<16384x385xf32, #tpu.memory_space<hbm>> -> memref<128x64xf32, #tpu.memory_space<hbm>>
    %dma_start3A_4539 = arith.constant 0 : i32
    %dma_start3A_4540 = arith.constant 0 : i32
    %dma_start3A_4541 = tpu.memref_slice %arg12[%dma_start3A_4529, %dma_start3A_4530, %dma_start3A_4539, %dma_start3A_4540] : memref<2x6x128x64xf32, #tpu.memory_space<vmem>> -> memref<1x1x128x64xf32, #tpu.memory_space<vmem>>
    %dma_start3A_4542 = tpu.memref_squeeze %dma_start3A_4541 : memref<1x1x128x64xf32, #tpu.memory_space<vmem>> -> memref<128x64xf32, #tpu.memory_space<vmem>>
    tpu.enqueue_dma source(%dma_start3A_4542 : memref<128x64xf32, #tpu.memory_space<vmem>>) target(%dma_start3A_4538 : memref<128x64xf32, #tpu.memory_space<hbm>>) target_semaphore(%arg17 : memref<!tpu.dma_semaphore, #tpu.memory_space<semaphore_mem>>)
    %dma_start3A_4543 = arith.constant 1 : i32
    %dma_start3A_4544 = arith.constant 5 : i32
    %dma_start3A_4545 = arith.constant 0 : i32
    %dma_start3A_4546 = arith.constant 0 : i32
    %dma_start3A_4547 = tpu.memref_slice %arg12[%dma_start3A_4543, %dma_start3A_4544, %dma_start3A_4545, %dma_start3A_4546] : memref<2x6x128x64xf32, #tpu.memory_space<vmem>> -> memref<1x1x128x64xf32, #tpu.memory_space<vmem>>
    %dma_start3A_4548 = tpu.memref_squeeze %dma_start3A_4547 : memref<1x1x128x64xf32, #tpu.memory_space<vmem>> -> memref<128x64xf32, #tpu.memory_space<vmem>>
    %dma_start3A_4549 = arith.constant 320 : i32
    %dma_start3A_4550 = tpu.memref_slice %arg10[%add3A_3440, %dma_start3A_4549] : memref<16384x385xf32, #tpu.memory_space<hbm>> -> memref<128x64xf32, #tpu.memory_space<hbm>>
    %dma_start3A_4551 = arith.constant 320 : i32
    %dma_start3A_4552 = tpu.memref_slice %arg10[%add3A_3440, %dma_start3A_4551] : memref<16384x385xf32, #tpu.memory_space<hbm>> -> memref<128x64xf32, #tpu.memory_space<hbm>>
    %dma_start3A_4553 = arith.constant 0 : i32
    %dma_start3A_4554 = arith.constant 0 : i32
    %dma_start3A_4555 = tpu.memref_slice %arg12[%dma_start3A_4543, %dma_start3A_4544, %dma_start3A_4553, %dma_start3A_4554] : memref<2x6x128x64xf32, #tpu.memory_space<vmem>> -> memref<1x1x128x64xf32, #tpu.memory_space<vmem>>
    %dma_start3A_4556 = tpu.memref_squeeze %dma_start3A_4555 : memref<1x1x128x64xf32, #tpu.memory_space<vmem>> -> memref<128x64xf32, #tpu.memory_space<vmem>>
    tpu.enqueue_dma source(%dma_start3A_4556 : memref<128x64xf32, #tpu.memory_space<vmem>>) target(%dma_start3A_4552 : memref<128x64xf32, #tpu.memory_space<hbm>>) target_semaphore(%arg17 : memref<!tpu.dma_semaphore, #tpu.memory_space<semaphore_mem>>)
    %dma_wait3A_4557 = arith.constant 0 : i32
    %dma_wait3A_4558 = tpu.memref_slice %arg8[%mul3A_2, %dma_wait3A_4557] : memref<16384x8xf32, #tpu.memory_space<hbm>> -> memref<512x1xf32, #tpu.memory_space<hbm>>
    %dma_wait3A_4559 = arith.constant 0 : i32
    %dma_wait3A_4560 = tpu.memref_slice %arg8[%mul3A_2, %dma_wait3A_4559] : memref<16384x8xf32, #tpu.memory_space<hbm>> -> memref<512x1xf32, #tpu.memory_space<hbm>>
    tpu.wait_dma2 semaphore(%arg18 : memref<!tpu.dma_semaphore, #tpu.memory_space<semaphore_mem>>) src(%dma_wait3A_4560 : memref<512x1xf32, #tpu.memory_space<hbm>>) dst(%arg13 : memref<512x1xf32, #tpu.memory_space<vmem>>)
    %dma_start3A_4561 = arith.constant 384 : i32
    %dma_start3A_4562 = tpu.memref_slice %arg10[%mul3A_2, %dma_start3A_4561] : memref<16384x385xf32, #tpu.memory_space<hbm>> -> memref<512x1xf32, #tpu.memory_space<hbm>>
    %dma_start3A_4563 = arith.constant 384 : i32
    %dma_start3A_4564 = tpu.memref_slice %arg10[%mul3A_2, %dma_start3A_4563] : memref<16384x385xf32, #tpu.memory_space<hbm>> -> memref<512x1xf32, #tpu.memory_space<hbm>>
    tpu.enqueue_dma source(%arg13 : memref<512x1xf32, #tpu.memory_space<vmem>>) target(%dma_start3A_4564 : memref<512x1xf32, #tpu.memory_space<hbm>>) target_semaphore(%arg18 : memref<!tpu.dma_semaphore, #tpu.memory_space<semaphore_mem>>)
    %dma_wait3A_4565 = arith.constant 0 : i32
    %dma_wait3A_4566 = arith.constant 0 : i32
    %dma_wait3A_4567 = arith.constant 0 : i32
    %dma_wait3A_4568 = arith.constant 0 : i32
    %dma_wait3A_4569 = tpu.memref_slice %arg12[%dma_wait3A_4565, %dma_wait3A_4566, %dma_wait3A_4567, %dma_wait3A_4568] : memref<2x6x128x64xf32, #tpu.memory_space<vmem>> -> memref<1x1x128x64xf32, #tpu.memory_space<vmem>>
    %dma_wait3A_4570 = tpu.memref_squeeze %dma_wait3A_4569 : memref<1x1x128x64xf32, #tpu.memory_space<vmem>> -> memref<128x64xf32, #tpu.memory_space<vmem>>
    %dma_wait3A_4571 = arith.constant 0 : i32
    %dma_wait3A_4572 = tpu.memref_slice %arg10[%add3A_2260, %dma_wait3A_4571] : memref<16384x385xf32, #tpu.memory_space<hbm>> -> memref<128x64xf32, #tpu.memory_space<hbm>>
    %dma_wait3A_4573 = arith.constant 0 : i32
    %dma_wait3A_4574 = tpu.memref_slice %arg10[%add3A_2260, %dma_wait3A_4573] : memref<16384x385xf32, #tpu.memory_space<hbm>> -> memref<128x64xf32, #tpu.memory_space<hbm>>
    %dma_wait3A_4575 = arith.constant 0 : i32
    %dma_wait3A_4576 = arith.constant 0 : i32
    %dma_wait3A_4577 = tpu.memref_slice %arg12[%dma_wait3A_4565, %dma_wait3A_4566, %dma_wait3A_4575, %dma_wait3A_4576] : memref<2x6x128x64xf32, #tpu.memory_space<vmem>> -> memref<1x1x128x64xf32, #tpu.memory_space<vmem>>
    %dma_wait3A_4578 = tpu.memref_squeeze %dma_wait3A_4577 : memref<1x1x128x64xf32, #tpu.memory_space<vmem>> -> memref<128x64xf32, #tpu.memory_space<vmem>>
    tpu.wait_dma2 semaphore(%arg17 : memref<!tpu.dma_semaphore, #tpu.memory_space<semaphore_mem>>) src(%dma_wait3A_4578 : memref<128x64xf32, #tpu.memory_space<vmem>>) dst(%dma_wait3A_4574 : memref<128x64xf32, #tpu.memory_space<hbm>>)
    %dma_wait3A_4579 = arith.constant 0 : i32
    %dma_wait3A_4580 = arith.constant 1 : i32
    %dma_wait3A_4581 = arith.constant 0 : i32
    %dma_wait3A_4582 = arith.constant 0 : i32
    %dma_wait3A_4583 = tpu.memref_slice %arg12[%dma_wait3A_4579, %dma_wait3A_4580, %dma_wait3A_4581, %dma_wait3A_4582] : memref<2x6x128x64xf32, #tpu.memory_space<vmem>> -> memref<1x1x128x64xf32, #tpu.memory_space<vmem>>
    %dma_wait3A_4584 = tpu.memref_squeeze %dma_wait3A_4583 : memref<1x1x128x64xf32, #tpu.memory_space<vmem>> -> memref<128x64xf32, #tpu.memory_space<vmem>>
    %dma_wait3A_4585 = arith.constant 64 : i32
    %dma_wait3A_4586 = tpu.memref_slice %arg10[%add3A_2260, %dma_wait3A_4585] : memref<16384x385xf32, #tpu.memory_space<hbm>> -> memref<128x64xf32, #tpu.memory_space<hbm>>
    %dma_wait3A_4587 = arith.constant 64 : i32
    %dma_wait3A_4588 = tpu.memref_slice %arg10[%add3A_2260, %dma_wait3A_4587] : memref<16384x385xf32, #tpu.memory_space<hbm>> -> memref<128x64xf32, #tpu.memory_space<hbm>>
    %dma_wait3A_4589 = arith.constant 0 : i32
    %dma_wait3A_4590 = arith.constant 0 : i32
    %dma_wait3A_4591 = tpu.memref_slice %arg12[%dma_wait3A_4579, %dma_wait3A_4580, %dma_wait3A_4589, %dma_wait3A_4590] : memref<2x6x128x64xf32, #tpu.memory_space<vmem>> -> memref<1x1x128x64xf32, #tpu.memory_space<vmem>>
    %dma_wait3A_4592 = tpu.memref_squeeze %dma_wait3A_4591 : memref<1x1x128x64xf32, #tpu.memory_space<vmem>> -> memref<128x64xf32, #tpu.memory_space<vmem>>
    tpu.wait_dma2 semaphore(%arg17 : memref<!tpu.dma_semaphore, #tpu.memory_space<semaphore_mem>>) src(%dma_wait3A_4592 : memref<128x64xf32, #tpu.memory_space<vmem>>) dst(%dma_wait3A_4588 : memref<128x64xf32, #tpu.memory_space<hbm>>)
    %dma_wait3A_4593 = arith.constant 0 : i32
    %dma_wait3A_4594 = arith.constant 2 : i32
    %dma_wait3A_4595 = arith.constant 0 : i32
    %dma_wait3A_4596 = arith.constant 0 : i32
    %dma_wait3A_4597 = tpu.memref_slice %arg12[%dma_wait3A_4593, %dma_wait3A_4594, %dma_wait3A_4595, %dma_wait3A_4596] : memref<2x6x128x64xf32, #tpu.memory_space<vmem>> -> memref<1x1x128x64xf32, #tpu.memory_space<vmem>>
    %dma_wait3A_4598 = tpu.memref_squeeze %dma_wait3A_4597 : memref<1x1x128x64xf32, #tpu.memory_space<vmem>> -> memref<128x64xf32, #tpu.memory_space<vmem>>
    %dma_wait3A_4599 = arith.constant 128 : i32
    %dma_wait3A_4600 = tpu.memref_slice %arg10[%add3A_2260, %dma_wait3A_4599] : memref<16384x385xf32, #tpu.memory_space<hbm>> -> memref<128x64xf32, #tpu.memory_space<hbm>>
    %dma_wait3A_4601 = arith.constant 128 : i32
    %dma_wait3A_4602 = tpu.memref_slice %arg10[%add3A_2260, %dma_wait3A_4601] : memref<16384x385xf32, #tpu.memory_space<hbm>> -> memref<128x64xf32, #tpu.memory_space<hbm>>
    %dma_wait3A_4603 = arith.constant 0 : i32
    %dma_wait3A_4604 = arith.constant 0 : i32
    %dma_wait3A_4605 = tpu.memref_slice %arg12[%dma_wait3A_4593, %dma_wait3A_4594, %dma_wait3A_4603, %dma_wait3A_4604] : memref<2x6x128x64xf32, #tpu.memory_space<vmem>> -> memref<1x1x128x64xf32, #tpu.memory_space<vmem>>
    %dma_wait3A_4606 = tpu.memref_squeeze %dma_wait3A_4605 : memref<1x1x128x64xf32, #tpu.memory_space<vmem>> -> memref<128x64xf32, #tpu.memory_space<vmem>>
    tpu.wait_dma2 semaphore(%arg17 : memref<!tpu.dma_semaphore, #tpu.memory_space<semaphore_mem>>) src(%dma_wait3A_4606 : memref<128x64xf32, #tpu.memory_space<vmem>>) dst(%dma_wait3A_4602 : memref<128x64xf32, #tpu.memory_space<hbm>>)
    %dma_wait3A_4607 = arith.constant 0 : i32
    %dma_wait3A_4608 = arith.constant 3 : i32
    %dma_wait3A_4609 = arith.constant 0 : i32
    %dma_wait3A_4610 = arith.constant 0 : i32
    %dma_wait3A_4611 = tpu.memref_slice %arg12[%dma_wait3A_4607, %dma_wait3A_4608, %dma_wait3A_4609, %dma_wait3A_4610] : memref<2x6x128x64xf32, #tpu.memory_space<vmem>> -> memref<1x1x128x64xf32, #tpu.memory_space<vmem>>
    %dma_wait3A_4612 = tpu.memref_squeeze %dma_wait3A_4611 : memref<1x1x128x64xf32, #tpu.memory_space<vmem>> -> memref<128x64xf32, #tpu.memory_space<vmem>>
    %dma_wait3A_4613 = arith.constant 192 : i32
    %dma_wait3A_4614 = tpu.memref_slice %arg10[%add3A_2260, %dma_wait3A_4613] : memref<16384x385xf32, #tpu.memory_space<hbm>> -> memref<128x64xf32, #tpu.memory_space<hbm>>
    %dma_wait3A_4615 = arith.constant 192 : i32
    %dma_wait3A_4616 = tpu.memref_slice %arg10[%add3A_2260, %dma_wait3A_4615] : memref<16384x385xf32, #tpu.memory_space<hbm>> -> memref<128x64xf32, #tpu.memory_space<hbm>>
    %dma_wait3A_4617 = arith.constant 0 : i32
    %dma_wait3A_4618 = arith.constant 0 : i32
    %dma_wait3A_4619 = tpu.memref_slice %arg12[%dma_wait3A_4607, %dma_wait3A_4608, %dma_wait3A_4617, %dma_wait3A_4618] : memref<2x6x128x64xf32, #tpu.memory_space<vmem>> -> memref<1x1x128x64xf32, #tpu.memory_space<vmem>>
    %dma_wait3A_4620 = tpu.memref_squeeze %dma_wait3A_4619 : memref<1x1x128x64xf32, #tpu.memory_space<vmem>> -> memref<128x64xf32, #tpu.memory_space<vmem>>
    tpu.wait_dma2 semaphore(%arg17 : memref<!tpu.dma_semaphore, #tpu.memory_space<semaphore_mem>>) src(%dma_wait3A_4620 : memref<128x64xf32, #tpu.memory_space<vmem>>) dst(%dma_wait3A_4616 : memref<128x64xf32, #tpu.memory_space<hbm>>)
    %dma_wait3A_4621 = arith.constant 0 : i32
    %dma_wait3A_4622 = arith.constant 4 : i32
    %dma_wait3A_4623 = arith.constant 0 : i32
    %dma_wait3A_4624 = arith.constant 0 : i32
    %dma_wait3A_4625 = tpu.memref_slice %arg12[%dma_wait3A_4621, %dma_wait3A_4622, %dma_wait3A_4623, %dma_wait3A_4624] : memref<2x6x128x64xf32, #tpu.memory_space<vmem>> -> memref<1x1x128x64xf32, #tpu.memory_space<vmem>>
    %dma_wait3A_4626 = tpu.memref_squeeze %dma_wait3A_4625 : memref<1x1x128x64xf32, #tpu.memory_space<vmem>> -> memref<128x64xf32, #tpu.memory_space<vmem>>
    %dma_wait3A_4627 = arith.constant 256 : i32
    %dma_wait3A_4628 = tpu.memref_slice %arg10[%add3A_2260, %dma_wait3A_4627] : memref<16384x385xf32, #tpu.memory_space<hbm>> -> memref<128x64xf32, #tpu.memory_space<hbm>>
    %dma_wait3A_4629 = arith.constant 256 : i32
    %dma_wait3A_4630 = tpu.memref_slice %arg10[%add3A_2260, %dma_wait3A_4629] : memref<16384x385xf32, #tpu.memory_space<hbm>> -> memref<128x64xf32, #tpu.memory_space<hbm>>
    %dma_wait3A_4631 = arith.constant 0 : i32
    %dma_wait3A_4632 = arith.constant 0 : i32
    %dma_wait3A_4633 = tpu.memref_slice %arg12[%dma_wait3A_4621, %dma_wait3A_4622, %dma_wait3A_4631, %dma_wait3A_4632] : memref<2x6x128x64xf32, #tpu.memory_space<vmem>> -> memref<1x1x128x64xf32, #tpu.memory_space<vmem>>
    %dma_wait3A_4634 = tpu.memref_squeeze %dma_wait3A_4633 : memref<1x1x128x64xf32, #tpu.memory_space<vmem>> -> memref<128x64xf32, #tpu.memory_space<vmem>>
    tpu.wait_dma2 semaphore(%arg17 : memref<!tpu.dma_semaphore, #tpu.memory_space<semaphore_mem>>) src(%dma_wait3A_4634 : memref<128x64xf32, #tpu.memory_space<vmem>>) dst(%dma_wait3A_4630 : memref<128x64xf32, #tpu.memory_space<hbm>>)
    %dma_wait3A_4635 = arith.constant 0 : i32
    %dma_wait3A_4636 = arith.constant 5 : i32
    %dma_wait3A_4637 = arith.constant 0 : i32
    %dma_wait3A_4638 = arith.constant 0 : i32
    %dma_wait3A_4639 = tpu.memref_slice %arg12[%dma_wait3A_4635, %dma_wait3A_4636, %dma_wait3A_4637, %dma_wait3A_4638] : memref<2x6x128x64xf32, #tpu.memory_space<vmem>> -> memref<1x1x128x64xf32, #tpu.memory_space<vmem>>
    %dma_wait3A_4640 = tpu.memref_squeeze %dma_wait3A_4639 : memref<1x1x128x64xf32, #tpu.memory_space<vmem>> -> memref<128x64xf32, #tpu.memory_space<vmem>>
    %dma_wait3A_4641 = arith.constant 320 : i32
    %dma_wait3A_4642 = tpu.memref_slice %arg10[%add3A_2260, %dma_wait3A_4641] : memref<16384x385xf32, #tpu.memory_space<hbm>> -> memref<128x64xf32, #tpu.memory_space<hbm>>
    %dma_wait3A_4643 = arith.constant 320 : i32
    %dma_wait3A_4644 = tpu.memref_slice %arg10[%add3A_2260, %dma_wait3A_4643] : memref<16384x385xf32, #tpu.memory_space<hbm>> -> memref<128x64xf32, #tpu.memory_space<hbm>>
    %dma_wait3A_4645 = arith.constant 0 : i32
    %dma_wait3A_4646 = arith.constant 0 : i32
    %dma_wait3A_4647 = tpu.memref_slice %arg12[%dma_wait3A_4635, %dma_wait3A_4636, %dma_wait3A_4645, %dma_wait3A_4646] : memref<2x6x128x64xf32, #tpu.memory_space<vmem>> -> memref<1x1x128x64xf32, #tpu.memory_space<vmem>>
    %dma_wait3A_4648 = tpu.memref_squeeze %dma_wait3A_4647 : memref<1x1x128x64xf32, #tpu.memory_space<vmem>> -> memref<128x64xf32, #tpu.memory_space<vmem>>
    tpu.wait_dma2 semaphore(%arg17 : memref<!tpu.dma_semaphore, #tpu.memory_space<semaphore_mem>>) src(%dma_wait3A_4648 : memref<128x64xf32, #tpu.memory_space<vmem>>) dst(%dma_wait3A_4644 : memref<128x64xf32, #tpu.memory_space<hbm>>)
    %dma_wait3A_4649 = arith.constant 1 : i32
    %dma_wait3A_4650 = arith.constant 0 : i32
    %dma_wait3A_4651 = arith.constant 0 : i32
    %dma_wait3A_4652 = arith.constant 0 : i32
    %dma_wait3A_4653 = tpu.memref_slice %arg12[%dma_wait3A_4649, %dma_wait3A_4650, %dma_wait3A_4651, %dma_wait3A_4652] : memref<2x6x128x64xf32, #tpu.memory_space<vmem>> -> memref<1x1x128x64xf32, #tpu.memory_space<vmem>>
    %dma_wait3A_4654 = tpu.memref_squeeze %dma_wait3A_4653 : memref<1x1x128x64xf32, #tpu.memory_space<vmem>> -> memref<128x64xf32, #tpu.memory_space<vmem>>
    %dma_wait3A_4655 = arith.constant 0 : i32
    %dma_wait3A_4656 = tpu.memref_slice %arg10[%add3A_3440, %dma_wait3A_4655] : memref<16384x385xf32, #tpu.memory_space<hbm>> -> memref<128x64xf32, #tpu.memory_space<hbm>>
    %dma_wait3A_4657 = arith.constant 0 : i32
    %dma_wait3A_4658 = tpu.memref_slice %arg10[%add3A_3440, %dma_wait3A_4657] : memref<16384x385xf32, #tpu.memory_space<hbm>> -> memref<128x64xf32, #tpu.memory_space<hbm>>
    %dma_wait3A_4659 = arith.constant 0 : i32
    %dma_wait3A_4660 = arith.constant 0 : i32
    %dma_wait3A_4661 = tpu.memref_slice %arg12[%dma_wait3A_4649, %dma_wait3A_4650, %dma_wait3A_4659, %dma_wait3A_4660] : memref<2x6x128x64xf32, #tpu.memory_space<vmem>> -> memref<1x1x128x64xf32, #tpu.memory_space<vmem>>
    %dma_wait3A_4662 = tpu.memref_squeeze %dma_wait3A_4661 : memref<1x1x128x64xf32, #tpu.memory_space<vmem>> -> memref<128x64xf32, #tpu.memory_space<vmem>>
    tpu.wait_dma2 semaphore(%arg17 : memref<!tpu.dma_semaphore, #tpu.memory_space<semaphore_mem>>) src(%dma_wait3A_4662 : memref<128x64xf32, #tpu.memory_space<vmem>>) dst(%dma_wait3A_4658 : memref<128x64xf32, #tpu.memory_space<hbm>>)
    %dma_wait3A_4663 = arith.constant 1 : i32
    %dma_wait3A_4664 = arith.constant 1 : i32
    %dma_wait3A_4665 = arith.constant 0 : i32
    %dma_wait3A_4666 = arith.constant 0 : i32
    %dma_wait3A_4667 = tpu.memref_slice %arg12[%dma_wait3A_4663, %dma_wait3A_4664, %dma_wait3A_4665, %dma_wait3A_4666] : memref<2x6x128x64xf32, #tpu.memory_space<vmem>> -> memref<1x1x128x64xf32, #tpu.memory_space<vmem>>
    %dma_wait3A_4668 = tpu.memref_squeeze %dma_wait3A_4667 : memref<1x1x128x64xf32, #tpu.memory_space<vmem>> -> memref<128x64xf32, #tpu.memory_space<vmem>>
    %dma_wait3A_4669 = arith.constant 64 : i32
    %dma_wait3A_4670 = tpu.memref_slice %arg10[%add3A_3440, %dma_wait3A_4669] : memref<16384x385xf32, #tpu.memory_space<hbm>> -> memref<128x64xf32, #tpu.memory_space<hbm>>
    %dma_wait3A_4671 = arith.constant 64 : i32
    %dma_wait3A_4672 = tpu.memref_slice %arg10[%add3A_3440, %dma_wait3A_4671] : memref<16384x385xf32, #tpu.memory_space<hbm>> -> memref<128x64xf32, #tpu.memory_space<hbm>>
    %dma_wait3A_4673 = arith.constant 0 : i32
    %dma_wait3A_4674 = arith.constant 0 : i32
    %dma_wait3A_4675 = tpu.memref_slice %arg12[%dma_wait3A_4663, %dma_wait3A_4664, %dma_wait3A_4673, %dma_wait3A_4674] : memref<2x6x128x64xf32, #tpu.memory_space<vmem>> -> memref<1x1x128x64xf32, #tpu.memory_space<vmem>>
    %dma_wait3A_4676 = tpu.memref_squeeze %dma_wait3A_4675 : memref<1x1x128x64xf32, #tpu.memory_space<vmem>> -> memref<128x64xf32, #tpu.memory_space<vmem>>
    tpu.wait_dma2 semaphore(%arg17 : memref<!tpu.dma_semaphore, #tpu.memory_space<semaphore_mem>>) src(%dma_wait3A_4676 : memref<128x64xf32, #tpu.memory_space<vmem>>) dst(%dma_wait3A_4672 : memref<128x64xf32, #tpu.memory_space<hbm>>)
    %dma_wait3A_4677 = arith.constant 1 : i32
    %dma_wait3A_4678 = arith.constant 2 : i32
    %dma_wait3A_4679 = arith.constant 0 : i32
    %dma_wait3A_4680 = arith.constant 0 : i32
    %dma_wait3A_4681 = tpu.memref_slice %arg12[%dma_wait3A_4677, %dma_wait3A_4678, %dma_wait3A_4679, %dma_wait3A_4680] : memref<2x6x128x64xf32, #tpu.memory_space<vmem>> -> memref<1x1x128x64xf32, #tpu.memory_space<vmem>>
    %dma_wait3A_4682 = tpu.memref_squeeze %dma_wait3A_4681 : memref<1x1x128x64xf32, #tpu.memory_space<vmem>> -> memref<128x64xf32, #tpu.memory_space<vmem>>
    %dma_wait3A_4683 = arith.constant 128 : i32
    %dma_wait3A_4684 = tpu.memref_slice %arg10[%add3A_3440, %dma_wait3A_4683] : memref<16384x385xf32, #tpu.memory_space<hbm>> -> memref<128x64xf32, #tpu.memory_space<hbm>>
    %dma_wait3A_4685 = arith.constant 128 : i32
    %dma_wait3A_4686 = tpu.memref_slice %arg10[%add3A_3440, %dma_wait3A_4685] : memref<16384x385xf32, #tpu.memory_space<hbm>> -> memref<128x64xf32, #tpu.memory_space<hbm>>
    %dma_wait3A_4687 = arith.constant 0 : i32
    %dma_wait3A_4688 = arith.constant 0 : i32
    %dma_wait3A_4689 = tpu.memref_slice %arg12[%dma_wait3A_4677, %dma_wait3A_4678, %dma_wait3A_4687, %dma_wait3A_4688] : memref<2x6x128x64xf32, #tpu.memory_space<vmem>> -> memref<1x1x128x64xf32, #tpu.memory_space<vmem>>
    %dma_wait3A_4690 = tpu.memref_squeeze %dma_wait3A_4689 : memref<1x1x128x64xf32, #tpu.memory_space<vmem>> -> memref<128x64xf32, #tpu.memory_space<vmem>>
    tpu.wait_dma2 semaphore(%arg17 : memref<!tpu.dma_semaphore, #tpu.memory_space<semaphore_mem>>) src(%dma_wait3A_4690 : memref<128x64xf32, #tpu.memory_space<vmem>>) dst(%dma_wait3A_4686 : memref<128x64xf32, #tpu.memory_space<hbm>>)
    %dma_wait3A_4691 = arith.constant 1 : i32
    %dma_wait3A_4692 = arith.constant 3 : i32
    %dma_wait3A_4693 = arith.constant 0 : i32
    %dma_wait3A_4694 = arith.constant 0 : i32
    %dma_wait3A_4695 = tpu.memref_slice %arg12[%dma_wait3A_4691, %dma_wait3A_4692, %dma_wait3A_4693, %dma_wait3A_4694] : memref<2x6x128x64xf32, #tpu.memory_space<vmem>> -> memref<1x1x128x64xf32, #tpu.memory_space<vmem>>
    %dma_wait3A_4696 = tpu.memref_squeeze %dma_wait3A_4695 : memref<1x1x128x64xf32, #tpu.memory_space<vmem>> -> memref<128x64xf32, #tpu.memory_space<vmem>>
    %dma_wait3A_4697 = arith.constant 192 : i32
    %dma_wait3A_4698 = tpu.memref_slice %arg10[%add3A_3440, %dma_wait3A_4697] : memref<16384x385xf32, #tpu.memory_space<hbm>> -> memref<128x64xf32, #tpu.memory_space<hbm>>
    %dma_wait3A_4699 = arith.constant 192 : i32
    %dma_wait3A_4700 = tpu.memref_slice %arg10[%add3A_3440, %dma_wait3A_4699] : memref<16384x385xf32, #tpu.memory_space<hbm>> -> memref<128x64xf32, #tpu.memory_space<hbm>>
    %dma_wait3A_4701 = arith.constant 0 : i32
    %dma_wait3A_4702 = arith.constant 0 : i32
    %dma_wait3A_4703 = tpu.memref_slice %arg12[%dma_wait3A_4691, %dma_wait3A_4692, %dma_wait3A_4701, %dma_wait3A_4702] : memref<2x6x128x64xf32, #tpu.memory_space<vmem>> -> memref<1x1x128x64xf32, #tpu.memory_space<vmem>>
    %dma_wait3A_4704 = tpu.memref_squeeze %dma_wait3A_4703 : memref<1x1x128x64xf32, #tpu.memory_space<vmem>> -> memref<128x64xf32, #tpu.memory_space<vmem>>
    tpu.wait_dma2 semaphore(%arg17 : memref<!tpu.dma_semaphore, #tpu.memory_space<semaphore_mem>>) src(%dma_wait3A_4704 : memref<128x64xf32, #tpu.memory_space<vmem>>) dst(%dma_wait3A_4700 : memref<128x64xf32, #tpu.memory_space<hbm>>)
    %dma_wait3A_4705 = arith.constant 1 : i32
    %dma_wait3A_4706 = arith.constant 4 : i32
    %dma_wait3A_4707 = arith.constant 0 : i32
    %dma_wait3A_4708 = arith.constant 0 : i32
    %dma_wait3A_4709 = tpu.memref_slice %arg12[%dma_wait3A_4705, %dma_wait3A_4706, %dma_wait3A_4707, %dma_wait3A_4708] : memref<2x6x128x64xf32, #tpu.memory_space<vmem>> -> memref<1x1x128x64xf32, #tpu.memory_space<vmem>>
    %dma_wait3A_4710 = tpu.memref_squeeze %dma_wait3A_4709 : memref<1x1x128x64xf32, #tpu.memory_space<vmem>> -> memref<128x64xf32, #tpu.memory_space<vmem>>
    %dma_wait3A_4711 = arith.constant 256 : i32
    %dma_wait3A_4712 = tpu.memref_slice %arg10[%add3A_3440, %dma_wait3A_4711] : memref<16384x385xf32, #tpu.memory_space<hbm>> -> memref<128x64xf32, #tpu.memory_space<hbm>>
    %dma_wait3A_4713 = arith.constant 256 : i32
    %dma_wait3A_4714 = tpu.memref_slice %arg10[%add3A_3440, %dma_wait3A_4713] : memref<16384x385xf32, #tpu.memory_space<hbm>> -> memref<128x64xf32, #tpu.memory_space<hbm>>
    %dma_wait3A_4715 = arith.constant 0 : i32
    %dma_wait3A_4716 = arith.constant 0 : i32
    %dma_wait3A_4717 = tpu.memref_slice %arg12[%dma_wait3A_4705, %dma_wait3A_4706, %dma_wait3A_4715, %dma_wait3A_4716] : memref<2x6x128x64xf32, #tpu.memory_space<vmem>> -> memref<1x1x128x64xf32, #tpu.memory_space<vmem>>
    %dma_wait3A_4718 = tpu.memref_squeeze %dma_wait3A_4717 : memref<1x1x128x64xf32, #tpu.memory_space<vmem>> -> memref<128x64xf32, #tpu.memory_space<vmem>>
    tpu.wait_dma2 semaphore(%arg17 : memref<!tpu.dma_semaphore, #tpu.memory_space<semaphore_mem>>) src(%dma_wait3A_4718 : memref<128x64xf32, #tpu.memory_space<vmem>>) dst(%dma_wait3A_4714 : memref<128x64xf32, #tpu.memory_space<hbm>>)
    %dma_wait3A_4719 = arith.constant 1 : i32
    %dma_wait3A_4720 = arith.constant 5 : i32
    %dma_wait3A_4721 = arith.constant 0 : i32
    %dma_wait3A_4722 = arith.constant 0 : i32
    %dma_wait3A_4723 = tpu.memref_slice %arg12[%dma_wait3A_4719, %dma_wait3A_4720, %dma_wait3A_4721, %dma_wait3A_4722] : memref<2x6x128x64xf32, #tpu.memory_space<vmem>> -> memref<1x1x128x64xf32, #tpu.memory_space<vmem>>
    %dma_wait3A_4724 = tpu.memref_squeeze %dma_wait3A_4723 : memref<1x1x128x64xf32, #tpu.memory_space<vmem>> -> memref<128x64xf32, #tpu.memory_space<vmem>>
    %dma_wait3A_4725 = arith.constant 320 : i32
    %dma_wait3A_4726 = tpu.memref_slice %arg10[%add3A_3440, %dma_wait3A_4725] : memref<16384x385xf32, #tpu.memory_space<hbm>> -> memref<128x64xf32, #tpu.memory_space<hbm>>
    %dma_wait3A_4727 = arith.constant 320 : i32
    %dma_wait3A_4728 = tpu.memref_slice %arg10[%add3A_3440, %dma_wait3A_4727] : memref<16384x385xf32, #tpu.memory_space<hbm>> -> memref<128x64xf32, #tpu.memory_space<hbm>>
    %dma_wait3A_4729 = arith.constant 0 : i32
    %dma_wait3A_4730 = arith.constant 0 : i32
    %dma_wait3A_4731 = tpu.memref_slice %arg12[%dma_wait3A_4719, %dma_wait3A_4720, %dma_wait3A_4729, %dma_wait3A_4730] : memref<2x6x128x64xf32, #tpu.memory_space<vmem>> -> memref<1x1x128x64xf32, #tpu.memory_space<vmem>>
    %dma_wait3A_4732 = tpu.memref_squeeze %dma_wait3A_4731 : memref<1x1x128x64xf32, #tpu.memory_space<vmem>> -> memref<128x64xf32, #tpu.memory_space<vmem>>
    tpu.wait_dma2 semaphore(%arg17 : memref<!tpu.dma_semaphore, #tpu.memory_space<semaphore_mem>>) src(%dma_wait3A_4732 : memref<128x64xf32, #tpu.memory_space<vmem>>) dst(%dma_wait3A_4728 : memref<128x64xf32, #tpu.memory_space<hbm>>)
    %dma_wait3A_4733 = arith.constant 384 : i32
    %dma_wait3A_4734 = tpu.memref_slice %arg10[%mul3A_2, %dma_wait3A_4733] : memref<16384x385xf32, #tpu.memory_space<hbm>> -> memref<512x1xf32, #tpu.memory_space<hbm>>
    %dma_wait3A_4735 = arith.constant 384 : i32
    %dma_wait3A_4736 = tpu.memref_slice %arg10[%mul3A_2, %dma_wait3A_4735] : memref<16384x385xf32, #tpu.memory_space<hbm>> -> memref<512x1xf32, #tpu.memory_space<hbm>>
    tpu.wait_dma2 semaphore(%arg18 : memref<!tpu.dma_semaphore, #tpu.memory_space<semaphore_mem>>) src(%arg13 : memref<512x1xf32, #tpu.memory_space<vmem>>) dst(%dma_wait3A_4736 : memref<512x1xf32, #tpu.memory_space<hbm>>)
    return
  }
}

</mosaic_0001>

<sc_bundles>
// kernel: kernel.3.cloned.1.call-start
scs
__scs_entry_jumppad:
0x0: {  	(pc) =	sbr.rel $0x88, $3  }
0x1: {  	(tag) =	ssettag $0x0;
	lr =	simm.s32 $0x1  }
0x2: {  	[smem:$0x3F94] =	sst lr;
	_ =	strace $0xD0000000  }
0x3: {  	_ = 	snop  }
0x4: {  	_ = 	snop  }
0x5: {  	_ = 	snop  }
0x6: {  	_ = 	snop  }
0x7: {  	_ = 	snop  }
__scs_overlays_trampoline_lowered:
0x8: {  	[smem:$0x3FA3] =	sst s0  }
0x9: {  	[smem:$0x3FA4] =	sst s1  }
0xa: {  	[smem:$0x3FA5] =	sst s2  }
0xb: {  	[smem:$0x3FA6] =	sst s3  }
0xc: {  	[smem:$0x3FA7] =	sst s4  }
0xd: {  	[smem:$0x3FA8] =	sst s5  }
0xe: {  	[smem:$0x3FA9] =	sst s6  }
0xf: {  	[smem:$0x3FAA] =	sst s7  }
0x10: {  	[smem:$0x3FAB] =	sst s8  }
0x11: {  	[smem:$0x3FAC] =	sst s9;
	s0 =	simm.s32 @!p0 $0x0  }
0x12: {  	s1 =	sld [smem:$0x3F92];
	s0 =	simm.s32 @p0 $0x1  }
0x13: {  	[smem:$0x3FAD] =	sst s0;
	s0 =	simm.s32 @!p1 $0x0  }
0x14: {  	s2 =	sld [smem:$0x3F91];
	s0 =	simm.s32 @p1 $0x1  }
0x15: {  	[smem:$0x3FAE] =	sst s0;
	s0 =	simm.s32 @!p2 $0x0  }
0x16: {  	s3 =	sld [smem:$0x3FDB];
	s0 =	simm.s32 @p2 $0x1  }
0x17: {  	s4 =	simm.s32 $0x1BF5;
	[smem:$0x3FB0] =	sst s0  }
0x18: {  	s0 =	sld [smem:$0x3F93];
	_ =	swait.ge [sflag:s4], $0x0  }
0x19: {  	s7 =	sld [smem:$0x3F94]  }
0x1a: {  	s8 =	sadd.s32 $0xFFFFE003, lr  }
0x1b: {  	s9 =	sadd.s32 $0xFFFFFEF7, lr;
	s5 =	simm.s32 $0xFFFFFFFF;
	p2 =	slt.u32 s8, $0xFFFFF086  }
0x1c: {  	p1 =	slt.u32 s9, $0xF7A;
	s5 =	simm.s32 @!p2 $0x0  }
0x1d: {  	s5 =	simm.s32 @p1 $0x1;
	p0 =	seq.s32 s7, s2  }
0x1e: {  	s7 =	smul.u32 @!p0 $0xF7A, s2;
	p2 =	seq.s32 @!p0 s5, $0x0  }
0x1f: {  	s9 =	smul.u32 $0xF7A, s1;
	s8 =	simm.s32 @!p0 $0x1BF5;
	p2 =	por !p2, p0  }
0x20: {  	[sflag:s8] =	ssyncset.s32 @!p0 $0xFFFFF086;
	s6 =	sadd.s32 @!p0 s3, s7;
	s7 =	simm.s32 @!p0 $0x108  }
0x21: {  	s3 =	sadd.s32 s3, s9;
	s6 =	sadd.s32 @!p0 $0x88, s6;
	s7 =	simm.s32 @p2 $0x1082  }
0x22: {  	[simem:s7], [sflag:s8] =	dma.local @!p0 [hbm:s6], $0xF7A  }
0x23: {  	s9 =	sor.u32 $0xD0000000, s2;
	s6 =	simm.s32 $0x108;
	_ =	swait.ge @!p0 [sflag:s8], $0x0  }
0x24: {  	s3 =	sadd.s32 $0x88, s3;
	s6 =	simm.s32 @!p1 $0x1082;
	[sflag:s4] =	ssyncset.s32 $0xFFFFF086  }
0x25: {  	[simem:s6], [sflag:s4] =	dma.local [hbm:s3], $0xF7A  }
0x26: {  	[smem:$0x3F94] =	sst s1;
	(tag) =	ssettag s2;
	_ =	strace s9  }
0x27: {  	s1 =	sld [smem:$0x3FA4]  }
0x28: {  	s2 =	sld [smem:$0x3FA5]  }
0x29: {  	s4 =	sld [smem:$0x3FA7]  }
0x2a: {  	p0 =	seq.s32 s5, $0x0;
	s5 =	sld [smem:$0x3FA8]  }
0x2b: {  	s6 =	sld [smem:$0x3FA9]  }
0x2c: {  	s7 =	sld [smem:$0x3FAA]  }
0x2d: {  	s3 =	simm.s32 $0x108;
	s8 =	sld [smem:$0x3FAB]  }
0x2e: {  	s3 =	simm.s32 @!p0 $0x1082;
	s9 =	sld [smem:$0x3FAC]  }
0x2f: {  	lr =	sadd.s32 s0, s3;
	s0 =	sld [smem:$0x3FA3]  }
0x30: {  	s3 =	sld [smem:$0x3FA6]  }
0x31: {  	[smem:$0x3FAF] =	sst s10  }
0x32: {  	s10 =	sld [smem:$0x3FAD];
	_ =	sdelay $0x3  }
0x33: {  	p0 =	seq.s32 s10, $0x1;
	s10 =	sld [smem:$0x3FAF];
	_ =	sdelay $0x3  }
0x34: {  	[smem:$0x3FAF] =	sst s10  }
0x35: {  	s10 =	sld [smem:$0x3FAE];
	_ =	sdelay $0x3  }
0x36: {  	p1 =	seq.s32 s10, $0x1;
	s10 =	sld [smem:$0x3FAF];
	_ =	sdelay $0x3  }
0x37: {  	[smem:$0x3FAF] =	sst s10  }
0x38: {  	s10 =	sld [smem:$0x3FB0]  }
0x39: {  	_ = 	snop;
	(pc) =	sbr.ind lr, $3  }
0x3a: {  	_ = 	snop  }
0x3b: {  	_ = 	snop  }
0x3c: {  	p2 =	seq.s32 s10, $0x1;
	s10 =	sld [smem:$0x3FAF]  }
0x3d: {  	_ =	shalt  }
0x3e: {  	_ =	shalt  }
0x3f: {  	_ =	shalt  }
0x40: {  	_ =	shalt  }
0x41: {  	_ =	shalt  }
0x42: {  	_ =	shalt  }
0x43: {  	_ =	shalt  }
0x44: {  	_ =	shalt  }
0x45: {  	_ =	shalt  }
0x46: {  	_ =	shalt  }
0x47: {  	_ =	shalt  }
0x48: {  	_ =	shalt  }
0x49: {  	_ =	shalt  }
0x4a: {  	_ =	shalt  }
0x4b: {  	_ =	shalt  }
0x4c: {  	_ =	shalt  }
0x4d: {  	_ =	shalt  }
0x4e: {  	_ =	shalt  }
0x4f: {  	_ =	shalt  }
0x50: {  	_ =	shalt  }
0x51: {  	_ =	shalt  }
0x52: {  	_ =	shalt  }
0x53: {  	_ =	shalt  }
0x54: {  	_ =	shalt  }
0x55: {  	_ =	shalt  }
0x56: {  	_ =	shalt  }
0x57: {  	_ =	shalt  }
0x58: {  	_ =	shalt  }
0x59: {  	_ =	shalt  }
0x5a: {  	_ =	shalt  }
0x5b: {  	_ =	shalt  }
0x5c: {  	_ =	shalt  }
0x5d: {  	_ =	shalt  }
0x5e: {  	_ =	shalt  }
0x5f: {  	_ =	shalt  }
0x60: {  	_ =	shalt  }
0x61: {  	_ =	shalt  }
0x62: {  	_ =	shalt  }
0x63: {  	_ =	shalt  }
0x64: {  	_ =	shalt  }
0x65: {  	_ =	shalt  }
0x66: {  	_ =	shalt  }
0x67: {  	_ =	shalt  }
0x68: {  	_ =	shalt  }
0x69: {  	_ =	shalt  }
0x6a: {  	_ =	shalt  }
0x6b: {  	_ =	shalt  }
0x6c: {  	_ =	shalt  }
0x6d: {  	_ =	shalt  }
0x6e: {  	_ =	shalt  }
0x6f: {  	_ =	shalt  }
0x70: {  	_ =	shalt  }
0x71: {  	_ =	shalt  }
0x72: {  	_ =	shalt  }
0x73: {  	_ =	shalt  }
0x74: {  	_ =	shalt  }
0x75: {  	_ =	shalt  }
0x76: {  	_ =	shalt  }
0x77: {  	_ =	shalt  }
0x78: {  	_ =	shalt  }
0x79: {  	_ =	shalt  }
0x7a: {  	_ =	shalt  }
0x7b: {  	_ =	shalt  }
0x7c: {  	_ =	shalt  }
0x7d: {  	_ =	shalt  }
0x7e: {  	_ =	shalt  }
0x7f: {  	_ =	shalt  }
0x80: {  	_ =	shalt  }
0x81: {  	_ =	shalt  }
0x82: {  	_ =	shalt  }
0x83: {  	_ =	shalt  }
0x84: {  	_ =	shalt  }
0x85: {  	_ =	shalt  }
0x86: {  	_ =	shalt  }
0x87: {  	_ =	shalt  }
.Lfunc_end0:
.L_simem_size_0:
called_computation_lowered:
.L_overlay_start_0:
0x88: {  	s2 =	sld [smem:$0x3FD9]  }
0x89: {  	s3 =	sld [smem:$0x3FFE];
	_ =	sdelay $0x1  }
0x8a: {  	s1 =	srdreg.scid  }
0x8b: {  	s0 =	sand.u32 $0x1, s1  }
0x8c: {  	s17 =	sshll.u32 s0, $0xA;
	s2 =	sadd.s32 s3, s2  }
0x8d: {  	s2 =	sadd.s32 s2, s17  }
0x8e: {  	[smem:$0x3FBB] =	sst s2  }
0x8f: {  	_ = 	snop  }
0x90: {  	s2 =	sld [smem:$0x3FC9]  }
0x91: {  	s18 =	sld [smem:$0x3FC8]  }
0x92: {  	s4 =	sld [smem:$0x3FC7]  }
0x93: {  	s5 =	sld [smem:$0x3FC6]  }
0x94: {  	s6 =	sld [smem:$0x3FC4]  }
0x95: {  	s7 =	sld [smem:$0x3FC3]  }
0x96: {  	s8 =	sld [smem:$0x3FD0];
	(tm) =	ssettm $0x1  }
0x97: {  	s9 =	sld [smem:$0x3FFB];
	_ =	sdelay $0x3  }
0x98: {  	_ =	strace s9  }
0x99: {  	s9 =	sld [smem:$0x3FFC];
	_ =	sdelay $0x3  }
0x9a: {  	_ =	strace s9  }
0x9b: {  	s9 =	sld [smem:$0x3FFD];
	_ =	sdelay $0x3  }
0x9c: {  	_ =	strace s9  }
0x9d: {  	_ =	strace $0x8FFFFFFF  }
0x9e: {  	s19 =	sld [smem:$0x3FDB];
	_ =	sdelay $0x1  }
0x9f: {  	s10 =	simm.s32 $_scs_section_size  }
0xa0: {  	s11 =	simm.s32 $_size__tile_overlayer_lowered;
	s12 =	simm.s32 $_tile_overlayer_lowered  }
0xa1: {  	s22 =	simm.s32 $0x1BFF;
	s21 =	sshll.u32 s12, $0x1;
	s9 =	sadd.s32 s10, s19  }
0xa2: {  	s13 =	simm.s32 $0x0;
	s20 =	sshll.u32 s11, $0x1;
	s11 =	sadd.s32 s21, s9  }
0xa3: {  	[timem:s13], [sflag:s22] =	dma.local [hbm:s11], s20  }
0xa4: {  	_ =	swait.ge [sflag:s22], s20  }
0xa5: {  	s10 =	ssub.s32 $0x0, s20;
	[sflag:s22] =	ssyncset.done $0x0  }
0xa6: {  	[sflag:s22] =	ssyncadd.s32 s10;
	_ =	sdelay $0x1  }
0xa7: {  	s23 =	simm.s32 $0x1B8B  }
0xa8: {  	_ =	swait.ge [sflag:s23], $0x1  }
0xa9: {  	[sflag:s23] =	ssyncset.done $0x0  }
0xaa: {  	s25 =	simm.s32 $0x1B8E;
	s24 =	sld [smem:$0x3FFE];
	[sflag:s23] =	ssyncadd.s32 $0xFFFFFFFF  }
0xab: {  	s26 =	simm.s32 $execute0_lowered;
	[smem:$0x3FD2] =	sst s25  }
0xac: {  	s11 =	sshll.u32 s26, $0x1;
	_ =	strace $0x80000046;
	[dreg:$0x1] =	wrdreg $0xFFFFFFFF  }
0xad: {  	s28 =	simm.s32 $_size_execute0_lowered;
	s9 =	sadd.s32 s9, s11;
	[dreg:$0x0] =	wrdreg $0x0  }
0xae: {  	s11 =	sshll.u32 s28, $0x1;
	[dreg:$0x2] =	wrdreg s9  }
0xaf: {  	[dreg:$0x3] =	wrdreg s11  }
0xb0: {  	[dreg:$0x4] =	wrdreg $0xC0  }
0xb1: {  	_ =	task [dreg:s13], $0x5FFFF  }
0xb2: {  	[dreg:$0x1] =	wrdreg $0xFFFFFFFF  }
0xb3: {  	[dreg:$0x0] =	wrdreg $0x60  }
0xb4: {  	[dreg:$0x2] =	wrdreg s2  }
0xb5: {  	[dreg:$0x3] =	wrdreg s5  }
0xb6: {  	[dreg:$0x4] =	wrdreg s6  }
0xb7: {  	[dreg:$0x5] =	wrdreg s7  }
0xb8: {  	[dreg:$0x6] =	wrdreg s18  }
0xb9: {  	[dreg:$0x7] =	wrdreg s4  }
0xba: {  	[dreg:$0x8] =	wrdreg s24  }
0xbb: {  	[dreg:$0x9] =	wrdreg s8  }
0xbc: {  	[dreg:$0xa] =	wrdreg $0x196000  }
0xbd: {  	[dreg:$0xb] =	wrdreg $0x9  }
0xbe: {  	_ =	task.clear_ibuf [dreg:s13], $0xCFFFF;
	_ =	strace $0x90000046  }
0xbf: {  	s29 =	simm.s32 $0x9;
	_ =	strace $0x80000048  }
0xc0: {  	_ =	swait.ge [sflag:s29], $0x1  }
0xc1: {  	[sflag:s29] =	ssyncadd.s32 $0xFFFFFFFF  }
0xc2: {  	_ =	strace $0x90000048  }
0xc3: {  	_ =	sfence  }
0xc4: {  	s30 =	sld [smem:$0x0];
	_ =	sdelay $0x2  }
0xc5: {  	s31 =	sshll.u32 s1, $0xD;
	s1 =	sshrl.u32 s1, $0x2  }
0xc6: {  	s3 =	sand.u32 $0x4000, s31;
	s1 =	sadd.s32 s1, s30  }
0xc7: {  	s0 =	sor.u32 s3, s0;
	s1 =	sshll.u32 s1, $0x11  }
0xc8: {  	s0 =	sor.u32 s1, s0  }
0xc9: {  	s0 =	sadd.s32 $0x8F2B, s0  }
0xca: {  	[sflag:s0] =	ssyncadd.remote.s32 $0x1  }
0xcb: {  	_ =	sfence.sel $0xFFFF  }
0xcc: {  	[dreg:$0x0] =	wrdreg $0xFFFFFFFF;
	(pc) =	sbr.abs _section_cstart, $3  }
0xcd: {  	[dreg:$0x1] =	wrdreg $0xFFFFFFFF  }
0xce: {  	_ =	task.clear_ibuf [dreg:s13], $0x2FFFF;
	_ =	strace $0x9FFFFFFF  }
0xcf: {  	(tm) =	ssettm $0x7FFFFFFF  }
tec
execute0_lowered:
.L_overlay_start_1:
0x0: {  	(tag) =	ssettag $0x1  }
0x1: {  	s3 =	rddreg [dreg:$0x0]  }
0x2: {  	s4 =	rddreg [dreg:$0x1]  }
0x3: {  	s1 =	srdreg.scid;
	s0 =	stileid.u32  }
0x4: {  	s5 =	rddreg [dreg:$0x2];
	s1 =	sand.u32 $0x1, s1;
	s2 =	sshll.u32 s0, $0x1  }
0x5: {  	s6 =	rddreg [dreg:$0x3];
	s10 =	sor.u32 s1, s2  }
0x6: {  	s7 =	rddreg [dreg:$0x4];
	s30 =	sshll.u32 s10, $0x6  }
0x7: {  	s9 =	rddreg [dreg:$0x5];
	s8 =	ssub.s32 $0x2, s1;
	s11 =	sadd.s32 s3, s30  }
0x8: {  	s29 =	sshrl.u32 s8, $0x1;
	s14 =	sadd.s32 s4, s30;
	[dreg:$0xa] =	wrdreg s11  }
0x9: {  	s2 =	sshll.u32 s10, $0x9;
	s12 =	sadd.s32 s5, s30;
	[dreg:$0xb] =	wrdreg s14  }
0xa: {  	s1 =	ssub.s32 s8, s29;
	s15 =	sadd.s32 s6, s30;
	[dreg:$0xc] =	wrdreg s12  }
0xb: {  	s13 =	sadd.s32 s7, s30;
	s11 =	sor.u32 $0x80, s2;
	[dreg:$0xd] =	wrdreg s15  }
0xc: {  	s8 =	sadd.s32 s9, s30;
	[dreg:$0xe] =	wrdreg s13;
	s16 =	sshrl.u32 s11, $0x3  }
0xd: {  	[dreg:$0xf] =	wrdreg s8;
	s17 =	sadd.s32 s3, s16  }
0xe: {  	s18 =	sadd.s32 s4, s16;
	[dreg:$0x10] =	wrdreg s17  }
0xf: {  	s19 =	sadd.s32 s5, s16;
	[dreg:$0x11] =	wrdreg s18  }
0x10: {  	s20 =	sadd.s32 s6, s16;
	[dreg:$0x12] =	wrdreg s19  }
0x11: {  	s8 =	sor.u32 $0x100, s2;
	s21 =	sadd.s32 s7, s16;
	[dreg:$0x13] =	wrdreg s20  }
0x12: {  	s22 =	sshrl.u32 s8, $0x3;
	s12 =	sadd.s32 s9, s16;
	[dreg:$0x14] =	wrdreg s21  }
0x13: {  	s23 =	sadd.s32 s3, s22;
	[dreg:$0x15] =	wrdreg s12  }
0x14: {  	s24 =	sadd.s32 s4, s22;
	[dreg:$0x16] =	wrdreg s23  }
0x15: {  	s25 =	sadd.s32 s5, s22;
	[dreg:$0x17] =	wrdreg s24  }
0x16: {  	s26 =	sadd.s32 s6, s22;
	[dreg:$0x18] =	wrdreg s25  }
0x17: {  	s29 =	sor.u32 $0x180, s2;
	s14 =	sadd.s32 s7, s22;
	[dreg:$0x19] =	wrdreg s26  }
0x18: {  	s30 =	sshrl.u32 s29, $0x3;
	s13 =	sadd.s32 s9, s22;
	[dreg:$0x1a] =	wrdreg s14  }
0x19: {  	s3 =	sadd.s32 s3, s30;
	[dreg:$0x1b] =	wrdreg s13  }
0x1a: {  	s4 =	sadd.s32 s4, s30;
	[dreg:$0x1c] =	wrdreg s3  }
0x1b: {  	s5 =	sadd.s32 s5, s30;
	[dreg:$0x1d] =	wrdreg s4  }
0x1c: {  	s6 =	sadd.s32 s6, s30;
	[dreg:$0x1e] =	wrdreg s5  }
0x1d: {  	s7 =	sadd.s32 s7, s30;
	[dreg:$0x1f] =	wrdreg s6  }
0x1e: {  	[smem:$0x7E1] =	sst s7  }
0x1f: {  	s15 =	smul.u32 $0x31, s11;
	s13 =	sadd.s32 s9, s30;
	s4 =	rddreg [dreg:$0x7]  }
0x20: {  	s14 =	smul.u32 $0x6200, s10;
	s24 =	simm.s32 $0x0;
	[smem:$0x7E2] =	sst s13  }
0x21: {  	[smem:$0x7FF] =	sst s24;
	s6 =	sadd.s32 $0x8, s4;
	s21 =	sadd.s32 s4, s15  }
0x22: {  	s7 =	sadd.s32 $0x10, s4;
	s16 =	sadd.s32 s14, s6;
	[smem:$0x7E8] =	sst s21  }
0x23: {  	s9 =	sadd.s32 $0x18, s4;
	s17 =	sadd.s32 s14, s7;
	[smem:$0x7E3] =	sst s16  }
0x24: {  	s10 =	sadd.s32 $0x20, s4;
	s18 =	sadd.s32 s14, s9;
	[smem:$0x7E4] =	sst s17  }
0x25: {  	s11 =	sadd.s32 $0x28, s4;
	s19 =	sadd.s32 s14, s10;
	[smem:$0x7E5] =	sst s18  }
0x26: {  	s3 =	sadd.s32 s14, s11;
	[smem:$0x7E6] =	sst s19  }
0x27: {  	s22 =	sadd.s32 s15, s6;
	[smem:$0x7E7] =	sst s3  }
0x28: {  	s23 =	sadd.s32 s15, s7;
	[smem:$0x7E9] =	sst s22  }
0x29: {  	s25 =	sadd.s32 s15, s9;
	[smem:$0x7EA] =	sst s23  }
0x2a: {  	s20 =	smul.u32 $0x31, s8;
	s26 =	sadd.s32 s15, s10;
	[smem:$0x7EB] =	sst s25  }
0x2b: {  	s5 =	sadd.s32 s15, s11;
	[smem:$0x7EC] =	sst s26  }
0x2c: {  	s30 =	sadd.s32 s4, s20;
	[smem:$0x7ED] =	sst s5  }
0x2d: {  	s12 =	sadd.s32 s20, s6;
	[smem:$0x7EE] =	sst s30  }
0x2e: {  	s13 =	sadd.s32 s4, s14;
	s14 =	sadd.s32 s20, s7;
	[smem:$0x7EF] =	sst s12  }
0x2f: {  	s29 =	smul.u32 $0x31, s29;
	s15 =	sadd.s32 s20, s9;
	[smem:$0x7F0] =	sst s14  }
0x30: {  	s31 =	simm.s32 $0x1;
	s28 =	simm.s32 $0x0;
	[smem:$0x7F1] =	sst s15  }
0x31: {  	p0 =	sne.s32 s0, $0x0;
	s21 =	sadd.s32 s29, s9;
	s19 =	rddreg [dreg:$0x6]  }
0x32: {  	s9 =	simm.s32 $0x600;
	s16 =	sadd.s32 s20, s10;
	[smem:$0x7F7] =	sst s21  }
0x33: {  	s3 =	sadd.s32 s20, s11;
	s17 =	sadd.s32 s4, s29;
	[smem:$0x7F2] =	sst s16  }
0x34: {  	s18 =	sadd.s32 s29, s6;
	s20 =	sadd.s32 s29, s7;
	[smem:$0x7F3] =	sst s3  }
0x35: {  	s22 =	sadd.s32 s29, s10;
	s23 =	sadd.s32 s29, s11;
	[smem:$0x7F4] =	sst s17  }
0x36: {  	s29 =	smax.u32 s1, $0x1;
	s30 =	sadd.s32 $0x30, s13;
	[smem:$0x7F5] =	sst s18  }
0x37: {  	s12 =	simm.s32 $0x2;
	s10 =	simm.s32 $0x2600;
	[smem:$0x7F6] =	sst s20  }
0x38: {  	s11 =	simm.s32 $0x4600;
	s14 =	simm.s32 $0x6600;
	s16 =	rddreg [dreg:$0x8]  }
0x39: {  	s15 =	simm.s32 $0x8600;
	s21 =	simm.s32 $0x10600;
	[smem:$0x7F8] =	sst s22  }
0x3a: {  	s4 =	simm.s32 $0x16600;
	[smem:$0x7F9] =	sst s23;
	s26 =	sadd.s32 $0x400, s19  }
0x3b: {  	s25 =	sadd.s32 s2, s19;
	_ =	strace $0x80000047;
	[smem:$0x7FA] =	sst s26  }
0x3c: {  	s23 =	simm.s32 $0x80;
	s22 =	simm.s32 $0x3;
	[smem:$0x7FB] =	sst s29  }
0x3d: {  	s17 =	simm.s32 $0xA600;
	s18 =	simm.s32 $0xC600;
	[smem:$0x7FC] =	sst s13  }
0x3e: {  	s19 =	simm.s32 $0xE600;
	s20 =	sadd.s32 $0x2200, s25;
	[smem:$0x7FD] =	sst s30  }
0x3f: {  	s13 =	simm.s32 $0x40;
	s25 =	simm.s32 $0x188;
	s26 =	simm.s32 $0x12600  }
.LBB2_1:
0x40: {  	s29 =	sld [smem:$0x7FA];
	_ =	sdelay $0x1  }
0x41: {  	s0 =	sshrl.u32 @!p0 s16, $0x3;
	s1 =	simm.s32 @!p0 $0x1C05  }
0x42: {  	[spmem:s0], [sflag:s1] =	dma.local @!p0 [hbm:s29], $0x1D88  }
0x43: {  	s0 =	simm.s32 @!p0 $0x5  }
0x44: {  	_ =	swait.ge @!p0 [sflag:s0], $0x1D88  }
0x45: {  	s30 =	simm.s32 $0x18608;
	s29 =	simm.s32 $0x1;
	[sflag:s0] =	ssyncset.done @!p0 $0x0  }
0x46: {  	s1 =	sadd.s32 $0x0, s20;
	[sflag:s0] =	ssyncadd.s32 @!p0 $0xFFFFE278;
	s0 =	simm.s32 $0x18600  }
.LBB2_2:
0x47: {  	[tilespmem:s0], [sflag:$0x4] =	stream.linear.gather [hbm4b:s1+s24], $0x1, $0x38;
	[tilespmem:$0x1A4C8] =	vst v63  }
0x48: {  	s1 =	smov.u32 s29;
	s0 =	smov.u32 s30;
	p1 =	sne.s32 s29, $0x1FF  }
.Ltmp0:
0x49: {  	s29 =	sadd.s32 $0x1, s29;
	(pc) =	sbr.rel @p1 .LBB2_2-.Ltmp0, $2  }
0x4a: {  	_ =	sdelay $0x2  }
0x4b: {  	s30 =	sadd.s32 $0x8, s30;
	s1 =	sadd.s32 s1, s20  }
0x4c: {  	[tilespmem:s0], [sflag:$0x4] =	stream.linear.gather [hbm4b:s1+s24], $0x1, $0x38;
	[tilespmem:$0x1A4C8] =	vst v63  }
0x4d: {  	s7 =	rddreg [dreg:$0xa]  }
0x4e: {  	[tilespmem:s24], [sflag:$0x1] =	stream.linear.gather [hbm4b:s7+s24], $0x80, $0x38;
	[tilespmem:$0x1A4C8] =	vst v63  }
0x4f: {  	s8 =	rddreg [dreg:$0xb]  }
0x50: {  	[tilespmem:s23], [sflag:$0x1] =	stream.linear.gather [hbm4b:s8+s24], $0x80, $0x38;
	[tilespmem:$0x1A4C8] =	vst v63  }
0x51: {  	s29 =	rddreg [dreg:$0xc];
	s30 =	simm.s32 $0x100  }
0x52: {  	[tilespmem:s30], [sflag:$0x1] =	stream.linear.gather [hbm4b:s29+s24], $0x80, $0x38;
	[tilespmem:$0x1A4C8] =	vst v63  }
0x53: {  	s1 =	rddreg [dreg:$0xd];
	s29 =	simm.s32 $0x180  }
0x54: {  	[tilespmem:s29], [sflag:$0x1] =	stream.linear.gather [hbm4b:s1+s24], $0x80, $0x38;
	[tilespmem:$0x1A4C8] =	vst v63  }
0x55: {  	s2 =	rddreg [dreg:$0xe];
	s30 =	simm.s32 $0x200  }
0x56: {  	[tilespmem:s30], [sflag:$0x1] =	stream.linear.gather [hbm4b:s2+s24], $0x80, $0x38;
	[tilespmem:$0x1A4C8] =	vst v63  }
0x57: {  	s3 =	rddreg [dreg:$0xf];
	s5 =	simm.s32 $0x280  }
0x58: {  	[tilespmem:s5], [sflag:$0x1] =	stream.linear.gather [hbm4b:s3+s24], $0x80, $0x38;
	[tilespmem:$0x1A4C8] =	vst v63  }
0x59: {  	[bflag:$0x0] =	sbarrier.arrive $0xFFFF  }
0x5a: {  	_ =	swait.ge [sflag:s31], $0x80  }
0x5b: {  	[sflag:s31] =	ssyncset.done $0x0  }
0x5c: {  	[sflag:s31] =	ssyncadd.s32 $0xFFFFFF80  }
0x5d: {  	_ =	swait.ge [sflag:s31], $0x80  }
0x5e: {  	[sflag:s31] =	ssyncset.done $0x0  }
0x5f: {  	[sflag:s31] =	ssyncadd.s32 $0xFFFFFF80  }
0x60: {  	_ =	swait.ge [sflag:s31], $0x80  }
0x61: {  	[sflag:s31] =	ssyncset.done $0x0  }
0x62: {  	[sflag:s31] =	ssyncadd.s32 $0xFFFFFF80  }
0x63: {  	_ =	swait.ge [sflag:s31], $0x80  }
0x64: {  	[sflag:s31] =	ssyncset.done $0x0  }
0x65: {  	[sflag:s31] =	ssyncadd.s32 $0xFFFFFF80  }
0x66: {  	_ =	swait.ge [sflag:s31], $0x80  }
0x67: {  	[sflag:s31] =	ssyncset.done $0x0  }
0x68: {  	[sflag:s31] =	ssyncadd.s32 $0xFFFFFF80  }
0x69: {  	_ =	swait.ge [sflag:s31], $0x80  }
0x6a: {  	[sflag:s31] =	ssyncset.done $0x0  }
0x6b: {  	s3 =	simm.s32 $0x300;
	s6 =	rddreg [dreg:$0x10];
	[sflag:s31] =	ssyncadd.s32 $0xFFFFFF80  }
0x6c: {  	[tilespmem:s3], [sflag:$0x1] =	stream.linear.gather [hbm4b:s6+s24], $0x80, $0x38;
	[tilespmem:$0x1A4C8] =	vst v63  }
0x6d: {  	s8 =	simm.s32 $0x380;
	s7 =	rddreg [dreg:$0x11]  }
0x6e: {  	[tilespmem:s8], [sflag:$0x1] =	stream.linear.gather [hbm4b:s7+s24], $0x80, $0x38;
	[tilespmem:$0x1A4C8] =	vst v63  }
0x6f: {  	s2 =	simm.s32 $0x400;
	s1 =	rddreg [dreg:$0x12]  }
0x70: {  	[tilespmem:s2], [sflag:$0x1] =	stream.linear.gather [hbm4b:s1+s24], $0x80, $0x38;
	[tilespmem:$0x1A4C8] =	vst v63  }
0x71: {  	s5 =	rddreg [dreg:$0x13];
	s6 =	simm.s32 $0x480  }
0x72: {  	[tilespmem:s6], [sflag:$0x1] =	stream.linear.gather [hbm4b:s5+s24], $0x80, $0x38;
	[tilespmem:$0x1A4C8] =	vst v63  }
0x73: {  	s7 =	rddreg [dreg:$0x14];
	s8 =	simm.s32 $0x500  }
0x74: {  	[tilespmem:s8], [sflag:$0x1] =	stream.linear.gather [hbm4b:s7+s24], $0x80, $0x38;
	[tilespmem:$0x1A4C8] =	vst v63  }
0x75: {  	s1 =	rddreg [dreg:$0x15];
	s2 =	simm.s32 $0x580  }
0x76: {  	[tilespmem:s2], [sflag:$0x1] =	stream.linear.gather [hbm4b:s1+s24], $0x80, $0x38;
	[tilespmem:$0x1A4C8] =	vst v63  }
0x77: {  	v0 =	vld [tilespmem:$0x80]  }
0x78: {  	v1 =	vld [tilespmem:$0x90]  }
0x79: {  	v2 =	vld [tilespmem:$0xA0]  }
0x7a: {  	v3 =	vld [tilespmem:$0xB0]  }
0x7b: {  	v4 =	vld [tilespmem:$0xC0]  }
0x7c: {  	v5 =	vld [tilespmem:$0xD0];
	v0 =	vadd.s32 $0xEB, v0  }
0x7d: {  	v38 =	vld [tilespmem:$0xE0];
	v37 =	vadd.s32 $0xEB, v1;
	[tilespmem:$0x80] =	vst v0  }
0x7e: {  	v40 =	vld [tilespmem:$0xF0];
	v39 =	vadd.s32 $0xEB, v2;
	[tilespmem:$0x90] =	vst v37  }
0x7f: {  	v42 =	vld [tilespmem:$0x100];
	v41 =	vadd.s32 $0xEB, v3;
	[tilespmem:$0xA0] =	vst v39  }
0x80: {  	v49 =	vld [tilespmem:$0x120];
	v43 =	vadd.s32 $0xEB, v4;
	[tilespmem:$0xB0] =	vst v41  }
0x81: {  	v50 =	vld [tilespmem:$0x130];
	v44 =	vadd.s32 $0xEB, v5;
	[tilespmem:$0xC0] =	vst v43  }
0x82: {  	v51 =	vld [tilespmem:$0x140];
	v45 =	vadd.s32 $0xEB, v38;
	[tilespmem:$0xD0] =	vst v44  }
0x83: {  	v52 =	vld [tilespmem:$0x150];
	v46 =	vadd.s32 $0xEB, v40;
	[tilespmem:$0xE0] =	vst v45  }
0x84: {  	v53 =	vld [tilespmem:$0x160];
	v47 =	vadd.s32 $0xED, v42;
	[tilespmem:$0xF0] =	vst v46  }
0x85: {  	v55 =	vld [tilespmem:$0x170];
	v54 =	vadd.s32 $0xED, v49;
	[tilespmem:$0x100] =	vst v47  }
0x86: {  	v57 =	vld [tilespmem:$0x180];
	v56 =	vadd.s32 $0xED, v50;
	[tilespmem:$0x120] =	vst v54  }
0x87: {  	v59 =	vld [tilespmem:$0x190];
	v58 =	vadd.s32 $0xED, v51;
	[tilespmem:$0x130] =	vst v56  }
0x88: {  	v61 =	vld [tilespmem:$0x1A0];
	v60 =	vadd.s32 $0xED, v52;
	[tilespmem:$0x140] =	vst v58  }
0x89: {  	v63 =	vld [tilespmem:$0x1B0];
	v62 =	vadd.s32 $0xED, v53;
	[tilespmem:$0x150] =	vst v60  }
0x8a: {  	v8 =	vld [tilespmem:$0x1C0];
	v7 =	vadd.s32 $0xED, v55;
	[tilespmem:$0x160] =	vst v62  }
0x8b: {  	v10 =	vld [tilespmem:$0x1D0];
	v9 =	vadd.s32 $0x15C, v57;
	[tilespmem:$0x170] =	vst v7  }
0x8c: {  	v12 =	vld [tilespmem:$0x1E0];
	v11 =	vadd.s32 $0x15C, v59;
	[tilespmem:$0x180] =	vst v9  }
0x8d: {  	v14 =	vld [tilespmem:$0x1F0];
	v13 =	vadd.s32 $0x15C, v61;
	[tilespmem:$0x190] =	vst v11  }
0x8e: {  	v16 =	vld [tilespmem:$0x200];
	v15 =	vadd.s32 $0x15C, v63;
	[tilespmem:$0x1A0] =	vst v13  }
0x8f: {  	v48 =	vld [tilespmem:$0x110];
	v17 =	vadd.s32 $0x15C, v8;
	[tilespmem:$0x1B0] =	vst v15  }
0x90: {  	v19 =	vadd.s32 $0x15C, v10;
	[tilespmem:$0x1C0] =	vst v17  }
0x91: {  	v18 =	vld [tilespmem:$0x210];
	v21 =	vadd.s32 $0x15C, v12;
	[tilespmem:$0x1D0] =	vst v19  }
0x92: {  	v20 =	vld [tilespmem:$0x220];
	v23 =	vadd.s32 $0x15C, v14;
	[tilespmem:$0x1E0] =	vst v21  }
0x93: {  	v22 =	vld [tilespmem:$0x230];
	v25 =	vadd.s32 $0x36A, v16;
	[tilespmem:$0x1F0] =	vst v23  }
0x94: {  	v24 =	vld [tilespmem:$0x240];
	v0 =	vadd.s32 $0xED, v48;
	[tilespmem:$0x200] =	vst v25  }
0x95: {  	v26 =	vld [tilespmem:$0x250];
	[tilespmem:$0x110] =	vst v0  }
0x96: {  	v27 =	vadd.s32 $0x36A, v18;
	v28 =	vld [tilespmem:$0x260]  }
0x97: {  	v29 =	vadd.s32 $0x36A, v20;
	[tilespmem:$0x210] =	vst v27;
	v30 =	vld [tilespmem:$0x270]  }
0x98: {  	v31 =	vadd.s32 $0x36A, v22;
	[tilespmem:$0x220] =	vst v29;
	v32 =	vld [tilespmem:$0x280]  }
0x99: {  	v33 =	vadd.s32 $0x36A, v24;
	[tilespmem:$0x230] =	vst v31;
	v34 =	vld [tilespmem:$0x290]  }
0x9a: {  	v35 =	vadd.s32 $0x36A, v26;
	[tilespmem:$0x240] =	vst v33;
	v36 =	vld [tilespmem:$0x2A0]  }
0x9b: {  	[tilespmem:$0x250] =	vst v35;
	v38 =	vld [tilespmem:$0x2B0];
	v37 =	vadd.s32 $0x36A, v28  }
0x9c: {  	v40 =	vld [tilespmem:$0x2C0];
	v39 =	vadd.s32 $0x36A, v30;
	[tilespmem:$0x260] =	vst v37  }
0x9d: {  	v42 =	vld [tilespmem:$0x2D0];
	v41 =	vadd.s32 $0x37F, v32;
	[tilespmem:$0x270] =	vst v39  }
0x9e: {  	v44 =	vld [tilespmem:$0x2E0];
	v43 =	vadd.s32 $0x37F, v34;
	[tilespmem:$0x280] =	vst v41  }
0x9f: {  	v46 =	vld [tilespmem:$0x2F0];
	v45 =	vadd.s32 $0x37F, v36;
	[tilespmem:$0x290] =	vst v43  }
0xa0: {  	v47 =	vadd.s32 $0x37F, v38;
	[tilespmem:$0x2A0] =	vst v45  }
0xa1: {  	v48 =	vadd.s32 $0x37F, v40;
	[tilespmem:$0x2B0] =	vst v47  }
0xa2: {  	v49 =	vadd.s32 $0x37F, v42;
	[tilespmem:$0x2C0] =	vst v48  }
0xa3: {  	v50 =	vadd.s32 $0x37F, v44;
	[tilespmem:$0x2D0] =	vst v49  }
0xa4: {  	v51 =	vadd.s32 $0x37F, v46;
	[tilespmem:$0x2E0] =	vst v50  }
0xa5: {  	[tilespmem:$0x2F0] =	vst v51  }
0xa6: {  	[tilespmem:s9], [sflag:$0x2] =	stream.indirect.gather [spmem:s16], $0x40, s24, s23, $0xb8;
	[tilespmem:$0x1A4C8] =	vst v63  }
0xa7: {  	_ = 	snop  }
0xa8: {  	[tilespmem:s10], [sflag:$0x2] =	stream.indirect.gather [spmem:s16], $0x40, s23, s23, $0xb8;
	[tilespmem:$0x1A4C8] =	vst v63  }
0xa9: {  	s1 =	simm.s32 $0x100  }
0xaa: {  	[tilespmem:s11], [sflag:$0x2] =	stream.indirect.gather [spmem:s16], $0x40, s1, s23, $0xb8;
	[tilespmem:$0x1A4C8] =	vst v63  }
0xab: {  	_ = 	snop  }
0xac: {  	[tilespmem:s14], [sflag:$0x2] =	stream.indirect.gather [spmem:s16], $0x40, s29, s23, $0xb8;
	[tilespmem:$0x1A4C8] =	vst v63  }
0xad: {  	_ = 	snop  }
0xae: {  	[tilespmem:s15], [sflag:$0x2] =	stream.indirect.gather [spmem:s16], $0x40, s30, s23, $0xb8;
	[tilespmem:$0x1A4C8] =	vst v63  }
0xaf: {  	s2 =	simm.s32 $0x280  }
0xb0: {  	[tilespmem:s17], [sflag:$0x2] =	stream.indirect.gather [spmem:s16], $0x40, s2, s23, $0xb8;
	[tilespmem:$0x1A4C8] =	vst v63  }
0xb1: {  	_ =	swait.ge [sflag:s12], $0x2000  }
0xb2: {  	[sflag:s12] =	ssyncset.done $0x0  }
0xb3: {  	[sflag:s12] =	ssyncadd.s32 $0xFFFFE000  }
0xb4: {  	_ =	swait.ge [sflag:s12], $0x2000  }
0xb5: {  	[sflag:s12] =	ssyncset.done $0x0  }
0xb6: {  	[sflag:s12] =	ssyncadd.s32 $0xFFFFE000  }
0xb7: {  	_ =	swait.ge [sflag:s12], $0x2000  }
0xb8: {  	[sflag:s12] =	ssyncset.done $0x0  }
0xb9: {  	[sflag:s12] =	ssyncadd.s32 $0xFFFFE000  }
0xba: {  	_ =	swait.ge [sflag:s12], $0x2000  }
0xbb: {  	[sflag:s12] =	ssyncset.done $0x0  }
0xbc: {  	[sflag:s12] =	ssyncadd.s32 $0xFFFFE000  }
0xbd: {  	_ =	swait.ge [sflag:s12], $0x2000  }
0xbe: {  	[sflag:s12] =	ssyncset.done $0x0  }
0xbf: {  	[sflag:s12] =	ssyncadd.s32 $0xFFFFE000  }
0xc0: {  	_ =	swait.ge [sflag:s12], $0x2000  }
0xc1: {  	s3 =	sld [smem:$0x7FC]  }
0xc2: {  	[sflag:s12] =	ssyncset.done $0x0  }
0xc3: {  	s5 =	sld [smem:$0x7E3];
	[sflag:s12] =	ssyncadd.s32 $0xFFFFE000  }
0xc4: {  	[hbm4b:s3+s13] =	stream.strided.scatter [tilespmem:s9], [sflag:$0x3], $0x2000, s25, s13, $0x38;
	[tilespmem:$0x1A4C8] =	vst v63  }
0xc5: {  	s6 =	sld [smem:$0x7E4]  }
0xc6: {  	[hbm4b:s5+s13] =	stream.strided.scatter [tilespmem:s10], [sflag:$0x3], $0x2000, s25, s13, $0x38;
	[tilespmem:$0x1A4C8] =	vst v63  }
0xc7: {  	s7 =	sld [smem:$0x7E5]  }
0xc8: {  	[hbm4b:s6+s13] =	stream.strided.scatter [tilespmem:s11], [sflag:$0x3], $0x2000, s25, s13, $0x38;
	[tilespmem:$0x1A4C8] =	vst v63  }
0xc9: {  	s8 =	sld [smem:$0x7E6]  }
0xca: {  	[hbm4b:s7+s13] =	stream.strided.scatter [tilespmem:s14], [sflag:$0x3], $0x2000, s25, s13, $0x38;
	[tilespmem:$0x1A4C8] =	vst v63  }
0xcb: {  	s3 =	sld [smem:$0x7E7]  }
0xcc: {  	[hbm4b:s8+s13] =	stream.strided.scatter [tilespmem:s15], [sflag:$0x3], $0x2000, s25, s13, $0x38;
	[tilespmem:$0x1A4C8] =	vst v63  }
0xcd: {  	_ = 	snop  }
0xce: {  	[hbm4b:s3+s13] =	stream.strided.scatter [tilespmem:s17], [sflag:$0x3], $0x2000, s25, s13, $0x38;
	[tilespmem:$0x1A4C8] =	vst v63  }
0xcf: {  	_ =	swait.ge [sflag:s31], $0x80  }
0xd0: {  	[sflag:s31] =	ssyncset.done $0x0  }
0xd1: {  	[sflag:s31] =	ssyncadd.s32 $0xFFFFFF80  }
0xd2: {  	_ =	swait.ge [sflag:s31], $0x80  }
0xd3: {  	[sflag:s31] =	ssyncset.done $0x0  }
0xd4: {  	[sflag:s31] =	ssyncadd.s32 $0xFFFFFF80  }
0xd5: {  	_ =	swait.ge [sflag:s31], $0x80  }
0xd6: {  	[sflag:s31] =	ssyncset.done $0x0  }
0xd7: {  	[sflag:s31] =	ssyncadd.s32 $0xFFFFFF80  }
0xd8: {  	_ =	swait.ge [sflag:s31], $0x80  }
0xd9: {  	[sflag:s31] =	ssyncset.done $0x0  }
0xda: {  	[sflag:s31] =	ssyncadd.s32 $0xFFFFFF80  }
0xdb: {  	_ =	swait.ge [sflag:s31], $0x80  }
0xdc: {  	[sflag:s31] =	ssyncset.done $0x0  }
0xdd: {  	[sflag:s31] =	ssyncadd.s32 $0xFFFFFF80  }
0xde: {  	_ =	swait.ge [sflag:s31], $0x80  }
0xdf: {  	[sflag:s31] =	ssyncset.done $0x0  }
0xe0: {  	s5 =	rddreg [dreg:$0x16];
	[sflag:s31] =	ssyncadd.s32 $0xFFFFFF80  }
0xe1: {  	[tilespmem:s24], [sflag:$0x1] =	stream.linear.gather [hbm4b:s5+s24], $0x80, $0x38;
	[tilespmem:$0x1A4C8] =	vst v63  }
0xe2: {  	s6 =	rddreg [dreg:$0x17]  }
0xe3: {  	[tilespmem:s23], [sflag:$0x1] =	stream.linear.gather [hbm4b:s6+s24], $0x80, $0x38;
	[tilespmem:$0x1A4C8] =	vst v63  }
0xe4: {  	s7 =	rddreg [dreg:$0x18]  }
0xe5: {  	[tilespmem:s1], [sflag:$0x1] =	stream.linear.gather [hbm4b:s7+s24], $0x80, $0x38;
	[tilespmem:$0x1A4C8] =	vst v63  }
0xe6: {  	s8 =	rddreg [dreg:$0x19]  }
0xe7: {  	[tilespmem:s29], [sflag:$0x1] =	stream.linear.gather [hbm4b:s8+s24], $0x80, $0x38;
	[tilespmem:$0x1A4C8] =	vst v63  }
0xe8: {  	s1 =	rddreg [dreg:$0x1a]  }
0xe9: {  	[tilespmem:s30], [sflag:$0x1] =	stream.linear.gather [hbm4b:s1+s24], $0x80, $0x38;
	[tilespmem:$0x1A4C8] =	vst v63  }
0xea: {  	s3 =	rddreg [dreg:$0x1b]  }
0xeb: {  	[tilespmem:s2], [sflag:$0x1] =	stream.linear.gather [hbm4b:s3+s24], $0x80, $0x38;
	[tilespmem:$0x1A4C8] =	vst v63  }
0xec: {  	v52 =	vld [tilespmem:$0x380]  }
0xed: {  	v53 =	vld [tilespmem:$0x390]  }
0xee: {  	v54 =	vld [tilespmem:$0x3A0]  }
0xef: {  	v55 =	vld [tilespmem:$0x3B0]  }
0xf0: {  	v56 =	vld [tilespmem:$0x3C0]  }
0xf1: {  	v57 =	vld [tilespmem:$0x3D0];
	v0 =	vadd.s32 $0xEB, v52  }
0xf2: {  	v59 =	vld [tilespmem:$0x3E0];
	v58 =	vadd.s32 $0xEB, v53;
	[tilespmem:$0x380] =	vst v0  }
0xf3: {  	v61 =	vld [tilespmem:$0x3F0];
	v60 =	vadd.s32 $0xEB, v54;
	[tilespmem:$0x390] =	vst v58  }
0xf4: {  	v63 =	vld [tilespmem:$0x400];
	v62 =	vadd.s32 $0xEB, v55;
	[tilespmem:$0x3A0] =	vst v60  }
0xf5: {  	v9 =	vld [tilespmem:$0x410];
	v8 =	vadd.s32 $0xEB, v56;
	[tilespmem:$0x3B0] =	vst v62  }
0xf6: {  	v11 =	vld [tilespmem:$0x420];
	v10 =	vadd.s32 $0xEB, v57;
	[tilespmem:$0x3C0] =	vst v8  }
0xf7: {  	v13 =	vld [tilespmem:$0x430];
	v12 =	vadd.s32 $0xEB, v59;
	[tilespmem:$0x3D0] =	vst v10  }
0xf8: {  	v15 =	vld [tilespmem:$0x440];
	v14 =	vadd.s32 $0xEB, v61;
	[tilespmem:$0x3E0] =	vst v12  }
0xf9: {  	v17 =	vld [tilespmem:$0x450];
	v16 =	vadd.s32 $0xED, v63;
	[tilespmem:$0x3F0] =	vst v14  }
0xfa: {  	v19 =	vld [tilespmem:$0x460];
	v18 =	vadd.s32 $0xED, v9;
	[tilespmem:$0x400] =	vst v16  }
0xfb: {  	v21 =	vld [tilespmem:$0x470];
	v20 =	vadd.s32 $0xED, v11;
	[tilespmem:$0x410] =	vst v18  }
0xfc: {  	v23 =	vld [tilespmem:$0x480];
	v22 =	vadd.s32 $0xED, v13;
	[tilespmem:$0x420] =	vst v20  }
0xfd: {  	v25 =	vld [tilespmem:$0x490];
	v24 =	vadd.s32 $0xED, v15;
	[tilespmem:$0x430] =	vst v22  }
0xfe: {  	v27 =	vld [tilespmem:$0x4A0];
	v26 =	vadd.s32 $0xED, v17;
	[tilespmem:$0x440] =	vst v24  }
0xff: {  	v29 =	vld [tilespmem:$0x4B0];
	v28 =	vadd.s32 $0xED, v19;
	[tilespmem:$0x450] =	vst v26  }
0x100: {  	v31 =	vld [tilespmem:$0x4C0];
	v30 =	vadd.s32 $0xED, v21;
	[tilespmem:$0x460] =	vst v28  }
0x101: {  	v33 =	vld [tilespmem:$0x4D0];
	v32 =	vadd.s32 $0x15C, v23;
	[tilespmem:$0x470] =	vst v30  }
0x102: {  	v35 =	vld [tilespmem:$0x4E0];
	v34 =	vadd.s32 $0x15C, v25;
	[tilespmem:$0x480] =	vst v32  }
0x103: {  	v37 =	vld [tilespmem:$0x4F0];
	v36 =	vadd.s32 $0x15C, v27;
	[tilespmem:$0x490] =	vst v34  }
0x104: {  	v39 =	vld [tilespmem:$0x500];
	v38 =	vadd.s32 $0x15C, v29;
	[tilespmem:$0x4A0] =	vst v36  }
0x105: {  	v41 =	vld [tilespmem:$0x510];
	v40 =	vadd.s32 $0x15C, v31;
	[tilespmem:$0x4B0] =	vst v38  }
0x106: {  	v43 =	vld [tilespmem:$0x520];
	v42 =	vadd.s32 $0x15C, v33;
	[tilespmem:$0x4C0] =	vst v40  }
0x107: {  	v45 =	vld [tilespmem:$0x530];
	v44 =	vadd.s32 $0x15C, v35;
	[tilespmem:$0x4D0] =	vst v42  }
0x108: {  	v47 =	vld [tilespmem:$0x540];
	v46 =	vadd.s32 $0x15C, v37;
	[tilespmem:$0x4E0] =	vst v44  }
0x109: {  	v49 =	vld [tilespmem:$0x550];
	v48 =	vadd.s32 $0x36A, v39;
	[tilespmem:$0x4F0] =	vst v46  }
0x10a: {  	v51 =	vld [tilespmem:$0x560];
	v50 =	vadd.s32 $0x36A, v41;
	[tilespmem:$0x500] =	vst v48  }
0x10b: {  	v52 =	vadd.s32 $0x36A, v43;
	v53 =	vld [tilespmem:$0x570];
	[tilespmem:$0x510] =	vst v50  }
0x10c: {  	v54 =	vadd.s32 $0x36A, v45;
	v55 =	vld [tilespmem:$0x580];
	[tilespmem:$0x520] =	vst v52  }
0x10d: {  	v56 =	vadd.s32 $0x36A, v47;
	v57 =	vld [tilespmem:$0x590];
	[tilespmem:$0x530] =	vst v54  }
0x10e: {  	v59 =	vld [tilespmem:$0x5A0];
	[tilespmem:$0x540] =	vst v56;
	v58 =	vadd.s32 $0x36A, v49  }
0x10f: {  	v61 =	vld [tilespmem:$0x5B0];
	v60 =	vadd.s32 $0x36A, v51;
	[tilespmem:$0x550] =	vst v58  }
0x110: {  	v63 =	vld [tilespmem:$0x5C0];
	[tilespmem:$0x560] =	vst v60;
	v62 =	vadd.s32 $0x36A, v53  }
0x111: {  	v8 =	vld [tilespmem:$0x5D0];
	v7 =	vadd.s32 $0x37F, v55;
	[tilespmem:$0x570] =	vst v62  }
0x112: {  	v10 =	vld [tilespmem:$0x5E0];
	v9 =	vadd.s32 $0x37F, v57;
	[tilespmem:$0x580] =	vst v7  }
0x113: {  	v12 =	vld [tilespmem:$0x5F0];
	v11 =	vadd.s32 $0x37F, v59;
	[tilespmem:$0x590] =	vst v9  }
0x114: {  	v13 =	vadd.s32 $0x37F, v61;
	[tilespmem:$0x5A0] =	vst v11  }
0x115: {  	v14 =	vadd.s32 $0x37F, v63;
	[tilespmem:$0x5B0] =	vst v13  }
0x116: {  	[tilespmem:$0x5C0] =	vst v14;
	v15 =	vadd.s32 $0x37F, v8  }
0x117: {  	v16 =	vadd.s32 $0x37F, v10;
	[tilespmem:$0x5D0] =	vst v15  }
0x118: {  	v17 =	vadd.s32 $0x37F, v12;
	[tilespmem:$0x5E0] =	vst v16  }
0x119: {  	s5 =	simm.s32 $0x300;
	[tilespmem:$0x5F0] =	vst v17  }
0x11a: {  	[tilespmem:s18], [sflag:$0x2] =	stream.indirect.gather [spmem:s16], $0x40, s5, s23, $0xb8;
	[tilespmem:$0x1A4C8] =	vst v63  }
0x11b: {  	s6 =	simm.s32 $0x380  }
0x11c: {  	[tilespmem:s19], [sflag:$0x2] =	stream.indirect.gather [spmem:s16], $0x40, s6, s23, $0xb8;
	[tilespmem:$0x1A4C8] =	vst v63  }
0x11d: {  	s7 =	simm.s32 $0x400  }
0x11e: {  	[tilespmem:s21], [sflag:$0x2] =	stream.indirect.gather [spmem:s16], $0x40, s7, s23, $0xb8;
	[tilespmem:$0x1A4C8] =	vst v63  }
0x11f: {  	s8 =	simm.s32 $0x480  }
0x120: {  	[tilespmem:s26], [sflag:$0x2] =	stream.indirect.gather [spmem:s16], $0x40, s8, s23, $0xb8;
	[tilespmem:$0x1A4C8] =	vst v63  }
0x121: {  	s1 =	simm.s32 $0x500;
	s3 =	simm.s32 $0x14600  }
0x122: {  	[tilespmem:s3], [sflag:$0x2] =	stream.indirect.gather [spmem:s16], $0x40, s1, s23, $0xb8;
	[tilespmem:$0x1A4C8] =	vst v63  }
0x123: {  	s2 =	simm.s32 $0x580  }
0x124: {  	[tilespmem:s4], [sflag:$0x2] =	stream.indirect.gather [spmem:s16], $0x40, s2, s23, $0xb8;
	[tilespmem:$0x1A4C8] =	vst v63  }
0x125: {  	_ =	swait.ge [sflag:s12], $0x2000  }
0x126: {  	[sflag:s12] =	ssyncset.done $0x0  }
0x127: {  	[sflag:s12] =	ssyncadd.s32 $0xFFFFE000  }
0x128: {  	_ =	swait.ge [sflag:s12], $0x2000  }
0x129: {  	[sflag:s12] =	ssyncset.done $0x0  }
0x12a: {  	[sflag:s12] =	ssyncadd.s32 $0xFFFFE000  }
0x12b: {  	_ =	swait.ge [sflag:s12], $0x2000  }
0x12c: {  	[sflag:s12] =	ssyncset.done $0x0  }
0x12d: {  	[sflag:s12] =	ssyncadd.s32 $0xFFFFE000  }
0x12e: {  	_ =	swait.ge [sflag:s12], $0x2000  }
0x12f: {  	[sflag:s12] =	ssyncset.done $0x0  }
0x130: {  	[sflag:s12] =	ssyncadd.s32 $0xFFFFE000  }
0x131: {  	_ =	swait.ge [sflag:s12], $0x2000  }
0x132: {  	[sflag:s12] =	ssyncset.done $0x0  }
0x133: {  	[sflag:s12] =	ssyncadd.s32 $0xFFFFE000  }
0x134: {  	_ =	swait.ge [sflag:s12], $0x2000  }
0x135: {  	s0 =	sld [smem:$0x7E8]  }
0x136: {  	[sflag:s12] =	ssyncset.done $0x0  }
0x137: {  	[sflag:s12] =	ssyncadd.s32 $0xFFFFE000  }
0x138: {  	[hbm4b:s0+s13] =	stream.strided.scatter [tilespmem:s18], [sflag:$0x3], $0x2000, s25, s13, $0x38;
	[tilespmem:$0x1A4C8] =	vst v63  }
0x139: {  	s0 =	sld [smem:$0x7E9];
	_ =	sdelay $0x2  }
0x13a: {  	[hbm4b:s0+s13] =	stream.strided.scatter [tilespmem:s19], [sflag:$0x3], $0x2000, s25, s13, $0x38;
	[tilespmem:$0x1A4C8] =	vst v63  }
0x13b: {  	s0 =	sld [smem:$0x7EA];
	_ =	sdelay $0x2  }
0x13c: {  	[hbm4b:s0+s13] =	stream.strided.scatter [tilespmem:s21], [sflag:$0x3], $0x2000, s25, s13, $0x38;
	[tilespmem:$0x1A4C8] =	vst v63  }
0x13d: {  	s0 =	sld [smem:$0x7EB];
	_ =	sdelay $0x2  }
0x13e: {  	[hbm4b:s0+s13] =	stream.strided.scatter [tilespmem:s26], [sflag:$0x3], $0x2000, s25, s13, $0x38;
	[tilespmem:$0x1A4C8] =	vst v63  }
0x13f: {  	s0 =	sld [smem:$0x7EC];
	_ =	sdelay $0x2  }
0x140: {  	[hbm4b:s0+s13] =	stream.strided.scatter [tilespmem:s3], [sflag:$0x3], $0x2000, s25, s13, $0x38;
	[tilespmem:$0x1A4C8] =	vst v63  }
0x141: {  	s0 =	sld [smem:$0x7ED];
	_ =	sdelay $0x2  }
0x142: {  	[hbm4b:s0+s13] =	stream.strided.scatter [tilespmem:s4], [sflag:$0x3], $0x2000, s25, s13, $0x38;
	[tilespmem:$0x1A4C8] =	vst v63  }
0x143: {  	_ =	swait.ge [sflag:s31], $0x80  }
0x144: {  	[sflag:s31] =	ssyncset.done $0x0  }
0x145: {  	[sflag:s31] =	ssyncadd.s32 $0xFFFFFF80  }
0x146: {  	_ =	swait.ge [sflag:s31], $0x80  }
0x147: {  	[sflag:s31] =	ssyncset.done $0x0  }
0x148: {  	[sflag:s31] =	ssyncadd.s32 $0xFFFFFF80  }
0x149: {  	_ =	swait.ge [sflag:s31], $0x80  }
0x14a: {  	[sflag:s31] =	ssyncset.done $0x0  }
0x14b: {  	[sflag:s31] =	ssyncadd.s32 $0xFFFFFF80  }
0x14c: {  	_ =	swait.ge [sflag:s31], $0x80  }
0x14d: {  	[sflag:s31] =	ssyncset.done $0x0  }
0x14e: {  	[sflag:s31] =	ssyncadd.s32 $0xFFFFFF80  }
0x14f: {  	_ =	swait.ge [sflag:s31], $0x80  }
0x150: {  	[sflag:s31] =	ssyncset.done $0x0  }
0x151: {  	[sflag:s31] =	ssyncadd.s32 $0xFFFFFF80  }
0x152: {  	_ =	swait.ge [sflag:s31], $0x80  }
0x153: {  	[sflag:s31] =	ssyncset.done $0x0  }
0x154: {  	s0 =	rddreg [dreg:$0x1c];
	[sflag:s31] =	ssyncadd.s32 $0xFFFFFF80  }
0x155: {  	[tilespmem:s5], [sflag:$0x1] =	stream.linear.gather [hbm4b:s0+s24], $0x80, $0x38;
	[tilespmem:$0x1A4C8] =	vst v63  }
0x156: {  	s5 =	rddreg [dreg:$0x1d]  }
0x157: {  	[tilespmem:s6], [sflag:$0x1] =	stream.linear.gather [hbm4b:s5+s24], $0x80, $0x38;
	[tilespmem:$0x1A4C8] =	vst v63  }
0x158: {  	s6 =	rddreg [dreg:$0x1e]  }
0x159: {  	[tilespmem:s7], [sflag:$0x1] =	stream.linear.gather [hbm4b:s6+s24], $0x80, $0x38;
	[tilespmem:$0x1A4C8] =	vst v63  }
0x15a: {  	s7 =	rddreg [dreg:$0x1f]  }
0x15b: {  	[tilespmem:s8], [sflag:$0x1] =	stream.linear.gather [hbm4b:s7+s24], $0x80, $0x38;
	[tilespmem:$0x1A4C8] =	vst v63  }
0x15c: {  	s8 =	sld [smem:$0x7E1];
	_ =	sdelay $0x2  }
0x15d: {  	[tilespmem:s1], [sflag:$0x1] =	stream.linear.gather [hbm4b:s8+s24], $0x80, $0x38;
	[tilespmem:$0x1A4C8] =	vst v63  }
0x15e: {  	s1 =	sld [smem:$0x7E2];
	_ =	sdelay $0x2  }
0x15f: {  	[tilespmem:s2], [sflag:$0x1] =	stream.linear.gather [hbm4b:s1+s24], $0x80, $0x38;
	[tilespmem:$0x1A4C8] =	vst v63  }
0x160: {  	_ =	swait.ge [sflag:s22], $0x2000  }
0x161: {  	[sflag:s22] =	ssyncset.done $0x0  }
0x162: {  	[sflag:s22] =	ssyncadd.s32 $0xFFFFE000  }
0x163: {  	_ =	swait.ge [sflag:s22], $0x2000  }
0x164: {  	[sflag:s22] =	ssyncset.done $0x0  }
0x165: {  	[sflag:s22] =	ssyncadd.s32 $0xFFFFE000  }
0x166: {  	_ =	swait.ge [sflag:s22], $0x2000  }
0x167: {  	[sflag:s22] =	ssyncset.done $0x0  }
0x168: {  	[sflag:s22] =	ssyncadd.s32 $0xFFFFE000  }
0x169: {  	_ =	swait.ge [sflag:s22], $0x2000  }
0x16a: {  	[sflag:s22] =	ssyncset.done $0x0  }
0x16b: {  	[sflag:s22] =	ssyncadd.s32 $0xFFFFE000  }
0x16c: {  	_ =	swait.ge [sflag:s22], $0x2000  }
0x16d: {  	[sflag:s22] =	ssyncset.done $0x0  }
0x16e: {  	[sflag:s22] =	ssyncadd.s32 $0xFFFFE000  }
0x16f: {  	_ =	swait.ge [sflag:s22], $0x2000  }
0x170: {  	[sflag:s22] =	ssyncset.done $0x0  }
0x171: {  	[sflag:s22] =	ssyncadd.s32 $0xFFFFE000  }
0x172: {  	v18 =	vld [tilespmem:$0x80]  }
0x173: {  	v19 =	vld [tilespmem:$0x90]  }
0x174: {  	v20 =	vld [tilespmem:$0xA0]  }
0x175: {  	v21 =	vld [tilespmem:$0xB0]  }
0x176: {  	v22 =	vld [tilespmem:$0xC0]  }
0x177: {  	v23 =	vld [tilespmem:$0xD0];
	v0 =	vadd.s32 $0xEB, v18  }
0x178: {  	v25 =	vld [tilespmem:$0xE0];
	v24 =	vadd.s32 $0xEB, v19;
	[tilespmem:$0x80] =	vst v0  }
0x179: {  	v27 =	vld [tilespmem:$0xF0];
	v26 =	vadd.s32 $0xEB, v20;
	[tilespmem:$0x90] =	vst v24  }
0x17a: {  	v29 =	vld [tilespmem:$0x100];
	v28 =	vadd.s32 $0xEB, v21;
	[tilespmem:$0xA0] =	vst v26  }
0x17b: {  	v31 =	vld [tilespmem:$0x110];
	v30 =	vadd.s32 $0xEB, v22;
	[tilespmem:$0xB0] =	vst v28  }
0x17c: {  	v33 =	vld [tilespmem:$0x120];
	v32 =	vadd.s32 $0xEB, v23;
	[tilespmem:$0xC0] =	vst v30  }
0x17d: {  	v35 =	vld [tilespmem:$0x130];
	v34 =	vadd.s32 $0xEB, v25;
	[tilespmem:$0xD0] =	vst v32  }
0x17e: {  	v37 =	vld [tilespmem:$0x140];
	v36 =	vadd.s32 $0xEB, v27;
	[tilespmem:$0xE0] =	vst v34  }
0x17f: {  	v39 =	vld [tilespmem:$0x150];
	v38 =	vadd.s32 $0xED, v29;
	[tilespmem:$0xF0] =	vst v36  }
0x180: {  	v41 =	vld [tilespmem:$0x160];
	v40 =	vadd.s32 $0xED, v31;
	[tilespmem:$0x100] =	vst v38  }
0x181: {  	v43 =	vld [tilespmem:$0x170];
	v42 =	vadd.s32 $0xED, v33;
	[tilespmem:$0x110] =	vst v40  }
0x182: {  	v45 =	vld [tilespmem:$0x180];
	v44 =	vadd.s32 $0xED, v35;
	[tilespmem:$0x120] =	vst v42  }
0x183: {  	v47 =	vld [tilespmem:$0x190];
	v46 =	vadd.s32 $0xED, v37;
	[tilespmem:$0x130] =	vst v44  }
0x184: {  	v49 =	vld [tilespmem:$0x1A0];
	v48 =	vadd.s32 $0xED, v39;
	[tilespmem:$0x140] =	vst v46  }
0x185: {  	v51 =	vld [tilespmem:$0x1B0];
	v50 =	vadd.s32 $0xED, v41;
	[tilespmem:$0x150] =	vst v48  }
0x186: {  	v53 =	vld [tilespmem:$0x1C0];
	v52 =	vadd.s32 $0xED, v43;
	[tilespmem:$0x160] =	vst v50  }
0x187: {  	v55 =	vld [tilespmem:$0x1D0];
	v54 =	vadd.s32 $0x15C, v45;
	[tilespmem:$0x170] =	vst v52  }
0x188: {  	v57 =	vld [tilespmem:$0x1E0];
	v56 =	vadd.s32 $0x15C, v47;
	[tilespmem:$0x180] =	vst v54  }
0x189: {  	v59 =	vld [tilespmem:$0x1F0];
	v58 =	vadd.s32 $0x15C, v49;
	[tilespmem:$0x190] =	vst v56  }
0x18a: {  	v61 =	vld [tilespmem:$0x200];
	v60 =	vadd.s32 $0x15C, v51;
	[tilespmem:$0x1A0] =	vst v58  }
0x18b: {  	v63 =	vld [tilespmem:$0x210];
	v62 =	vadd.s32 $0x15C, v53;
	[tilespmem:$0x1B0] =	vst v60  }
0x18c: {  	v9 =	vld [tilespmem:$0x220];
	v8 =	vadd.s32 $0x15C, v55;
	[tilespmem:$0x1C0] =	vst v62  }
0x18d: {  	v11 =	vld [tilespmem:$0x230];
	v10 =	vadd.s32 $0x15C, v57;
	[tilespmem:$0x1D0] =	vst v8  }
0x18e: {  	v13 =	vld [tilespmem:$0x240];
	v12 =	vadd.s32 $0x15C, v59;
	[tilespmem:$0x1E0] =	vst v10  }
0x18f: {  	v15 =	vld [tilespmem:$0x250];
	v14 =	vadd.s32 $0x36A, v61;
	[tilespmem:$0x1F0] =	vst v12  }
0x190: {  	v17 =	vld [tilespmem:$0x260];
	v16 =	vadd.s32 $0x36A, v63;
	[tilespmem:$0x200] =	vst v14  }
0x191: {  	v18 =	vadd.s32 $0x36A, v9;
	v19 =	vld [tilespmem:$0x270];
	[tilespmem:$0x210] =	vst v16  }
0x192: {  	v20 =	vadd.s32 $0x36A, v11;
	v21 =	vld [tilespmem:$0x280];
	[tilespmem:$0x220] =	vst v18  }
0x193: {  	v22 =	vadd.s32 $0x36A, v13;
	v23 =	vld [tilespmem:$0x290];
	[tilespmem:$0x230] =	vst v20  }
0x194: {  	v25 =	vld [tilespmem:$0x2A0];
	[tilespmem:$0x240] =	vst v22;
	v24 =	vadd.s32 $0x36A, v15  }
0x195: {  	v27 =	vld [tilespmem:$0x2B0];
	v26 =	vadd.s32 $0x36A, v17;
	[tilespmem:$0x250] =	vst v24  }
0x196: {  	v29 =	vld [tilespmem:$0x2C0];
	[tilespmem:$0x260] =	vst v26;
	v28 =	vadd.s32 $0x36A, v19  }
0x197: {  	v31 =	vld [tilespmem:$0x2D0];
	v30 =	vadd.s32 $0x37F, v21;
	[tilespmem:$0x270] =	vst v28  }
0x198: {  	v33 =	vld [tilespmem:$0x2E0];
	v32 =	vadd.s32 $0x37F, v23;
	[tilespmem:$0x280] =	vst v30  }
0x199: {  	v35 =	vld [tilespmem:$0x2F0];
	v34 =	vadd.s32 $0x37F, v25;
	[tilespmem:$0x290] =	vst v32  }
0x19a: {  	v36 =	vadd.s32 $0x37F, v27;
	[tilespmem:$0x2A0] =	vst v34  }
0x19b: {  	v37 =	vadd.s32 $0x37F, v29;
	[tilespmem:$0x2B0] =	vst v36  }
0x19c: {  	v38 =	vadd.s32 $0x37F, v31;
	[tilespmem:$0x2C0] =	vst v37  }
0x19d: {  	v39 =	vadd.s32 $0x37F, v33;
	[tilespmem:$0x2D0] =	vst v38  }
0x19e: {  	v40 =	vadd.s32 $0x37F, v35;
	[tilespmem:$0x2E0] =	vst v39  }
0x19f: {  	[tilespmem:$0x2F0] =	vst v40  }
0x1a0: {  	[tilespmem:s9], [sflag:$0x2] =	stream.indirect.gather [spmem:s16], $0x40, s24, s23, $0xb8;
	[tilespmem:$0x1A4C8] =	vst v63  }
0x1a1: {  	_ = 	snop  }
0x1a2: {  	[tilespmem:s10], [sflag:$0x2] =	stream.indirect.gather [spmem:s16], $0x40, s23, s23, $0xb8;
	[tilespmem:$0x1A4C8] =	vst v63  }
0x1a3: {  	s2 =	simm.s32 $0x100  }
0x1a4: {  	[tilespmem:s11], [sflag:$0x2] =	stream.indirect.gather [spmem:s16], $0x40, s2, s23, $0xb8;
	[tilespmem:$0x1A4C8] =	vst v63  }
0x1a5: {  	_ = 	snop  }
0x1a6: {  	[tilespmem:s14], [sflag:$0x2] =	stream.indirect.gather [spmem:s16], $0x40, s29, s23, $0xb8;
	[tilespmem:$0x1A4C8] =	vst v63  }
0x1a7: {  	_ = 	snop  }
0x1a8: {  	[tilespmem:s15], [sflag:$0x2] =	stream.indirect.gather [spmem:s16], $0x40, s30, s23, $0xb8;
	[tilespmem:$0x1A4C8] =	vst v63  }
0x1a9: {  	s30 =	simm.s32 $0x280  }
0x1aa: {  	[tilespmem:s17], [sflag:$0x2] =	stream.indirect.gather [spmem:s16], $0x40, s30, s23, $0xb8;
	[tilespmem:$0x1A4C8] =	vst v63  }
0x1ab: {  	_ =	swait.ge [sflag:s12], $0x2000  }
0x1ac: {  	[sflag:s12] =	ssyncset.done $0x0  }
0x1ad: {  	[sflag:s12] =	ssyncadd.s32 $0xFFFFE000  }
0x1ae: {  	_ =	swait.ge [sflag:s12], $0x2000  }
0x1af: {  	[sflag:s12] =	ssyncset.done $0x0  }
0x1b0: {  	[sflag:s12] =	ssyncadd.s32 $0xFFFFE000  }
0x1b1: {  	_ =	swait.ge [sflag:s12], $0x2000  }
0x1b2: {  	[sflag:s12] =	ssyncset.done $0x0  }
0x1b3: {  	[sflag:s12] =	ssyncadd.s32 $0xFFFFE000  }
0x1b4: {  	_ =	swait.ge [sflag:s12], $0x2000  }
0x1b5: {  	[sflag:s12] =	ssyncset.done $0x0  }
0x1b6: {  	[sflag:s12] =	ssyncadd.s32 $0xFFFFE000  }
0x1b7: {  	_ =	swait.ge [sflag:s12], $0x2000  }
0x1b8: {  	[sflag:s12] =	ssyncset.done $0x0  }
0x1b9: {  	[sflag:s12] =	ssyncadd.s32 $0xFFFFE000  }
0x1ba: {  	_ =	swait.ge [sflag:s12], $0x2000  }
0x1bb: {  	s2 =	sld [smem:$0x7EE]  }
0x1bc: {  	[sflag:s12] =	ssyncset.done $0x0  }
0x1bd: {  	s29 =	sld [smem:$0x7EF];
	[sflag:s12] =	ssyncadd.s32 $0xFFFFE000  }
0x1be: {  	[hbm4b:s2+s13] =	stream.strided.scatter [tilespmem:s9], [sflag:$0x3], $0x2000, s25, s13, $0x38;
	[tilespmem:$0x1A4C8] =	vst v63  }
0x1bf: {  	s30 =	sld [smem:$0x7F0]  }
0x1c0: {  	[hbm4b:s29+s13] =	stream.strided.scatter [tilespmem:s10], [sflag:$0x3], $0x2000, s25, s13, $0x38;
	[tilespmem:$0x1A4C8] =	vst v63  }
0x1c1: {  	s2 =	sld [smem:$0x7F1]  }
0x1c2: {  	[hbm4b:s30+s13] =	stream.strided.scatter [tilespmem:s11], [sflag:$0x3], $0x2000, s25, s13, $0x38;
	[tilespmem:$0x1A4C8] =	vst v63  }
0x1c3: {  	s29 =	sld [smem:$0x7F2]  }
0x1c4: {  	[hbm4b:s2+s13] =	stream.strided.scatter [tilespmem:s14], [sflag:$0x3], $0x2000, s25, s13, $0x38;
	[tilespmem:$0x1A4C8] =	vst v63  }
0x1c5: {  	s30 =	sld [smem:$0x7F3]  }
0x1c6: {  	[hbm4b:s29+s13] =	stream.strided.scatter [tilespmem:s15], [sflag:$0x3], $0x2000, s25, s13, $0x38;
	[tilespmem:$0x1A4C8] =	vst v63  }
0x1c7: {  	_ = 	snop  }
0x1c8: {  	[hbm4b:s30+s13] =	stream.strided.scatter [tilespmem:s17], [sflag:$0x3], $0x2000, s25, s13, $0x38;
	[tilespmem:$0x1A4C8] =	vst v63  }
0x1c9: {  	_ =	swait.ge [sflag:s31], $0x80  }
0x1ca: {  	[sflag:s31] =	ssyncset.done $0x0  }
0x1cb: {  	[sflag:s31] =	ssyncadd.s32 $0xFFFFFF80  }
0x1cc: {  	_ =	swait.ge [sflag:s31], $0x80  }
0x1cd: {  	[sflag:s31] =	ssyncset.done $0x0  }
0x1ce: {  	[sflag:s31] =	ssyncadd.s32 $0xFFFFFF80  }
0x1cf: {  	_ =	swait.ge [sflag:s31], $0x80  }
0x1d0: {  	[sflag:s31] =	ssyncset.done $0x0  }
0x1d1: {  	[sflag:s31] =	ssyncadd.s32 $0xFFFFFF80  }
0x1d2: {  	_ =	swait.ge [sflag:s31], $0x80  }
0x1d3: {  	[sflag:s31] =	ssyncset.done $0x0  }
0x1d4: {  	[sflag:s31] =	ssyncadd.s32 $0xFFFFFF80  }
0x1d5: {  	_ =	swait.ge [sflag:s31], $0x80  }
0x1d6: {  	[sflag:s31] =	ssyncset.done $0x0  }
0x1d7: {  	[sflag:s31] =	ssyncadd.s32 $0xFFFFFF80  }
0x1d8: {  	_ =	swait.ge [sflag:s31], $0x80  }
0x1d9: {  	[sflag:s31] =	ssyncset.done $0x0  }
0x1da: {  	[sflag:s31] =	ssyncadd.s32 $0xFFFFFF80  }
0x1db: {  	_ =	swait.ge [sflag:s22], $0x2000  }
0x1dc: {  	[sflag:s22] =	ssyncset.done $0x0  }
0x1dd: {  	[sflag:s22] =	ssyncadd.s32 $0xFFFFE000  }
0x1de: {  	_ =	swait.ge [sflag:s22], $0x2000  }
0x1df: {  	[sflag:s22] =	ssyncset.done $0x0  }
0x1e0: {  	[sflag:s22] =	ssyncadd.s32 $0xFFFFE000  }
0x1e1: {  	_ =	swait.ge [sflag:s22], $0x2000  }
0x1e2: {  	[sflag:s22] =	ssyncset.done $0x0  }
0x1e3: {  	[sflag:s22] =	ssyncadd.s32 $0xFFFFE000  }
0x1e4: {  	_ =	swait.ge [sflag:s22], $0x2000  }
0x1e5: {  	[sflag:s22] =	ssyncset.done $0x0  }
0x1e6: {  	[sflag:s22] =	ssyncadd.s32 $0xFFFFE000  }
0x1e7: {  	_ =	swait.ge [sflag:s22], $0x2000  }
0x1e8: {  	[sflag:s22] =	ssyncset.done $0x0  }
0x1e9: {  	[sflag:s22] =	ssyncadd.s32 $0xFFFFE000  }
0x1ea: {  	_ =	swait.ge [sflag:s22], $0x2000  }
0x1eb: {  	[sflag:s22] =	ssyncset.done $0x0  }
0x1ec: {  	[sflag:s22] =	ssyncadd.s32 $0xFFFFE000  }
0x1ed: {  	v41 =	vld [tilespmem:$0x380]  }
0x1ee: {  	v42 =	vld [tilespmem:$0x390]  }
0x1ef: {  	v43 =	vld [tilespmem:$0x3A0]  }
0x1f0: {  	v44 =	vld [tilespmem:$0x3B0]  }
0x1f1: {  	v45 =	vld [tilespmem:$0x3C0]  }
0x1f2: {  	v46 =	vld [tilespmem:$0x3D0];
	v0 =	vadd.s32 $0xEB, v41  }
0x1f3: {  	v48 =	vld [tilespmem:$0x3E0];
	v47 =	vadd.s32 $0xEB, v42;
	[tilespmem:$0x380] =	vst v0  }
0x1f4: {  	v50 =	vld [tilespmem:$0x3F0];
	v49 =	vadd.s32 $0xEB, v43;
	[tilespmem:$0x390] =	vst v47  }
0x1f5: {  	v52 =	vld [tilespmem:$0x400];
	v51 =	vadd.s32 $0xEB, v44;
	[tilespmem:$0x3A0] =	vst v49  }
0x1f6: {  	v54 =	vld [tilespmem:$0x410];
	v53 =	vadd.s32 $0xEB, v45;
	[tilespmem:$0x3B0] =	vst v51  }
0x1f7: {  	v56 =	vld [tilespmem:$0x420];
	v55 =	vadd.s32 $0xEB, v46;
	[tilespmem:$0x3C0] =	vst v53  }
0x1f8: {  	v58 =	vld [tilespmem:$0x430];
	v57 =	vadd.s32 $0xEB, v48;
	[tilespmem:$0x3D0] =	vst v55  }
0x1f9: {  	v60 =	vld [tilespmem:$0x440];
	v59 =	vadd.s32 $0xEB, v50;
	[tilespmem:$0x3E0] =	vst v57  }
0x1fa: {  	v62 =	vld [tilespmem:$0x450];
	v61 =	vadd.s32 $0xED, v52;
	[tilespmem:$0x3F0] =	vst v59  }
0x1fb: {  	v8 =	vld [tilespmem:$0x460];
	v63 =	vadd.s32 $0xED, v54;
	[tilespmem:$0x400] =	vst v61  }
0x1fc: {  	v10 =	vld [tilespmem:$0x470];
	v9 =	vadd.s32 $0xED, v56;
	[tilespmem:$0x410] =	vst v63  }
0x1fd: {  	v12 =	vld [tilespmem:$0x480];
	v11 =	vadd.s32 $0xED, v58;
	[tilespmem:$0x420] =	vst v9  }
0x1fe: {  	v14 =	vld [tilespmem:$0x490];
	v13 =	vadd.s32 $0xED, v60;
	[tilespmem:$0x430] =	vst v11  }
0x1ff: {  	v16 =	vld [tilespmem:$0x4A0];
	v15 =	vadd.s32 $0xED, v62;
	[tilespmem:$0x440] =	vst v13  }
0x200: {  	v18 =	vld [tilespmem:$0x4B0];
	v17 =	vadd.s32 $0xED, v8;
	[tilespmem:$0x450] =	vst v15  }
0x201: {  	v20 =	vld [tilespmem:$0x4C0];
	v19 =	vadd.s32 $0xED, v10;
	[tilespmem:$0x460] =	vst v17  }
0x202: {  	v22 =	vld [tilespmem:$0x4D0];
	v21 =	vadd.s32 $0x15C, v12;
	[tilespmem:$0x470] =	vst v19  }
0x203: {  	v24 =	vld [tilespmem:$0x4E0];
	v23 =	vadd.s32 $0x15C, v14;
	[tilespmem:$0x480] =	vst v21  }
0x204: {  	v26 =	vld [tilespmem:$0x4F0];
	v25 =	vadd.s32 $0x15C, v16;
	[tilespmem:$0x490] =	vst v23  }
0x205: {  	v28 =	vld [tilespmem:$0x500];
	v27 =	vadd.s32 $0x15C, v18;
	[tilespmem:$0x4A0] =	vst v25  }
0x206: {  	v30 =	vld [tilespmem:$0x510];
	v29 =	vadd.s32 $0x15C, v20;
	[tilespmem:$0x4B0] =	vst v27  }
0x207: {  	v32 =	vld [tilespmem:$0x520];
	v31 =	vadd.s32 $0x15C, v22;
	[tilespmem:$0x4C0] =	vst v29  }
0x208: {  	v34 =	vld [tilespmem:$0x530];
	v33 =	vadd.s32 $0x15C, v24;
	[tilespmem:$0x4D0] =	vst v31  }
0x209: {  	v36 =	vld [tilespmem:$0x540];
	v35 =	vadd.s32 $0x15C, v26;
	[tilespmem:$0x4E0] =	vst v33  }
0x20a: {  	v38 =	vld [tilespmem:$0x550];
	v37 =	vadd.s32 $0x36A, v28;
	[tilespmem:$0x4F0] =	vst v35  }
0x20b: {  	v40 =	vld [tilespmem:$0x560];
	v39 =	vadd.s32 $0x36A, v30;
	[tilespmem:$0x500] =	vst v37  }
0x20c: {  	v41 =	vadd.s32 $0x36A, v32;
	v42 =	vld [tilespmem:$0x570];
	[tilespmem:$0x510] =	vst v39  }
0x20d: {  	v43 =	vadd.s32 $0x36A, v34;
	v44 =	vld [tilespmem:$0x580];
	[tilespmem:$0x520] =	vst v41  }
0x20e: {  	v45 =	vadd.s32 $0x36A, v36;
	v46 =	vld [tilespmem:$0x590];
	[tilespmem:$0x530] =	vst v43  }
0x20f: {  	v48 =	vld [tilespmem:$0x5A0];
	[tilespmem:$0x540] =	vst v45;
	v47 =	vadd.s32 $0x36A, v38  }
0x210: {  	v50 =	vld [tilespmem:$0x5B0];
	v49 =	vadd.s32 $0x36A, v40;
	[tilespmem:$0x550] =	vst v47  }
0x211: {  	v52 =	vld [tilespmem:$0x5C0];
	[tilespmem:$0x560] =	vst v49;
	v51 =	vadd.s32 $0x36A, v42  }
0x212: {  	v54 =	vld [tilespmem:$0x5D0];
	v53 =	vadd.s32 $0x37F, v44;
	[tilespmem:$0x570] =	vst v51  }
0x213: {  	v56 =	vld [tilespmem:$0x5E0];
	v55 =	vadd.s32 $0x37F, v46;
	[tilespmem:$0x580] =	vst v53  }
0x214: {  	v58 =	vld [tilespmem:$0x5F0];
	v57 =	vadd.s32 $0x37F, v48;
	[tilespmem:$0x590] =	vst v55  }
0x215: {  	v59 =	vadd.s32 $0x37F, v50;
	[tilespmem:$0x5A0] =	vst v57  }
0x216: {  	v60 =	vadd.s32 $0x37F, v52;
	[tilespmem:$0x5B0] =	vst v59  }
0x217: {  	v61 =	vadd.s32 $0x37F, v54;
	[tilespmem:$0x5C0] =	vst v60  }
0x218: {  	v62 =	vadd.s32 $0x37F, v56;
	[tilespmem:$0x5D0] =	vst v61  }
0x219: {  	v63 =	vadd.s32 $0x37F, v58;
	[tilespmem:$0x5E0] =	vst v62  }
0x21a: {  	s2 =	simm.s32 $0x300;
	[tilespmem:$0x5F0] =	vst v63  }
0x21b: {  	[tilespmem:s18], [sflag:$0x2] =	stream.indirect.gather [spmem:s16], $0x40, s2, s23, $0xb8;
	[tilespmem:$0x1A4C8] =	vst v63  }
0x21c: {  	s5 =	simm.s32 $0x380  }
0x21d: {  	[tilespmem:s19], [sflag:$0x2] =	stream.indirect.gather [spmem:s16], $0x40, s5, s23, $0xb8;
	[tilespmem:$0x1A4C8] =	vst v63  }
0x21e: {  	s6 =	simm.s32 $0x400  }
0x21f: {  	[tilespmem:s21], [sflag:$0x2] =	stream.indirect.gather [spmem:s16], $0x40, s6, s23, $0xb8;
	[tilespmem:$0x1A4C8] =	vst v63  }
0x220: {  	s7 =	simm.s32 $0x480  }
0x221: {  	[tilespmem:s26], [sflag:$0x2] =	stream.indirect.gather [spmem:s16], $0x40, s7, s23, $0xb8;
	[tilespmem:$0x1A4C8] =	vst v63  }
0x222: {  	s8 =	simm.s32 $0x500  }
0x223: {  	[tilespmem:s3], [sflag:$0x2] =	stream.indirect.gather [spmem:s16], $0x40, s8, s23, $0xb8;
	[tilespmem:$0x1A4C8] =	vst v63  }
0x224: {  	s1 =	simm.s32 $0x580  }
0x225: {  	[tilespmem:s4], [sflag:$0x2] =	stream.indirect.gather [spmem:s16], $0x40, s1, s23, $0xb8;
	[tilespmem:$0x1A4C8] =	vst v63  }
0x226: {  	_ =	swait.ge [sflag:s12], $0x2000  }
0x227: {  	[sflag:s12] =	ssyncset.done $0x0  }
0x228: {  	[sflag:s12] =	ssyncadd.s32 $0xFFFFE000  }
0x229: {  	_ =	swait.ge [sflag:s12], $0x2000  }
0x22a: {  	[sflag:s12] =	ssyncset.done $0x0  }
0x22b: {  	[sflag:s12] =	ssyncadd.s32 $0xFFFFE000  }
0x22c: {  	_ =	swait.ge [sflag:s12], $0x2000  }
0x22d: {  	[sflag:s12] =	ssyncset.done $0x0  }
0x22e: {  	[sflag:s12] =	ssyncadd.s32 $0xFFFFE000  }
0x22f: {  	_ =	swait.ge [sflag:s12], $0x2000  }
0x230: {  	[sflag:s12] =	ssyncset.done $0x0  }
0x231: {  	[sflag:s12] =	ssyncadd.s32 $0xFFFFE000  }
0x232: {  	_ =	swait.ge [sflag:s12], $0x2000  }
0x233: {  	[sflag:s12] =	ssyncset.done $0x0  }
0x234: {  	[sflag:s12] =	ssyncadd.s32 $0xFFFFE000  }
0x235: {  	_ =	swait.ge [sflag:s12], $0x2000  }
0x236: {  	s8 =	sld [smem:$0x7F4]  }
0x237: {  	[sflag:s12] =	ssyncset.done $0x0  }
0x238: {  	s29 =	sld [smem:$0x7F5];
	[sflag:s12] =	ssyncadd.s32 $0xFFFFE000  }
0x239: {  	[hbm4b:s8+s13] =	stream.strided.scatter [tilespmem:s18], [sflag:$0x3], $0x2000, s25, s13, $0x38;
	[tilespmem:$0x1A4C8] =	vst v63  }
0x23a: {  	s30 =	sld [smem:$0x7F6]  }
0x23b: {  	[hbm4b:s29+s13] =	stream.strided.scatter [tilespmem:s19], [sflag:$0x3], $0x2000, s25, s13, $0x38;
	[tilespmem:$0x1A4C8] =	vst v63  }
0x23c: {  	s1 =	sld [smem:$0x7F7]  }
0x23d: {  	[hbm4b:s30+s13] =	stream.strided.scatter [tilespmem:s21], [sflag:$0x3], $0x2000, s25, s13, $0x38;
	[tilespmem:$0x1A4C8] =	vst v63  }
0x23e: {  	s2 =	sld [smem:$0x7F8]  }
0x23f: {  	[hbm4b:s1+s13] =	stream.strided.scatter [tilespmem:s26], [sflag:$0x3], $0x2000, s25, s13, $0x38;
	[tilespmem:$0x1A4C8] =	vst v63  }
0x240: {  	s5 =	sld [smem:$0x7F9]  }
0x241: {  	[hbm4b:s2+s13] =	stream.strided.scatter [tilespmem:s3], [sflag:$0x3], $0x2000, s25, s13, $0x38;
	[tilespmem:$0x1A4C8] =	vst v63  }
0x242: {  	s6 =	simm.s32 $0x4  }
0x243: {  	[hbm4b:s5+s13] =	stream.strided.scatter [tilespmem:s4], [sflag:$0x3], $0x2000, s25, s13, $0x38;
	[tilespmem:$0x1A4C8] =	vst v63  }
0x244: {  	_ =	swait.ge [sflag:s6], $0x200  }
0x245: {  	s7 =	sld [smem:$0x7FD]  }
0x246: {  	[sflag:s6] =	ssyncset.done $0x0  }
0x247: {  	s8 =	simm.s32 $0x8;
	s29 =	simm.s32 $0x18600;
	[sflag:s6] =	ssyncadd.s32 $0xFFFFFE00  }
0x248: {  	[hbm4b:s7+s8] =	stream.strided.scatter [tilespmem:s29], [sflag:$0x4], $0x1000, s25, s8, $0x38;
	[tilespmem:$0x1A4C8] =	vst v63  }
0x249: {  	_ =	swait.ge [sflag:s22], $0x2000  }
0x24a: {  	[sflag:s22] =	ssyncset.done $0x0  }
0x24b: {  	[sflag:s22] =	ssyncadd.s32 $0xFFFFE000  }
0x24c: {  	_ =	swait.ge [sflag:s22], $0x2000  }
0x24d: {  	[sflag:s22] =	ssyncset.done $0x0  }
0x24e: {  	[sflag:s22] =	ssyncadd.s32 $0xFFFFE000  }
0x24f: {  	_ =	swait.ge [sflag:s22], $0x2000  }
0x250: {  	[sflag:s22] =	ssyncset.done $0x0  }
0x251: {  	[sflag:s22] =	ssyncadd.s32 $0xFFFFE000  }
0x252: {  	_ =	swait.ge [sflag:s22], $0x2000  }
0x253: {  	[sflag:s22] =	ssyncset.done $0x0  }
0x254: {  	[sflag:s22] =	ssyncadd.s32 $0xFFFFE000  }
0x255: {  	_ =	swait.ge [sflag:s22], $0x2000  }
0x256: {  	[sflag:s22] =	ssyncset.done $0x0  }
0x257: {  	[sflag:s22] =	ssyncadd.s32 $0xFFFFE000  }
0x258: {  	_ =	swait.ge [sflag:s22], $0x2000  }
0x259: {  	[sflag:s22] =	ssyncset.done $0x0  }
0x25a: {  	[sflag:s22] =	ssyncadd.s32 $0xFFFFE000  }
0x25b: {  	_ =	swait.ge [sflag:s22], $0x2000  }
0x25c: {  	[sflag:s22] =	ssyncset.done $0x0  }
0x25d: {  	[sflag:s22] =	ssyncadd.s32 $0xFFFFE000  }
0x25e: {  	_ =	swait.ge [sflag:s22], $0x2000  }
0x25f: {  	[sflag:s22] =	ssyncset.done $0x0  }
0x260: {  	[sflag:s22] =	ssyncadd.s32 $0xFFFFE000  }
0x261: {  	_ =	swait.ge [sflag:s22], $0x2000  }
0x262: {  	[sflag:s22] =	ssyncset.done $0x0  }
0x263: {  	[sflag:s22] =	ssyncadd.s32 $0xFFFFE000  }
0x264: {  	_ =	swait.ge [sflag:s22], $0x2000  }
0x265: {  	[sflag:s22] =	ssyncset.done $0x0  }
0x266: {  	[sflag:s22] =	ssyncadd.s32 $0xFFFFE000  }
0x267: {  	_ =	swait.ge [sflag:s22], $0x2000  }
0x268: {  	[sflag:s22] =	ssyncset.done $0x0  }
0x269: {  	[sflag:s22] =	ssyncadd.s32 $0xFFFFE000  }
0x26a: {  	_ =	swait.ge [sflag:s22], $0x2000  }
0x26b: {  	[sflag:s22] =	ssyncset.done $0x0  }
0x26c: {  	[sflag:s22] =	ssyncadd.s32 $0xFFFFE000  }
0x26d: {  	_ =	swait.ge [sflag:s6], $0x1000  }
0x26e: {  	s30 =	sld [smem:$0x7FB];
	_ =	sdelay $0x1  }
0x26f: {  	s28 =	sadd.s32 $0x1, s28  }
0x270: {  	p1 =	sne.s32 s28, s30  }
.Ltmp1:
0x271: {  	_ = 	snop;
	(pc) =	sbr.rel @p1 .LBB2_1-.Ltmp1, $3  }
0x272: {  	_ =	sdelay $0x1  }
0x273: {  	[sflag:s6] =	ssyncset.done $0x0  }
0x274: {  	[sflag:s6] =	ssyncadd.s32 $0xFFFFF000  }
0x275: {  	_ =	sfence.sel $0x180000  }
0x276: {  	[bflag:$0x0] =	sbarrier.arrive $0xFFFF  }
0x277: {  	_ =	strace $0x90000047  }
0x278: {  	[bflag:$0x2] =	sbarrier.arrive $0xFFFF  }
0x279: {  	s0 =	rddreg [dreg:$0x9]  }
0x27a: {  	s0 =	sadd.s32 @!p0 $0x100000, s0  }
0x27b: {  	[sflag:s0] =	ssyncadd.tile.s32 @!p0 $0x1;
	_ =	shalt  }
.Lfunc_end2:
_tile_overlayer_lowered:
.L_overlay_start_2:
0x27c: {  	(tag) =	ssettag $0x2  }
0x27d: {  	s0 =	rddreg [dreg:$0x0];
	s2 =	stileid.u32  }
0x27e: {  	s1 =	rddreg [dreg:$0x1];
	p0 =	sne.s32 s2, $0x0  }
0x27f: {  	s3 =	rddreg [dreg:$0x2];
	[bflag:$0x3] =	sbarrier.arrive $0xFFFF;
	s2 =	simm.s32 @!p0 $0x1C06  }
0x280: {  	[timem:s3], [sflag:s2] =	dma.local @!p0 [hbm:s0], s1  }
0x281: {  	s0 =	simm.s32 @!p0 $0x6  }
0x282: {  	_ =	swait.ge @!p0 [sflag:s0], s1  }
0x283: {  	s1 =	ssub.s32 @!p0 $0x0, s1;
	[sflag:s0] =	ssyncset.done @!p0 $0x0  }
0x284: {  	[sflag:s0] =	ssyncadd.s32 @!p0 s1  }
0x285: {  	[bflag:$0x3] =	sbarrier.arrive $0xFFFF  }
0x286: {  	_ =	shalt  }

</sc_bundles>
